<compile_context>
chip_gen: v7x
topology: tpu7x:2x2x1
jax: 0.10.2.dev20260603
libtpu: 0.0.44.dev20260713+nightly
codegen_flags: <defaults>
</compile_context>

<pallas_src>
import functools

import jax
import jax.numpy as jnp
from jax import lax
from jax.experimental import pallas as pl
from jax.experimental.pallas import tpu as pltpu
from jax.experimental.pallas import tpu_sc as plsc

_N = 10000
_E = 320000
_D = 128
_NC = 2
_NS = 16
_NW = _NC * _NS
_EPW = _E // _NW
_K = 128
_TK = 16
_NCHM = 78
_BR = 1280

_f32 = jnp.float32


def _mesh():
    return plsc.VectorSubcoreMesh(
        core_axis_name="c", subcore_axis_name="s",
        num_cores=_NC, num_subcores=_NS)


@functools.partial(
    pl.kernel,
    out_type=tuple(jax.ShapeDtypeStruct((_NW, _N), _f32) for _ in range(4)),
    mesh=_mesh(),
    compiler_params=pltpu.CompilerParams(needs_layout_passes=False),
    scratch_types=[
        pltpu.VMEM((_EPW,), jnp.int32),
        pltpu.VMEM((_EPW,), jnp.int32),
        pltpu.VMEM((_N,), _f32),
        pltpu.SemaphoreType.DMA,
    ],
)
def _deg_kernel(s0e, d0e, s1e, d1e, oAs, oAd, oBs, oBd,
                idx_v, idx_w, hist, dsem):
    c = lax.axis_index("c")
    s = lax.axis_index("s")
    wid = c * _NS + s

    ones = jnp.ones((16,), _f32)

    arrs = ((s0e, oAs), (d0e, oAd), (s1e, oBs), (d1e, oBd))
    pltpu.sync_copy(arrs[0][0].at[pl.ds(wid * _EPW, _EPW)], idx_v)
    for a, (e_hbm, o_hbm) in enumerate(arrs):
        buf = idx_v if a % 2 == 0 else idx_w
        nxt = idx_w if a % 2 == 0 else idx_v
        desc = None
        if a + 1 < len(arrs):
            desc = pltpu.async_copy(
                arrs[a + 1][0].at[pl.ds(wid * _EPW, _EPW)], nxt, dsem)

        def zero_step(i, carry):
            z = jnp.zeros((16,), _f32)
            for u in range(4):
                hist[pl.ds(i * 64 + u * 16, 16)] = z
            return carry

        lax.fori_loop(0, _N // 64, zero_step, 0)
        hist[pl.ds(_N - 16, 16)] = jnp.zeros((16,), _f32)

        def inner(j, carry, buf=buf):
            idx = buf[pl.ds(j * 16, 16)]
            plsc.addupdate_scatter(hist, [idx], ones)
            return carry

        lax.fori_loop(0, _EPW // 16, inner, 0)
        pltpu.sync_copy(hist, o_hbm.at[wid])
        if desc is not None:
            desc.wait()


_G = 1
_GE = _G * _K
_SEC = 2
_SCH = _NCHM // _SEC
_SNG = _SCH // _G
_ZR = 80
_OSB = 2000


@functools.partial(
    pl.kernel,
    out_type=(jax.ShapeDtypeStruct((_NC, _N, _D), _f32),
              jax.ShapeDtypeStruct((_NC, _N, _D), _f32)),
    mesh=_mesh(),
    compiler_params=pltpu.CompilerParams(needs_layout_passes=False),
    scratch_types=[
        pltpu.VMEM((_SCH, _K), jnp.int32),
        pltpu.VMEM((_SCH, _K), jnp.int32),
        pltpu.VMEM((_TK,), jnp.int32),
        pltpu.VMEM((1, _TK), jnp.int32),
        pltpu.VMEM((_GE, _D), _f32),
        pltpu.VMEM((_GE, _D), _f32),
        pltpu.VMEM_SHARED((_N, _D), _f32),
        pltpu.SemaphoreType.DMA,
        pltpu.SemaphoreType.DMA,
        pltpu.SemaphoreType.DMA,
    ],
)
def _agg_kernel(h0, s0e, d0e, s0t, d0t, h1, s1e, d1e, s1t, d1t, out0, out1,
                src2d, dst2d, st_v, dt_v, bufA, bufB, agg, semA, semB, ssem):
    c = lax.axis_index("c")
    s = lax.axis_index("s")
    wid = c * _NS + s

    def zrow(i, carry):
        def zcol(k, carry2):
            bufA[i, pl.ds(k * 16, 16)] = jnp.zeros((16,), _f32)
            return carry2

        return lax.fori_loop(0, _D // 16, zcol, carry)

    def zero_agg():
        lax.fori_loop(0, _ZR, zrow, 0)

        @pl.when(s < _N // _OSB)
        def _():
            for j in range(_OSB // _ZR):
                pltpu.sync_copy(bufA.at[pl.ds(0, _ZR)],
                                agg.at[pl.ds(s * _OSB + j * _ZR, _ZR)])

    def run_layer(h_hbm, s_hbm, d_hbm, st_hbm, dt_hbm, o_hbm):
        def issue_group(g, buf, sem):
            for j in range(_G):
                pltpu.async_copy(h_hbm.at[src2d.at[g * _G + j]],
                                 buf.at[pl.ds(j * _K, _K)], sem)

        def drain_group(buf, sem):
            pltpu.make_async_copy(h_hbm.at[pl.ds(0, _GE)], buf, sem).wait()

        def scatter_group(g, buf):
            descs = [
                pltpu.async_copy(buf.at[pl.ds(j * _K, _K)],
                                 agg.at[dst2d.at[g * _G + j]], ssem, add=True)
                for j in range(_G)
            ]
            for d in descs:
                d.wait()

        def section(sec, carry):
            pltpu.sync_copy(s_hbm.at[wid, sec], src2d)
            pltpu.sync_copy(d_hbm.at[wid, sec], dst2d)
            issue_group(0, bufA, semA)

            def pair(i, carry2):
                issue_group(2 * i + 1, bufB, semB)
                drain_group(bufA, semA)
                scatter_group(2 * i, bufA)
                issue_group(2 * i + 2, bufA, semA)
                drain_group(bufB, semB)
                scatter_group(2 * i + 1, bufB)
                return carry2

            lax.fori_loop(0, (_SNG - 1) // 2, pair, 0)
            drain_group(bufA, semA)
            scatter_group(_SNG - 1, bufA)
            return carry

        lax.fori_loop(0, _SEC, section, 0)

        pltpu.sync_copy(st_hbm.at[pl.ds(wid * _TK, _TK)], st_v)
        pltpu.sync_copy(dt_hbm.at[wid], dt_v)
        pltpu.async_copy(h_hbm.at[st_v], bufA.at[pl.ds(0, _TK)], semA).wait()
        pltpu.sync_copy(bufA.at[pl.ds(0, _TK)], agg.at[dt_v.at[0]], add=True)

        plsc.subcore_barrier()

        @pl.when(s < _N // _OSB)
        def _():
            pltpu.sync_copy(agg.at[pl.ds(s * _OSB, _OSB)],
                            o_hbm.at[c, pl.ds(s * _OSB, _OSB)])

    zero_agg()
    plsc.subcore_barrier()
    run_layer(h0, s0e, d0e, s0t, d0t, out0)
    zero_agg()
    plsc.subcore_barrier()
    run_layer(h1, s1e, d1e, s1t, d1t, out1)


def _prep_body(x0_ref, x1_ref, dsa_ref, dsb_ref, h0_ref, h1_ref):
    s0 = lax.rsqrt(jnp.maximum(jnp.sum(dsa_ref[...], axis=0), 1.0))
    s1 = lax.rsqrt(jnp.maximum(jnp.sum(dsb_ref[...], axis=0), 1.0))
    h0_ref[...] = x0_ref[...] * s0[:, None]
    h1_ref[...] = x1_ref[...] * s1[:, None]


def _final_body(p0_ref, p1_ref, dda_ref, ddb_ref, w0_ref, b0_ref,
                w1_ref, b1_ref, o0_ref, o1_ref):
    n0 = lax.rsqrt(jnp.maximum(jnp.sum(dda_ref[...], axis=0), 1.0))[:, None]
    n1 = lax.rsqrt(jnp.maximum(jnp.sum(ddb_ref[...], axis=0), 1.0))[:, None]
    a0 = (p0_ref[0] + p0_ref[1]) * n0
    a1 = (p1_ref[0] + p1_ref[1]) * n1
    o0_ref[...] = jnp.maximum(
        jnp.dot(a0, w0_ref[...], preferred_element_type=_f32) + b0_ref[...],
        0.0)
    o1_ref[...] = jnp.maximum(
        jnp.dot(a1, w1_ref[...], preferred_element_type=_f32) + b1_ref[...],
        0.0)


def _prep_call(x0, x1, dsa, dsb):
    grid = (pl.cdiv(_N, _BR),)
    xspec = pl.BlockSpec((_BR, _D), lambda i: (i, 0))
    dspec = pl.BlockSpec((_NW, _BR), lambda i: (0, i))
    return pl.pallas_call(
        _prep_body,
        grid=grid,
        in_specs=[xspec, xspec, dspec, dspec],
        out_specs=[xspec, xspec],
        out_shape=[jax.ShapeDtypeStruct((_N, _D), _f32)] * 2,
    )(x0, x1, dsa, dsb)


def _final_call(p0, p1, dda, ddb, w0, b0, w1, b1):
    grid = (pl.cdiv(_N, _BR),)
    pspec = pl.BlockSpec((_NC, _BR, _D), lambda i: (0, i, 0))
    dspec = pl.BlockSpec((_NW, _BR), lambda i: (0, i))
    wspec = pl.BlockSpec((_D, _D), lambda i: (0, 0))
    bspec = pl.BlockSpec((1, _D), lambda i: (0, 0))
    ospec = pl.BlockSpec((_BR, _D), lambda i: (i, 0))
    return pl.pallas_call(
        _final_body,
        grid=grid,
        in_specs=[pspec, pspec, dspec, dspec, wspec, bspec, wspec, bspec],
        out_specs=[ospec, ospec],
        out_shape=[jax.ShapeDtypeStruct((_N, _D), _f32)] * 2,
    )(p0, p1, dda, ddb, w0, b0, w1, b1)


def kernel(x0, edge_index0, x1, edge_index1, W0, b0, W1, b1):
    s0e, d0e = edge_index0[0], edge_index0[1]
    s1e, d1e = edge_index1[0], edge_index1[1]
    dAs, dAd, dBs, dBd = _deg_kernel(s0e, d0e, s1e, d1e)
    h0, h1 = _prep_call(x0, x1, dAs, dBs)
    esh = (_NW, _SEC, _SCH, _K)

    def _split(e):
        e2 = e.reshape(_NW, _EPW)
        main = e2[:, :_NCHM * _K].reshape(esh)
        return main, e2[:, _NCHM * _K:]

    s0m, s0t = _split(s0e)
    d0m, d0t = _split(d0e)
    s1m, s1t = _split(s1e)
    d1m, d1t = _split(d1e)
    p0, p1 = _agg_kernel(
        h0, s0m, d0m, s0t.reshape(-1), d0t.reshape(_NW, 1, _TK),
        h1, s1m, d1m, s1t.reshape(-1), d1t.reshape(_NW, 1, _TK))
    out0, out1 = _final_call(p0, p1, dAd, dBd,
                             W0, b0.reshape(1, _D), W1, b1.reshape(1, _D))
    return out0, out1

# --- scband reference (transcript-rebuilt; emitter-appended) ---
"""Pipeline reference for scband-feature-extracter-57071525430150 (READ-ONLY COPY).

The authoritative reference and input builder live on the scoring server;
editing this copy changes nothing except your own understanding.
"""

import jax, jax.numpy as jnp
import numpy as np

N = 10000
E = 320000
D_IN = 128
D_OUT = 128


def setup_inputs(seed: int = 0) -> dict:
    key = jax.random.key(seed)
    ks = jax.random.split(key, 8)
    x0 = jax.random.normal(ks[0], (N, D_IN), dtype=jnp.float32)
    x1 = jax.random.normal(ks[1], (N, D_IN), dtype=jnp.float32)
    edge_index0 = jax.random.randint(ks[2], (2, E), 0, N, dtype=jnp.int32)
    edge_index1 = jax.random.randint(ks[3], (2, E), 0, N, dtype=jnp.int32)
    W0 = jax.random.normal(ks[4], (D_IN, D_OUT), dtype=jnp.float32) * 0.05
    b0 = jnp.zeros((D_OUT,), dtype=jnp.float32)
    W1 = jax.random.normal(ks[5], (D_IN, D_OUT), dtype=jnp.float32) * 0.05
    b1 = jnp.zeros((D_OUT,), dtype=jnp.float32)
    return {"x0": x0, "edge_index0": edge_index0, "x1": x1, "edge_index1": edge_index1,
            "W0": W0, "b0": b0, "W1": W1, "b1": b1}


def _graph_conv(x, edge_index, W, b, n_nodes):
    # DGL GraphConv with norm='both', activation=relu
    src = edge_index[0]
    dst = edge_index[1]
    ones = jnp.ones((edge_index.shape[1],), dtype=x.dtype)
    out_deg = jax.ops.segment_sum(ones, src, num_segments=n_nodes)
    in_deg = jax.ops.segment_sum(ones, dst, num_segments=n_nodes)
    out_norm = jnp.power(jnp.clip(out_deg, 1.0, None), -0.5)
    in_norm = jnp.power(jnp.clip(in_deg, 1.0, None), -0.5)
    h = x * out_norm[:, None]
    msgs = jnp.take(h, src, axis=0)
    agg = jax.ops.segment_sum(msgs, dst, num_segments=n_nodes)
    agg = agg * in_norm[:, None]
    out = agg @ W + b
    return jax.nn.relu(out)


def reference(x0, edge_index0, x1, edge_index1, W0, b0, W1, b1):
    homo_feature_c = _graph_conv(x0, edge_index0, W0, b0, N)
    homo_feature_d = _graph_conv(x1, edge_index1, W1, b1, N)
    return (homo_feature_c, homo_feature_d)

if __name__ == "__main__":
    import jax
    _d = setup_inputs()
    print(jax.jit(kernel)(*tuple(_d.values())))

</pallas_src>

<mosaic_0001>
#map = affine_map<(d0, d1) -> (0)>
#map1 = affine_map<(d0, d1) -> (0, 0)>
module attributes {stable_mosaic.version = 14 : i64} {
  func.func @_deg_kernel(%arg0: i32, %arg1: i32, %arg2: memref<320000xi32, #tpu.memory_space<hbm>>, %arg3: memref<320000xi32, #tpu.memory_space<hbm>>, %arg4: memref<320000xi32, #tpu.memory_space<hbm>>, %arg5: memref<320000xi32, #tpu.memory_space<hbm>>, %arg6: memref<32x10000xf32, #tpu.memory_space<hbm>>, %arg7: memref<32x10000xf32, #tpu.memory_space<hbm>>, %arg8: memref<32x10000xf32, #tpu.memory_space<hbm>>, %arg9: memref<32x10000xf32, #tpu.memory_space<hbm>>, %arg10: memref<10000xi32, #tpu.memory_space<vmem>>, %arg11: memref<10000xi32, #tpu.memory_space<vmem>>, %arg12: memref<10000xf32, #tpu.memory_space<vmem>>, %arg13: memref<!tpu.dma_semaphore, #tpu.memory_space<semaphore_mem>>) attributes {dimension_semantics = [#tpu.dimension_semantics<core_parallel>, #tpu.dimension_semantics<subcore_parallel>], iteration_bounds = array<i64: 2, 16>, scalar_prefetch = 0 : i64, scratch_operands = 4 : i64, tpu.core_type = #tpu.core_type<sc_vector_subcore>, window_params = [{transform_indices = #map}, {transform_indices = #map}, {transform_indices = #map}, {transform_indices = #map}, {transform_indices = #map1}, {transform_indices = #map1}, {transform_indices = #map1}, {transform_indices = #map1}]} {
    %mul3A = arith.constant 16 : i32
    %mul3A_0 = arith.muli %arg0, %mul3A : i32
    %add3A = arith.addi %mul3A_0, %arg1 : i32
    %broadcast_in_dim3A = arith.constant 1.000000e+00 : f32
    %broadcast_in_dim3A_1 = vector.broadcast %broadcast_in_dim3A : f32 to vector<16xf32>
    %mul3A_2 = arith.constant 10000 : i32
    %mul3A_3 = arith.muli %add3A, %mul3A_2 : i32
    "tpu.region"() ({
      %run_scoped3A = tpu.sem_alloc : memref<!tpu.dma_semaphore, #tpu.memory_space<semaphore_mem>>
      %dma_start3A_82 = tpu.memref_slice %arg2[%mul3A_3] : memref<320000xi32, #tpu.memory_space<hbm>> -> memref<10000xi32, #tpu.memory_space<hbm>>
      %dma_start3A_83 = tpu.memref_slice %arg2[%mul3A_3] : memref<320000xi32, #tpu.memory_space<hbm>> -> memref<10000xi32, #tpu.memory_space<hbm>>
      tpu.enqueue_dma source(%dma_start3A_83 : memref<10000xi32, #tpu.memory_space<hbm>>) target(%arg10 : memref<10000xi32, #tpu.memory_space<vmem>>) target_semaphore(%run_scoped3A : memref<!tpu.dma_semaphore, #tpu.memory_space<semaphore_mem>>)
      %dma_wait3A_84 = tpu.memref_slice %arg2[%mul3A_3] : memref<320000xi32, #tpu.memory_space<hbm>> -> memref<10000xi32, #tpu.memory_space<hbm>>
      %dma_wait3A_85 = tpu.memref_slice %arg2[%mul3A_3] : memref<320000xi32, #tpu.memory_space<hbm>> -> memref<10000xi32, #tpu.memory_space<hbm>>
      tpu.wait_dma2 semaphore(%run_scoped3A : memref<!tpu.dma_semaphore, #tpu.memory_space<semaphore_mem>>) src(%dma_wait3A_85 : memref<10000xi32, #tpu.memory_space<hbm>>) dst(%arg10 : memref<10000xi32, #tpu.memory_space<vmem>>)
      tpu.yield
    }) : () -> ()
    %mul3A_4 = arith.constant 10000 : i32
    %mul3A_5 = arith.muli %add3A, %mul3A_4 : i32
    %dma_start3A = tpu.memref_slice %arg3[%mul3A_5] : memref<320000xi32, #tpu.memory_space<hbm>> -> memref<10000xi32, #tpu.memory_space<hbm>>
    %dma_start3A_6 = tpu.memref_slice %arg3[%mul3A_5] : memref<320000xi32, #tpu.memory_space<hbm>> -> memref<10000xi32, #tpu.memory_space<hbm>>
    tpu.enqueue_dma source(%dma_start3A_6 : memref<10000xi32, #tpu.memory_space<hbm>>) target(%arg11 : memref<10000xi32, #tpu.memory_space<vmem>>) target_semaphore(%arg13 : memref<!tpu.dma_semaphore, #tpu.memory_space<semaphore_mem>>)
    %scan3A = arith.constant 0 : i32
    %scan3A_7 = arith.constant 0 : i32
    %scan3A_8 = arith.constant 156 : i32
    %scan3A_9 = arith.addi %scan3A_7, %scan3A_8 : i32
    %scan3A_10 = arith.constant 1 : i32
    scf.for %scan3A_82 = %scan3A_7 to %scan3A_9 step %scan3A_10  : i32 {
      %broadcast_in_dim3A_83 = arith.constant 0.000000e+00 : f32
      %broadcast_in_dim3A_84 = vector.broadcast %broadcast_in_dim3A_83 : f32 to vector<16xf32>
      %mul3A_85 = arith.constant 64 : i32
      %mul3A_86 = arith.muli %scan3A_82, %mul3A_85 : i32
      %add3A_87 = arith.constant 0 : i32
      %add3A_88 = arith.addi %mul3A_86, %add3A_87 : i32
      %swap3A_89 = arith.index_cast %add3A_88 : i32 to index
      %swap3A_90 = tpu.vector_load %arg12[%swap3A_89] {strides = array<i32>} : memref<10000xf32, #tpu.memory_space<vmem>>, vector<16xf32>,
      tpu.vector_store %arg12[%swap3A_89], %broadcast_in_dim3A_84 {strides = array<i32>} : memref<10000xf32, #tpu.memory_space<vmem>>, vector<16xf32>,
      %mul3A_91 = arith.constant 64 : i32
      %mul3A_92 = arith.muli %scan3A_82, %mul3A_91 : i32
      %add3A_93 = arith.constant 16 : i32
      %add3A_94 = arith.addi %mul3A_92, %add3A_93 : i32
      %swap3A_95 = arith.index_cast %add3A_94 : i32 to index
      %swap3A_96 = tpu.vector_load %arg12[%swap3A_95] {strides = array<i32>} : memref<10000xf32, #tpu.memory_space<vmem>>, vector<16xf32>,
      tpu.vector_store %arg12[%swap3A_95], %broadcast_in_dim3A_84 {strides = array<i32>} : memref<10000xf32, #tpu.memory_space<vmem>>, vector<16xf32>,
      %mul3A_97 = arith.constant 64 : i32
      %mul3A_98 = arith.muli %scan3A_82, %mul3A_97 : i32
      %add3A_99 = arith.constant 32 : i32
      %add3A_100 = arith.addi %mul3A_98, %add3A_99 : i32
      %swap3A_101 = arith.index_cast %add3A_100 : i32 to index
      %swap3A_102 = tpu.vector_load %arg12[%swap3A_101] {strides = array<i32>} : memref<10000xf32, #tpu.memory_space<vmem>>, vector<16xf32>,
      tpu.vector_store %arg12[%swap3A_101], %broadcast_in_dim3A_84 {strides = array<i32>} : memref<10000xf32, #tpu.memory_space<vmem>>, vector<16xf32>,
      %mul3A_103 = arith.constant 64 : i32
      %mul3A_104 = arith.muli %scan3A_82, %mul3A_103 : i32
      %add3A_105 = arith.constant 48 : i32
      %add3A_106 = arith.addi %mul3A_104, %add3A_105 : i32
      %swap3A_107 = arith.index_cast %add3A_106 : i32 to index
      %swap3A_108 = tpu.vector_load %arg12[%swap3A_107] {strides = array<i32>} : memref<10000xf32, #tpu.memory_space<vmem>>, vector<16xf32>,
      tpu.vector_store %arg12[%swap3A_107], %broadcast_in_dim3A_84 {strides = array<i32>} : memref<10000xf32, #tpu.memory_space<vmem>>, vector<16xf32>,
    }
    %scan3A_11 = arith.constant 156 : i32
    %broadcast_in_dim3A_12 = arith.constant 0.000000e+00 : f32
    %broadcast_in_dim3A_13 = vector.broadcast %broadcast_in_dim3A_12 : f32 to vector<16xf32>
    %swap3A = arith.constant 9984 : index
    %swap3A_14 = tpu.vector_load %arg12[%swap3A] {strides = array<i32>} : memref<10000xf32, #tpu.memory_space<vmem>>, vector<16xf32>,
    tpu.vector_store %arg12[%swap3A], %broadcast_in_dim3A_13 {strides = array<i32>} : memref<10000xf32, #tpu.memory_space<vmem>>, vector<16xf32>,
    %scan3A_15 = arith.constant 0 : i32
    %scan3A_16 = arith.constant 0 : i32
    %scan3A_17 = arith.constant 625 : i32
    %scan3A_18 = arith.addi %scan3A_16, %scan3A_17 : i32
    %scan3A_19 = arith.constant 1 : i32
    scf.for %scan3A_82 = %scan3A_16 to %scan3A_18 step %scan3A_19  : i32 {
      %mul3A_83 = arith.constant 16 : i32
      %mul3A_84 = arith.muli %scan3A_82, %mul3A_83 : i32
      %get3A = arith.index_cast %mul3A_84 : i32 to index
      %get3A_85 = tpu.vector_load %arg10[%get3A] {strides = array<i32>} : memref<10000xi32, #tpu.memory_space<vmem>>, vector<16xi32>,
      tpu.vector_store_idx %arg12[%get3A_85], %broadcast_in_dim3A_1 {add = true} : memref<10000xf32, #tpu.memory_space<vmem>>[vector<16xi32>], vector<16xf32>,
    }
    %scan3A_20 = arith.constant 625 : i32
    "tpu.region"() ({
      %run_scoped3A = tpu.sem_alloc : memref<!tpu.dma_semaphore, #tpu.memory_space<semaphore_mem>>
      %dma_start3A_82 = arith.constant 0 : i32
      %dma_start3A_83 = tpu.memref_slice %arg6[%add3A, %dma_start3A_82] : memref<32x10000xf32, #tpu.memory_space<hbm>> -> memref<1x10000xf32, #tpu.memory_space<hbm>>
      %dma_start3A_84 = tpu.memref_squeeze %dma_start3A_83 : memref<1x10000xf32, #tpu.memory_space<hbm>> -> memref<10000xf32, #tpu.memory_space<hbm>>
      %dma_start3A_85 = arith.constant 0 : i32
      %dma_start3A_86 = tpu.memref_slice %arg6[%add3A, %dma_start3A_85] : memref<32x10000xf32, #tpu.memory_space<hbm>> -> memref<1x10000xf32, #tpu.memory_space<hbm>>
      %dma_start3A_87 = tpu.memref_squeeze %dma_start3A_86 : memref<1x10000xf32, #tpu.memory_space<hbm>> -> memref<10000xf32, #tpu.memory_space<hbm>>
      tpu.enqueue_dma source(%arg12 : memref<10000xf32, #tpu.memory_space<vmem>>) target(%dma_start3A_87 : memref<10000xf32, #tpu.memory_space<hbm>>) target_semaphore(%run_scoped3A : memref<!tpu.dma_semaphore, #tpu.memory_space<semaphore_mem>>)
      %dma_wait3A_88 = arith.constant 0 : i32
      %dma_wait3A_89 = tpu.memref_slice %arg6[%add3A, %dma_wait3A_88] : memref<32x10000xf32, #tpu.memory_space<hbm>> -> memref<1x10000xf32, #tpu.memory_space<hbm>>
      %dma_wait3A_90 = tpu.memref_squeeze %dma_wait3A_89 : memref<1x10000xf32, #tpu.memory_space<hbm>> -> memref<10000xf32, #tpu.memory_space<hbm>>
      %dma_wait3A_91 = arith.constant 0 : i32
      %dma_wait3A_92 = tpu.memref_slice %arg6[%add3A, %dma_wait3A_91] : memref<32x10000xf32, #tpu.memory_space<hbm>> -> memref<1x10000xf32, #tpu.memory_space<hbm>>
      %dma_wait3A_93 = tpu.memref_squeeze %dma_wait3A_92 : memref<1x10000xf32, #tpu.memory_space<hbm>> -> memref<10000xf32, #tpu.memory_space<hbm>>
      tpu.wait_dma2 semaphore(%run_scoped3A : memref<!tpu.dma_semaphore, #tpu.memory_space<semaphore_mem>>) src(%arg12 : memref<10000xf32, #tpu.memory_space<vmem>>) dst(%dma_wait3A_93 : memref<10000xf32, #tpu.memory_space<hbm>>)
      tpu.yield
    }) : () -> ()
    %dma_wait3A = tpu.memref_slice %arg3[%mul3A_5] : memref<320000xi32, #tpu.memory_space<hbm>> -> memref<10000xi32, #tpu.memory_space<hbm>>
    %dma_wait3A_21 = tpu.memref_slice %arg3[%mul3A_5] : memref<320000xi32, #tpu.memory_space<hbm>> -> memref<10000xi32, #tpu.memory_space<hbm>>
    tpu.wait_dma2 semaphore(%arg13 : memref<!tpu.dma_semaphore, #tpu.memory_space<semaphore_mem>>) src(%dma_wait3A_21 : memref<10000xi32, #tpu.memory_space<hbm>>) dst(%arg11 : memref<10000xi32, #tpu.memory_space<vmem>>)
    %mul3A_22 = arith.constant 10000 : i32
    %mul3A_23 = arith.muli %add3A, %mul3A_22 : i32
    %dma_start3A_24 = tpu.memref_slice %arg4[%mul3A_23] : memref<320000xi32, #tpu.memory_space<hbm>> -> memref<10000xi32, #tpu.memory_space<hbm>>
    %dma_start3A_25 = tpu.memref_slice %arg4[%mul3A_23] : memref<320000xi32, #tpu.memory_space<hbm>> -> memref<10000xi32, #tpu.memory_space<hbm>>
    tpu.enqueue_dma source(%dma_start3A_25 : memref<10000xi32, #tpu.memory_space<hbm>>) target(%arg10 : memref<10000xi32, #tpu.memory_space<vmem>>) target_semaphore(%arg13 : memref<!tpu.dma_semaphore, #tpu.memory_space<semaphore_mem>>)
    %scan3A_26 = arith.constant 0 : i32
    %scan3A_27 = arith.constant 0 : i32
    %scan3A_28 = arith.constant 156 : i32
    %scan3A_29 = arith.addi %scan3A_27, %scan3A_28 : i32
    %scan3A_30 = arith.constant 1 : i32
    scf.for %scan3A_82 = %scan3A_27 to %scan3A_29 step %scan3A_30  : i32 {
      %broadcast_in_dim3A_83 = arith.constant 0.000000e+00 : f32
      %broadcast_in_dim3A_84 = vector.broadcast %broadcast_in_dim3A_83 : f32 to vector<16xf32>
      %mul3A_85 = arith.constant 64 : i32
      %mul3A_86 = arith.muli %scan3A_82, %mul3A_85 : i32
      %add3A_87 = arith.constant 0 : i32
      %add3A_88 = arith.addi %mul3A_86, %add3A_87 : i32
      %swap3A_89 = arith.index_cast %add3A_88 : i32 to index
      %swap3A_90 = tpu.vector_load %arg12[%swap3A_89] {strides = array<i32>} : memref<10000xf32, #tpu.memory_space<vmem>>, vector<16xf32>,
      tpu.vector_store %arg12[%swap3A_89], %broadcast_in_dim3A_84 {strides = array<i32>} : memref<10000xf32, #tpu.memory_space<vmem>>, vector<16xf32>,
      %mul3A_91 = arith.constant 64 : i32
      %mul3A_92 = arith.muli %scan3A_82, %mul3A_91 : i32
      %add3A_93 = arith.constant 16 : i32
      %add3A_94 = arith.addi %mul3A_92, %add3A_93 : i32
      %swap3A_95 = arith.index_cast %add3A_94 : i32 to index
      %swap3A_96 = tpu.vector_load %arg12[%swap3A_95] {strides = array<i32>} : memref<10000xf32, #tpu.memory_space<vmem>>, vector<16xf32>,
      tpu.vector_store %arg12[%swap3A_95], %broadcast_in_dim3A_84 {strides = array<i32>} : memref<10000xf32, #tpu.memory_space<vmem>>, vector<16xf32>,
      %mul3A_97 = arith.constant 64 : i32
      %mul3A_98 = arith.muli %scan3A_82, %mul3A_97 : i32
      %add3A_99 = arith.constant 32 : i32
      %add3A_100 = arith.addi %mul3A_98, %add3A_99 : i32
      %swap3A_101 = arith.index_cast %add3A_100 : i32 to index
      %swap3A_102 = tpu.vector_load %arg12[%swap3A_101] {strides = array<i32>} : memref<10000xf32, #tpu.memory_space<vmem>>, vector<16xf32>,
      tpu.vector_store %arg12[%swap3A_101], %broadcast_in_dim3A_84 {strides = array<i32>} : memref<10000xf32, #tpu.memory_space<vmem>>, vector<16xf32>,
      %mul3A_103 = arith.constant 64 : i32
      %mul3A_104 = arith.muli %scan3A_82, %mul3A_103 : i32
      %add3A_105 = arith.constant 48 : i32
      %add3A_106 = arith.addi %mul3A_104, %add3A_105 : i32
      %swap3A_107 = arith.index_cast %add3A_106 : i32 to index
      %swap3A_108 = tpu.vector_load %arg12[%swap3A_107] {strides = array<i32>} : memref<10000xf32, #tpu.memory_space<vmem>>, vector<16xf32>,
      tpu.vector_store %arg12[%swap3A_107], %broadcast_in_dim3A_84 {strides = array<i32>} : memref<10000xf32, #tpu.memory_space<vmem>>, vector<16xf32>,
    }
    %scan3A_31 = arith.constant 156 : i32
    %broadcast_in_dim3A_32 = arith.constant 0.000000e+00 : f32
    %broadcast_in_dim3A_33 = vector.broadcast %broadcast_in_dim3A_32 : f32 to vector<16xf32>
    %swap3A_34 = arith.constant 9984 : index
    %swap3A_35 = tpu.vector_load %arg12[%swap3A_34] {strides = array<i32>} : memref<10000xf32, #tpu.memory_space<vmem>>, vector<16xf32>,
    tpu.vector_store %arg12[%swap3A_34], %broadcast_in_dim3A_33 {strides = array<i32>} : memref<10000xf32, #tpu.memory_space<vmem>>, vector<16xf32>,
    %scan3A_36 = arith.constant 0 : i32
    %scan3A_37 = arith.constant 0 : i32
    %scan3A_38 = arith.constant 625 : i32
    %scan3A_39 = arith.addi %scan3A_37, %scan3A_38 : i32
    %scan3A_40 = arith.constant 1 : i32
    scf.for %scan3A_82 = %scan3A_37 to %scan3A_39 step %scan3A_40  : i32 {
      %mul3A_83 = arith.constant 16 : i32
      %mul3A_84 = arith.muli %scan3A_82, %mul3A_83 : i32
      %get3A = arith.index_cast %mul3A_84 : i32 to index
      %get3A_85 = tpu.vector_load %arg11[%get3A] {strides = array<i32>} : memref<10000xi32, #tpu.memory_space<vmem>>, vector<16xi32>,
      tpu.vector_store_idx %arg12[%get3A_85], %broadcast_in_dim3A_1 {add = true} : memref<10000xf32, #tpu.memory_space<vmem>>[vector<16xi32>], vector<16xf32>,
    }
    %scan3A_41 = arith.constant 625 : i32
    "tpu.region"() ({
      %run_scoped3A = tpu.sem_alloc : memref<!tpu.dma_semaphore, #tpu.memory_space<semaphore_mem>>
      %dma_start3A_82 = arith.constant 0 : i32
      %dma_start3A_83 = tpu.memref_slice %arg7[%add3A, %dma_start3A_82] : memref<32x10000xf32, #tpu.memory_space<hbm>> -> memref<1x10000xf32, #tpu.memory_space<hbm>>
      %dma_start3A_84 = tpu.memref_squeeze %dma_start3A_83 : memref<1x10000xf32, #tpu.memory_space<hbm>> -> memref<10000xf32, #tpu.memory_space<hbm>>
      %dma_start3A_85 = arith.constant 0 : i32
      %dma_start3A_86 = tpu.memref_slice %arg7[%add3A, %dma_start3A_85] : memref<32x10000xf32, #tpu.memory_space<hbm>> -> memref<1x10000xf32, #tpu.memory_space<hbm>>
      %dma_start3A_87 = tpu.memref_squeeze %dma_start3A_86 : memref<1x10000xf32, #tpu.memory_space<hbm>> -> memref<10000xf32, #tpu.memory_space<hbm>>
      tpu.enqueue_dma source(%arg12 : memref<10000xf32, #tpu.memory_space<vmem>>) target(%dma_start3A_87 : memref<10000xf32, #tpu.memory_space<hbm>>) target_semaphore(%run_scoped3A : memref<!tpu.dma_semaphore, #tpu.memory_space<semaphore_mem>>)
      %dma_wait3A_88 = arith.constant 0 : i32
      %dma_wait3A_89 = tpu.memref_slice %arg7[%add3A, %dma_wait3A_88] : memref<32x10000xf32, #tpu.memory_space<hbm>> -> memref<1x10000xf32, #tpu.memory_space<hbm>>
      %dma_wait3A_90 = tpu.memref_squeeze %dma_wait3A_89 : memref<1x10000xf32, #tpu.memory_space<hbm>> -> memref<10000xf32, #tpu.memory_space<hbm>>
      %dma_wait3A_91 = arith.constant 0 : i32
      %dma_wait3A_92 = tpu.memref_slice %arg7[%add3A, %dma_wait3A_91] : memref<32x10000xf32, #tpu.memory_space<hbm>> -> memref<1x10000xf32, #tpu.memory_space<hbm>>
      %dma_wait3A_93 = tpu.memref_squeeze %dma_wait3A_92 : memref<1x10000xf32, #tpu.memory_space<hbm>> -> memref<10000xf32, #tpu.memory_space<hbm>>
      tpu.wait_dma2 semaphore(%run_scoped3A : memref<!tpu.dma_semaphore, #tpu.memory_space<semaphore_mem>>) src(%arg12 : memref<10000xf32, #tpu.memory_space<vmem>>) dst(%dma_wait3A_93 : memref<10000xf32, #tpu.memory_space<hbm>>)
      tpu.yield
    }) : () -> ()
    %dma_wait3A_42 = tpu.memref_slice %arg4[%mul3A_23] : memref<320000xi32, #tpu.memory_space<hbm>> -> memref<10000xi32, #tpu.memory_space<hbm>>
    %dma_wait3A_43 = tpu.memref_slice %arg4[%mul3A_23] : memref<320000xi32, #tpu.memory_space<hbm>> -> memref<10000xi32, #tpu.memory_space<hbm>>
    tpu.wait_dma2 semaphore(%arg13 : memref<!tpu.dma_semaphore, #tpu.memory_space<semaphore_mem>>) src(%dma_wait3A_43 : memref<10000xi32, #tpu.memory_space<hbm>>) dst(%arg10 : memref<10000xi32, #tpu.memory_space<vmem>>)
    %mul3A_44 = arith.constant 10000 : i32
    %mul3A_45 = arith.muli %add3A, %mul3A_44 : i32
    %dma_start3A_46 = tpu.memref_slice %arg5[%mul3A_45] : memref<320000xi32, #tpu.memory_space<hbm>> -> memref<10000xi32, #tpu.memory_space<hbm>>
    %dma_start3A_47 = tpu.memref_slice %arg5[%mul3A_45] : memref<320000xi32, #tpu.memory_space<hbm>> -> memref<10000xi32, #tpu.memory_space<hbm>>
    tpu.enqueue_dma source(%dma_start3A_47 : memref<10000xi32, #tpu.memory_space<hbm>>) target(%arg11 : memref<10000xi32, #tpu.memory_space<vmem>>) target_semaphore(%arg13 : memref<!tpu.dma_semaphore, #tpu.memory_space<semaphore_mem>>)
    %scan3A_48 = arith.constant 0 : i32
    %scan3A_49 = arith.constant 0 : i32
    %scan3A_50 = arith.constant 156 : i32
    %scan3A_51 = arith.addi %scan3A_49, %scan3A_50 : i32
    %scan3A_52 = arith.constant 1 : i32
    scf.for %scan3A_82 = %scan3A_49 to %scan3A_51 step %scan3A_52  : i32 {
      %broadcast_in_dim3A_83 = arith.constant 0.000000e+00 : f32
      %broadcast_in_dim3A_84 = vector.broadcast %broadcast_in_dim3A_83 : f32 to vector<16xf32>
      %mul3A_85 = arith.constant 64 : i32
      %mul3A_86 = arith.muli %scan3A_82, %mul3A_85 : i32
      %add3A_87 = arith.constant 0 : i32
      %add3A_88 = arith.addi %mul3A_86, %add3A_87 : i32
      %swap3A_89 = arith.index_cast %add3A_88 : i32 to index
      %swap3A_90 = tpu.vector_load %arg12[%swap3A_89] {strides = array<i32>} : memref<10000xf32, #tpu.memory_space<vmem>>, vector<16xf32>,
      tpu.vector_store %arg12[%swap3A_89], %broadcast_in_dim3A_84 {strides = array<i32>} : memref<10000xf32, #tpu.memory_space<vmem>>, vector<16xf32>,
      %mul3A_91 = arith.constant 64 : i32
      %mul3A_92 = arith.muli %scan3A_82, %mul3A_91 : i32
      %add3A_93 = arith.constant 16 : i32
      %add3A_94 = arith.addi %mul3A_92, %add3A_93 : i32
      %swap3A_95 = arith.index_cast %add3A_94 : i32 to index
      %swap3A_96 = tpu.vector_load %arg12[%swap3A_95] {strides = array<i32>} : memref<10000xf32, #tpu.memory_space<vmem>>, vector<16xf32>,
      tpu.vector_store %arg12[%swap3A_95], %broadcast_in_dim3A_84 {strides = array<i32>} : memref<10000xf32, #tpu.memory_space<vmem>>, vector<16xf32>,
      %mul3A_97 = arith.constant 64 : i32
      %mul3A_98 = arith.muli %scan3A_82, %mul3A_97 : i32
      %add3A_99 = arith.constant 32 : i32
      %add3A_100 = arith.addi %mul3A_98, %add3A_99 : i32
      %swap3A_101 = arith.index_cast %add3A_100 : i32 to index
      %swap3A_102 = tpu.vector_load %arg12[%swap3A_101] {strides = array<i32>} : memref<10000xf32, #tpu.memory_space<vmem>>, vector<16xf32>,
      tpu.vector_store %arg12[%swap3A_101], %broadcast_in_dim3A_84 {strides = array<i32>} : memref<10000xf32, #tpu.memory_space<vmem>>, vector<16xf32>,
      %mul3A_103 = arith.constant 64 : i32
      %mul3A_104 = arith.muli %scan3A_82, %mul3A_103 : i32
      %add3A_105 = arith.constant 48 : i32
      %add3A_106 = arith.addi %mul3A_104, %add3A_105 : i32
      %swap3A_107 = arith.index_cast %add3A_106 : i32 to index
      %swap3A_108 = tpu.vector_load %arg12[%swap3A_107] {strides = array<i32>} : memref<10000xf32, #tpu.memory_space<vmem>>, vector<16xf32>,
      tpu.vector_store %arg12[%swap3A_107], %broadcast_in_dim3A_84 {strides = array<i32>} : memref<10000xf32, #tpu.memory_space<vmem>>, vector<16xf32>,
    }
    %scan3A_53 = arith.constant 156 : i32
    %broadcast_in_dim3A_54 = arith.constant 0.000000e+00 : f32
    %broadcast_in_dim3A_55 = vector.broadcast %broadcast_in_dim3A_54 : f32 to vector<16xf32>
    %swap3A_56 = arith.constant 9984 : index
    %swap3A_57 = tpu.vector_load %arg12[%swap3A_56] {strides = array<i32>} : memref<10000xf32, #tpu.memory_space<vmem>>, vector<16xf32>,
    tpu.vector_store %arg12[%swap3A_56], %broadcast_in_dim3A_55 {strides = array<i32>} : memref<10000xf32, #tpu.memory_space<vmem>>, vector<16xf32>,
    %scan3A_58 = arith.constant 0 : i32
    %scan3A_59 = arith.constant 0 : i32
    %scan3A_60 = arith.constant 625 : i32
    %scan3A_61 = arith.addi %scan3A_59, %scan3A_60 : i32
    %scan3A_62 = arith.constant 1 : i32
    scf.for %scan3A_82 = %scan3A_59 to %scan3A_61 step %scan3A_62  : i32 {
      %mul3A_83 = arith.constant 16 : i32
      %mul3A_84 = arith.muli %scan3A_82, %mul3A_83 : i32
      %get3A = arith.index_cast %mul3A_84 : i32 to index
      %get3A_85 = tpu.vector_load %arg10[%get3A] {strides = array<i32>} : memref<10000xi32, #tpu.memory_space<vmem>>, vector<16xi32>,
      tpu.vector_store_idx %arg12[%get3A_85], %broadcast_in_dim3A_1 {add = true} : memref<10000xf32, #tpu.memory_space<vmem>>[vector<16xi32>], vector<16xf32>,
    }
    %scan3A_63 = arith.constant 625 : i32
    "tpu.region"() ({
      %run_scoped3A = tpu.sem_alloc : memref<!tpu.dma_semaphore, #tpu.memory_space<semaphore_mem>>
      %dma_start3A_82 = arith.constant 0 : i32
      %dma_start3A_83 = tpu.memref_slice %arg8[%add3A, %dma_start3A_82] : memref<32x10000xf32, #tpu.memory_space<hbm>> -> memref<1x10000xf32, #tpu.memory_space<hbm>>
      %dma_start3A_84 = tpu.memref_squeeze %dma_start3A_83 : memref<1x10000xf32, #tpu.memory_space<hbm>> -> memref<10000xf32, #tpu.memory_space<hbm>>
      %dma_start3A_85 = arith.constant 0 : i32
      %dma_start3A_86 = tpu.memref_slice %arg8[%add3A, %dma_start3A_85] : memref<32x10000xf32, #tpu.memory_space<hbm>> -> memref<1x10000xf32, #tpu.memory_space<hbm>>
      %dma_start3A_87 = tpu.memref_squeeze %dma_start3A_86 : memref<1x10000xf32, #tpu.memory_space<hbm>> -> memref<10000xf32, #tpu.memory_space<hbm>>
      tpu.enqueue_dma source(%arg12 : memref<10000xf32, #tpu.memory_space<vmem>>) target(%dma_start3A_87 : memref<10000xf32, #tpu.memory_space<hbm>>) target_semaphore(%run_scoped3A : memref<!tpu.dma_semaphore, #tpu.memory_space<semaphore_mem>>)
      %dma_wait3A_88 = arith.constant 0 : i32
      %dma_wait3A_89 = tpu.memref_slice %arg8[%add3A, %dma_wait3A_88] : memref<32x10000xf32, #tpu.memory_space<hbm>> -> memref<1x10000xf32, #tpu.memory_space<hbm>>
      %dma_wait3A_90 = tpu.memref_squeeze %dma_wait3A_89 : memref<1x10000xf32, #tpu.memory_space<hbm>> -> memref<10000xf32, #tpu.memory_space<hbm>>
      %dma_wait3A_91 = arith.constant 0 : i32
      %dma_wait3A_92 = tpu.memref_slice %arg8[%add3A, %dma_wait3A_91] : memref<32x10000xf32, #tpu.memory_space<hbm>> -> memref<1x10000xf32, #tpu.memory_space<hbm>>
      %dma_wait3A_93 = tpu.memref_squeeze %dma_wait3A_92 : memref<1x10000xf32, #tpu.memory_space<hbm>> -> memref<10000xf32, #tpu.memory_space<hbm>>
      tpu.wait_dma2 semaphore(%run_scoped3A : memref<!tpu.dma_semaphore, #tpu.memory_space<semaphore_mem>>) src(%arg12 : memref<10000xf32, #tpu.memory_space<vmem>>) dst(%dma_wait3A_93 : memref<10000xf32, #tpu.memory_space<hbm>>)
      tpu.yield
    }) : () -> ()
    %dma_wait3A_64 = tpu.memref_slice %arg5[%mul3A_45] : memref<320000xi32, #tpu.memory_space<hbm>> -> memref<10000xi32, #tpu.memory_space<hbm>>
    %dma_wait3A_65 = tpu.memref_slice %arg5[%mul3A_45] : memref<320000xi32, #tpu.memory_space<hbm>> -> memref<10000xi32, #tpu.memory_space<hbm>>
    tpu.wait_dma2 semaphore(%arg13 : memref<!tpu.dma_semaphore, #tpu.memory_space<semaphore_mem>>) src(%dma_wait3A_65 : memref<10000xi32, #tpu.memory_space<hbm>>) dst(%arg11 : memref<10000xi32, #tpu.memory_space<vmem>>)
    %scan3A_66 = arith.constant 0 : i32
    %scan3A_67 = arith.constant 0 : i32
    %scan3A_68 = arith.constant 156 : i32
    %scan3A_69 = arith.addi %scan3A_67, %scan3A_68 : i32
    %scan3A_70 = arith.constant 1 : i32
    scf.for %scan3A_82 = %scan3A_67 to %scan3A_69 step %scan3A_70  : i32 {
      %broadcast_in_dim3A_83 = arith.constant 0.000000e+00 : f32
      %broadcast_in_dim3A_84 = vector.broadcast %broadcast_in_dim3A_83 : f32 to vector<16xf32>
      %mul3A_85 = arith.constant 64 : i32
      %mul3A_86 = arith.muli %scan3A_82, %mul3A_85 : i32
      %add3A_87 = arith.constant 0 : i32
      %add3A_88 = arith.addi %mul3A_86, %add3A_87 : i32
      %swap3A_89 = arith.index_cast %add3A_88 : i32 to index
      %swap3A_90 = tpu.vector_load %arg12[%swap3A_89] {strides = array<i32>} : memref<10000xf32, #tpu.memory_space<vmem>>, vector<16xf32>,
      tpu.vector_store %arg12[%swap3A_89], %broadcast_in_dim3A_84 {strides = array<i32>} : memref<10000xf32, #tpu.memory_space<vmem>>, vector<16xf32>,
      %mul3A_91 = arith.constant 64 : i32
      %mul3A_92 = arith.muli %scan3A_82, %mul3A_91 : i32
      %add3A_93 = arith.constant 16 : i32
      %add3A_94 = arith.addi %mul3A_92, %add3A_93 : i32
      %swap3A_95 = arith.index_cast %add3A_94 : i32 to index
      %swap3A_96 = tpu.vector_load %arg12[%swap3A_95] {strides = array<i32>} : memref<10000xf32, #tpu.memory_space<vmem>>, vector<16xf32>,
      tpu.vector_store %arg12[%swap3A_95], %broadcast_in_dim3A_84 {strides = array<i32>} : memref<10000xf32, #tpu.memory_space<vmem>>, vector<16xf32>,
      %mul3A_97 = arith.constant 64 : i32
      %mul3A_98 = arith.muli %scan3A_82, %mul3A_97 : i32
      %add3A_99 = arith.constant 32 : i32
      %add3A_100 = arith.addi %mul3A_98, %add3A_99 : i32
      %swap3A_101 = arith.index_cast %add3A_100 : i32 to index
      %swap3A_102 = tpu.vector_load %arg12[%swap3A_101] {strides = array<i32>} : memref<10000xf32, #tpu.memory_space<vmem>>, vector<16xf32>,
      tpu.vector_store %arg12[%swap3A_101], %broadcast_in_dim3A_84 {strides = array<i32>} : memref<10000xf32, #tpu.memory_space<vmem>>, vector<16xf32>,
      %mul3A_103 = arith.constant 64 : i32
      %mul3A_104 = arith.muli %scan3A_82, %mul3A_103 : i32
      %add3A_105 = arith.constant 48 : i32
      %add3A_106 = arith.addi %mul3A_104, %add3A_105 : i32
      %swap3A_107 = arith.index_cast %add3A_106 : i32 to index
      %swap3A_108 = tpu.vector_load %arg12[%swap3A_107] {strides = array<i32>} : memref<10000xf32, #tpu.memory_space<vmem>>, vector<16xf32>,
      tpu.vector_store %arg12[%swap3A_107], %broadcast_in_dim3A_84 {strides = array<i32>} : memref<10000xf32, #tpu.memory_space<vmem>>, vector<16xf32>,
    }
    %scan3A_71 = arith.constant 156 : i32
    %broadcast_in_dim3A_72 = arith.constant 0.000000e+00 : f32
    %broadcast_in_dim3A_73 = vector.broadcast %broadcast_in_dim3A_72 : f32 to vector<16xf32>
    %swap3A_74 = arith.constant 9984 : index
    %swap3A_75 = tpu.vector_load %arg12[%swap3A_74] {strides = array<i32>} : memref<10000xf32, #tpu.memory_space<vmem>>, vector<16xf32>,
    tpu.vector_store %arg12[%swap3A_74], %broadcast_in_dim3A_73 {strides = array<i32>} : memref<10000xf32, #tpu.memory_space<vmem>>, vector<16xf32>,
    %scan3A_76 = arith.constant 0 : i32
    %scan3A_77 = arith.constant 0 : i32
    %scan3A_78 = arith.constant 625 : i32
    %scan3A_79 = arith.addi %scan3A_77, %scan3A_78 : i32
    %scan3A_80 = arith.constant 1 : i32
    scf.for %scan3A_82 = %scan3A_77 to %scan3A_79 step %scan3A_80  : i32 {
      %mul3A_83 = arith.constant 16 : i32
      %mul3A_84 = arith.muli %scan3A_82, %mul3A_83 : i32
      %get3A = arith.index_cast %mul3A_84 : i32 to index
      %get3A_85 = tpu.vector_load %arg11[%get3A] {strides = array<i32>} : memref<10000xi32, #tpu.memory_space<vmem>>, vector<16xi32>,
      tpu.vector_store_idx %arg12[%get3A_85], %broadcast_in_dim3A_1 {add = true} : memref<10000xf32, #tpu.memory_space<vmem>>[vector<16xi32>], vector<16xf32>,
    }
    %scan3A_81 = arith.constant 625 : i32
    "tpu.region"() ({
      %run_scoped3A = tpu.sem_alloc : memref<!tpu.dma_semaphore, #tpu.memory_space<semaphore_mem>>
      %dma_start3A_82 = arith.constant 0 : i32
      %dma_start3A_83 = tpu.memref_slice %arg9[%add3A, %dma_start3A_82] : memref<32x10000xf32, #tpu.memory_space<hbm>> -> memref<1x10000xf32, #tpu.memory_space<hbm>>
      %dma_start3A_84 = tpu.memref_squeeze %dma_start3A_83 : memref<1x10000xf32, #tpu.memory_space<hbm>> -> memref<10000xf32, #tpu.memory_space<hbm>>
      %dma_start3A_85 = arith.constant 0 : i32
      %dma_start3A_86 = tpu.memref_slice %arg9[%add3A, %dma_start3A_85] : memref<32x10000xf32, #tpu.memory_space<hbm>> -> memref<1x10000xf32, #tpu.memory_space<hbm>>
      %dma_start3A_87 = tpu.memref_squeeze %dma_start3A_86 : memref<1x10000xf32, #tpu.memory_space<hbm>> -> memref<10000xf32, #tpu.memory_space<hbm>>
      tpu.enqueue_dma source(%arg12 : memref<10000xf32, #tpu.memory_space<vmem>>) target(%dma_start3A_87 : memref<10000xf32, #tpu.memory_space<hbm>>) target_semaphore(%run_scoped3A : memref<!tpu.dma_semaphore, #tpu.memory_space<semaphore_mem>>)
      %dma_wait3A_88 = arith.constant 0 : i32
      %dma_wait3A_89 = tpu.memref_slice %arg9[%add3A, %dma_wait3A_88] : memref<32x10000xf32, #tpu.memory_space<hbm>> -> memref<1x10000xf32, #tpu.memory_space<hbm>>
      %dma_wait3A_90 = tpu.memref_squeeze %dma_wait3A_89 : memref<1x10000xf32, #tpu.memory_space<hbm>> -> memref<10000xf32, #tpu.memory_space<hbm>>
      %dma_wait3A_91 = arith.constant 0 : i32
      %dma_wait3A_92 = tpu.memref_slice %arg9[%add3A, %dma_wait3A_91] : memref<32x10000xf32, #tpu.memory_space<hbm>> -> memref<1x10000xf32, #tpu.memory_space<hbm>>
      %dma_wait3A_93 = tpu.memref_squeeze %dma_wait3A_92 : memref<1x10000xf32, #tpu.memory_space<hbm>> -> memref<10000xf32, #tpu.memory_space<hbm>>
      tpu.wait_dma2 semaphore(%run_scoped3A : memref<!tpu.dma_semaphore, #tpu.memory_space<semaphore_mem>>) src(%arg12 : memref<10000xf32, #tpu.memory_space<vmem>>) dst(%dma_wait3A_93 : memref<10000xf32, #tpu.memory_space<hbm>>)
      tpu.yield
    }) : () -> ()
    return
  }
}

#map = affine_map<(d0, d1) -> (0, 0)>
#map1 = affine_map<(d0, d1) -> (0, 0, 0, 0)>
#map2 = affine_map<(d0, d1) -> (0)>
#map3 = affine_map<(d0, d1) -> (0, 0, 0)>
module attributes {stable_mosaic.version = 14 : i64} {
  func.func @_agg_kernel(%arg0: i32, %arg1: i32, %arg2: memref<10000x128xf32, #tpu.memory_space<hbm>>, %arg3: memref<32x2x39x128xi32, #tpu.memory_space<hbm>>, %arg4: memref<32x2x39x128xi32, #tpu.memory_space<hbm>>, %arg5: memref<512xi32, #tpu.memory_space<hbm>>, %arg6: memref<32x1x16xi32, #tpu.memory_space<hbm>>, %arg7: memref<10000x128xf32, #tpu.memory_space<hbm>>, %arg8: memref<32x2x39x128xi32, #tpu.memory_space<hbm>>, %arg9: memref<32x2x39x128xi32, #tpu.memory_space<hbm>>, %arg10: memref<512xi32, #tpu.memory_space<hbm>>, %arg11: memref<32x1x16xi32, #tpu.memory_space<hbm>>, %arg12: memref<2x10000x128xf32, #tpu.memory_space<hbm>>, %arg13: memref<2x10000x128xf32, #tpu.memory_space<hbm>>, %arg14: memref<39x128xi32, #tpu.memory_space<vmem>>, %arg15: memref<39x128xi32, #tpu.memory_space<vmem>>, %arg16: memref<16xi32, #tpu.memory_space<vmem>>, %arg17: memref<1x16xi32, #tpu.memory_space<vmem>>, %arg18: memref<128x128xf32, #tpu.memory_space<vmem>>, %arg19: memref<128x128xf32, #tpu.memory_space<vmem>>, %arg20: memref<10000x128xf32, #tpu.memory_space<vmem_shared>>, %arg21: memref<!tpu.dma_semaphore, #tpu.memory_space<semaphore_mem>>, %arg22: memref<!tpu.dma_semaphore, #tpu.memory_space<semaphore_mem>>, %arg23: memref<!tpu.dma_semaphore, #tpu.memory_space<semaphore_mem>>) attributes {dimension_semantics = [#tpu.dimension_semantics<core_parallel>, #tpu.dimension_semantics<subcore_parallel>], iteration_bounds = array<i64: 2, 16>, scalar_prefetch = 0 : i64, scratch_operands = 10 : i64, tpu.core_type = #tpu.core_type<sc_vector_subcore>, window_params = [{transform_indices = #map}, {transform_indices = #map1}, {transform_indices = #map1}, {transform_indices = #map2}, {transform_indices = #map3}, {transform_indices = #map}, {transform_indices = #map1}, {transform_indices = #map1}, {transform_indices = #map2}, {transform_indices = #map3}, {transform_indices = #map3}, {transform_indices = #map3}]} {
    %mul3A = arith.constant 16 : i32
    %mul3A_0 = arith.muli %arg0, %mul3A : i32
    %add3A = arith.addi %mul3A_0, %arg1 : i32
    %scan3A = arith.constant 0 : i32
    %scan3A_1 = arith.constant 0 : i32
    %scan3A_2 = arith.constant 80 : i32
    %scan3A_3 = arith.addi %scan3A_1, %scan3A_2 : i32
    %scan3A_4 = arith.constant 1 : i32
    scf.for %scan3A_71 = %scan3A_1 to %scan3A_3 step %scan3A_4  : i32 {
      %scan3A_72 = arith.constant 0 : i32
      %scan3A_73 = arith.constant 8 : i32
      %scan3A_74 = arith.addi %scan3A_72, %scan3A_73 : i32
      %scan3A_75 = arith.constant 1 : i32
      scf.for %scan3A_77 = %scan3A_72 to %scan3A_74 step %scan3A_75  : i32 {
        %broadcast_in_dim3A = arith.constant 0.000000e+00 : f32
        %broadcast_in_dim3A_78 = vector.broadcast %broadcast_in_dim3A : f32 to vector<16xf32>
        %mul3A_79 = arith.constant 16 : i32
        %mul3A_80 = arith.muli %scan3A_77, %mul3A_79 : i32
        %swap3A = arith.index_cast %scan3A_71 : i32 to index
        %swap3A_81 = arith.index_cast %mul3A_80 : i32 to index
        %swap3A_82 = tpu.vector_load %arg18[%swap3A, %swap3A_81] {strides = array<i32>} : memref<128x128xf32, #tpu.memory_space<vmem>>, vector<16xf32>,
        tpu.vector_store %arg18[%swap3A, %swap3A_81], %broadcast_in_dim3A_78 {strides = array<i32>} : memref<128x128xf32, #tpu.memory_space<vmem>>, vector<16xf32>,
      }
      %scan3A_76 = arith.constant 8 : i32
    }
    %scan3A_5 = arith.constant 80 : i32
    %lt3A = arith.constant 5 : i32
    %lt3A_6 = arith.cmpi slt, %arg1, %lt3A : i32
    %convert_element_type3A = arith.extui %lt3A_6 : i1 to i32
    %cond3A = arith.constant 0 : i32
    %cond3A_7 = arith.cmpi ne, %convert_element_type3A, %cond3A : i32
    scf.if %cond3A_7 {
      %mul3A_71 = arith.constant 2000 : i32
      %mul3A_72 = arith.muli %arg1, %mul3A_71 : i32
      %add3A_73 = arith.constant 0 : i32
      %add3A_74 = arith.addi %mul3A_72, %add3A_73 : i32
      "tpu.region"() ({
        %run_scoped3A_171 = tpu.sem_alloc : memref<!tpu.dma_semaphore, #tpu.memory_space<semaphore_mem>>
        %dma_start3A_172 = arith.constant 0 : i32
        %dma_start3A_173 = arith.constant 0 : i32
        %dma_start3A_174 = tpu.memref_slice %arg18[%dma_start3A_172, %dma_start3A_173] : memref<128x128xf32, #tpu.memory_space<vmem>> -> memref<80x128xf32, #tpu.memory_space<vmem>>
        %dma_start3A_175 = arith.constant 0 : i32
        %dma_start3A_176 = tpu.memref_slice %arg20[%add3A_74, %dma_start3A_175] : memref<10000x128xf32, #tpu.memory_space<vmem_shared>> -> memref<80x128xf32, #tpu.memory_space<vmem_shared>>
        %dma_start3A_177 = arith.constant 0 : i32
        %dma_start3A_178 = tpu.memref_slice %arg20[%add3A_74, %dma_start3A_177] : memref<10000x128xf32, #tpu.memory_space<vmem_shared>> -> memref<80x128xf32, #tpu.memory_space<vmem_shared>>
        %dma_start3A_179 = arith.constant 0 : i32
        %dma_start3A_180 = arith.constant 0 : i32
        %dma_start3A_181 = tpu.memref_slice %arg18[%dma_start3A_179, %dma_start3A_180] : memref<128x128xf32, #tpu.memory_space<vmem>> -> memref<80x128xf32, #tpu.memory_space<vmem>>
        tpu.enqueue_dma source(%dma_start3A_181 : memref<80x128xf32, #tpu.memory_space<vmem>>) target(%dma_start3A_178 : memref<80x128xf32, #tpu.memory_space<vmem_shared>>) target_semaphore(%run_scoped3A_171 : memref<!tpu.dma_semaphore, #tpu.memory_space<semaphore_mem>>)
        %dma_wait3A_182 = arith.constant 0 : i32
        %dma_wait3A_183 = arith.constant 0 : i32
        %dma_wait3A_184 = tpu.memref_slice %arg18[%dma_wait3A_182, %dma_wait3A_183] : memref<128x128xf32, #tpu.memory_space<vmem>> -> memref<80x128xf32, #tpu.memory_space<vmem>>
        %dma_wait3A_185 = arith.constant 0 : i32
        %dma_wait3A_186 = tpu.memref_slice %arg20[%add3A_74, %dma_wait3A_185] : memref<10000x128xf32, #tpu.memory_space<vmem_shared>> -> memref<80x128xf32, #tpu.memory_space<vmem_shared>>
        %dma_wait3A_187 = arith.constant 0 : i32
        %dma_wait3A_188 = tpu.memref_slice %arg20[%add3A_74, %dma_wait3A_187] : memref<10000x128xf32, #tpu.memory_space<vmem_shared>> -> memref<80x128xf32, #tpu.memory_space<vmem_shared>>
        %dma_wait3A_189 = arith.constant 0 : i32
        %dma_wait3A_190 = arith.constant 0 : i32
        %dma_wait3A_191 = tpu.memref_slice %arg18[%dma_wait3A_189, %dma_wait3A_190] : memref<128x128xf32, #tpu.memory_space<vmem>> -> memref<80x128xf32, #tpu.memory_space<vmem>>
        tpu.wait_dma2 semaphore(%run_scoped3A_171 : memref<!tpu.dma_semaphore, #tpu.memory_space<semaphore_mem>>) src(%dma_wait3A_191 : memref<80x128xf32, #tpu.memory_space<vmem>>) dst(%dma_wait3A_188 : memref<80x128xf32, #tpu.memory_space<vmem_shared>>)
        tpu.yield
      }) : () -> ()
      %mul3A_75 = arith.constant 2000 : i32
      %mul3A_76 = arith.muli %arg1, %mul3A_75 : i32
      %add3A_77 = arith.constant 80 : i32
      %add3A_78 = arith.addi %mul3A_76, %add3A_77 : i32
      "tpu.region"() ({
        %run_scoped3A_171 = tpu.sem_alloc : memref<!tpu.dma_semaphore, #tpu.memory_space<semaphore_mem>>
        %dma_start3A_172 = arith.constant 0 : i32
        %dma_start3A_173 = arith.constant 0 : i32
        %dma_start3A_174 = tpu.memref_slice %arg18[%dma_start3A_172, %dma_start3A_173] : memref<128x128xf32, #tpu.memory_space<vmem>> -> memref<80x128xf32, #tpu.memory_space<vmem>>
        %dma_start3A_175 = arith.constant 0 : i32
        %dma_start3A_176 = tpu.memref_slice %arg20[%add3A_78, %dma_start3A_175] : memref<10000x128xf32, #tpu.memory_space<vmem_shared>> -> memref<80x128xf32, #tpu.memory_space<vmem_shared>>
        %dma_start3A_177 = arith.constant 0 : i32
        %dma_start3A_178 = tpu.memref_slice %arg20[%add3A_78, %dma_start3A_177] : memref<10000x128xf32, #tpu.memory_space<vmem_shared>> -> memref<80x128xf32, #tpu.memory_space<vmem_shared>>
        %dma_start3A_179 = arith.constant 0 : i32
        %dma_start3A_180 = arith.constant 0 : i32
        %dma_start3A_181 = tpu.memref_slice %arg18[%dma_start3A_179, %dma_start3A_180] : memref<128x128xf32, #tpu.memory_space<vmem>> -> memref<80x128xf32, #tpu.memory_space<vmem>>
        tpu.enqueue_dma source(%dma_start3A_181 : memref<80x128xf32, #tpu.memory_space<vmem>>) target(%dma_start3A_178 : memref<80x128xf32, #tpu.memory_space<vmem_shared>>) target_semaphore(%run_scoped3A_171 : memref<!tpu.dma_semaphore, #tpu.memory_space<semaphore_mem>>)
        %dma_wait3A_182 = arith.constant 0 : i32
        %dma_wait3A_183 = arith.constant 0 : i32
        %dma_wait3A_184 = tpu.memref_slice %arg18[%dma_wait3A_182, %dma_wait3A_183] : memref<128x128xf32, #tpu.memory_space<vmem>> -> memref<80x128xf32, #tpu.memory_space<vmem>>
        %dma_wait3A_185 = arith.constant 0 : i32
        %dma_wait3A_186 = tpu.memref_slice %arg20[%add3A_78, %dma_wait3A_185] : memref<10000x128xf32, #tpu.memory_space<vmem_shared>> -> memref<80x128xf32, #tpu.memory_space<vmem_shared>>
        %dma_wait3A_187 = arith.constant 0 : i32
        %dma_wait3A_188 = tpu.memref_slice %arg20[%add3A_78, %dma_wait3A_187] : memref<10000x128xf32, #tpu.memory_space<vmem_shared>> -> memref<80x128xf32, #tpu.memory_space<vmem_shared>>
        %dma_wait3A_189 = arith.constant 0 : i32
        %dma_wait3A_190 = arith.constant 0 : i32
        %dma_wait3A_191 = tpu.memref_slice %arg18[%dma_wait3A_189, %dma_wait3A_190] : memref<128x128xf32, #tpu.memory_space<vmem>> -> memref<80x128xf32, #tpu.memory_space<vmem>>
        tpu.wait_dma2 semaphore(%run_scoped3A_171 : memref<!tpu.dma_semaphore, #tpu.memory_space<semaphore_mem>>) src(%dma_wait3A_191 : memref<80x128xf32, #tpu.memory_space<vmem>>) dst(%dma_wait3A_188 : memref<80x128xf32, #tpu.memory_space<vmem_shared>>)
        tpu.yield
      }) : () -> ()
      %mul3A_79 = arith.constant 2000 : i32
      %mul3A_80 = arith.muli %arg1, %mul3A_79 : i32
      %add3A_81 = arith.constant 160 : i32
      %add3A_82 = arith.addi %mul3A_80, %add3A_81 : i32
      "tpu.region"() ({
        %run_scoped3A_171 = tpu.sem_alloc : memref<!tpu.dma_semaphore, #tpu.memory_space<semaphore_mem>>
        %dma_start3A_172 = arith.constant 0 : i32
        %dma_start3A_173 = arith.constant 0 : i32
        %dma_start3A_174 = tpu.memref_slice %arg18[%dma_start3A_172, %dma_start3A_173] : memref<128x128xf32, #tpu.memory_space<vmem>> -> memref<80x128xf32, #tpu.memory_space<vmem>>
        %dma_start3A_175 = arith.constant 0 : i32
        %dma_start3A_176 = tpu.memref_slice %arg20[%add3A_82, %dma_start3A_175] : memref<10000x128xf32, #tpu.memory_space<vmem_shared>> -> memref<80x128xf32, #tpu.memory_space<vmem_shared>>
        %dma_start3A_177 = arith.constant 0 : i32
        %dma_start3A_178 = tpu.memref_slice %arg20[%add3A_82, %dma_start3A_177] : memref<10000x128xf32, #tpu.memory_space<vmem_shared>> -> memref<80x128xf32, #tpu.memory_space<vmem_shared>>
        %dma_start3A_179 = arith.constant 0 : i32
        %dma_start3A_180 = arith.constant 0 : i32
        %dma_start3A_181 = tpu.memref_slice %arg18[%dma_start3A_179, %dma_start3A_180] : memref<128x128xf32, #tpu.memory_space<vmem>> -> memref<80x128xf32, #tpu.memory_space<vmem>>
        tpu.enqueue_dma source(%dma_start3A_181 : memref<80x128xf32, #tpu.memory_space<vmem>>) target(%dma_start3A_178 : memref<80x128xf32, #tpu.memory_space<vmem_shared>>) target_semaphore(%run_scoped3A_171 : memref<!tpu.dma_semaphore, #tpu.memory_space<semaphore_mem>>)
        %dma_wait3A_182 = arith.constant 0 : i32
        %dma_wait3A_183 = arith.constant 0 : i32
        %dma_wait3A_184 = tpu.memref_slice %arg18[%dma_wait3A_182, %dma_wait3A_183] : memref<128x128xf32, #tpu.memory_space<vmem>> -> memref<80x128xf32, #tpu.memory_space<vmem>>
        %dma_wait3A_185 = arith.constant 0 : i32
        %dma_wait3A_186 = tpu.memref_slice %arg20[%add3A_82, %dma_wait3A_185] : memref<10000x128xf32, #tpu.memory_space<vmem_shared>> -> memref<80x128xf32, #tpu.memory_space<vmem_shared>>
        %dma_wait3A_187 = arith.constant 0 : i32
        %dma_wait3A_188 = tpu.memref_slice %arg20[%add3A_82, %dma_wait3A_187] : memref<10000x128xf32, #tpu.memory_space<vmem_shared>> -> memref<80x128xf32, #tpu.memory_space<vmem_shared>>
        %dma_wait3A_189 = arith.constant 0 : i32
        %dma_wait3A_190 = arith.constant 0 : i32
        %dma_wait3A_191 = tpu.memref_slice %arg18[%dma_wait3A_189, %dma_wait3A_190] : memref<128x128xf32, #tpu.memory_space<vmem>> -> memref<80x128xf32, #tpu.memory_space<vmem>>
        tpu.wait_dma2 semaphore(%run_scoped3A_171 : memref<!tpu.dma_semaphore, #tpu.memory_space<semaphore_mem>>) src(%dma_wait3A_191 : memref<80x128xf32, #tpu.memory_space<vmem>>) dst(%dma_wait3A_188 : memref<80x128xf32, #tpu.memory_space<vmem_shared>>)
        tpu.yield
      }) : () -> ()
      %mul3A_83 = arith.constant 2000 : i32
      %mul3A_84 = arith.muli %arg1, %mul3A_83 : i32
      %add3A_85 = arith.constant 240 : i32
      %add3A_86 = arith.addi %mul3A_84, %add3A_85 : i32
      "tpu.region"() ({
        %run_scoped3A_171 = tpu.sem_alloc : memref<!tpu.dma_semaphore, #tpu.memory_space<semaphore_mem>>
        %dma_start3A_172 = arith.constant 0 : i32
        %dma_start3A_173 = arith.constant 0 : i32
        %dma_start3A_174 = tpu.memref_slice %arg18[%dma_start3A_172, %dma_start3A_173] : memref<128x128xf32, #tpu.memory_space<vmem>> -> memref<80x128xf32, #tpu.memory_space<vmem>>
        %dma_start3A_175 = arith.constant 0 : i32
        %dma_start3A_176 = tpu.memref_slice %arg20[%add3A_86, %dma_start3A_175] : memref<10000x128xf32, #tpu.memory_space<vmem_shared>> -> memref<80x128xf32, #tpu.memory_space<vmem_shared>>
        %dma_start3A_177 = arith.constant 0 : i32
        %dma_start3A_178 = tpu.memref_slice %arg20[%add3A_86, %dma_start3A_177] : memref<10000x128xf32, #tpu.memory_space<vmem_shared>> -> memref<80x128xf32, #tpu.memory_space<vmem_shared>>
        %dma_start3A_179 = arith.constant 0 : i32
        %dma_start3A_180 = arith.constant 0 : i32
        %dma_start3A_181 = tpu.memref_slice %arg18[%dma_start3A_179, %dma_start3A_180] : memref<128x128xf32, #tpu.memory_space<vmem>> -> memref<80x128xf32, #tpu.memory_space<vmem>>
        tpu.enqueue_dma source(%dma_start3A_181 : memref<80x128xf32, #tpu.memory_space<vmem>>) target(%dma_start3A_178 : memref<80x128xf32, #tpu.memory_space<vmem_shared>>) target_semaphore(%run_scoped3A_171 : memref<!tpu.dma_semaphore, #tpu.memory_space<semaphore_mem>>)
        %dma_wait3A_182 = arith.constant 0 : i32
        %dma_wait3A_183 = arith.constant 0 : i32
        %dma_wait3A_184 = tpu.memref_slice %arg18[%dma_wait3A_182, %dma_wait3A_183] : memref<128x128xf32, #tpu.memory_space<vmem>> -> memref<80x128xf32, #tpu.memory_space<vmem>>
        %dma_wait3A_185 = arith.constant 0 : i32
        %dma_wait3A_186 = tpu.memref_slice %arg20[%add3A_86, %dma_wait3A_185] : memref<10000x128xf32, #tpu.memory_space<vmem_shared>> -> memref<80x128xf32, #tpu.memory_space<vmem_shared>>
        %dma_wait3A_187 = arith.constant 0 : i32
        %dma_wait3A_188 = tpu.memref_slice %arg20[%add3A_86, %dma_wait3A_187] : memref<10000x128xf32, #tpu.memory_space<vmem_shared>> -> memref<80x128xf32, #tpu.memory_space<vmem_shared>>
        %dma_wait3A_189 = arith.constant 0 : i32
        %dma_wait3A_190 = arith.constant 0 : i32
        %dma_wait3A_191 = tpu.memref_slice %arg18[%dma_wait3A_189, %dma_wait3A_190] : memref<128x128xf32, #tpu.memory_space<vmem>> -> memref<80x128xf32, #tpu.memory_space<vmem>>
        tpu.wait_dma2 semaphore(%run_scoped3A_171 : memref<!tpu.dma_semaphore, #tpu.memory_space<semaphore_mem>>) src(%dma_wait3A_191 : memref<80x128xf32, #tpu.memory_space<vmem>>) dst(%dma_wait3A_188 : memref<80x128xf32, #tpu.memory_space<vmem_shared>>)
        tpu.yield
      }) : () -> ()
      %mul3A_87 = arith.constant 2000 : i32
      %mul3A_88 = arith.muli %arg1, %mul3A_87 : i32
      %add3A_89 = arith.constant 320 : i32
      %add3A_90 = arith.addi %mul3A_88, %add3A_89 : i32
      "tpu.region"() ({
        %run_scoped3A_171 = tpu.sem_alloc : memref<!tpu.dma_semaphore, #tpu.memory_space<semaphore_mem>>
        %dma_start3A_172 = arith.constant 0 : i32
        %dma_start3A_173 = arith.constant 0 : i32
        %dma_start3A_174 = tpu.memref_slice %arg18[%dma_start3A_172, %dma_start3A_173] : memref<128x128xf32, #tpu.memory_space<vmem>> -> memref<80x128xf32, #tpu.memory_space<vmem>>
        %dma_start3A_175 = arith.constant 0 : i32
        %dma_start3A_176 = tpu.memref_slice %arg20[%add3A_90, %dma_start3A_175] : memref<10000x128xf32, #tpu.memory_space<vmem_shared>> -> memref<80x128xf32, #tpu.memory_space<vmem_shared>>
        %dma_start3A_177 = arith.constant 0 : i32
        %dma_start3A_178 = tpu.memref_slice %arg20[%add3A_90, %dma_start3A_177] : memref<10000x128xf32, #tpu.memory_space<vmem_shared>> -> memref<80x128xf32, #tpu.memory_space<vmem_shared>>
        %dma_start3A_179 = arith.constant 0 : i32
        %dma_start3A_180 = arith.constant 0 : i32
        %dma_start3A_181 = tpu.memref_slice %arg18[%dma_start3A_179, %dma_start3A_180] : memref<128x128xf32, #tpu.memory_space<vmem>> -> memref<80x128xf32, #tpu.memory_space<vmem>>
        tpu.enqueue_dma source(%dma_start3A_181 : memref<80x128xf32, #tpu.memory_space<vmem>>) target(%dma_start3A_178 : memref<80x128xf32, #tpu.memory_space<vmem_shared>>) target_semaphore(%run_scoped3A_171 : memref<!tpu.dma_semaphore, #tpu.memory_space<semaphore_mem>>)
        %dma_wait3A_182 = arith.constant 0 : i32
        %dma_wait3A_183 = arith.constant 0 : i32
        %dma_wait3A_184 = tpu.memref_slice %arg18[%dma_wait3A_182, %dma_wait3A_183] : memref<128x128xf32, #tpu.memory_space<vmem>> -> memref<80x128xf32, #tpu.memory_space<vmem>>
        %dma_wait3A_185 = arith.constant 0 : i32
        %dma_wait3A_186 = tpu.memref_slice %arg20[%add3A_90, %dma_wait3A_185] : memref<10000x128xf32, #tpu.memory_space<vmem_shared>> -> memref<80x128xf32, #tpu.memory_space<vmem_shared>>
        %dma_wait3A_187 = arith.constant 0 : i32
        %dma_wait3A_188 = tpu.memref_slice %arg20[%add3A_90, %dma_wait3A_187] : memref<10000x128xf32, #tpu.memory_space<vmem_shared>> -> memref<80x128xf32, #tpu.memory_space<vmem_shared>>
        %dma_wait3A_189 = arith.constant 0 : i32
        %dma_wait3A_190 = arith.constant 0 : i32
        %dma_wait3A_191 = tpu.memref_slice %arg18[%dma_wait3A_189, %dma_wait3A_190] : memref<128x128xf32, #tpu.memory_space<vmem>> -> memref<80x128xf32, #tpu.memory_space<vmem>>
        tpu.wait_dma2 semaphore(%run_scoped3A_171 : memref<!tpu.dma_semaphore, #tpu.memory_space<semaphore_mem>>) src(%dma_wait3A_191 : memref<80x128xf32, #tpu.memory_space<vmem>>) dst(%dma_wait3A_188 : memref<80x128xf32, #tpu.memory_space<vmem_shared>>)
        tpu.yield
      }) : () -> ()
      %mul3A_91 = arith.constant 2000 : i32
      %mul3A_92 = arith.muli %arg1, %mul3A_91 : i32
      %add3A_93 = arith.constant 400 : i32
      %add3A_94 = arith.addi %mul3A_92, %add3A_93 : i32
      "tpu.region"() ({
        %run_scoped3A_171 = tpu.sem_alloc : memref<!tpu.dma_semaphore, #tpu.memory_space<semaphore_mem>>
        %dma_start3A_172 = arith.constant 0 : i32
        %dma_start3A_173 = arith.constant 0 : i32
        %dma_start3A_174 = tpu.memref_slice %arg18[%dma_start3A_172, %dma_start3A_173] : memref<128x128xf32, #tpu.memory_space<vmem>> -> memref<80x128xf32, #tpu.memory_space<vmem>>
        %dma_start3A_175 = arith.constant 0 : i32
        %dma_start3A_176 = tpu.memref_slice %arg20[%add3A_94, %dma_start3A_175] : memref<10000x128xf32, #tpu.memory_space<vmem_shared>> -> memref<80x128xf32, #tpu.memory_space<vmem_shared>>
        %dma_start3A_177 = arith.constant 0 : i32
        %dma_start3A_178 = tpu.memref_slice %arg20[%add3A_94, %dma_start3A_177] : memref<10000x128xf32, #tpu.memory_space<vmem_shared>> -> memref<80x128xf32, #tpu.memory_space<vmem_shared>>
        %dma_start3A_179 = arith.constant 0 : i32
        %dma_start3A_180 = arith.constant 0 : i32
        %dma_start3A_181 = tpu.memref_slice %arg18[%dma_start3A_179, %dma_start3A_180] : memref<128x128xf32, #tpu.memory_space<vmem>> -> memref<80x128xf32, #tpu.memory_space<vmem>>
        tpu.enqueue_dma source(%dma_start3A_181 : memref<80x128xf32, #tpu.memory_space<vmem>>) target(%dma_start3A_178 : memref<80x128xf32, #tpu.memory_space<vmem_shared>>) target_semaphore(%run_scoped3A_171 : memref<!tpu.dma_semaphore, #tpu.memory_space<semaphore_mem>>)
        %dma_wait3A_182 = arith.constant 0 : i32
        %dma_wait3A_183 = arith.constant 0 : i32
        %dma_wait3A_184 = tpu.memref_slice %arg18[%dma_wait3A_182, %dma_wait3A_183] : memref<128x128xf32, #tpu.memory_space<vmem>> -> memref<80x128xf32, #tpu.memory_space<vmem>>
        %dma_wait3A_185 = arith.constant 0 : i32
        %dma_wait3A_186 = tpu.memref_slice %arg20[%add3A_94, %dma_wait3A_185] : memref<10000x128xf32, #tpu.memory_space<vmem_shared>> -> memref<80x128xf32, #tpu.memory_space<vmem_shared>>
        %dma_wait3A_187 = arith.constant 0 : i32
        %dma_wait3A_188 = tpu.memref_slice %arg20[%add3A_94, %dma_wait3A_187] : memref<10000x128xf32, #tpu.memory_space<vmem_shared>> -> memref<80x128xf32, #tpu.memory_space<vmem_shared>>
        %dma_wait3A_189 = arith.constant 0 : i32
        %dma_wait3A_190 = arith.constant 0 : i32
        %dma_wait3A_191 = tpu.memref_slice %arg18[%dma_wait3A_189, %dma_wait3A_190] : memref<128x128xf32, #tpu.memory_space<vmem>> -> memref<80x128xf32, #tpu.memory_space<vmem>>
        tpu.wait_dma2 semaphore(%run_scoped3A_171 : memref<!tpu.dma_semaphore, #tpu.memory_space<semaphore_mem>>) src(%dma_wait3A_191 : memref<80x128xf32, #tpu.memory_space<vmem>>) dst(%dma_wait3A_188 : memref<80x128xf32, #tpu.memory_space<vmem_shared>>)
        tpu.yield
      }) : () -> ()
      %mul3A_95 = arith.constant 2000 : i32
      %mul3A_96 = arith.muli %arg1, %mul3A_95 : i32
      %add3A_97 = arith.constant 480 : i32
      %add3A_98 = arith.addi %mul3A_96, %add3A_97 : i32
      "tpu.region"() ({
        %run_scoped3A_171 = tpu.sem_alloc : memref<!tpu.dma_semaphore, #tpu.memory_space<semaphore_mem>>
        %dma_start3A_172 = arith.constant 0 : i32
        %dma_start3A_173 = arith.constant 0 : i32
        %dma_start3A_174 = tpu.memref_slice %arg18[%dma_start3A_172, %dma_start3A_173] : memref<128x128xf32, #tpu.memory_space<vmem>> -> memref<80x128xf32, #tpu.memory_space<vmem>>
        %dma_start3A_175 = arith.constant 0 : i32
        %dma_start3A_176 = tpu.memref_slice %arg20[%add3A_98, %dma_start3A_175] : memref<10000x128xf32, #tpu.memory_space<vmem_shared>> -> memref<80x128xf32, #tpu.memory_space<vmem_shared>>
        %dma_start3A_177 = arith.constant 0 : i32
        %dma_start3A_178 = tpu.memref_slice %arg20[%add3A_98, %dma_start3A_177] : memref<10000x128xf32, #tpu.memory_space<vmem_shared>> -> memref<80x128xf32, #tpu.memory_space<vmem_shared>>
        %dma_start3A_179 = arith.constant 0 : i32
        %dma_start3A_180 = arith.constant 0 : i32
        %dma_start3A_181 = tpu.memref_slice %arg18[%dma_start3A_179, %dma_start3A_180] : memref<128x128xf32, #tpu.memory_space<vmem>> -> memref<80x128xf32, #tpu.memory_space<vmem>>
        tpu.enqueue_dma source(%dma_start3A_181 : memref<80x128xf32, #tpu.memory_space<vmem>>) target(%dma_start3A_178 : memref<80x128xf32, #tpu.memory_space<vmem_shared>>) target_semaphore(%run_scoped3A_171 : memref<!tpu.dma_semaphore, #tpu.memory_space<semaphore_mem>>)
        %dma_wait3A_182 = arith.constant 0 : i32
        %dma_wait3A_183 = arith.constant 0 : i32
        %dma_wait3A_184 = tpu.memref_slice %arg18[%dma_wait3A_182, %dma_wait3A_183] : memref<128x128xf32, #tpu.memory_space<vmem>> -> memref<80x128xf32, #tpu.memory_space<vmem>>
        %dma_wait3A_185 = arith.constant 0 : i32
        %dma_wait3A_186 = tpu.memref_slice %arg20[%add3A_98, %dma_wait3A_185] : memref<10000x128xf32, #tpu.memory_space<vmem_shared>> -> memref<80x128xf32, #tpu.memory_space<vmem_shared>>
        %dma_wait3A_187 = arith.constant 0 : i32
        %dma_wait3A_188 = tpu.memref_slice %arg20[%add3A_98, %dma_wait3A_187] : memref<10000x128xf32, #tpu.memory_space<vmem_shared>> -> memref<80x128xf32, #tpu.memory_space<vmem_shared>>
        %dma_wait3A_189 = arith.constant 0 : i32
        %dma_wait3A_190 = arith.constant 0 : i32
        %dma_wait3A_191 = tpu.memref_slice %arg18[%dma_wait3A_189, %dma_wait3A_190] : memref<128x128xf32, #tpu.memory_space<vmem>> -> memref<80x128xf32, #tpu.memory_space<vmem>>
        tpu.wait_dma2 semaphore(%run_scoped3A_171 : memref<!tpu.dma_semaphore, #tpu.memory_space<semaphore_mem>>) src(%dma_wait3A_191 : memref<80x128xf32, #tpu.memory_space<vmem>>) dst(%dma_wait3A_188 : memref<80x128xf32, #tpu.memory_space<vmem_shared>>)
        tpu.yield
      }) : () -> ()
      %mul3A_99 = arith.constant 2000 : i32
      %mul3A_100 = arith.muli %arg1, %mul3A_99 : i32
      %add3A_101 = arith.constant 560 : i32
      %add3A_102 = arith.addi %mul3A_100, %add3A_101 : i32
      "tpu.region"() ({
        %run_scoped3A_171 = tpu.sem_alloc : memref<!tpu.dma_semaphore, #tpu.memory_space<semaphore_mem>>
        %dma_start3A_172 = arith.constant 0 : i32
        %dma_start3A_173 = arith.constant 0 : i32
        %dma_start3A_174 = tpu.memref_slice %arg18[%dma_start3A_172, %dma_start3A_173] : memref<128x128xf32, #tpu.memory_space<vmem>> -> memref<80x128xf32, #tpu.memory_space<vmem>>
        %dma_start3A_175 = arith.constant 0 : i32
        %dma_start3A_176 = tpu.memref_slice %arg20[%add3A_102, %dma_start3A_175] : memref<10000x128xf32, #tpu.memory_space<vmem_shared>> -> memref<80x128xf32, #tpu.memory_space<vmem_shared>>
        %dma_start3A_177 = arith.constant 0 : i32
        %dma_start3A_178 = tpu.memref_slice %arg20[%add3A_102, %dma_start3A_177] : memref<10000x128xf32, #tpu.memory_space<vmem_shared>> -> memref<80x128xf32, #tpu.memory_space<vmem_shared>>
        %dma_start3A_179 = arith.constant 0 : i32
        %dma_start3A_180 = arith.constant 0 : i32
        %dma_start3A_181 = tpu.memref_slice %arg18[%dma_start3A_179, %dma_start3A_180] : memref<128x128xf32, #tpu.memory_space<vmem>> -> memref<80x128xf32, #tpu.memory_space<vmem>>
        tpu.enqueue_dma source(%dma_start3A_181 : memref<80x128xf32, #tpu.memory_space<vmem>>) target(%dma_start3A_178 : memref<80x128xf32, #tpu.memory_space<vmem_shared>>) target_semaphore(%run_scoped3A_171 : memref<!tpu.dma_semaphore, #tpu.memory_space<semaphore_mem>>)
        %dma_wait3A_182 = arith.constant 0 : i32
        %dma_wait3A_183 = arith.constant 0 : i32
        %dma_wait3A_184 = tpu.memref_slice %arg18[%dma_wait3A_182, %dma_wait3A_183] : memref<128x128xf32, #tpu.memory_space<vmem>> -> memref<80x128xf32, #tpu.memory_space<vmem>>
        %dma_wait3A_185 = arith.constant 0 : i32
        %dma_wait3A_186 = tpu.memref_slice %arg20[%add3A_102, %dma_wait3A_185] : memref<10000x128xf32, #tpu.memory_space<vmem_shared>> -> memref<80x128xf32, #tpu.memory_space<vmem_shared>>
        %dma_wait3A_187 = arith.constant 0 : i32
        %dma_wait3A_188 = tpu.memref_slice %arg20[%add3A_102, %dma_wait3A_187] : memref<10000x128xf32, #tpu.memory_space<vmem_shared>> -> memref<80x128xf32, #tpu.memory_space<vmem_shared>>
        %dma_wait3A_189 = arith.constant 0 : i32
        %dma_wait3A_190 = arith.constant 0 : i32
        %dma_wait3A_191 = tpu.memref_slice %arg18[%dma_wait3A_189, %dma_wait3A_190] : memref<128x128xf32, #tpu.memory_space<vmem>> -> memref<80x128xf32, #tpu.memory_space<vmem>>
        tpu.wait_dma2 semaphore(%run_scoped3A_171 : memref<!tpu.dma_semaphore, #tpu.memory_space<semaphore_mem>>) src(%dma_wait3A_191 : memref<80x128xf32, #tpu.memory_space<vmem>>) dst(%dma_wait3A_188 : memref<80x128xf32, #tpu.memory_space<vmem_shared>>)
        tpu.yield
      }) : () -> ()
      %mul3A_103 = arith.constant 2000 : i32
      %mul3A_104 = arith.muli %arg1, %mul3A_103 : i32
      %add3A_105 = arith.constant 640 : i32
      %add3A_106 = arith.addi %mul3A_104, %add3A_105 : i32
      "tpu.region"() ({
        %run_scoped3A_171 = tpu.sem_alloc : memref<!tpu.dma_semaphore, #tpu.memory_space<semaphore_mem>>
        %dma_start3A_172 = arith.constant 0 : i32
        %dma_start3A_173 = arith.constant 0 : i32
        %dma_start3A_174 = tpu.memref_slice %arg18[%dma_start3A_172, %dma_start3A_173] : memref<128x128xf32, #tpu.memory_space<vmem>> -> memref<80x128xf32, #tpu.memory_space<vmem>>
        %dma_start3A_175 = arith.constant 0 : i32
        %dma_start3A_176 = tpu.memref_slice %arg20[%add3A_106, %dma_start3A_175] : memref<10000x128xf32, #tpu.memory_space<vmem_shared>> -> memref<80x128xf32, #tpu.memory_space<vmem_shared>>
        %dma_start3A_177 = arith.constant 0 : i32
        %dma_start3A_178 = tpu.memref_slice %arg20[%add3A_106, %dma_start3A_177] : memref<10000x128xf32, #tpu.memory_space<vmem_shared>> -> memref<80x128xf32, #tpu.memory_space<vmem_shared>>
        %dma_start3A_179 = arith.constant 0 : i32
        %dma_start3A_180 = arith.constant 0 : i32
        %dma_start3A_181 = tpu.memref_slice %arg18[%dma_start3A_179, %dma_start3A_180] : memref<128x128xf32, #tpu.memory_space<vmem>> -> memref<80x128xf32, #tpu.memory_space<vmem>>
        tpu.enqueue_dma source(%dma_start3A_181 : memref<80x128xf32, #tpu.memory_space<vmem>>) target(%dma_start3A_178 : memref<80x128xf32, #tpu.memory_space<vmem_shared>>) target_semaphore(%run_scoped3A_171 : memref<!tpu.dma_semaphore, #tpu.memory_space<semaphore_mem>>)
        %dma_wait3A_182 = arith.constant 0 : i32
        %dma_wait3A_183 = arith.constant 0 : i32
        %dma_wait3A_184 = tpu.memref_slice %arg18[%dma_wait3A_182, %dma_wait3A_183] : memref<128x128xf32, #tpu.memory_space<vmem>> -> memref<80x128xf32, #tpu.memory_space<vmem>>
        %dma_wait3A_185 = arith.constant 0 : i32
        %dma_wait3A_186 = tpu.memref_slice %arg20[%add3A_106, %dma_wait3A_185] : memref<10000x128xf32, #tpu.memory_space<vmem_shared>> -> memref<80x128xf32, #tpu.memory_space<vmem_shared>>
        %dma_wait3A_187 = arith.constant 0 : i32
        %dma_wait3A_188 = tpu.memref_slice %arg20[%add3A_106, %dma_wait3A_187] : memref<10000x128xf32, #tpu.memory_space<vmem_shared>> -> memref<80x128xf32, #tpu.memory_space<vmem_shared>>
        %dma_wait3A_189 = arith.constant 0 : i32
        %dma_wait3A_190 = arith.constant 0 : i32
        %dma_wait3A_191 = tpu.memref_slice %arg18[%dma_wait3A_189, %dma_wait3A_190] : memref<128x128xf32, #tpu.memory_space<vmem>> -> memref<80x128xf32, #tpu.memory_space<vmem>>
        tpu.wait_dma2 semaphore(%run_scoped3A_171 : memref<!tpu.dma_semaphore, #tpu.memory_space<semaphore_mem>>) src(%dma_wait3A_191 : memref<80x128xf32, #tpu.memory_space<vmem>>) dst(%dma_wait3A_188 : memref<80x128xf32, #tpu.memory_space<vmem_shared>>)
        tpu.yield
      }) : () -> ()
      %mul3A_107 = arith.constant 2000 : i32
      %mul3A_108 = arith.muli %arg1, %mul3A_107 : i32
      %add3A_109 = arith.constant 720 : i32
      %add3A_110 = arith.addi %mul3A_108, %add3A_109 : i32
      "tpu.region"() ({
        %run_scoped3A_171 = tpu.sem_alloc : memref<!tpu.dma_semaphore, #tpu.memory_space<semaphore_mem>>
        %dma_start3A_172 = arith.constant 0 : i32
        %dma_start3A_173 = arith.constant 0 : i32
        %dma_start3A_174 = tpu.memref_slice %arg18[%dma_start3A_172, %dma_start3A_173] : memref<128x128xf32, #tpu.memory_space<vmem>> -> memref<80x128xf32, #tpu.memory_space<vmem>>
        %dma_start3A_175 = arith.constant 0 : i32
        %dma_start3A_176 = tpu.memref_slice %arg20[%add3A_110, %dma_start3A_175] : memref<10000x128xf32, #tpu.memory_space<vmem_shared>> -> memref<80x128xf32, #tpu.memory_space<vmem_shared>>
        %dma_start3A_177 = arith.constant 0 : i32
        %dma_start3A_178 = tpu.memref_slice %arg20[%add3A_110, %dma_start3A_177] : memref<10000x128xf32, #tpu.memory_space<vmem_shared>> -> memref<80x128xf32, #tpu.memory_space<vmem_shared>>
        %dma_start3A_179 = arith.constant 0 : i32
        %dma_start3A_180 = arith.constant 0 : i32
        %dma_start3A_181 = tpu.memref_slice %arg18[%dma_start3A_179, %dma_start3A_180] : memref<128x128xf32, #tpu.memory_space<vmem>> -> memref<80x128xf32, #tpu.memory_space<vmem>>
        tpu.enqueue_dma source(%dma_start3A_181 : memref<80x128xf32, #tpu.memory_space<vmem>>) target(%dma_start3A_178 : memref<80x128xf32, #tpu.memory_space<vmem_shared>>) target_semaphore(%run_scoped3A_171 : memref<!tpu.dma_semaphore, #tpu.memory_space<semaphore_mem>>)
        %dma_wait3A_182 = arith.constant 0 : i32
        %dma_wait3A_183 = arith.constant 0 : i32
        %dma_wait3A_184 = tpu.memref_slice %arg18[%dma_wait3A_182, %dma_wait3A_183] : memref<128x128xf32, #tpu.memory_space<vmem>> -> memref<80x128xf32, #tpu.memory_space<vmem>>
        %dma_wait3A_185 = arith.constant 0 : i32
        %dma_wait3A_186 = tpu.memref_slice %arg20[%add3A_110, %dma_wait3A_185] : memref<10000x128xf32, #tpu.memory_space<vmem_shared>> -> memref<80x128xf32, #tpu.memory_space<vmem_shared>>
        %dma_wait3A_187 = arith.constant 0 : i32
        %dma_wait3A_188 = tpu.memref_slice %arg20[%add3A_110, %dma_wait3A_187] : memref<10000x128xf32, #tpu.memory_space<vmem_shared>> -> memref<80x128xf32, #tpu.memory_space<vmem_shared>>
        %dma_wait3A_189 = arith.constant 0 : i32
        %dma_wait3A_190 = arith.constant 0 : i32
        %dma_wait3A_191 = tpu.memref_slice %arg18[%dma_wait3A_189, %dma_wait3A_190] : memref<128x128xf32, #tpu.memory_space<vmem>> -> memref<80x128xf32, #tpu.memory_space<vmem>>
        tpu.wait_dma2 semaphore(%run_scoped3A_171 : memref<!tpu.dma_semaphore, #tpu.memory_space<semaphore_mem>>) src(%dma_wait3A_191 : memref<80x128xf32, #tpu.memory_space<vmem>>) dst(%dma_wait3A_188 : memref<80x128xf32, #tpu.memory_space<vmem_shared>>)
        tpu.yield
      }) : () -> ()
      %mul3A_111 = arith.constant 2000 : i32
      %mul3A_112 = arith.muli %arg1, %mul3A_111 : i32
      %add3A_113 = arith.constant 800 : i32
      %add3A_114 = arith.addi %mul3A_112, %add3A_113 : i32
      "tpu.region"() ({
        %run_scoped3A_171 = tpu.sem_alloc : memref<!tpu.dma_semaphore, #tpu.memory_space<semaphore_mem>>
        %dma_start3A_172 = arith.constant 0 : i32
        %dma_start3A_173 = arith.constant 0 : i32
        %dma_start3A_174 = tpu.memref_slice %arg18[%dma_start3A_172, %dma_start3A_173] : memref<128x128xf32, #tpu.memory_space<vmem>> -> memref<80x128xf32, #tpu.memory_space<vmem>>
        %dma_start3A_175 = arith.constant 0 : i32
        %dma_start3A_176 = tpu.memref_slice %arg20[%add3A_114, %dma_start3A_175] : memref<10000x128xf32, #tpu.memory_space<vmem_shared>> -> memref<80x128xf32, #tpu.memory_space<vmem_shared>>
        %dma_start3A_177 = arith.constant 0 : i32
        %dma_start3A_178 = tpu.memref_slice %arg20[%add3A_114, %dma_start3A_177] : memref<10000x128xf32, #tpu.memory_space<vmem_shared>> -> memref<80x128xf32, #tpu.memory_space<vmem_shared>>
        %dma_start3A_179 = arith.constant 0 : i32
        %dma_start3A_180 = arith.constant 0 : i32
        %dma_start3A_181 = tpu.memref_slice %arg18[%dma_start3A_179, %dma_start3A_180] : memref<128x128xf32, #tpu.memory_space<vmem>> -> memref<80x128xf32, #tpu.memory_space<vmem>>
        tpu.enqueue_dma source(%dma_start3A_181 : memref<80x128xf32, #tpu.memory_space<vmem>>) target(%dma_start3A_178 : memref<80x128xf32, #tpu.memory_space<vmem_shared>>) target_semaphore(%run_scoped3A_171 : memref<!tpu.dma_semaphore, #tpu.memory_space<semaphore_mem>>)
        %dma_wait3A_182 = arith.constant 0 : i32
        %dma_wait3A_183 = arith.constant 0 : i32
        %dma_wait3A_184 = tpu.memref_slice %arg18[%dma_wait3A_182, %dma_wait3A_183] : memref<128x128xf32, #tpu.memory_space<vmem>> -> memref<80x128xf32, #tpu.memory_space<vmem>>
        %dma_wait3A_185 = arith.constant 0 : i32
        %dma_wait3A_186 = tpu.memref_slice %arg20[%add3A_114, %dma_wait3A_185] : memref<10000x128xf32, #tpu.memory_space<vmem_shared>> -> memref<80x128xf32, #tpu.memory_space<vmem_shared>>
        %dma_wait3A_187 = arith.constant 0 : i32
        %dma_wait3A_188 = tpu.memref_slice %arg20[%add3A_114, %dma_wait3A_187] : memref<10000x128xf32, #tpu.memory_space<vmem_shared>> -> memref<80x128xf32, #tpu.memory_space<vmem_shared>>
        %dma_wait3A_189 = arith.constant 0 : i32
        %dma_wait3A_190 = arith.constant 0 : i32
        %dma_wait3A_191 = tpu.memref_slice %arg18[%dma_wait3A_189, %dma_wait3A_190] : memref<128x128xf32, #tpu.memory_space<vmem>> -> memref<80x128xf32, #tpu.memory_space<vmem>>
        tpu.wait_dma2 semaphore(%run_scoped3A_171 : memref<!tpu.dma_semaphore, #tpu.memory_space<semaphore_mem>>) src(%dma_wait3A_191 : memref<80x128xf32, #tpu.memory_space<vmem>>) dst(%dma_wait3A_188 : memref<80x128xf32, #tpu.memory_space<vmem_shared>>)
        tpu.yield
      }) : () -> ()
      %mul3A_115 = arith.constant 2000 : i32
      %mul3A_116 = arith.muli %arg1, %mul3A_115 : i32
      %add3A_117 = arith.constant 880 : i32
      %add3A_118 = arith.addi %mul3A_116, %add3A_117 : i32
      "tpu.region"() ({
        %run_scoped3A_171 = tpu.sem_alloc : memref<!tpu.dma_semaphore, #tpu.memory_space<semaphore_mem>>
        %dma_start3A_172 = arith.constant 0 : i32
        %dma_start3A_173 = arith.constant 0 : i32
        %dma_start3A_174 = tpu.memref_slice %arg18[%dma_start3A_172, %dma_start3A_173] : memref<128x128xf32, #tpu.memory_space<vmem>> -> memref<80x128xf32, #tpu.memory_space<vmem>>
        %dma_start3A_175 = arith.constant 0 : i32
        %dma_start3A_176 = tpu.memref_slice %arg20[%add3A_118, %dma_start3A_175] : memref<10000x128xf32, #tpu.memory_space<vmem_shared>> -> memref<80x128xf32, #tpu.memory_space<vmem_shared>>
        %dma_start3A_177 = arith.constant 0 : i32
        %dma_start3A_178 = tpu.memref_slice %arg20[%add3A_118, %dma_start3A_177] : memref<10000x128xf32, #tpu.memory_space<vmem_shared>> -> memref<80x128xf32, #tpu.memory_space<vmem_shared>>
        %dma_start3A_179 = arith.constant 0 : i32
        %dma_start3A_180 = arith.constant 0 : i32
        %dma_start3A_181 = tpu.memref_slice %arg18[%dma_start3A_179, %dma_start3A_180] : memref<128x128xf32, #tpu.memory_space<vmem>> -> memref<80x128xf32, #tpu.memory_space<vmem>>
        tpu.enqueue_dma source(%dma_start3A_181 : memref<80x128xf32, #tpu.memory_space<vmem>>) target(%dma_start3A_178 : memref<80x128xf32, #tpu.memory_space<vmem_shared>>) target_semaphore(%run_scoped3A_171 : memref<!tpu.dma_semaphore, #tpu.memory_space<semaphore_mem>>)
        %dma_wait3A_182 = arith.constant 0 : i32
        %dma_wait3A_183 = arith.constant 0 : i32
        %dma_wait3A_184 = tpu.memref_slice %arg18[%dma_wait3A_182, %dma_wait3A_183] : memref<128x128xf32, #tpu.memory_space<vmem>> -> memref<80x128xf32, #tpu.memory_space<vmem>>
        %dma_wait3A_185 = arith.constant 0 : i32
        %dma_wait3A_186 = tpu.memref_slice %arg20[%add3A_118, %dma_wait3A_185] : memref<10000x128xf32, #tpu.memory_space<vmem_shared>> -> memref<80x128xf32, #tpu.memory_space<vmem_shared>>
        %dma_wait3A_187 = arith.constant 0 : i32
        %dma_wait3A_188 = tpu.memref_slice %arg20[%add3A_118, %dma_wait3A_187] : memref<10000x128xf32, #tpu.memory_space<vmem_shared>> -> memref<80x128xf32, #tpu.memory_space<vmem_shared>>
        %dma_wait3A_189 = arith.constant 0 : i32
        %dma_wait3A_190 = arith.constant 0 : i32
        %dma_wait3A_191 = tpu.memref_slice %arg18[%dma_wait3A_189, %dma_wait3A_190] : memref<128x128xf32, #tpu.memory_space<vmem>> -> memref<80x128xf32, #tpu.memory_space<vmem>>
        tpu.wait_dma2 semaphore(%run_scoped3A_171 : memref<!tpu.dma_semaphore, #tpu.memory_space<semaphore_mem>>) src(%dma_wait3A_191 : memref<80x128xf32, #tpu.memory_space<vmem>>) dst(%dma_wait3A_188 : memref<80x128xf32, #tpu.memory_space<vmem_shared>>)
        tpu.yield
      }) : () -> ()
      %mul3A_119 = arith.constant 2000 : i32
      %mul3A_120 = arith.muli %arg1, %mul3A_119 : i32
      %add3A_121 = arith.constant 960 : i32
      %add3A_122 = arith.addi %mul3A_120, %add3A_121 : i32
      "tpu.region"() ({
        %run_scoped3A_171 = tpu.sem_alloc : memref<!tpu.dma_semaphore, #tpu.memory_space<semaphore_mem>>
        %dma_start3A_172 = arith.constant 0 : i32
        %dma_start3A_173 = arith.constant 0 : i32
        %dma_start3A_174 = tpu.memref_slice %arg18[%dma_start3A_172, %dma_start3A_173] : memref<128x128xf32, #tpu.memory_space<vmem>> -> memref<80x128xf32, #tpu.memory_space<vmem>>
        %dma_start3A_175 = arith.constant 0 : i32
        %dma_start3A_176 = tpu.memref_slice %arg20[%add3A_122, %dma_start3A_175] : memref<10000x128xf32, #tpu.memory_space<vmem_shared>> -> memref<80x128xf32, #tpu.memory_space<vmem_shared>>
        %dma_start3A_177 = arith.constant 0 : i32
        %dma_start3A_178 = tpu.memref_slice %arg20[%add3A_122, %dma_start3A_177] : memref<10000x128xf32, #tpu.memory_space<vmem_shared>> -> memref<80x128xf32, #tpu.memory_space<vmem_shared>>
        %dma_start3A_179 = arith.constant 0 : i32
        %dma_start3A_180 = arith.constant 0 : i32
        %dma_start3A_181 = tpu.memref_slice %arg18[%dma_start3A_179, %dma_start3A_180] : memref<128x128xf32, #tpu.memory_space<vmem>> -> memref<80x128xf32, #tpu.memory_space<vmem>>
        tpu.enqueue_dma source(%dma_start3A_181 : memref<80x128xf32, #tpu.memory_space<vmem>>) target(%dma_start3A_178 : memref<80x128xf32, #tpu.memory_space<vmem_shared>>) target_semaphore(%run_scoped3A_171 : memref<!tpu.dma_semaphore, #tpu.memory_space<semaphore_mem>>)
        %dma_wait3A_182 = arith.constant 0 : i32
        %dma_wait3A_183 = arith.constant 0 : i32
        %dma_wait3A_184 = tpu.memref_slice %arg18[%dma_wait3A_182, %dma_wait3A_183] : memref<128x128xf32, #tpu.memory_space<vmem>> -> memref<80x128xf32, #tpu.memory_space<vmem>>
        %dma_wait3A_185 = arith.constant 0 : i32
        %dma_wait3A_186 = tpu.memref_slice %arg20[%add3A_122, %dma_wait3A_185] : memref<10000x128xf32, #tpu.memory_space<vmem_shared>> -> memref<80x128xf32, #tpu.memory_space<vmem_shared>>
        %dma_wait3A_187 = arith.constant 0 : i32
        %dma_wait3A_188 = tpu.memref_slice %arg20[%add3A_122, %dma_wait3A_187] : memref<10000x128xf32, #tpu.memory_space<vmem_shared>> -> memref<80x128xf32, #tpu.memory_space<vmem_shared>>
        %dma_wait3A_189 = arith.constant 0 : i32
        %dma_wait3A_190 = arith.constant 0 : i32
        %dma_wait3A_191 = tpu.memref_slice %arg18[%dma_wait3A_189, %dma_wait3A_190] : memref<128x128xf32, #tpu.memory_space<vmem>> -> memref<80x128xf32, #tpu.memory_space<vmem>>
        tpu.wait_dma2 semaphore(%run_scoped3A_171 : memref<!tpu.dma_semaphore, #tpu.memory_space<semaphore_mem>>) src(%dma_wait3A_191 : memref<80x128xf32, #tpu.memory_space<vmem>>) dst(%dma_wait3A_188 : memref<80x128xf32, #tpu.memory_space<vmem_shared>>)
        tpu.yield
      }) : () -> ()
      %mul3A_123 = arith.constant 2000 : i32
      %mul3A_124 = arith.muli %arg1, %mul3A_123 : i32
      %add3A_125 = arith.constant 1040 : i32
      %add3A_126 = arith.addi %mul3A_124, %add3A_125 : i32
      "tpu.region"() ({
        %run_scoped3A_171 = tpu.sem_alloc : memref<!tpu.dma_semaphore, #tpu.memory_space<semaphore_mem>>
        %dma_start3A_172 = arith.constant 0 : i32
        %dma_start3A_173 = arith.constant 0 : i32
        %dma_start3A_174 = tpu.memref_slice %arg18[%dma_start3A_172, %dma_start3A_173] : memref<128x128xf32, #tpu.memory_space<vmem>> -> memref<80x128xf32, #tpu.memory_space<vmem>>
        %dma_start3A_175 = arith.constant 0 : i32
        %dma_start3A_176 = tpu.memref_slice %arg20[%add3A_126, %dma_start3A_175] : memref<10000x128xf32, #tpu.memory_space<vmem_shared>> -> memref<80x128xf32, #tpu.memory_space<vmem_shared>>
        %dma_start3A_177 = arith.constant 0 : i32
        %dma_start3A_178 = tpu.memref_slice %arg20[%add3A_126, %dma_start3A_177] : memref<10000x128xf32, #tpu.memory_space<vmem_shared>> -> memref<80x128xf32, #tpu.memory_space<vmem_shared>>
        %dma_start3A_179 = arith.constant 0 : i32
        %dma_start3A_180 = arith.constant 0 : i32
        %dma_start3A_181 = tpu.memref_slice %arg18[%dma_start3A_179, %dma_start3A_180] : memref<128x128xf32, #tpu.memory_space<vmem>> -> memref<80x128xf32, #tpu.memory_space<vmem>>
        tpu.enqueue_dma source(%dma_start3A_181 : memref<80x128xf32, #tpu.memory_space<vmem>>) target(%dma_start3A_178 : memref<80x128xf32, #tpu.memory_space<vmem_shared>>) target_semaphore(%run_scoped3A_171 : memref<!tpu.dma_semaphore, #tpu.memory_space<semaphore_mem>>)
        %dma_wait3A_182 = arith.constant 0 : i32
        %dma_wait3A_183 = arith.constant 0 : i32
        %dma_wait3A_184 = tpu.memref_slice %arg18[%dma_wait3A_182, %dma_wait3A_183] : memref<128x128xf32, #tpu.memory_space<vmem>> -> memref<80x128xf32, #tpu.memory_space<vmem>>
        %dma_wait3A_185 = arith.constant 0 : i32
        %dma_wait3A_186 = tpu.memref_slice %arg20[%add3A_126, %dma_wait3A_185] : memref<10000x128xf32, #tpu.memory_space<vmem_shared>> -> memref<80x128xf32, #tpu.memory_space<vmem_shared>>
        %dma_wait3A_187 = arith.constant 0 : i32
        %dma_wait3A_188 = tpu.memref_slice %arg20[%add3A_126, %dma_wait3A_187] : memref<10000x128xf32, #tpu.memory_space<vmem_shared>> -> memref<80x128xf32, #tpu.memory_space<vmem_shared>>
        %dma_wait3A_189 = arith.constant 0 : i32
        %dma_wait3A_190 = arith.constant 0 : i32
        %dma_wait3A_191 = tpu.memref_slice %arg18[%dma_wait3A_189, %dma_wait3A_190] : memref<128x128xf32, #tpu.memory_space<vmem>> -> memref<80x128xf32, #tpu.memory_space<vmem>>
        tpu.wait_dma2 semaphore(%run_scoped3A_171 : memref<!tpu.dma_semaphore, #tpu.memory_space<semaphore_mem>>) src(%dma_wait3A_191 : memref<80x128xf32, #tpu.memory_space<vmem>>) dst(%dma_wait3A_188 : memref<80x128xf32, #tpu.memory_space<vmem_shared>>)
        tpu.yield
      }) : () -> ()
      %mul3A_127 = arith.constant 2000 : i32
      %mul3A_128 = arith.muli %arg1, %mul3A_127 : i32
      %add3A_129 = arith.constant 1120 : i32
      %add3A_130 = arith.addi %mul3A_128, %add3A_129 : i32
      "tpu.region"() ({
        %run_scoped3A_171 = tpu.sem_alloc : memref<!tpu.dma_semaphore, #tpu.memory_space<semaphore_mem>>
        %dma_start3A_172 = arith.constant 0 : i32
        %dma_start3A_173 = arith.constant 0 : i32
        %dma_start3A_174 = tpu.memref_slice %arg18[%dma_start3A_172, %dma_start3A_173] : memref<128x128xf32, #tpu.memory_space<vmem>> -> memref<80x128xf32, #tpu.memory_space<vmem>>
        %dma_start3A_175 = arith.constant 0 : i32
        %dma_start3A_176 = tpu.memref_slice %arg20[%add3A_130, %dma_start3A_175] : memref<10000x128xf32, #tpu.memory_space<vmem_shared>> -> memref<80x128xf32, #tpu.memory_space<vmem_shared>>
        %dma_start3A_177 = arith.constant 0 : i32
        %dma_start3A_178 = tpu.memref_slice %arg20[%add3A_130, %dma_start3A_177] : memref<10000x128xf32, #tpu.memory_space<vmem_shared>> -> memref<80x128xf32, #tpu.memory_space<vmem_shared>>
        %dma_start3A_179 = arith.constant 0 : i32
        %dma_start3A_180 = arith.constant 0 : i32
        %dma_start3A_181 = tpu.memref_slice %arg18[%dma_start3A_179, %dma_start3A_180] : memref<128x128xf32, #tpu.memory_space<vmem>> -> memref<80x128xf32, #tpu.memory_space<vmem>>
        tpu.enqueue_dma source(%dma_start3A_181 : memref<80x128xf32, #tpu.memory_space<vmem>>) target(%dma_start3A_178 : memref<80x128xf32, #tpu.memory_space<vmem_shared>>) target_semaphore(%run_scoped3A_171 : memref<!tpu.dma_semaphore, #tpu.memory_space<semaphore_mem>>)
        %dma_wait3A_182 = arith.constant 0 : i32
        %dma_wait3A_183 = arith.constant 0 : i32
        %dma_wait3A_184 = tpu.memref_slice %arg18[%dma_wait3A_182, %dma_wait3A_183] : memref<128x128xf32, #tpu.memory_space<vmem>> -> memref<80x128xf32, #tpu.memory_space<vmem>>
        %dma_wait3A_185 = arith.constant 0 : i32
        %dma_wait3A_186 = tpu.memref_slice %arg20[%add3A_130, %dma_wait3A_185] : memref<10000x128xf32, #tpu.memory_space<vmem_shared>> -> memref<80x128xf32, #tpu.memory_space<vmem_shared>>
        %dma_wait3A_187 = arith.constant 0 : i32
        %dma_wait3A_188 = tpu.memref_slice %arg20[%add3A_130, %dma_wait3A_187] : memref<10000x128xf32, #tpu.memory_space<vmem_shared>> -> memref<80x128xf32, #tpu.memory_space<vmem_shared>>
        %dma_wait3A_189 = arith.constant 0 : i32
        %dma_wait3A_190 = arith.constant 0 : i32
        %dma_wait3A_191 = tpu.memref_slice %arg18[%dma_wait3A_189, %dma_wait3A_190] : memref<128x128xf32, #tpu.memory_space<vmem>> -> memref<80x128xf32, #tpu.memory_space<vmem>>
        tpu.wait_dma2 semaphore(%run_scoped3A_171 : memref<!tpu.dma_semaphore, #tpu.memory_space<semaphore_mem>>) src(%dma_wait3A_191 : memref<80x128xf32, #tpu.memory_space<vmem>>) dst(%dma_wait3A_188 : memref<80x128xf32, #tpu.memory_space<vmem_shared>>)
        tpu.yield
      }) : () -> ()
      %mul3A_131 = arith.constant 2000 : i32
      %mul3A_132 = arith.muli %arg1, %mul3A_131 : i32
      %add3A_133 = arith.constant 1200 : i32
      %add3A_134 = arith.addi %mul3A_132, %add3A_133 : i32
      "tpu.region"() ({
        %run_scoped3A_171 = tpu.sem_alloc : memref<!tpu.dma_semaphore, #tpu.memory_space<semaphore_mem>>
        %dma_start3A_172 = arith.constant 0 : i32
        %dma_start3A_173 = arith.constant 0 : i32
        %dma_start3A_174 = tpu.memref_slice %arg18[%dma_start3A_172, %dma_start3A_173] : memref<128x128xf32, #tpu.memory_space<vmem>> -> memref<80x128xf32, #tpu.memory_space<vmem>>
        %dma_start3A_175 = arith.constant 0 : i32
        %dma_start3A_176 = tpu.memref_slice %arg20[%add3A_134, %dma_start3A_175] : memref<10000x128xf32, #tpu.memory_space<vmem_shared>> -> memref<80x128xf32, #tpu.memory_space<vmem_shared>>
        %dma_start3A_177 = arith.constant 0 : i32
        %dma_start3A_178 = tpu.memref_slice %arg20[%add3A_134, %dma_start3A_177] : memref<10000x128xf32, #tpu.memory_space<vmem_shared>> -> memref<80x128xf32, #tpu.memory_space<vmem_shared>>
        %dma_start3A_179 = arith.constant 0 : i32
        %dma_start3A_180 = arith.constant 0 : i32
        %dma_start3A_181 = tpu.memref_slice %arg18[%dma_start3A_179, %dma_start3A_180] : memref<128x128xf32, #tpu.memory_space<vmem>> -> memref<80x128xf32, #tpu.memory_space<vmem>>
        tpu.enqueue_dma source(%dma_start3A_181 : memref<80x128xf32, #tpu.memory_space<vmem>>) target(%dma_start3A_178 : memref<80x128xf32, #tpu.memory_space<vmem_shared>>) target_semaphore(%run_scoped3A_171 : memref<!tpu.dma_semaphore, #tpu.memory_space<semaphore_mem>>)
        %dma_wait3A_182 = arith.constant 0 : i32
        %dma_wait3A_183 = arith.constant 0 : i32
        %dma_wait3A_184 = tpu.memref_slice %arg18[%dma_wait3A_182, %dma_wait3A_183] : memref<128x128xf32, #tpu.memory_space<vmem>> -> memref<80x128xf32, #tpu.memory_space<vmem>>
        %dma_wait3A_185 = arith.constant 0 : i32
        %dma_wait3A_186 = tpu.memref_slice %arg20[%add3A_134, %dma_wait3A_185] : memref<10000x128xf32, #tpu.memory_space<vmem_shared>> -> memref<80x128xf32, #tpu.memory_space<vmem_shared>>
        %dma_wait3A_187 = arith.constant 0 : i32
        %dma_wait3A_188 = tpu.memref_slice %arg20[%add3A_134, %dma_wait3A_187] : memref<10000x128xf32, #tpu.memory_space<vmem_shared>> -> memref<80x128xf32, #tpu.memory_space<vmem_shared>>
        %dma_wait3A_189 = arith.constant 0 : i32
        %dma_wait3A_190 = arith.constant 0 : i32
        %dma_wait3A_191 = tpu.memref_slice %arg18[%dma_wait3A_189, %dma_wait3A_190] : memref<128x128xf32, #tpu.memory_space<vmem>> -> memref<80x128xf32, #tpu.memory_space<vmem>>
        tpu.wait_dma2 semaphore(%run_scoped3A_171 : memref<!tpu.dma_semaphore, #tpu.memory_space<semaphore_mem>>) src(%dma_wait3A_191 : memref<80x128xf32, #tpu.memory_space<vmem>>) dst(%dma_wait3A_188 : memref<80x128xf32, #tpu.memory_space<vmem_shared>>)
        tpu.yield
      }) : () -> ()
      %mul3A_135 = arith.constant 2000 : i32
      %mul3A_136 = arith.muli %arg1, %mul3A_135 : i32
      %add3A_137 = arith.constant 1280 : i32
      %add3A_138 = arith.addi %mul3A_136, %add3A_137 : i32
      "tpu.region"() ({
        %run_scoped3A_171 = tpu.sem_alloc : memref<!tpu.dma_semaphore, #tpu.memory_space<semaphore_mem>>
        %dma_start3A_172 = arith.constant 0 : i32
        %dma_start3A_173 = arith.constant 0 : i32
        %dma_start3A_174 = tpu.memref_slice %arg18[%dma_start3A_172, %dma_start3A_173] : memref<128x128xf32, #tpu.memory_space<vmem>> -> memref<80x128xf32, #tpu.memory_space<vmem>>
        %dma_start3A_175 = arith.constant 0 : i32
        %dma_start3A_176 = tpu.memref_slice %arg20[%add3A_138, %dma_start3A_175] : memref<10000x128xf32, #tpu.memory_space<vmem_shared>> -> memref<80x128xf32, #tpu.memory_space<vmem_shared>>
        %dma_start3A_177 = arith.constant 0 : i32
        %dma_start3A_178 = tpu.memref_slice %arg20[%add3A_138, %dma_start3A_177] : memref<10000x128xf32, #tpu.memory_space<vmem_shared>> -> memref<80x128xf32, #tpu.memory_space<vmem_shared>>
        %dma_start3A_179 = arith.constant 0 : i32
        %dma_start3A_180 = arith.constant 0 : i32
        %dma_start3A_181 = tpu.memref_slice %arg18[%dma_start3A_179, %dma_start3A_180] : memref<128x128xf32, #tpu.memory_space<vmem>> -> memref<80x128xf32, #tpu.memory_space<vmem>>
        tpu.enqueue_dma source(%dma_start3A_181 : memref<80x128xf32, #tpu.memory_space<vmem>>) target(%dma_start3A_178 : memref<80x128xf32, #tpu.memory_space<vmem_shared>>) target_semaphore(%run_scoped3A_171 : memref<!tpu.dma_semaphore, #tpu.memory_space<semaphore_mem>>)
        %dma_wait3A_182 = arith.constant 0 : i32
        %dma_wait3A_183 = arith.constant 0 : i32
        %dma_wait3A_184 = tpu.memref_slice %arg18[%dma_wait3A_182, %dma_wait3A_183] : memref<128x128xf32, #tpu.memory_space<vmem>> -> memref<80x128xf32, #tpu.memory_space<vmem>>
        %dma_wait3A_185 = arith.constant 0 : i32
        %dma_wait3A_186 = tpu.memref_slice %arg20[%add3A_138, %dma_wait3A_185] : memref<10000x128xf32, #tpu.memory_space<vmem_shared>> -> memref<80x128xf32, #tpu.memory_space<vmem_shared>>
        %dma_wait3A_187 = arith.constant 0 : i32
        %dma_wait3A_188 = tpu.memref_slice %arg20[%add3A_138, %dma_wait3A_187] : memref<10000x128xf32, #tpu.memory_space<vmem_shared>> -> memref<80x128xf32, #tpu.memory_space<vmem_shared>>
        %dma_wait3A_189 = arith.constant 0 : i32
        %dma_wait3A_190 = arith.constant 0 : i32
        %dma_wait3A_191 = tpu.memref_slice %arg18[%dma_wait3A_189, %dma_wait3A_190] : memref<128x128xf32, #tpu.memory_space<vmem>> -> memref<80x128xf32, #tpu.memory_space<vmem>>
        tpu.wait_dma2 semaphore(%run_scoped3A_171 : memref<!tpu.dma_semaphore, #tpu.memory_space<semaphore_mem>>) src(%dma_wait3A_191 : memref<80x128xf32, #tpu.memory_space<vmem>>) dst(%dma_wait3A_188 : memref<80x128xf32, #tpu.memory_space<vmem_shared>>)
        tpu.yield
      }) : () -> ()
      %mul3A_139 = arith.constant 2000 : i32
      %mul3A_140 = arith.muli %arg1, %mul3A_139 : i32
      %add3A_141 = arith.constant 1360 : i32
      %add3A_142 = arith.addi %mul3A_140, %add3A_141 : i32
      "tpu.region"() ({
        %run_scoped3A_171 = tpu.sem_alloc : memref<!tpu.dma_semaphore, #tpu.memory_space<semaphore_mem>>
        %dma_start3A_172 = arith.constant 0 : i32
        %dma_start3A_173 = arith.constant 0 : i32
        %dma_start3A_174 = tpu.memref_slice %arg18[%dma_start3A_172, %dma_start3A_173] : memref<128x128xf32, #tpu.memory_space<vmem>> -> memref<80x128xf32, #tpu.memory_space<vmem>>
        %dma_start3A_175 = arith.constant 0 : i32
        %dma_start3A_176 = tpu.memref_slice %arg20[%add3A_142, %dma_start3A_175] : memref<10000x128xf32, #tpu.memory_space<vmem_shared>> -> memref<80x128xf32, #tpu.memory_space<vmem_shared>>
        %dma_start3A_177 = arith.constant 0 : i32
        %dma_start3A_178 = tpu.memref_slice %arg20[%add3A_142, %dma_start3A_177] : memref<10000x128xf32, #tpu.memory_space<vmem_shared>> -> memref<80x128xf32, #tpu.memory_space<vmem_shared>>
        %dma_start3A_179 = arith.constant 0 : i32
        %dma_start3A_180 = arith.constant 0 : i32
        %dma_start3A_181 = tpu.memref_slice %arg18[%dma_start3A_179, %dma_start3A_180] : memref<128x128xf32, #tpu.memory_space<vmem>> -> memref<80x128xf32, #tpu.memory_space<vmem>>
        tpu.enqueue_dma source(%dma_start3A_181 : memref<80x128xf32, #tpu.memory_space<vmem>>) target(%dma_start3A_178 : memref<80x128xf32, #tpu.memory_space<vmem_shared>>) target_semaphore(%run_scoped3A_171 : memref<!tpu.dma_semaphore, #tpu.memory_space<semaphore_mem>>)
        %dma_wait3A_182 = arith.constant 0 : i32
        %dma_wait3A_183 = arith.constant 0 : i32
        %dma_wait3A_184 = tpu.memref_slice %arg18[%dma_wait3A_182, %dma_wait3A_183] : memref<128x128xf32, #tpu.memory_space<vmem>> -> memref<80x128xf32, #tpu.memory_space<vmem>>
        %dma_wait3A_185 = arith.constant 0 : i32
        %dma_wait3A_186 = tpu.memref_slice %arg20[%add3A_142, %dma_wait3A_185] : memref<10000x128xf32, #tpu.memory_space<vmem_shared>> -> memref<80x128xf32, #tpu.memory_space<vmem_shared>>
        %dma_wait3A_187 = arith.constant 0 : i32
        %dma_wait3A_188 = tpu.memref_slice %arg20[%add3A_142, %dma_wait3A_187] : memref<10000x128xf32, #tpu.memory_space<vmem_shared>> -> memref<80x128xf32, #tpu.memory_space<vmem_shared>>
        %dma_wait3A_189 = arith.constant 0 : i32
        %dma_wait3A_190 = arith.constant 0 : i32
        %dma_wait3A_191 = tpu.memref_slice %arg18[%dma_wait3A_189, %dma_wait3A_190] : memref<128x128xf32, #tpu.memory_space<vmem>> -> memref<80x128xf32, #tpu.memory_space<vmem>>
        tpu.wait_dma2 semaphore(%run_scoped3A_171 : memref<!tpu.dma_semaphore, #tpu.memory_space<semaphore_mem>>) src(%dma_wait3A_191 : memref<80x128xf32, #tpu.memory_space<vmem>>) dst(%dma_wait3A_188 : memref<80x128xf32, #tpu.memory_space<vmem_shared>>)
        tpu.yield
      }) : () -> ()
      %mul3A_143 = arith.constant 2000 : i32
      %mul3A_144 = arith.muli %arg1, %mul3A_143 : i32
      %add3A_145 = arith.constant 1440 : i32
      %add3A_146 = arith.addi %mul3A_144, %add3A_145 : i32
      "tpu.region"() ({
        %run_scoped3A_171 = tpu.sem_alloc : memref<!tpu.dma_semaphore, #tpu.memory_space<semaphore_mem>>
        %dma_start3A_172 = arith.constant 0 : i32
        %dma_start3A_173 = arith.constant 0 : i32
        %dma_start3A_174 = tpu.memref_slice %arg18[%dma_start3A_172, %dma_start3A_173] : memref<128x128xf32, #tpu.memory_space<vmem>> -> memref<80x128xf32, #tpu.memory_space<vmem>>
        %dma_start3A_175 = arith.constant 0 : i32
        %dma_start3A_176 = tpu.memref_slice %arg20[%add3A_146, %dma_start3A_175] : memref<10000x128xf32, #tpu.memory_space<vmem_shared>> -> memref<80x128xf32, #tpu.memory_space<vmem_shared>>
        %dma_start3A_177 = arith.constant 0 : i32
        %dma_start3A_178 = tpu.memref_slice %arg20[%add3A_146, %dma_start3A_177] : memref<10000x128xf32, #tpu.memory_space<vmem_shared>> -> memref<80x128xf32, #tpu.memory_space<vmem_shared>>
        %dma_start3A_179 = arith.constant 0 : i32
        %dma_start3A_180 = arith.constant 0 : i32
        %dma_start3A_181 = tpu.memref_slice %arg18[%dma_start3A_179, %dma_start3A_180] : memref<128x128xf32, #tpu.memory_space<vmem>> -> memref<80x128xf32, #tpu.memory_space<vmem>>
        tpu.enqueue_dma source(%dma_start3A_181 : memref<80x128xf32, #tpu.memory_space<vmem>>) target(%dma_start3A_178 : memref<80x128xf32, #tpu.memory_space<vmem_shared>>) target_semaphore(%run_scoped3A_171 : memref<!tpu.dma_semaphore, #tpu.memory_space<semaphore_mem>>)
        %dma_wait3A_182 = arith.constant 0 : i32
        %dma_wait3A_183 = arith.constant 0 : i32
        %dma_wait3A_184 = tpu.memref_slice %arg18[%dma_wait3A_182, %dma_wait3A_183] : memref<128x128xf32, #tpu.memory_space<vmem>> -> memref<80x128xf32, #tpu.memory_space<vmem>>
        %dma_wait3A_185 = arith.constant 0 : i32
        %dma_wait3A_186 = tpu.memref_slice %arg20[%add3A_146, %dma_wait3A_185] : memref<10000x128xf32, #tpu.memory_space<vmem_shared>> -> memref<80x128xf32, #tpu.memory_space<vmem_shared>>
        %dma_wait3A_187 = arith.constant 0 : i32
        %dma_wait3A_188 = tpu.memref_slice %arg20[%add3A_146, %dma_wait3A_187] : memref<10000x128xf32, #tpu.memory_space<vmem_shared>> -> memref<80x128xf32, #tpu.memory_space<vmem_shared>>
        %dma_wait3A_189 = arith.constant 0 : i32
        %dma_wait3A_190 = arith.constant 0 : i32
        %dma_wait3A_191 = tpu.memref_slice %arg18[%dma_wait3A_189, %dma_wait3A_190] : memref<128x128xf32, #tpu.memory_space<vmem>> -> memref<80x128xf32, #tpu.memory_space<vmem>>
        tpu.wait_dma2 semaphore(%run_scoped3A_171 : memref<!tpu.dma_semaphore, #tpu.memory_space<semaphore_mem>>) src(%dma_wait3A_191 : memref<80x128xf32, #tpu.memory_space<vmem>>) dst(%dma_wait3A_188 : memref<80x128xf32, #tpu.memory_space<vmem_shared>>)
        tpu.yield
      }) : () -> ()
      %mul3A_147 = arith.constant 2000 : i32
      %mul3A_148 = arith.muli %arg1, %mul3A_147 : i32
      %add3A_149 = arith.constant 1520 : i32
      %add3A_150 = arith.addi %mul3A_148, %add3A_149 : i32
      "tpu.region"() ({
        %run_scoped3A_171 = tpu.sem_alloc : memref<!tpu.dma_semaphore, #tpu.memory_space<semaphore_mem>>
        %dma_start3A_172 = arith.constant 0 : i32
        %dma_start3A_173 = arith.constant 0 : i32
        %dma_start3A_174 = tpu.memref_slice %arg18[%dma_start3A_172, %dma_start3A_173] : memref<128x128xf32, #tpu.memory_space<vmem>> -> memref<80x128xf32, #tpu.memory_space<vmem>>
        %dma_start3A_175 = arith.constant 0 : i32
        %dma_start3A_176 = tpu.memref_slice %arg20[%add3A_150, %dma_start3A_175] : memref<10000x128xf32, #tpu.memory_space<vmem_shared>> -> memref<80x128xf32, #tpu.memory_space<vmem_shared>>
        %dma_start3A_177 = arith.constant 0 : i32
        %dma_start3A_178 = tpu.memref_slice %arg20[%add3A_150, %dma_start3A_177] : memref<10000x128xf32, #tpu.memory_space<vmem_shared>> -> memref<80x128xf32, #tpu.memory_space<vmem_shared>>
        %dma_start3A_179 = arith.constant 0 : i32
        %dma_start3A_180 = arith.constant 0 : i32
        %dma_start3A_181 = tpu.memref_slice %arg18[%dma_start3A_179, %dma_start3A_180] : memref<128x128xf32, #tpu.memory_space<vmem>> -> memref<80x128xf32, #tpu.memory_space<vmem>>
        tpu.enqueue_dma source(%dma_start3A_181 : memref<80x128xf32, #tpu.memory_space<vmem>>) target(%dma_start3A_178 : memref<80x128xf32, #tpu.memory_space<vmem_shared>>) target_semaphore(%run_scoped3A_171 : memref<!tpu.dma_semaphore, #tpu.memory_space<semaphore_mem>>)
        %dma_wait3A_182 = arith.constant 0 : i32
        %dma_wait3A_183 = arith.constant 0 : i32
        %dma_wait3A_184 = tpu.memref_slice %arg18[%dma_wait3A_182, %dma_wait3A_183] : memref<128x128xf32, #tpu.memory_space<vmem>> -> memref<80x128xf32, #tpu.memory_space<vmem>>
        %dma_wait3A_185 = arith.constant 0 : i32
        %dma_wait3A_186 = tpu.memref_slice %arg20[%add3A_150, %dma_wait3A_185] : memref<10000x128xf32, #tpu.memory_space<vmem_shared>> -> memref<80x128xf32, #tpu.memory_space<vmem_shared>>
        %dma_wait3A_187 = arith.constant 0 : i32
        %dma_wait3A_188 = tpu.memref_slice %arg20[%add3A_150, %dma_wait3A_187] : memref<10000x128xf32, #tpu.memory_space<vmem_shared>> -> memref<80x128xf32, #tpu.memory_space<vmem_shared>>
        %dma_wait3A_189 = arith.constant 0 : i32
        %dma_wait3A_190 = arith.constant 0 : i32
        %dma_wait3A_191 = tpu.memref_slice %arg18[%dma_wait3A_189, %dma_wait3A_190] : memref<128x128xf32, #tpu.memory_space<vmem>> -> memref<80x128xf32, #tpu.memory_space<vmem>>
        tpu.wait_dma2 semaphore(%run_scoped3A_171 : memref<!tpu.dma_semaphore, #tpu.memory_space<semaphore_mem>>) src(%dma_wait3A_191 : memref<80x128xf32, #tpu.memory_space<vmem>>) dst(%dma_wait3A_188 : memref<80x128xf32, #tpu.memory_space<vmem_shared>>)
        tpu.yield
      }) : () -> ()
      %mul3A_151 = arith.constant 2000 : i32
      %mul3A_152 = arith.muli %arg1, %mul3A_151 : i32
      %add3A_153 = arith.constant 1600 : i32
      %add3A_154 = arith.addi %mul3A_152, %add3A_153 : i32
      "tpu.region"() ({
        %run_scoped3A_171 = tpu.sem_alloc : memref<!tpu.dma_semaphore, #tpu.memory_space<semaphore_mem>>
        %dma_start3A_172 = arith.constant 0 : i32
        %dma_start3A_173 = arith.constant 0 : i32
        %dma_start3A_174 = tpu.memref_slice %arg18[%dma_start3A_172, %dma_start3A_173] : memref<128x128xf32, #tpu.memory_space<vmem>> -> memref<80x128xf32, #tpu.memory_space<vmem>>
        %dma_start3A_175 = arith.constant 0 : i32
        %dma_start3A_176 = tpu.memref_slice %arg20[%add3A_154, %dma_start3A_175] : memref<10000x128xf32, #tpu.memory_space<vmem_shared>> -> memref<80x128xf32, #tpu.memory_space<vmem_shared>>
        %dma_start3A_177 = arith.constant 0 : i32
        %dma_start3A_178 = tpu.memref_slice %arg20[%add3A_154, %dma_start3A_177] : memref<10000x128xf32, #tpu.memory_space<vmem_shared>> -> memref<80x128xf32, #tpu.memory_space<vmem_shared>>
        %dma_start3A_179 = arith.constant 0 : i32
        %dma_start3A_180 = arith.constant 0 : i32
        %dma_start3A_181 = tpu.memref_slice %arg18[%dma_start3A_179, %dma_start3A_180] : memref<128x128xf32, #tpu.memory_space<vmem>> -> memref<80x128xf32, #tpu.memory_space<vmem>>
        tpu.enqueue_dma source(%dma_start3A_181 : memref<80x128xf32, #tpu.memory_space<vmem>>) target(%dma_start3A_178 : memref<80x128xf32, #tpu.memory_space<vmem_shared>>) target_semaphore(%run_scoped3A_171 : memref<!tpu.dma_semaphore, #tpu.memory_space<semaphore_mem>>)
        %dma_wait3A_182 = arith.constant 0 : i32
        %dma_wait3A_183 = arith.constant 0 : i32
        %dma_wait3A_184 = tpu.memref_slice %arg18[%dma_wait3A_182, %dma_wait3A_183] : memref<128x128xf32, #tpu.memory_space<vmem>> -> memref<80x128xf32, #tpu.memory_space<vmem>>
        %dma_wait3A_185 = arith.constant 0 : i32
        %dma_wait3A_186 = tpu.memref_slice %arg20[%add3A_154, %dma_wait3A_185] : memref<10000x128xf32, #tpu.memory_space<vmem_shared>> -> memref<80x128xf32, #tpu.memory_space<vmem_shared>>
        %dma_wait3A_187 = arith.constant 0 : i32
        %dma_wait3A_188 = tpu.memref_slice %arg20[%add3A_154, %dma_wait3A_187] : memref<10000x128xf32, #tpu.memory_space<vmem_shared>> -> memref<80x128xf32, #tpu.memory_space<vmem_shared>>
        %dma_wait3A_189 = arith.constant 0 : i32
        %dma_wait3A_190 = arith.constant 0 : i32
        %dma_wait3A_191 = tpu.memref_slice %arg18[%dma_wait3A_189, %dma_wait3A_190] : memref<128x128xf32, #tpu.memory_space<vmem>> -> memref<80x128xf32, #tpu.memory_space<vmem>>
        tpu.wait_dma2 semaphore(%run_scoped3A_171 : memref<!tpu.dma_semaphore, #tpu.memory_space<semaphore_mem>>) src(%dma_wait3A_191 : memref<80x128xf32, #tpu.memory_space<vmem>>) dst(%dma_wait3A_188 : memref<80x128xf32, #tpu.memory_space<vmem_shared>>)
        tpu.yield
      }) : () -> ()
      %mul3A_155 = arith.constant 2000 : i32
      %mul3A_156 = arith.muli %arg1, %mul3A_155 : i32
      %add3A_157 = arith.constant 1680 : i32
      %add3A_158 = arith.addi %mul3A_156, %add3A_157 : i32
      "tpu.region"() ({
        %run_scoped3A_171 = tpu.sem_alloc : memref<!tpu.dma_semaphore, #tpu.memory_space<semaphore_mem>>
        %dma_start3A_172 = arith.constant 0 : i32
        %dma_start3A_173 = arith.constant 0 : i32
        %dma_start3A_174 = tpu.memref_slice %arg18[%dma_start3A_172, %dma_start3A_173] : memref<128x128xf32, #tpu.memory_space<vmem>> -> memref<80x128xf32, #tpu.memory_space<vmem>>
        %dma_start3A_175 = arith.constant 0 : i32
        %dma_start3A_176 = tpu.memref_slice %arg20[%add3A_158, %dma_start3A_175] : memref<10000x128xf32, #tpu.memory_space<vmem_shared>> -> memref<80x128xf32, #tpu.memory_space<vmem_shared>>
        %dma_start3A_177 = arith.constant 0 : i32
        %dma_start3A_178 = tpu.memref_slice %arg20[%add3A_158, %dma_start3A_177] : memref<10000x128xf32, #tpu.memory_space<vmem_shared>> -> memref<80x128xf32, #tpu.memory_space<vmem_shared>>
        %dma_start3A_179 = arith.constant 0 : i32
        %dma_start3A_180 = arith.constant 0 : i32
        %dma_start3A_181 = tpu.memref_slice %arg18[%dma_start3A_179, %dma_start3A_180] : memref<128x128xf32, #tpu.memory_space<vmem>> -> memref<80x128xf32, #tpu.memory_space<vmem>>
        tpu.enqueue_dma source(%dma_start3A_181 : memref<80x128xf32, #tpu.memory_space<vmem>>) target(%dma_start3A_178 : memref<80x128xf32, #tpu.memory_space<vmem_shared>>) target_semaphore(%run_scoped3A_171 : memref<!tpu.dma_semaphore, #tpu.memory_space<semaphore_mem>>)
        %dma_wait3A_182 = arith.constant 0 : i32
        %dma_wait3A_183 = arith.constant 0 : i32
        %dma_wait3A_184 = tpu.memref_slice %arg18[%dma_wait3A_182, %dma_wait3A_183] : memref<128x128xf32, #tpu.memory_space<vmem>> -> memref<80x128xf32, #tpu.memory_space<vmem>>
        %dma_wait3A_185 = arith.constant 0 : i32
        %dma_wait3A_186 = tpu.memref_slice %arg20[%add3A_158, %dma_wait3A_185] : memref<10000x128xf32, #tpu.memory_space<vmem_shared>> -> memref<80x128xf32, #tpu.memory_space<vmem_shared>>
        %dma_wait3A_187 = arith.constant 0 : i32
        %dma_wait3A_188 = tpu.memref_slice %arg20[%add3A_158, %dma_wait3A_187] : memref<10000x128xf32, #tpu.memory_space<vmem_shared>> -> memref<80x128xf32, #tpu.memory_space<vmem_shared>>
        %dma_wait3A_189 = arith.constant 0 : i32
        %dma_wait3A_190 = arith.constant 0 : i32
        %dma_wait3A_191 = tpu.memref_slice %arg18[%dma_wait3A_189, %dma_wait3A_190] : memref<128x128xf32, #tpu.memory_space<vmem>> -> memref<80x128xf32, #tpu.memory_space<vmem>>
        tpu.wait_dma2 semaphore(%run_scoped3A_171 : memref<!tpu.dma_semaphore, #tpu.memory_space<semaphore_mem>>) src(%dma_wait3A_191 : memref<80x128xf32, #tpu.memory_space<vmem>>) dst(%dma_wait3A_188 : memref<80x128xf32, #tpu.memory_space<vmem_shared>>)
        tpu.yield
      }) : () -> ()
      %mul3A_159 = arith.constant 2000 : i32
      %mul3A_160 = arith.muli %arg1, %mul3A_159 : i32
      %add3A_161 = arith.constant 1760 : i32
      %add3A_162 = arith.addi %mul3A_160, %add3A_161 : i32
      "tpu.region"() ({
        %run_scoped3A_171 = tpu.sem_alloc : memref<!tpu.dma_semaphore, #tpu.memory_space<semaphore_mem>>
        %dma_start3A_172 = arith.constant 0 : i32
        %dma_start3A_173 = arith.constant 0 : i32
        %dma_start3A_174 = tpu.memref_slice %arg18[%dma_start3A_172, %dma_start3A_173] : memref<128x128xf32, #tpu.memory_space<vmem>> -> memref<80x128xf32, #tpu.memory_space<vmem>>
        %dma_start3A_175 = arith.constant 0 : i32
        %dma_start3A_176 = tpu.memref_slice %arg20[%add3A_162, %dma_start3A_175] : memref<10000x128xf32, #tpu.memory_space<vmem_shared>> -> memref<80x128xf32, #tpu.memory_space<vmem_shared>>
        %dma_start3A_177 = arith.constant 0 : i32
        %dma_start3A_178 = tpu.memref_slice %arg20[%add3A_162, %dma_start3A_177] : memref<10000x128xf32, #tpu.memory_space<vmem_shared>> -> memref<80x128xf32, #tpu.memory_space<vmem_shared>>
        %dma_start3A_179 = arith.constant 0 : i32
        %dma_start3A_180 = arith.constant 0 : i32
        %dma_start3A_181 = tpu.memref_slice %arg18[%dma_start3A_179, %dma_start3A_180] : memref<128x128xf32, #tpu.memory_space<vmem>> -> memref<80x128xf32, #tpu.memory_space<vmem>>
        tpu.enqueue_dma source(%dma_start3A_181 : memref<80x128xf32, #tpu.memory_space<vmem>>) target(%dma_start3A_178 : memref<80x128xf32, #tpu.memory_space<vmem_shared>>) target_semaphore(%run_scoped3A_171 : memref<!tpu.dma_semaphore, #tpu.memory_space<semaphore_mem>>)
        %dma_wait3A_182 = arith.constant 0 : i32
        %dma_wait3A_183 = arith.constant 0 : i32
        %dma_wait3A_184 = tpu.memref_slice %arg18[%dma_wait3A_182, %dma_wait3A_183] : memref<128x128xf32, #tpu.memory_space<vmem>> -> memref<80x128xf32, #tpu.memory_space<vmem>>
        %dma_wait3A_185 = arith.constant 0 : i32
        %dma_wait3A_186 = tpu.memref_slice %arg20[%add3A_162, %dma_wait3A_185] : memref<10000x128xf32, #tpu.memory_space<vmem_shared>> -> memref<80x128xf32, #tpu.memory_space<vmem_shared>>
        %dma_wait3A_187 = arith.constant 0 : i32
        %dma_wait3A_188 = tpu.memref_slice %arg20[%add3A_162, %dma_wait3A_187] : memref<10000x128xf32, #tpu.memory_space<vmem_shared>> -> memref<80x128xf32, #tpu.memory_space<vmem_shared>>
        %dma_wait3A_189 = arith.constant 0 : i32
        %dma_wait3A_190 = arith.constant 0 : i32
        %dma_wait3A_191 = tpu.memref_slice %arg18[%dma_wait3A_189, %dma_wait3A_190] : memref<128x128xf32, #tpu.memory_space<vmem>> -> memref<80x128xf32, #tpu.memory_space<vmem>>
        tpu.wait_dma2 semaphore(%run_scoped3A_171 : memref<!tpu.dma_semaphore, #tpu.memory_space<semaphore_mem>>) src(%dma_wait3A_191 : memref<80x128xf32, #tpu.memory_space<vmem>>) dst(%dma_wait3A_188 : memref<80x128xf32, #tpu.memory_space<vmem_shared>>)
        tpu.yield
      }) : () -> ()
      %mul3A_163 = arith.constant 2000 : i32
      %mul3A_164 = arith.muli %arg1, %mul3A_163 : i32
      %add3A_165 = arith.constant 1840 : i32
      %add3A_166 = arith.addi %mul3A_164, %add3A_165 : i32
      "tpu.region"() ({
        %run_scoped3A_171 = tpu.sem_alloc : memref<!tpu.dma_semaphore, #tpu.memory_space<semaphore_mem>>
        %dma_start3A_172 = arith.constant 0 : i32
        %dma_start3A_173 = arith.constant 0 : i32
        %dma_start3A_174 = tpu.memref_slice %arg18[%dma_start3A_172, %dma_start3A_173] : memref<128x128xf32, #tpu.memory_space<vmem>> -> memref<80x128xf32, #tpu.memory_space<vmem>>
        %dma_start3A_175 = arith.constant 0 : i32
        %dma_start3A_176 = tpu.memref_slice %arg20[%add3A_166, %dma_start3A_175] : memref<10000x128xf32, #tpu.memory_space<vmem_shared>> -> memref<80x128xf32, #tpu.memory_space<vmem_shared>>
        %dma_start3A_177 = arith.constant 0 : i32
        %dma_start3A_178 = tpu.memref_slice %arg20[%add3A_166, %dma_start3A_177] : memref<10000x128xf32, #tpu.memory_space<vmem_shared>> -> memref<80x128xf32, #tpu.memory_space<vmem_shared>>
        %dma_start3A_179 = arith.constant 0 : i32
        %dma_start3A_180 = arith.constant 0 : i32
        %dma_start3A_181 = tpu.memref_slice %arg18[%dma_start3A_179, %dma_start3A_180] : memref<128x128xf32, #tpu.memory_space<vmem>> -> memref<80x128xf32, #tpu.memory_space<vmem>>
        tpu.enqueue_dma source(%dma_start3A_181 : memref<80x128xf32, #tpu.memory_space<vmem>>) target(%dma_start3A_178 : memref<80x128xf32, #tpu.memory_space<vmem_shared>>) target_semaphore(%run_scoped3A_171 : memref<!tpu.dma_semaphore, #tpu.memory_space<semaphore_mem>>)
        %dma_wait3A_182 = arith.constant 0 : i32
        %dma_wait3A_183 = arith.constant 0 : i32
        %dma_wait3A_184 = tpu.memref_slice %arg18[%dma_wait3A_182, %dma_wait3A_183] : memref<128x128xf32, #tpu.memory_space<vmem>> -> memref<80x128xf32, #tpu.memory_space<vmem>>
        %dma_wait3A_185 = arith.constant 0 : i32
        %dma_wait3A_186 = tpu.memref_slice %arg20[%add3A_166, %dma_wait3A_185] : memref<10000x128xf32, #tpu.memory_space<vmem_shared>> -> memref<80x128xf32, #tpu.memory_space<vmem_shared>>
        %dma_wait3A_187 = arith.constant 0 : i32
        %dma_wait3A_188 = tpu.memref_slice %arg20[%add3A_166, %dma_wait3A_187] : memref<10000x128xf32, #tpu.memory_space<vmem_shared>> -> memref<80x128xf32, #tpu.memory_space<vmem_shared>>
        %dma_wait3A_189 = arith.constant 0 : i32
        %dma_wait3A_190 = arith.constant 0 : i32
        %dma_wait3A_191 = tpu.memref_slice %arg18[%dma_wait3A_189, %dma_wait3A_190] : memref<128x128xf32, #tpu.memory_space<vmem>> -> memref<80x128xf32, #tpu.memory_space<vmem>>
        tpu.wait_dma2 semaphore(%run_scoped3A_171 : memref<!tpu.dma_semaphore, #tpu.memory_space<semaphore_mem>>) src(%dma_wait3A_191 : memref<80x128xf32, #tpu.memory_space<vmem>>) dst(%dma_wait3A_188 : memref<80x128xf32, #tpu.memory_space<vmem_shared>>)
        tpu.yield
      }) : () -> ()
      %mul3A_167 = arith.constant 2000 : i32
      %mul3A_168 = arith.muli %arg1, %mul3A_167 : i32
      %add3A_169 = arith.constant 1920 : i32
      %add3A_170 = arith.addi %mul3A_168, %add3A_169 : i32
      "tpu.region"() ({
        %run_scoped3A_171 = tpu.sem_alloc : memref<!tpu.dma_semaphore, #tpu.memory_space<semaphore_mem>>
        %dma_start3A_172 = arith.constant 0 : i32
        %dma_start3A_173 = arith.constant 0 : i32
        %dma_start3A_174 = tpu.memref_slice %arg18[%dma_start3A_172, %dma_start3A_173] : memref<128x128xf32, #tpu.memory_space<vmem>> -> memref<80x128xf32, #tpu.memory_space<vmem>>
        %dma_start3A_175 = arith.constant 0 : i32
        %dma_start3A_176 = tpu.memref_slice %arg20[%add3A_170, %dma_start3A_175] : memref<10000x128xf32, #tpu.memory_space<vmem_shared>> -> memref<80x128xf32, #tpu.memory_space<vmem_shared>>
        %dma_start3A_177 = arith.constant 0 : i32
        %dma_start3A_178 = tpu.memref_slice %arg20[%add3A_170, %dma_start3A_177] : memref<10000x128xf32, #tpu.memory_space<vmem_shared>> -> memref<80x128xf32, #tpu.memory_space<vmem_shared>>
        %dma_start3A_179 = arith.constant 0 : i32
        %dma_start3A_180 = arith.constant 0 : i32
        %dma_start3A_181 = tpu.memref_slice %arg18[%dma_start3A_179, %dma_start3A_180] : memref<128x128xf32, #tpu.memory_space<vmem>> -> memref<80x128xf32, #tpu.memory_space<vmem>>
        tpu.enqueue_dma source(%dma_start3A_181 : memref<80x128xf32, #tpu.memory_space<vmem>>) target(%dma_start3A_178 : memref<80x128xf32, #tpu.memory_space<vmem_shared>>) target_semaphore(%run_scoped3A_171 : memref<!tpu.dma_semaphore, #tpu.memory_space<semaphore_mem>>)
        %dma_wait3A_182 = arith.constant 0 : i32
        %dma_wait3A_183 = arith.constant 0 : i32
        %dma_wait3A_184 = tpu.memref_slice %arg18[%dma_wait3A_182, %dma_wait3A_183] : memref<128x128xf32, #tpu.memory_space<vmem>> -> memref<80x128xf32, #tpu.memory_space<vmem>>
        %dma_wait3A_185 = arith.constant 0 : i32
        %dma_wait3A_186 = tpu.memref_slice %arg20[%add3A_170, %dma_wait3A_185] : memref<10000x128xf32, #tpu.memory_space<vmem_shared>> -> memref<80x128xf32, #tpu.memory_space<vmem_shared>>
        %dma_wait3A_187 = arith.constant 0 : i32
        %dma_wait3A_188 = tpu.memref_slice %arg20[%add3A_170, %dma_wait3A_187] : memref<10000x128xf32, #tpu.memory_space<vmem_shared>> -> memref<80x128xf32, #tpu.memory_space<vmem_shared>>
        %dma_wait3A_189 = arith.constant 0 : i32
        %dma_wait3A_190 = arith.constant 0 : i32
        %dma_wait3A_191 = tpu.memref_slice %arg18[%dma_wait3A_189, %dma_wait3A_190] : memref<128x128xf32, #tpu.memory_space<vmem>> -> memref<80x128xf32, #tpu.memory_space<vmem>>
        tpu.wait_dma2 semaphore(%run_scoped3A_171 : memref<!tpu.dma_semaphore, #tpu.memory_space<semaphore_mem>>) src(%dma_wait3A_191 : memref<80x128xf32, #tpu.memory_space<vmem>>) dst(%dma_wait3A_188 : memref<80x128xf32, #tpu.memory_space<vmem_shared>>)
        tpu.yield
      }) : () -> ()
    } else {
    }
    %barrier3A = arith.constant 0 : index
    tpu.barrier barrier_id(%barrier3A)
    %scan3A_8 = arith.constant 0 : i32
    %scan3A_9 = arith.constant 0 : i32
    %scan3A_10 = arith.constant 2 : i32
    %scan3A_11 = arith.addi %scan3A_9, %scan3A_10 : i32
    %scan3A_12 = arith.constant 1 : i32
    scf.for %scan3A_71 = %scan3A_9 to %scan3A_11 step %scan3A_12  : i32 {
      "tpu.region"() ({
        %run_scoped3A_114 = tpu.sem_alloc : memref<!tpu.dma_semaphore, #tpu.memory_space<semaphore_mem>>
        %dma_start3A_115 = arith.constant 0 : i32
        %dma_start3A_116 = arith.constant 0 : i32
        %dma_start3A_117 = tpu.memref_slice %arg3[%add3A, %scan3A_71, %dma_start3A_115, %dma_start3A_116] : memref<32x2x39x128xi32, #tpu.memory_space<hbm>> -> memref<1x1x39x128xi32, #tpu.memory_space<hbm>>
        %dma_start3A_118 = tpu.memref_squeeze %dma_start3A_117 : memref<1x1x39x128xi32, #tpu.memory_space<hbm>> -> memref<39x128xi32, #tpu.memory_space<hbm>>
        %dma_start3A_119 = arith.constant 0 : i32
        %dma_start3A_120 = arith.constant 0 : i32
        %dma_start3A_121 = tpu.memref_slice %arg3[%add3A, %scan3A_71, %dma_start3A_119, %dma_start3A_120] : memref<32x2x39x128xi32, #tpu.memory_space<hbm>> -> memref<1x1x39x128xi32, #tpu.memory_space<hbm>>
        %dma_start3A_122 = tpu.memref_squeeze %dma_start3A_121 : memref<1x1x39x128xi32, #tpu.memory_space<hbm>> -> memref<39x128xi32, #tpu.memory_space<hbm>>
        tpu.enqueue_dma source(%dma_start3A_122 : memref<39x128xi32, #tpu.memory_space<hbm>>) target(%arg14 : memref<39x128xi32, #tpu.memory_space<vmem>>) target_semaphore(%run_scoped3A_114 : memref<!tpu.dma_semaphore, #tpu.memory_space<semaphore_mem>>)
        %dma_wait3A_123 = arith.constant 0 : i32
        %dma_wait3A_124 = arith.constant 0 : i32
        %dma_wait3A_125 = tpu.memref_slice %arg3[%add3A, %scan3A_71, %dma_wait3A_123, %dma_wait3A_124] : memref<32x2x39x128xi32, #tpu.memory_space<hbm>> -> memref<1x1x39x128xi32, #tpu.memory_space<hbm>>
        %dma_wait3A_126 = tpu.memref_squeeze %dma_wait3A_125 : memref<1x1x39x128xi32, #tpu.memory_space<hbm>> -> memref<39x128xi32, #tpu.memory_space<hbm>>
        %dma_wait3A_127 = arith.constant 0 : i32
        %dma_wait3A_128 = arith.constant 0 : i32
        %dma_wait3A_129 = tpu.memref_slice %arg3[%add3A, %scan3A_71, %dma_wait3A_127, %dma_wait3A_128] : memref<32x2x39x128xi32, #tpu.memory_space<hbm>> -> memref<1x1x39x128xi32, #tpu.memory_space<hbm>>
        %dma_wait3A_130 = tpu.memref_squeeze %dma_wait3A_129 : memref<1x1x39x128xi32, #tpu.memory_space<hbm>> -> memref<39x128xi32, #tpu.memory_space<hbm>>
        tpu.wait_dma2 semaphore(%run_scoped3A_114 : memref<!tpu.dma_semaphore, #tpu.memory_space<semaphore_mem>>) src(%dma_wait3A_130 : memref<39x128xi32, #tpu.memory_space<hbm>>) dst(%arg14 : memref<39x128xi32, #tpu.memory_space<vmem>>)
        tpu.yield
      }) : () -> ()
      "tpu.region"() ({
        %run_scoped3A_114 = tpu.sem_alloc : memref<!tpu.dma_semaphore, #tpu.memory_space<semaphore_mem>>
        %dma_start3A_115 = arith.constant 0 : i32
        %dma_start3A_116 = arith.constant 0 : i32
        %dma_start3A_117 = tpu.memref_slice %arg4[%add3A, %scan3A_71, %dma_start3A_115, %dma_start3A_116] : memref<32x2x39x128xi32, #tpu.memory_space<hbm>> -> memref<1x1x39x128xi32, #tpu.memory_space<hbm>>
        %dma_start3A_118 = tpu.memref_squeeze %dma_start3A_117 : memref<1x1x39x128xi32, #tpu.memory_space<hbm>> -> memref<39x128xi32, #tpu.memory_space<hbm>>
        %dma_start3A_119 = arith.constant 0 : i32
        %dma_start3A_120 = arith.constant 0 : i32
        %dma_start3A_121 = tpu.memref_slice %arg4[%add3A, %scan3A_71, %dma_start3A_119, %dma_start3A_120] : memref<32x2x39x128xi32, #tpu.memory_space<hbm>> -> memref<1x1x39x128xi32, #tpu.memory_space<hbm>>
        %dma_start3A_122 = tpu.memref_squeeze %dma_start3A_121 : memref<1x1x39x128xi32, #tpu.memory_space<hbm>> -> memref<39x128xi32, #tpu.memory_space<hbm>>
        tpu.enqueue_dma source(%dma_start3A_122 : memref<39x128xi32, #tpu.memory_space<hbm>>) target(%arg15 : memref<39x128xi32, #tpu.memory_space<vmem>>) target_semaphore(%run_scoped3A_114 : memref<!tpu.dma_semaphore, #tpu.memory_space<semaphore_mem>>)
        %dma_wait3A_123 = arith.constant 0 : i32
        %dma_wait3A_124 = arith.constant 0 : i32
        %dma_wait3A_125 = tpu.memref_slice %arg4[%add3A, %scan3A_71, %dma_wait3A_123, %dma_wait3A_124] : memref<32x2x39x128xi32, #tpu.memory_space<hbm>> -> memref<1x1x39x128xi32, #tpu.memory_space<hbm>>
        %dma_wait3A_126 = tpu.memref_squeeze %dma_wait3A_125 : memref<1x1x39x128xi32, #tpu.memory_space<hbm>> -> memref<39x128xi32, #tpu.memory_space<hbm>>
        %dma_wait3A_127 = arith.constant 0 : i32
        %dma_wait3A_128 = arith.constant 0 : i32
        %dma_wait3A_129 = tpu.memref_slice %arg4[%add3A, %scan3A_71, %dma_wait3A_127, %dma_wait3A_128] : memref<32x2x39x128xi32, #tpu.memory_space<hbm>> -> memref<1x1x39x128xi32, #tpu.memory_space<hbm>>
        %dma_wait3A_130 = tpu.memref_squeeze %dma_wait3A_129 : memref<1x1x39x128xi32, #tpu.memory_space<hbm>> -> memref<39x128xi32, #tpu.memory_space<hbm>>
        tpu.wait_dma2 semaphore(%run_scoped3A_114 : memref<!tpu.dma_semaphore, #tpu.memory_space<semaphore_mem>>) src(%dma_wait3A_130 : memref<39x128xi32, #tpu.memory_space<hbm>>) dst(%arg15 : memref<39x128xi32, #tpu.memory_space<vmem>>)
        tpu.yield
      }) : () -> ()
      %dma_start3A_72 = arith.constant 0 : i32
      %dma_start3A_73 = arith.constant 0 : i32
      %dma_start3A_74 = arith.constant 0 : i32
      %dma_start3A_75 = tpu.memref_slice %arg18[%dma_start3A_73, %dma_start3A_74] : memref<128x128xf32, #tpu.memory_space<vmem>> -> memref<128x128xf32, #tpu.memory_space<vmem>>
      %dma_start3A_76 = arith.constant 0 : i32
      %dma_start3A_77 = tpu.memref_slice %arg14[%dma_start3A_72, %dma_start3A_76] : memref<39x128xi32, #tpu.memory_space<vmem>> -> memref<1x128xi32, #tpu.memory_space<vmem>>
      %dma_start3A_78 = tpu.memref_squeeze %dma_start3A_77 : memref<1x128xi32, #tpu.memory_space<vmem>> -> memref<128xi32, #tpu.memory_space<vmem>>
      %dma_start3A_79 = arith.constant 0 : i32
      %dma_start3A_80 = arith.constant 0 : i32
      %dma_start3A_81 = tpu.memref_slice %arg2[%dma_start3A_79, %dma_start3A_80] : memref<10000x128xf32, #tpu.memory_space<hbm>> -> memref<10000x128xf32, #tpu.memory_space<hbm>>
      tpu.enqueue_indirect_dma source(%dma_start3A_81 : memref<10000x128xf32, #tpu.memory_space<hbm>>) target(%dma_start3A_75 : memref<128x128xf32, #tpu.memory_space<vmem>>) offsets(%dma_start3A_78 : memref<128xi32, #tpu.memory_space<vmem>>) semaphore(%arg21 : memref<!tpu.dma_semaphore, #tpu.memory_space<semaphore_mem>>)
      %scan3A_82 = arith.constant 0 : i32
      %scan3A_83 = arith.constant 0 : i32
      %scan3A_84 = arith.constant 19 : i32
      %scan3A_85 = arith.addi %scan3A_83, %scan3A_84 : i32
      %scan3A_86 = arith.constant 1 : i32
      scf.for %scan3A_114 = %scan3A_83 to %scan3A_85 step %scan3A_86  : i32 {
        %mul3A_115 = arith.constant 2 : i32
        %mul3A_116 = arith.muli %mul3A_115, %scan3A_114 : i32
        %add3A_117 = arith.constant 1 : i32
        %add3A_118 = arith.addi %mul3A_116, %add3A_117 : i32
        %mul3A_119 = arith.constant 1 : i32
        %mul3A_120 = arith.muli %add3A_118, %mul3A_119 : i32
        %add3A_121 = arith.constant 0 : i32
        %add3A_122 = arith.addi %mul3A_120, %add3A_121 : i32
        %dma_start3A_123 = arith.constant 0 : i32
        %dma_start3A_124 = arith.constant 0 : i32
        %dma_start3A_125 = tpu.memref_slice %arg19[%dma_start3A_123, %dma_start3A_124] : memref<128x128xf32, #tpu.memory_space<vmem>> -> memref<128x128xf32, #tpu.memory_space<vmem>>
        %dma_start3A_126 = arith.constant 0 : i32
        %dma_start3A_127 = tpu.memref_slice %arg14[%add3A_122, %dma_start3A_126] : memref<39x128xi32, #tpu.memory_space<vmem>> -> memref<1x128xi32, #tpu.memory_space<vmem>>
        %dma_start3A_128 = tpu.memref_squeeze %dma_start3A_127 : memref<1x128xi32, #tpu.memory_space<vmem>> -> memref<128xi32, #tpu.memory_space<vmem>>
        %dma_start3A_129 = arith.constant 0 : i32
        %dma_start3A_130 = arith.constant 0 : i32
        %dma_start3A_131 = tpu.memref_slice %arg2[%dma_start3A_129, %dma_start3A_130] : memref<10000x128xf32, #tpu.memory_space<hbm>> -> memref<10000x128xf32, #tpu.memory_space<hbm>>
        tpu.enqueue_indirect_dma source(%dma_start3A_131 : memref<10000x128xf32, #tpu.memory_space<hbm>>) target(%dma_start3A_125 : memref<128x128xf32, #tpu.memory_space<vmem>>) offsets(%dma_start3A_128 : memref<128xi32, #tpu.memory_space<vmem>>) semaphore(%arg22 : memref<!tpu.dma_semaphore, #tpu.memory_space<semaphore_mem>>)
        %dma_wait3A_132 = arith.constant 0 : i32
        %dma_wait3A_133 = arith.constant 0 : i32
        %dma_wait3A_134 = tpu.memref_slice %arg2[%dma_wait3A_132, %dma_wait3A_133] : memref<10000x128xf32, #tpu.memory_space<hbm>> -> memref<128x128xf32, #tpu.memory_space<hbm>>
        %dma_wait3A_135 = arith.constant 0 : i32
        %dma_wait3A_136 = arith.constant 0 : i32
        %dma_wait3A_137 = tpu.memref_slice %arg2[%dma_wait3A_135, %dma_wait3A_136] : memref<10000x128xf32, #tpu.memory_space<hbm>> -> memref<128x128xf32, #tpu.memory_space<hbm>>
        tpu.wait_dma2 semaphore(%arg21 : memref<!tpu.dma_semaphore, #tpu.memory_space<semaphore_mem>>) src(%dma_wait3A_137 : memref<128x128xf32, #tpu.memory_space<hbm>>) dst(%arg18 : memref<128x128xf32, #tpu.memory_space<vmem>>)
        %mul3A_138 = arith.constant 2 : i32
        %mul3A_139 = arith.muli %mul3A_138, %scan3A_114 : i32
        %mul3A_140 = arith.constant 1 : i32
        %mul3A_141 = arith.muli %mul3A_139, %mul3A_140 : i32
        %add3A_142 = arith.constant 0 : i32
        %add3A_143 = arith.addi %mul3A_141, %add3A_142 : i32
        %dma_start3A_144 = arith.constant 0 : i32
        %dma_start3A_145 = arith.constant 0 : i32
        %dma_start3A_146 = tpu.memref_slice %arg18[%dma_start3A_144, %dma_start3A_145] : memref<128x128xf32, #tpu.memory_space<vmem>> -> memref<128x128xf32, #tpu.memory_space<vmem>>
        %dma_start3A_147 = arith.constant 0 : i32
        %dma_start3A_148 = tpu.memref_slice %arg15[%add3A_143, %dma_start3A_147] : memref<39x128xi32, #tpu.memory_space<vmem>> -> memref<1x128xi32, #tpu.memory_space<vmem>>
        %dma_start3A_149 = tpu.memref_squeeze %dma_start3A_148 : memref<1x128xi32, #tpu.memory_space<vmem>> -> memref<128xi32, #tpu.memory_space<vmem>>
        %dma_start3A_150 = arith.constant 0 : i32
        %dma_start3A_151 = arith.constant 0 : i32
        %dma_start3A_152 = tpu.memref_slice %arg20[%dma_start3A_150, %dma_start3A_151] : memref<10000x128xf32, #tpu.memory_space<vmem_shared>> -> memref<10000x128xf32, #tpu.memory_space<vmem_shared>>
        tpu.enqueue_indirect_dma source(%dma_start3A_146 : memref<128x128xf32, #tpu.memory_space<vmem>>) target(%dma_start3A_152 : memref<10000x128xf32, #tpu.memory_space<vmem_shared>>) offsets(%dma_start3A_149 : memref<128xi32, #tpu.memory_space<vmem>>) semaphore(%arg23 : memref<!tpu.dma_semaphore, #tpu.memory_space<semaphore_mem>>) {add = true}
        %dma_wait3A_153 = arith.constant 0 : i32
        %dma_wait3A_154 = arith.constant 0 : i32
        %dma_wait3A_155 = tpu.memref_slice %arg18[%dma_wait3A_153, %dma_wait3A_154] : memref<128x128xf32, #tpu.memory_space<vmem>> -> memref<128x128xf32, #tpu.memory_space<vmem>>
        %dma_wait3A_156 = arith.constant 0 : i32
        %dma_wait3A_157 = tpu.memref_slice %arg15[%add3A_143, %dma_wait3A_156] : memref<39x128xi32, #tpu.memory_space<vmem>> -> memref<1x128xi32, #tpu.memory_space<vmem>>
        %dma_wait3A_158 = tpu.memref_squeeze %dma_wait3A_157 : memref<1x128xi32, #tpu.memory_space<vmem>> -> memref<128xi32, #tpu.memory_space<vmem>>
        %dma_wait3A_159 = arith.constant 0 : i32
        %dma_wait3A_160 = arith.constant 0 : i32
        %dma_wait3A_161 = tpu.memref_slice %arg20[%dma_wait3A_159, %dma_wait3A_160] : memref<10000x128xf32, #tpu.memory_space<vmem_shared>> -> memref<10000x128xf32, #tpu.memory_space<vmem_shared>>
        tpu.wait_indirect_dma semaphore(%arg23 : memref<!tpu.dma_semaphore, #tpu.memory_space<semaphore_mem>>) src(%dma_wait3A_155 : memref<128x128xf32, #tpu.memory_space<vmem>>) dst(%dma_wait3A_161 : memref<10000x128xf32, #tpu.memory_space<vmem_shared>>)
        %mul3A_162 = arith.constant 2 : i32
        %mul3A_163 = arith.muli %mul3A_162, %scan3A_114 : i32
        %add3A_164 = arith.constant 2 : i32
        %add3A_165 = arith.addi %mul3A_163, %add3A_164 : i32
        %mul3A_166 = arith.constant 1 : i32
        %mul3A_167 = arith.muli %add3A_165, %mul3A_166 : i32
        %add3A_168 = arith.constant 0 : i32
        %add3A_169 = arith.addi %mul3A_167, %add3A_168 : i32
        %dma_start3A_170 = arith.constant 0 : i32
        %dma_start3A_171 = arith.constant 0 : i32
        %dma_start3A_172 = tpu.memref_slice %arg18[%dma_start3A_170, %dma_start3A_171] : memref<128x128xf32, #tpu.memory_space<vmem>> -> memref<128x128xf32, #tpu.memory_space<vmem>>
        %dma_start3A_173 = arith.constant 0 : i32
        %dma_start3A_174 = tpu.memref_slice %arg14[%add3A_169, %dma_start3A_173] : memref<39x128xi32, #tpu.memory_space<vmem>> -> memref<1x128xi32, #tpu.memory_space<vmem>>
        %dma_start3A_175 = tpu.memref_squeeze %dma_start3A_174 : memref<1x128xi32, #tpu.memory_space<vmem>> -> memref<128xi32, #tpu.memory_space<vmem>>
        %dma_start3A_176 = arith.constant 0 : i32
        %dma_start3A_177 = arith.constant 0 : i32
        %dma_start3A_178 = tpu.memref_slice %arg2[%dma_start3A_176, %dma_start3A_177] : memref<10000x128xf32, #tpu.memory_space<hbm>> -> memref<10000x128xf32, #tpu.memory_space<hbm>>
        tpu.enqueue_indirect_dma source(%dma_start3A_178 : memref<10000x128xf32, #tpu.memory_space<hbm>>) target(%dma_start3A_172 : memref<128x128xf32, #tpu.memory_space<vmem>>) offsets(%dma_start3A_175 : memref<128xi32, #tpu.memory_space<vmem>>) semaphore(%arg21 : memref<!tpu.dma_semaphore, #tpu.memory_space<semaphore_mem>>)
        %dma_wait3A_179 = arith.constant 0 : i32
        %dma_wait3A_180 = arith.constant 0 : i32
        %dma_wait3A_181 = tpu.memref_slice %arg2[%dma_wait3A_179, %dma_wait3A_180] : memref<10000x128xf32, #tpu.memory_space<hbm>> -> memref<128x128xf32, #tpu.memory_space<hbm>>
        %dma_wait3A_182 = arith.constant 0 : i32
        %dma_wait3A_183 = arith.constant 0 : i32
        %dma_wait3A_184 = tpu.memref_slice %arg2[%dma_wait3A_182, %dma_wait3A_183] : memref<10000x128xf32, #tpu.memory_space<hbm>> -> memref<128x128xf32, #tpu.memory_space<hbm>>
        tpu.wait_dma2 semaphore(%arg22 : memref<!tpu.dma_semaphore, #tpu.memory_space<semaphore_mem>>) src(%dma_wait3A_184 : memref<128x128xf32, #tpu.memory_space<hbm>>) dst(%arg19 : memref<128x128xf32, #tpu.memory_space<vmem>>)
        %mul3A_185 = arith.constant 2 : i32
        %mul3A_186 = arith.muli %mul3A_185, %scan3A_114 : i32
        %add3A_187 = arith.constant 1 : i32
        %add3A_188 = arith.addi %mul3A_186, %add3A_187 : i32
        %mul3A_189 = arith.constant 1 : i32
        %mul3A_190 = arith.muli %add3A_188, %mul3A_189 : i32
        %add3A_191 = arith.constant 0 : i32
        %add3A_192 = arith.addi %mul3A_190, %add3A_191 : i32
        %dma_start3A_193 = arith.constant 0 : i32
        %dma_start3A_194 = arith.constant 0 : i32
        %dma_start3A_195 = tpu.memref_slice %arg19[%dma_start3A_193, %dma_start3A_194] : memref<128x128xf32, #tpu.memory_space<vmem>> -> memref<128x128xf32, #tpu.memory_space<vmem>>
        %dma_start3A_196 = arith.constant 0 : i32
        %dma_start3A_197 = tpu.memref_slice %arg15[%add3A_192, %dma_start3A_196] : memref<39x128xi32, #tpu.memory_space<vmem>> -> memref<1x128xi32, #tpu.memory_space<vmem>>
        %dma_start3A_198 = tpu.memref_squeeze %dma_start3A_197 : memref<1x128xi32, #tpu.memory_space<vmem>> -> memref<128xi32, #tpu.memory_space<vmem>>
        %dma_start3A_199 = arith.constant 0 : i32
        %dma_start3A_200 = arith.constant 0 : i32
        %dma_start3A_201 = tpu.memref_slice %arg20[%dma_start3A_199, %dma_start3A_200] : memref<10000x128xf32, #tpu.memory_space<vmem_shared>> -> memref<10000x128xf32, #tpu.memory_space<vmem_shared>>
        tpu.enqueue_indirect_dma source(%dma_start3A_195 : memref<128x128xf32, #tpu.memory_space<vmem>>) target(%dma_start3A_201 : memref<10000x128xf32, #tpu.memory_space<vmem_shared>>) offsets(%dma_start3A_198 : memref<128xi32, #tpu.memory_space<vmem>>) semaphore(%arg23 : memref<!tpu.dma_semaphore, #tpu.memory_space<semaphore_mem>>) {add = true}
        %dma_wait3A_202 = arith.constant 0 : i32
        %dma_wait3A_203 = arith.constant 0 : i32
        %dma_wait3A_204 = tpu.memref_slice %arg19[%dma_wait3A_202, %dma_wait3A_203] : memref<128x128xf32, #tpu.memory_space<vmem>> -> memref<128x128xf32, #tpu.memory_space<vmem>>
        %dma_wait3A_205 = arith.constant 0 : i32
        %dma_wait3A_206 = tpu.memref_slice %arg15[%add3A_192, %dma_wait3A_205] : memref<39x128xi32, #tpu.memory_space<vmem>> -> memref<1x128xi32, #tpu.memory_space<vmem>>
        %dma_wait3A_207 = tpu.memref_squeeze %dma_wait3A_206 : memref<1x128xi32, #tpu.memory_space<vmem>> -> memref<128xi32, #tpu.memory_space<vmem>>
        %dma_wait3A_208 = arith.constant 0 : i32
        %dma_wait3A_209 = arith.constant 0 : i32
        %dma_wait3A_210 = tpu.memref_slice %arg20[%dma_wait3A_208, %dma_wait3A_209] : memref<10000x128xf32, #tpu.memory_space<vmem_shared>> -> memref<10000x128xf32, #tpu.memory_space<vmem_shared>>
        tpu.wait_indirect_dma semaphore(%arg23 : memref<!tpu.dma_semaphore, #tpu.memory_space<semaphore_mem>>) src(%dma_wait3A_204 : memref<128x128xf32, #tpu.memory_space<vmem>>) dst(%dma_wait3A_210 : memref<10000x128xf32, #tpu.memory_space<vmem_shared>>)
      }
      %scan3A_87 = arith.constant 19 : i32
      %dma_wait3A_88 = arith.constant 0 : i32
      %dma_wait3A_89 = arith.constant 0 : i32
      %dma_wait3A_90 = tpu.memref_slice %arg2[%dma_wait3A_88, %dma_wait3A_89] : memref<10000x128xf32, #tpu.memory_space<hbm>> -> memref<128x128xf32, #tpu.memory_space<hbm>>
      %dma_wait3A_91 = arith.constant 0 : i32
      %dma_wait3A_92 = arith.constant 0 : i32
      %dma_wait3A_93 = tpu.memref_slice %arg2[%dma_wait3A_91, %dma_wait3A_92] : memref<10000x128xf32, #tpu.memory_space<hbm>> -> memref<128x128xf32, #tpu.memory_space<hbm>>
      tpu.wait_dma2 semaphore(%arg21 : memref<!tpu.dma_semaphore, #tpu.memory_space<semaphore_mem>>) src(%dma_wait3A_93 : memref<128x128xf32, #tpu.memory_space<hbm>>) dst(%arg18 : memref<128x128xf32, #tpu.memory_space<vmem>>)
      %dma_start3A_94 = arith.constant 38 : i32
      %dma_start3A_95 = arith.constant 0 : i32
      %dma_start3A_96 = arith.constant 0 : i32
      %dma_start3A_97 = tpu.memref_slice %arg18[%dma_start3A_95, %dma_start3A_96] : memref<128x128xf32, #tpu.memory_space<vmem>> -> memref<128x128xf32, #tpu.memory_space<vmem>>
      %dma_start3A_98 = arith.constant 0 : i32
      %dma_start3A_99 = tpu.memref_slice %arg15[%dma_start3A_94, %dma_start3A_98] : memref<39x128xi32, #tpu.memory_space<vmem>> -> memref<1x128xi32, #tpu.memory_space<vmem>>
      %dma_start3A_100 = tpu.memref_squeeze %dma_start3A_99 : memref<1x128xi32, #tpu.memory_space<vmem>> -> memref<128xi32, #tpu.memory_space<vmem>>
      %dma_start3A_101 = arith.constant 0 : i32
      %dma_start3A_102 = arith.constant 0 : i32
      %dma_start3A_103 = tpu.memref_slice %arg20[%dma_start3A_101, %dma_start3A_102] : memref<10000x128xf32, #tpu.memory_space<vmem_shared>> -> memref<10000x128xf32, #tpu.memory_space<vmem_shared>>
      tpu.enqueue_indirect_dma source(%dma_start3A_97 : memref<128x128xf32, #tpu.memory_space<vmem>>) target(%dma_start3A_103 : memref<10000x128xf32, #tpu.memory_space<vmem_shared>>) offsets(%dma_start3A_100 : memref<128xi32, #tpu.memory_space<vmem>>) semaphore(%arg23 : memref<!tpu.dma_semaphore, #tpu.memory_space<semaphore_mem>>) {add = true}
      %dma_wait3A_104 = arith.constant 38 : i32
      %dma_wait3A_105 = arith.constant 0 : i32
      %dma_wait3A_106 = arith.constant 0 : i32
      %dma_wait3A_107 = tpu.memref_slice %arg18[%dma_wait3A_105, %dma_wait3A_106] : memref<128x128xf32, #tpu.memory_space<vmem>> -> memref<128x128xf32, #tpu.memory_space<vmem>>
      %dma_wait3A_108 = arith.constant 0 : i32
      %dma_wait3A_109 = tpu.memref_slice %arg15[%dma_wait3A_104, %dma_wait3A_108] : memref<39x128xi32, #tpu.memory_space<vmem>> -> memref<1x128xi32, #tpu.memory_space<vmem>>
      %dma_wait3A_110 = tpu.memref_squeeze %dma_wait3A_109 : memref<1x128xi32, #tpu.memory_space<vmem>> -> memref<128xi32, #tpu.memory_space<vmem>>
      %dma_wait3A_111 = arith.constant 0 : i32
      %dma_wait3A_112 = arith.constant 0 : i32
      %dma_wait3A_113 = tpu.memref_slice %arg20[%dma_wait3A_111, %dma_wait3A_112] : memref<10000x128xf32, #tpu.memory_space<vmem_shared>> -> memref<10000x128xf32, #tpu.memory_space<vmem_shared>>
      tpu.wait_indirect_dma semaphore(%arg23 : memref<!tpu.dma_semaphore, #tpu.memory_space<semaphore_mem>>) src(%dma_wait3A_107 : memref<128x128xf32, #tpu.memory_space<vmem>>) dst(%dma_wait3A_113 : memref<10000x128xf32, #tpu.memory_space<vmem_shared>>)
    }
    %scan3A_13 = arith.constant 2 : i32
    %mul3A_14 = arith.constant 16 : i32
    %mul3A_15 = arith.muli %add3A, %mul3A_14 : i32
    "tpu.region"() ({
      %run_scoped3A_71 = tpu.sem_alloc : memref<!tpu.dma_semaphore, #tpu.memory_space<semaphore_mem>>
      %dma_start3A_72 = tpu.memref_slice %arg5[%mul3A_15] : memref<512xi32, #tpu.memory_space<hbm>> -> memref<16xi32, #tpu.memory_space<hbm>>
      %dma_start3A_73 = tpu.memref_slice %arg5[%mul3A_15] : memref<512xi32, #tpu.memory_space<hbm>> -> memref<16xi32, #tpu.memory_space<hbm>>
      tpu.enqueue_dma source(%dma_start3A_73 : memref<16xi32, #tpu.memory_space<hbm>>) target(%arg16 : memref<16xi32, #tpu.memory_space<vmem>>) target_semaphore(%run_scoped3A_71 : memref<!tpu.dma_semaphore, #tpu.memory_space<semaphore_mem>>)
      %dma_wait3A_74 = tpu.memref_slice %arg5[%mul3A_15] : memref<512xi32, #tpu.memory_space<hbm>> -> memref<16xi32, #tpu.memory_space<hbm>>
      %dma_wait3A_75 = tpu.memref_slice %arg5[%mul3A_15] : memref<512xi32, #tpu.memory_space<hbm>> -> memref<16xi32, #tpu.memory_space<hbm>>
      tpu.wait_dma2 semaphore(%run_scoped3A_71 : memref<!tpu.dma_semaphore, #tpu.memory_space<semaphore_mem>>) src(%dma_wait3A_75 : memref<16xi32, #tpu.memory_space<hbm>>) dst(%arg16 : memref<16xi32, #tpu.memory_space<vmem>>)
      tpu.yield
    }) : () -> ()
    "tpu.region"() ({
      %run_scoped3A_71 = tpu.sem_alloc : memref<!tpu.dma_semaphore, #tpu.memory_space<semaphore_mem>>
      %dma_start3A_72 = arith.constant 0 : i32
      %dma_start3A_73 = arith.constant 0 : i32
      %dma_start3A_74 = tpu.memref_slice %arg6[%add3A, %dma_start3A_72, %dma_start3A_73] : memref<32x1x16xi32, #tpu.memory_space<hbm>> -> memref<1x1x16xi32, #tpu.memory_space<hbm>>
      %dma_start3A_75 = tpu.memref_squeeze %dma_start3A_74 : memref<1x1x16xi32, #tpu.memory_space<hbm>> -> memref<1x16xi32, #tpu.memory_space<hbm>>
      %dma_start3A_76 = arith.constant 0 : i32
      %dma_start3A_77 = arith.constant 0 : i32
      %dma_start3A_78 = tpu.memref_slice %arg6[%add3A, %dma_start3A_76, %dma_start3A_77] : memref<32x1x16xi32, #tpu.memory_space<hbm>> -> memref<1x1x16xi32, #tpu.memory_space<hbm>>
      %dma_start3A_79 = tpu.memref_squeeze %dma_start3A_78 : memref<1x1x16xi32, #tpu.memory_space<hbm>> -> memref<1x16xi32, #tpu.memory_space<hbm>>
      tpu.enqueue_dma source(%dma_start3A_79 : memref<1x16xi32, #tpu.memory_space<hbm>>) target(%arg17 : memref<1x16xi32, #tpu.memory_space<vmem>>) target_semaphore(%run_scoped3A_71 : memref<!tpu.dma_semaphore, #tpu.memory_space<semaphore_mem>>)
      %dma_wait3A_80 = arith.constant 0 : i32
      %dma_wait3A_81 = arith.constant 0 : i32
      %dma_wait3A_82 = tpu.memref_slice %arg6[%add3A, %dma_wait3A_80, %dma_wait3A_81] : memref<32x1x16xi32, #tpu.memory_space<hbm>> -> memref<1x1x16xi32, #tpu.memory_space<hbm>>
      %dma_wait3A_83 = tpu.memref_squeeze %dma_wait3A_82 : memref<1x1x16xi32, #tpu.memory_space<hbm>> -> memref<1x16xi32, #tpu.memory_space<hbm>>
      %dma_wait3A_84 = arith.constant 0 : i32
      %dma_wait3A_85 = arith.constant 0 : i32
      %dma_wait3A_86 = tpu.memref_slice %arg6[%add3A, %dma_wait3A_84, %dma_wait3A_85] : memref<32x1x16xi32, #tpu.memory_space<hbm>> -> memref<1x1x16xi32, #tpu.memory_space<hbm>>
      %dma_wait3A_87 = tpu.memref_squeeze %dma_wait3A_86 : memref<1x1x16xi32, #tpu.memory_space<hbm>> -> memref<1x16xi32, #tpu.memory_space<hbm>>
      tpu.wait_dma2 semaphore(%run_scoped3A_71 : memref<!tpu.dma_semaphore, #tpu.memory_space<semaphore_mem>>) src(%dma_wait3A_87 : memref<1x16xi32, #tpu.memory_space<hbm>>) dst(%arg17 : memref<1x16xi32, #tpu.memory_space<vmem>>)
      tpu.yield
    }) : () -> ()
    %dma_start3A = arith.constant 0 : i32
    %dma_start3A_16 = arith.constant 0 : i32
    %dma_start3A_17 = tpu.memref_slice %arg18[%dma_start3A, %dma_start3A_16] : memref<128x128xf32, #tpu.memory_space<vmem>> -> memref<16x128xf32, #tpu.memory_space<vmem>>
    %dma_start3A_18 = arith.constant 0 : i32
    %dma_start3A_19 = arith.constant 0 : i32
    %dma_start3A_20 = tpu.memref_slice %arg2[%dma_start3A_18, %dma_start3A_19] : memref<10000x128xf32, #tpu.memory_space<hbm>> -> memref<10000x128xf32, #tpu.memory_space<hbm>>
    tpu.enqueue_indirect_dma source(%dma_start3A_20 : memref<10000x128xf32, #tpu.memory_space<hbm>>) target(%dma_start3A_17 : memref<16x128xf32, #tpu.memory_space<vmem>>) offsets(%arg16 : memref<16xi32, #tpu.memory_space<vmem>>) semaphore(%arg21 : memref<!tpu.dma_semaphore, #tpu.memory_space<semaphore_mem>>)
    %dma_wait3A = arith.constant 0 : i32
    %dma_wait3A_21 = arith.constant 0 : i32
    %dma_wait3A_22 = tpu.memref_slice %arg18[%dma_wait3A, %dma_wait3A_21] : memref<128x128xf32, #tpu.memory_space<vmem>> -> memref<16x128xf32, #tpu.memory_space<vmem>>
    %dma_wait3A_23 = arith.constant 0 : i32
    %dma_wait3A_24 = arith.constant 0 : i32
    %dma_wait3A_25 = tpu.memref_slice %arg2[%dma_wait3A_23, %dma_wait3A_24] : memref<10000x128xf32, #tpu.memory_space<hbm>> -> memref<10000x128xf32, #tpu.memory_space<hbm>>
    tpu.wait_indirect_dma semaphore(%arg21 : memref<!tpu.dma_semaphore, #tpu.memory_space<semaphore_mem>>) src(%dma_wait3A_25 : memref<10000x128xf32, #tpu.memory_space<hbm>>) dst(%dma_wait3A_22 : memref<16x128xf32, #tpu.memory_space<vmem>>)
    %run_scoped3A = arith.constant 0 : i32
    "tpu.region"() ({
      %run_scoped3A_71 = tpu.sem_alloc : memref<!tpu.dma_semaphore, #tpu.memory_space<semaphore_mem>>
      %dma_start3A_72 = arith.constant 0 : i32
      %dma_start3A_73 = arith.constant 0 : i32
      %dma_start3A_74 = tpu.memref_slice %arg18[%dma_start3A_72, %dma_start3A_73] : memref<128x128xf32, #tpu.memory_space<vmem>> -> memref<16x128xf32, #tpu.memory_space<vmem>>
      %dma_start3A_75 = arith.constant 0 : i32
      %dma_start3A_76 = tpu.memref_slice %arg17[%run_scoped3A, %dma_start3A_75] : memref<1x16xi32, #tpu.memory_space<vmem>> -> memref<1x16xi32, #tpu.memory_space<vmem>>
      %dma_start3A_77 = tpu.memref_squeeze %dma_start3A_76 : memref<1x16xi32, #tpu.memory_space<vmem>> -> memref<16xi32, #tpu.memory_space<vmem>>
      %dma_start3A_78 = arith.constant 0 : i32
      %dma_start3A_79 = arith.constant 0 : i32
      %dma_start3A_80 = tpu.memref_slice %arg20[%dma_start3A_78, %dma_start3A_79] : memref<10000x128xf32, #tpu.memory_space<vmem_shared>> -> memref<10000x128xf32, #tpu.memory_space<vmem_shared>>
      tpu.enqueue_indirect_dma source(%dma_start3A_74 : memref<16x128xf32, #tpu.memory_space<vmem>>) target(%dma_start3A_80 : memref<10000x128xf32, #tpu.memory_space<vmem_shared>>) offsets(%dma_start3A_77 : memref<16xi32, #tpu.memory_space<vmem>>) semaphore(%run_scoped3A_71 : memref<!tpu.dma_semaphore, #tpu.memory_space<semaphore_mem>>) {add = true}
      %dma_wait3A_81 = arith.constant 0 : i32
      %dma_wait3A_82 = arith.constant 0 : i32
      %dma_wait3A_83 = tpu.memref_slice %arg18[%dma_wait3A_81, %dma_wait3A_82] : memref<128x128xf32, #tpu.memory_space<vmem>> -> memref<16x128xf32, #tpu.memory_space<vmem>>
      %dma_wait3A_84 = arith.constant 0 : i32
      %dma_wait3A_85 = tpu.memref_slice %arg17[%run_scoped3A, %dma_wait3A_84] : memref<1x16xi32, #tpu.memory_space<vmem>> -> memref<1x16xi32, #tpu.memory_space<vmem>>
      %dma_wait3A_86 = tpu.memref_squeeze %dma_wait3A_85 : memref<1x16xi32, #tpu.memory_space<vmem>> -> memref<16xi32, #tpu.memory_space<vmem>>
      %dma_wait3A_87 = arith.constant 0 : i32
      %dma_wait3A_88 = arith.constant 0 : i32
      %dma_wait3A_89 = tpu.memref_slice %arg20[%dma_wait3A_87, %dma_wait3A_88] : memref<10000x128xf32, #tpu.memory_space<vmem_shared>> -> memref<10000x128xf32, #tpu.memory_space<vmem_shared>>
      tpu.wait_indirect_dma semaphore(%run_scoped3A_71 : memref<!tpu.dma_semaphore, #tpu.memory_space<semaphore_mem>>) src(%dma_wait3A_83 : memref<16x128xf32, #tpu.memory_space<vmem>>) dst(%dma_wait3A_89 : memref<10000x128xf32, #tpu.memory_space<vmem_shared>>)
      tpu.yield
    }) : () -> ()
    %barrier3A_26 = arith.constant 0 : index
    tpu.barrier barrier_id(%barrier3A_26)
    %lt3A_27 = arith.constant 5 : i32
    %lt3A_28 = arith.cmpi slt, %arg1, %lt3A_27 : i32
    %convert_element_type3A_29 = arith.extui %lt3A_28 : i1 to i32
    %cond3A_30 = arith.constant 0 : i32
    %cond3A_31 = arith.cmpi ne, %convert_element_type3A_29, %cond3A_30 : i32
    scf.if %cond3A_31 {
      %mul3A_71 = arith.constant 2000 : i32
      %mul3A_72 = arith.muli %arg1, %mul3A_71 : i32
      %mul3A_73 = arith.constant 2000 : i32
      %mul3A_74 = arith.muli %arg1, %mul3A_73 : i32
      "tpu.region"() ({
        %run_scoped3A_75 = tpu.sem_alloc : memref<!tpu.dma_semaphore, #tpu.memory_space<semaphore_mem>>
        %dma_start3A_76 = arith.constant 0 : i32
        %dma_start3A_77 = tpu.memref_slice %arg12[%arg0, %mul3A_74, %dma_start3A_76] : memref<2x10000x128xf32, #tpu.memory_space<hbm>> -> memref<1x2000x128xf32, #tpu.memory_space<hbm>>
        %dma_start3A_78 = tpu.memref_squeeze %dma_start3A_77 : memref<1x2000x128xf32, #tpu.memory_space<hbm>> -> memref<2000x128xf32, #tpu.memory_space<hbm>>
        %dma_start3A_79 = arith.constant 0 : i32
        %dma_start3A_80 = tpu.memref_slice %arg20[%mul3A_72, %dma_start3A_79] : memref<10000x128xf32, #tpu.memory_space<vmem_shared>> -> memref<2000x128xf32, #tpu.memory_space<vmem_shared>>
        tpu.enqueue_dma source(%dma_start3A_80 : memref<2000x128xf32, #tpu.memory_space<vmem_shared>>) target(%dma_start3A_78 : memref<2000x128xf32, #tpu.memory_space<hbm>>) target_semaphore(%run_scoped3A_75 : memref<!tpu.dma_semaphore, #tpu.memory_space<semaphore_mem>>)
        %dma_wait3A_81 = arith.constant 0 : i32
        %dma_wait3A_82 = tpu.memref_slice %arg12[%arg0, %mul3A_74, %dma_wait3A_81] : memref<2x10000x128xf32, #tpu.memory_space<hbm>> -> memref<1x2000x128xf32, #tpu.memory_space<hbm>>
        %dma_wait3A_83 = tpu.memref_squeeze %dma_wait3A_82 : memref<1x2000x128xf32, #tpu.memory_space<hbm>> -> memref<2000x128xf32, #tpu.memory_space<hbm>>
        %dma_wait3A_84 = arith.constant 0 : i32
        %dma_wait3A_85 = tpu.memref_slice %arg20[%mul3A_72, %dma_wait3A_84] : memref<10000x128xf32, #tpu.memory_space<vmem_shared>> -> memref<2000x128xf32, #tpu.memory_space<vmem_shared>>
        tpu.wait_dma2 semaphore(%run_scoped3A_75 : memref<!tpu.dma_semaphore, #tpu.memory_space<semaphore_mem>>) src(%dma_wait3A_85 : memref<2000x128xf32, #tpu.memory_space<vmem_shared>>) dst(%dma_wait3A_83 : memref<2000x128xf32, #tpu.memory_space<hbm>>)
        tpu.yield
      }) : () -> ()
    } else {
    }
    %scan3A_32 = arith.constant 0 : i32
    %scan3A_33 = arith.constant 0 : i32
    %scan3A_34 = arith.constant 80 : i32
    %scan3A_35 = arith.addi %scan3A_33, %scan3A_34 : i32
    %scan3A_36 = arith.constant 1 : i32
    scf.for %scan3A_71 = %scan3A_33 to %scan3A_35 step %scan3A_36  : i32 {
      %scan3A_72 = arith.constant 0 : i32
      %scan3A_73 = arith.constant 8 : i32
      %scan3A_74 = arith.addi %scan3A_72, %scan3A_73 : i32
      %scan3A_75 = arith.constant 1 : i32
      scf.for %scan3A_77 = %scan3A_72 to %scan3A_74 step %scan3A_75  : i32 {
        %broadcast_in_dim3A = arith.constant 0.000000e+00 : f32
        %broadcast_in_dim3A_78 = vector.broadcast %broadcast_in_dim3A : f32 to vector<16xf32>
        %mul3A_79 = arith.constant 16 : i32
        %mul3A_80 = arith.muli %scan3A_77, %mul3A_79 : i32
        %swap3A = arith.index_cast %scan3A_71 : i32 to index
        %swap3A_81 = arith.index_cast %mul3A_80 : i32 to index
        %swap3A_82 = tpu.vector_load %arg18[%swap3A, %swap3A_81] {strides = array<i32>} : memref<128x128xf32, #tpu.memory_space<vmem>>, vector<16xf32>,
        tpu.vector_store %arg18[%swap3A, %swap3A_81], %broadcast_in_dim3A_78 {strides = array<i32>} : memref<128x128xf32, #tpu.memory_space<vmem>>, vector<16xf32>,
      }
      %scan3A_76 = arith.constant 8 : i32
    }
    %scan3A_37 = arith.constant 80 : i32
    %lt3A_38 = arith.constant 5 : i32
    %lt3A_39 = arith.cmpi slt, %arg1, %lt3A_38 : i32
    %convert_element_type3A_40 = arith.extui %lt3A_39 : i1 to i32
    %cond3A_41 = arith.constant 0 : i32
    %cond3A_42 = arith.cmpi ne, %convert_element_type3A_40, %cond3A_41 : i32
    scf.if %cond3A_42 {
      %mul3A_71 = arith.constant 2000 : i32
      %mul3A_72 = arith.muli %arg1, %mul3A_71 : i32
      %add3A_73 = arith.constant 0 : i32
      %add3A_74 = arith.addi %mul3A_72, %add3A_73 : i32
      "tpu.region"() ({
        %run_scoped3A_171 = tpu.sem_alloc : memref<!tpu.dma_semaphore, #tpu.memory_space<semaphore_mem>>
        %dma_start3A_172 = arith.constant 0 : i32
        %dma_start3A_173 = arith.constant 0 : i32
        %dma_start3A_174 = tpu.memref_slice %arg18[%dma_start3A_172, %dma_start3A_173] : memref<128x128xf32, #tpu.memory_space<vmem>> -> memref<80x128xf32, #tpu.memory_space<vmem>>
        %dma_start3A_175 = arith.constant 0 : i32
        %dma_start3A_176 = tpu.memref_slice %arg20[%add3A_74, %dma_start3A_175] : memref<10000x128xf32, #tpu.memory_space<vmem_shared>> -> memref<80x128xf32, #tpu.memory_space<vmem_shared>>
        %dma_start3A_177 = arith.constant 0 : i32
        %dma_start3A_178 = tpu.memref_slice %arg20[%add3A_74, %dma_start3A_177] : memref<10000x128xf32, #tpu.memory_space<vmem_shared>> -> memref<80x128xf32, #tpu.memory_space<vmem_shared>>
        %dma_start3A_179 = arith.constant 0 : i32
        %dma_start3A_180 = arith.constant 0 : i32
        %dma_start3A_181 = tpu.memref_slice %arg18[%dma_start3A_179, %dma_start3A_180] : memref<128x128xf32, #tpu.memory_space<vmem>> -> memref<80x128xf32, #tpu.memory_space<vmem>>
        tpu.enqueue_dma source(%dma_start3A_181 : memref<80x128xf32, #tpu.memory_space<vmem>>) target(%dma_start3A_178 : memref<80x128xf32, #tpu.memory_space<vmem_shared>>) target_semaphore(%run_scoped3A_171 : memref<!tpu.dma_semaphore, #tpu.memory_space<semaphore_mem>>)
        %dma_wait3A_182 = arith.constant 0 : i32
        %dma_wait3A_183 = arith.constant 0 : i32
        %dma_wait3A_184 = tpu.memref_slice %arg18[%dma_wait3A_182, %dma_wait3A_183] : memref<128x128xf32, #tpu.memory_space<vmem>> -> memref<80x128xf32, #tpu.memory_space<vmem>>
        %dma_wait3A_185 = arith.constant 0 : i32
        %dma_wait3A_186 = tpu.memref_slice %arg20[%add3A_74, %dma_wait3A_185] : memref<10000x128xf32, #tpu.memory_space<vmem_shared>> -> memref<80x128xf32, #tpu.memory_space<vmem_shared>>
        %dma_wait3A_187 = arith.constant 0 : i32
        %dma_wait3A_188 = tpu.memref_slice %arg20[%add3A_74, %dma_wait3A_187] : memref<10000x128xf32, #tpu.memory_space<vmem_shared>> -> memref<80x128xf32, #tpu.memory_space<vmem_shared>>
        %dma_wait3A_189 = arith.constant 0 : i32
        %dma_wait3A_190 = arith.constant 0 : i32
        %dma_wait3A_191 = tpu.memref_slice %arg18[%dma_wait3A_189, %dma_wait3A_190] : memref<128x128xf32, #tpu.memory_space<vmem>> -> memref<80x128xf32, #tpu.memory_space<vmem>>
        tpu.wait_dma2 semaphore(%run_scoped3A_171 : memref<!tpu.dma_semaphore, #tpu.memory_space<semaphore_mem>>) src(%dma_wait3A_191 : memref<80x128xf32, #tpu.memory_space<vmem>>) dst(%dma_wait3A_188 : memref<80x128xf32, #tpu.memory_space<vmem_shared>>)
        tpu.yield
      }) : () -> ()
      %mul3A_75 = arith.constant 2000 : i32
      %mul3A_76 = arith.muli %arg1, %mul3A_75 : i32
      %add3A_77 = arith.constant 80 : i32
      %add3A_78 = arith.addi %mul3A_76, %add3A_77 : i32
      "tpu.region"() ({
        %run_scoped3A_171 = tpu.sem_alloc : memref<!tpu.dma_semaphore, #tpu.memory_space<semaphore_mem>>
        %dma_start3A_172 = arith.constant 0 : i32
        %dma_start3A_173 = arith.constant 0 : i32
        %dma_start3A_174 = tpu.memref_slice %arg18[%dma_start3A_172, %dma_start3A_173] : memref<128x128xf32, #tpu.memory_space<vmem>> -> memref<80x128xf32, #tpu.memory_space<vmem>>
        %dma_start3A_175 = arith.constant 0 : i32
        %dma_start3A_176 = tpu.memref_slice %arg20[%add3A_78, %dma_start3A_175] : memref<10000x128xf32, #tpu.memory_space<vmem_shared>> -> memref<80x128xf32, #tpu.memory_space<vmem_shared>>
        %dma_start3A_177 = arith.constant 0 : i32
        %dma_start3A_178 = tpu.memref_slice %arg20[%add3A_78, %dma_start3A_177] : memref<10000x128xf32, #tpu.memory_space<vmem_shared>> -> memref<80x128xf32, #tpu.memory_space<vmem_shared>>
        %dma_start3A_179 = arith.constant 0 : i32
        %dma_start3A_180 = arith.constant 0 : i32
        %dma_start3A_181 = tpu.memref_slice %arg18[%dma_start3A_179, %dma_start3A_180] : memref<128x128xf32, #tpu.memory_space<vmem>> -> memref<80x128xf32, #tpu.memory_space<vmem>>
        tpu.enqueue_dma source(%dma_start3A_181 : memref<80x128xf32, #tpu.memory_space<vmem>>) target(%dma_start3A_178 : memref<80x128xf32, #tpu.memory_space<vmem_shared>>) target_semaphore(%run_scoped3A_171 : memref<!tpu.dma_semaphore, #tpu.memory_space<semaphore_mem>>)
        %dma_wait3A_182 = arith.constant 0 : i32
        %dma_wait3A_183 = arith.constant 0 : i32
        %dma_wait3A_184 = tpu.memref_slice %arg18[%dma_wait3A_182, %dma_wait3A_183] : memref<128x128xf32, #tpu.memory_space<vmem>> -> memref<80x128xf32, #tpu.memory_space<vmem>>
        %dma_wait3A_185 = arith.constant 0 : i32
        %dma_wait3A_186 = tpu.memref_slice %arg20[%add3A_78, %dma_wait3A_185] : memref<10000x128xf32, #tpu.memory_space<vmem_shared>> -> memref<80x128xf32, #tpu.memory_space<vmem_shared>>
        %dma_wait3A_187 = arith.constant 0 : i32
        %dma_wait3A_188 = tpu.memref_slice %arg20[%add3A_78, %dma_wait3A_187] : memref<10000x128xf32, #tpu.memory_space<vmem_shared>> -> memref<80x128xf32, #tpu.memory_space<vmem_shared>>
        %dma_wait3A_189 = arith.constant 0 : i32
        %dma_wait3A_190 = arith.constant 0 : i32
        %dma_wait3A_191 = tpu.memref_slice %arg18[%dma_wait3A_189, %dma_wait3A_190] : memref<128x128xf32, #tpu.memory_space<vmem>> -> memref<80x128xf32, #tpu.memory_space<vmem>>
        tpu.wait_dma2 semaphore(%run_scoped3A_171 : memref<!tpu.dma_semaphore, #tpu.memory_space<semaphore_mem>>) src(%dma_wait3A_191 : memref<80x128xf32, #tpu.memory_space<vmem>>) dst(%dma_wait3A_188 : memref<80x128xf32, #tpu.memory_space<vmem_shared>>)
        tpu.yield
      }) : () -> ()
      %mul3A_79 = arith.constant 2000 : i32
      %mul3A_80 = arith.muli %arg1, %mul3A_79 : i32
      %add3A_81 = arith.constant 160 : i32
      %add3A_82 = arith.addi %mul3A_80, %add3A_81 : i32
      "tpu.region"() ({
        %run_scoped3A_171 = tpu.sem_alloc : memref<!tpu.dma_semaphore, #tpu.memory_space<semaphore_mem>>
        %dma_start3A_172 = arith.constant 0 : i32
        %dma_start3A_173 = arith.constant 0 : i32
        %dma_start3A_174 = tpu.memref_slice %arg18[%dma_start3A_172, %dma_start3A_173] : memref<128x128xf32, #tpu.memory_space<vmem>> -> memref<80x128xf32, #tpu.memory_space<vmem>>
        %dma_start3A_175 = arith.constant 0 : i32
        %dma_start3A_176 = tpu.memref_slice %arg20[%add3A_82, %dma_start3A_175] : memref<10000x128xf32, #tpu.memory_space<vmem_shared>> -> memref<80x128xf32, #tpu.memory_space<vmem_shared>>
        %dma_start3A_177 = arith.constant 0 : i32
        %dma_start3A_178 = tpu.memref_slice %arg20[%add3A_82, %dma_start3A_177] : memref<10000x128xf32, #tpu.memory_space<vmem_shared>> -> memref<80x128xf32, #tpu.memory_space<vmem_shared>>
        %dma_start3A_179 = arith.constant 0 : i32
        %dma_start3A_180 = arith.constant 0 : i32
        %dma_start3A_181 = tpu.memref_slice %arg18[%dma_start3A_179, %dma_start3A_180] : memref<128x128xf32, #tpu.memory_space<vmem>> -> memref<80x128xf32, #tpu.memory_space<vmem>>
        tpu.enqueue_dma source(%dma_start3A_181 : memref<80x128xf32, #tpu.memory_space<vmem>>) target(%dma_start3A_178 : memref<80x128xf32, #tpu.memory_space<vmem_shared>>) target_semaphore(%run_scoped3A_171 : memref<!tpu.dma_semaphore, #tpu.memory_space<semaphore_mem>>)
        %dma_wait3A_182 = arith.constant 0 : i32
        %dma_wait3A_183 = arith.constant 0 : i32
        %dma_wait3A_184 = tpu.memref_slice %arg18[%dma_wait3A_182, %dma_wait3A_183] : memref<128x128xf32, #tpu.memory_space<vmem>> -> memref<80x128xf32, #tpu.memory_space<vmem>>
        %dma_wait3A_185 = arith.constant 0 : i32
        %dma_wait3A_186 = tpu.memref_slice %arg20[%add3A_82, %dma_wait3A_185] : memref<10000x128xf32, #tpu.memory_space<vmem_shared>> -> memref<80x128xf32, #tpu.memory_space<vmem_shared>>
        %dma_wait3A_187 = arith.constant 0 : i32
        %dma_wait3A_188 = tpu.memref_slice %arg20[%add3A_82, %dma_wait3A_187] : memref<10000x128xf32, #tpu.memory_space<vmem_shared>> -> memref<80x128xf32, #tpu.memory_space<vmem_shared>>
        %dma_wait3A_189 = arith.constant 0 : i32
        %dma_wait3A_190 = arith.constant 0 : i32
        %dma_wait3A_191 = tpu.memref_slice %arg18[%dma_wait3A_189, %dma_wait3A_190] : memref<128x128xf32, #tpu.memory_space<vmem>> -> memref<80x128xf32, #tpu.memory_space<vmem>>
        tpu.wait_dma2 semaphore(%run_scoped3A_171 : memref<!tpu.dma_semaphore, #tpu.memory_space<semaphore_mem>>) src(%dma_wait3A_191 : memref<80x128xf32, #tpu.memory_space<vmem>>) dst(%dma_wait3A_188 : memref<80x128xf32, #tpu.memory_space<vmem_shared>>)
        tpu.yield
      }) : () -> ()
      %mul3A_83 = arith.constant 2000 : i32
      %mul3A_84 = arith.muli %arg1, %mul3A_83 : i32
      %add3A_85 = arith.constant 240 : i32
      %add3A_86 = arith.addi %mul3A_84, %add3A_85 : i32
      "tpu.region"() ({
        %run_scoped3A_171 = tpu.sem_alloc : memref<!tpu.dma_semaphore, #tpu.memory_space<semaphore_mem>>
        %dma_start3A_172 = arith.constant 0 : i32
        %dma_start3A_173 = arith.constant 0 : i32
        %dma_start3A_174 = tpu.memref_slice %arg18[%dma_start3A_172, %dma_start3A_173] : memref<128x128xf32, #tpu.memory_space<vmem>> -> memref<80x128xf32, #tpu.memory_space<vmem>>
        %dma_start3A_175 = arith.constant 0 : i32
        %dma_start3A_176 = tpu.memref_slice %arg20[%add3A_86, %dma_start3A_175] : memref<10000x128xf32, #tpu.memory_space<vmem_shared>> -> memref<80x128xf32, #tpu.memory_space<vmem_shared>>
        %dma_start3A_177 = arith.constant 0 : i32
        %dma_start3A_178 = tpu.memref_slice %arg20[%add3A_86, %dma_start3A_177] : memref<10000x128xf32, #tpu.memory_space<vmem_shared>> -> memref<80x128xf32, #tpu.memory_space<vmem_shared>>
        %dma_start3A_179 = arith.constant 0 : i32
        %dma_start3A_180 = arith.constant 0 : i32
        %dma_start3A_181 = tpu.memref_slice %arg18[%dma_start3A_179, %dma_start3A_180] : memref<128x128xf32, #tpu.memory_space<vmem>> -> memref<80x128xf32, #tpu.memory_space<vmem>>
        tpu.enqueue_dma source(%dma_start3A_181 : memref<80x128xf32, #tpu.memory_space<vmem>>) target(%dma_start3A_178 : memref<80x128xf32, #tpu.memory_space<vmem_shared>>) target_semaphore(%run_scoped3A_171 : memref<!tpu.dma_semaphore, #tpu.memory_space<semaphore_mem>>)
        %dma_wait3A_182 = arith.constant 0 : i32
        %dma_wait3A_183 = arith.constant 0 : i32
        %dma_wait3A_184 = tpu.memref_slice %arg18[%dma_wait3A_182, %dma_wait3A_183] : memref<128x128xf32, #tpu.memory_space<vmem>> -> memref<80x128xf32, #tpu.memory_space<vmem>>
        %dma_wait3A_185 = arith.constant 0 : i32
        %dma_wait3A_186 = tpu.memref_slice %arg20[%add3A_86, %dma_wait3A_185] : memref<10000x128xf32, #tpu.memory_space<vmem_shared>> -> memref<80x128xf32, #tpu.memory_space<vmem_shared>>
        %dma_wait3A_187 = arith.constant 0 : i32
        %dma_wait3A_188 = tpu.memref_slice %arg20[%add3A_86, %dma_wait3A_187] : memref<10000x128xf32, #tpu.memory_space<vmem_shared>> -> memref<80x128xf32, #tpu.memory_space<vmem_shared>>
        %dma_wait3A_189 = arith.constant 0 : i32
        %dma_wait3A_190 = arith.constant 0 : i32
        %dma_wait3A_191 = tpu.memref_slice %arg18[%dma_wait3A_189, %dma_wait3A_190] : memref<128x128xf32, #tpu.memory_space<vmem>> -> memref<80x128xf32, #tpu.memory_space<vmem>>
        tpu.wait_dma2 semaphore(%run_scoped3A_171 : memref<!tpu.dma_semaphore, #tpu.memory_space<semaphore_mem>>) src(%dma_wait3A_191 : memref<80x128xf32, #tpu.memory_space<vmem>>) dst(%dma_wait3A_188 : memref<80x128xf32, #tpu.memory_space<vmem_shared>>)
        tpu.yield
      }) : () -> ()
      %mul3A_87 = arith.constant 2000 : i32
      %mul3A_88 = arith.muli %arg1, %mul3A_87 : i32
      %add3A_89 = arith.constant 320 : i32
      %add3A_90 = arith.addi %mul3A_88, %add3A_89 : i32
      "tpu.region"() ({
        %run_scoped3A_171 = tpu.sem_alloc : memref<!tpu.dma_semaphore, #tpu.memory_space<semaphore_mem>>
        %dma_start3A_172 = arith.constant 0 : i32
        %dma_start3A_173 = arith.constant 0 : i32
        %dma_start3A_174 = tpu.memref_slice %arg18[%dma_start3A_172, %dma_start3A_173] : memref<128x128xf32, #tpu.memory_space<vmem>> -> memref<80x128xf32, #tpu.memory_space<vmem>>
        %dma_start3A_175 = arith.constant 0 : i32
        %dma_start3A_176 = tpu.memref_slice %arg20[%add3A_90, %dma_start3A_175] : memref<10000x128xf32, #tpu.memory_space<vmem_shared>> -> memref<80x128xf32, #tpu.memory_space<vmem_shared>>
        %dma_start3A_177 = arith.constant 0 : i32
        %dma_start3A_178 = tpu.memref_slice %arg20[%add3A_90, %dma_start3A_177] : memref<10000x128xf32, #tpu.memory_space<vmem_shared>> -> memref<80x128xf32, #tpu.memory_space<vmem_shared>>
        %dma_start3A_179 = arith.constant 0 : i32
        %dma_start3A_180 = arith.constant 0 : i32
        %dma_start3A_181 = tpu.memref_slice %arg18[%dma_start3A_179, %dma_start3A_180] : memref<128x128xf32, #tpu.memory_space<vmem>> -> memref<80x128xf32, #tpu.memory_space<vmem>>
        tpu.enqueue_dma source(%dma_start3A_181 : memref<80x128xf32, #tpu.memory_space<vmem>>) target(%dma_start3A_178 : memref<80x128xf32, #tpu.memory_space<vmem_shared>>) target_semaphore(%run_scoped3A_171 : memref<!tpu.dma_semaphore, #tpu.memory_space<semaphore_mem>>)
        %dma_wait3A_182 = arith.constant 0 : i32
        %dma_wait3A_183 = arith.constant 0 : i32
        %dma_wait3A_184 = tpu.memref_slice %arg18[%dma_wait3A_182, %dma_wait3A_183] : memref<128x128xf32, #tpu.memory_space<vmem>> -> memref<80x128xf32, #tpu.memory_space<vmem>>
        %dma_wait3A_185 = arith.constant 0 : i32
        %dma_wait3A_186 = tpu.memref_slice %arg20[%add3A_90, %dma_wait3A_185] : memref<10000x128xf32, #tpu.memory_space<vmem_shared>> -> memref<80x128xf32, #tpu.memory_space<vmem_shared>>
        %dma_wait3A_187 = arith.constant 0 : i32
        %dma_wait3A_188 = tpu.memref_slice %arg20[%add3A_90, %dma_wait3A_187] : memref<10000x128xf32, #tpu.memory_space<vmem_shared>> -> memref<80x128xf32, #tpu.memory_space<vmem_shared>>
        %dma_wait3A_189 = arith.constant 0 : i32
        %dma_wait3A_190 = arith.constant 0 : i32
        %dma_wait3A_191 = tpu.memref_slice %arg18[%dma_wait3A_189, %dma_wait3A_190] : memref<128x128xf32, #tpu.memory_space<vmem>> -> memref<80x128xf32, #tpu.memory_space<vmem>>
        tpu.wait_dma2 semaphore(%run_scoped3A_171 : memref<!tpu.dma_semaphore, #tpu.memory_space<semaphore_mem>>) src(%dma_wait3A_191 : memref<80x128xf32, #tpu.memory_space<vmem>>) dst(%dma_wait3A_188 : memref<80x128xf32, #tpu.memory_space<vmem_shared>>)
        tpu.yield
      }) : () -> ()
      %mul3A_91 = arith.constant 2000 : i32
      %mul3A_92 = arith.muli %arg1, %mul3A_91 : i32
      %add3A_93 = arith.constant 400 : i32
      %add3A_94 = arith.addi %mul3A_92, %add3A_93 : i32
      "tpu.region"() ({
        %run_scoped3A_171 = tpu.sem_alloc : memref<!tpu.dma_semaphore, #tpu.memory_space<semaphore_mem>>
        %dma_start3A_172 = arith.constant 0 : i32
        %dma_start3A_173 = arith.constant 0 : i32
        %dma_start3A_174 = tpu.memref_slice %arg18[%dma_start3A_172, %dma_start3A_173] : memref<128x128xf32, #tpu.memory_space<vmem>> -> memref<80x128xf32, #tpu.memory_space<vmem>>
        %dma_start3A_175 = arith.constant 0 : i32
        %dma_start3A_176 = tpu.memref_slice %arg20[%add3A_94, %dma_start3A_175] : memref<10000x128xf32, #tpu.memory_space<vmem_shared>> -> memref<80x128xf32, #tpu.memory_space<vmem_shared>>
        %dma_start3A_177 = arith.constant 0 : i32
        %dma_start3A_178 = tpu.memref_slice %arg20[%add3A_94, %dma_start3A_177] : memref<10000x128xf32, #tpu.memory_space<vmem_shared>> -> memref<80x128xf32, #tpu.memory_space<vmem_shared>>
        %dma_start3A_179 = arith.constant 0 : i32
        %dma_start3A_180 = arith.constant 0 : i32
        %dma_start3A_181 = tpu.memref_slice %arg18[%dma_start3A_179, %dma_start3A_180] : memref<128x128xf32, #tpu.memory_space<vmem>> -> memref<80x128xf32, #tpu.memory_space<vmem>>
        tpu.enqueue_dma source(%dma_start3A_181 : memref<80x128xf32, #tpu.memory_space<vmem>>) target(%dma_start3A_178 : memref<80x128xf32, #tpu.memory_space<vmem_shared>>) target_semaphore(%run_scoped3A_171 : memref<!tpu.dma_semaphore, #tpu.memory_space<semaphore_mem>>)
        %dma_wait3A_182 = arith.constant 0 : i32
        %dma_wait3A_183 = arith.constant 0 : i32
        %dma_wait3A_184 = tpu.memref_slice %arg18[%dma_wait3A_182, %dma_wait3A_183] : memref<128x128xf32, #tpu.memory_space<vmem>> -> memref<80x128xf32, #tpu.memory_space<vmem>>
        %dma_wait3A_185 = arith.constant 0 : i32
        %dma_wait3A_186 = tpu.memref_slice %arg20[%add3A_94, %dma_wait3A_185] : memref<10000x128xf32, #tpu.memory_space<vmem_shared>> -> memref<80x128xf32, #tpu.memory_space<vmem_shared>>
        %dma_wait3A_187 = arith.constant 0 : i32
        %dma_wait3A_188 = tpu.memref_slice %arg20[%add3A_94, %dma_wait3A_187] : memref<10000x128xf32, #tpu.memory_space<vmem_shared>> -> memref<80x128xf32, #tpu.memory_space<vmem_shared>>
        %dma_wait3A_189 = arith.constant 0 : i32
        %dma_wait3A_190 = arith.constant 0 : i32
        %dma_wait3A_191 = tpu.memref_slice %arg18[%dma_wait3A_189, %dma_wait3A_190] : memref<128x128xf32, #tpu.memory_space<vmem>> -> memref<80x128xf32, #tpu.memory_space<vmem>>
        tpu.wait_dma2 semaphore(%run_scoped3A_171 : memref<!tpu.dma_semaphore, #tpu.memory_space<semaphore_mem>>) src(%dma_wait3A_191 : memref<80x128xf32, #tpu.memory_space<vmem>>) dst(%dma_wait3A_188 : memref<80x128xf32, #tpu.memory_space<vmem_shared>>)
        tpu.yield
      }) : () -> ()
      %mul3A_95 = arith.constant 2000 : i32
      %mul3A_96 = arith.muli %arg1, %mul3A_95 : i32
      %add3A_97 = arith.constant 480 : i32
      %add3A_98 = arith.addi %mul3A_96, %add3A_97 : i32
      "tpu.region"() ({
        %run_scoped3A_171 = tpu.sem_alloc : memref<!tpu.dma_semaphore, #tpu.memory_space<semaphore_mem>>
        %dma_start3A_172 = arith.constant 0 : i32
        %dma_start3A_173 = arith.constant 0 : i32
        %dma_start3A_174 = tpu.memref_slice %arg18[%dma_start3A_172, %dma_start3A_173] : memref<128x128xf32, #tpu.memory_space<vmem>> -> memref<80x128xf32, #tpu.memory_space<vmem>>
        %dma_start3A_175 = arith.constant 0 : i32
        %dma_start3A_176 = tpu.memref_slice %arg20[%add3A_98, %dma_start3A_175] : memref<10000x128xf32, #tpu.memory_space<vmem_shared>> -> memref<80x128xf32, #tpu.memory_space<vmem_shared>>
        %dma_start3A_177 = arith.constant 0 : i32
        %dma_start3A_178 = tpu.memref_slice %arg20[%add3A_98, %dma_start3A_177] : memref<10000x128xf32, #tpu.memory_space<vmem_shared>> -> memref<80x128xf32, #tpu.memory_space<vmem_shared>>
        %dma_start3A_179 = arith.constant 0 : i32
        %dma_start3A_180 = arith.constant 0 : i32
        %dma_start3A_181 = tpu.memref_slice %arg18[%dma_start3A_179, %dma_start3A_180] : memref<128x128xf32, #tpu.memory_space<vmem>> -> memref<80x128xf32, #tpu.memory_space<vmem>>
        tpu.enqueue_dma source(%dma_start3A_181 : memref<80x128xf32, #tpu.memory_space<vmem>>) target(%dma_start3A_178 : memref<80x128xf32, #tpu.memory_space<vmem_shared>>) target_semaphore(%run_scoped3A_171 : memref<!tpu.dma_semaphore, #tpu.memory_space<semaphore_mem>>)
        %dma_wait3A_182 = arith.constant 0 : i32
        %dma_wait3A_183 = arith.constant 0 : i32
        %dma_wait3A_184 = tpu.memref_slice %arg18[%dma_wait3A_182, %dma_wait3A_183] : memref<128x128xf32, #tpu.memory_space<vmem>> -> memref<80x128xf32, #tpu.memory_space<vmem>>
        %dma_wait3A_185 = arith.constant 0 : i32
        %dma_wait3A_186 = tpu.memref_slice %arg20[%add3A_98, %dma_wait3A_185] : memref<10000x128xf32, #tpu.memory_space<vmem_shared>> -> memref<80x128xf32, #tpu.memory_space<vmem_shared>>
        %dma_wait3A_187 = arith.constant 0 : i32
        %dma_wait3A_188 = tpu.memref_slice %arg20[%add3A_98, %dma_wait3A_187] : memref<10000x128xf32, #tpu.memory_space<vmem_shared>> -> memref<80x128xf32, #tpu.memory_space<vmem_shared>>
        %dma_wait3A_189 = arith.constant 0 : i32
        %dma_wait3A_190 = arith.constant 0 : i32
        %dma_wait3A_191 = tpu.memref_slice %arg18[%dma_wait3A_189, %dma_wait3A_190] : memref<128x128xf32, #tpu.memory_space<vmem>> -> memref<80x128xf32, #tpu.memory_space<vmem>>
        tpu.wait_dma2 semaphore(%run_scoped3A_171 : memref<!tpu.dma_semaphore, #tpu.memory_space<semaphore_mem>>) src(%dma_wait3A_191 : memref<80x128xf32, #tpu.memory_space<vmem>>) dst(%dma_wait3A_188 : memref<80x128xf32, #tpu.memory_space<vmem_shared>>)
        tpu.yield
      }) : () -> ()
      %mul3A_99 = arith.constant 2000 : i32
      %mul3A_100 = arith.muli %arg1, %mul3A_99 : i32
      %add3A_101 = arith.constant 560 : i32
      %add3A_102 = arith.addi %mul3A_100, %add3A_101 : i32
      "tpu.region"() ({
        %run_scoped3A_171 = tpu.sem_alloc : memref<!tpu.dma_semaphore, #tpu.memory_space<semaphore_mem>>
        %dma_start3A_172 = arith.constant 0 : i32
        %dma_start3A_173 = arith.constant 0 : i32
        %dma_start3A_174 = tpu.memref_slice %arg18[%dma_start3A_172, %dma_start3A_173] : memref<128x128xf32, #tpu.memory_space<vmem>> -> memref<80x128xf32, #tpu.memory_space<vmem>>
        %dma_start3A_175 = arith.constant 0 : i32
        %dma_start3A_176 = tpu.memref_slice %arg20[%add3A_102, %dma_start3A_175] : memref<10000x128xf32, #tpu.memory_space<vmem_shared>> -> memref<80x128xf32, #tpu.memory_space<vmem_shared>>
        %dma_start3A_177 = arith.constant 0 : i32
        %dma_start3A_178 = tpu.memref_slice %arg20[%add3A_102, %dma_start3A_177] : memref<10000x128xf32, #tpu.memory_space<vmem_shared>> -> memref<80x128xf32, #tpu.memory_space<vmem_shared>>
        %dma_start3A_179 = arith.constant 0 : i32
        %dma_start3A_180 = arith.constant 0 : i32
        %dma_start3A_181 = tpu.memref_slice %arg18[%dma_start3A_179, %dma_start3A_180] : memref<128x128xf32, #tpu.memory_space<vmem>> -> memref<80x128xf32, #tpu.memory_space<vmem>>
        tpu.enqueue_dma source(%dma_start3A_181 : memref<80x128xf32, #tpu.memory_space<vmem>>) target(%dma_start3A_178 : memref<80x128xf32, #tpu.memory_space<vmem_shared>>) target_semaphore(%run_scoped3A_171 : memref<!tpu.dma_semaphore, #tpu.memory_space<semaphore_mem>>)
        %dma_wait3A_182 = arith.constant 0 : i32
        %dma_wait3A_183 = arith.constant 0 : i32
        %dma_wait3A_184 = tpu.memref_slice %arg18[%dma_wait3A_182, %dma_wait3A_183] : memref<128x128xf32, #tpu.memory_space<vmem>> -> memref<80x128xf32, #tpu.memory_space<vmem>>
        %dma_wait3A_185 = arith.constant 0 : i32
        %dma_wait3A_186 = tpu.memref_slice %arg20[%add3A_102, %dma_wait3A_185] : memref<10000x128xf32, #tpu.memory_space<vmem_shared>> -> memref<80x128xf32, #tpu.memory_space<vmem_shared>>
        %dma_wait3A_187 = arith.constant 0 : i32
        %dma_wait3A_188 = tpu.memref_slice %arg20[%add3A_102, %dma_wait3A_187] : memref<10000x128xf32, #tpu.memory_space<vmem_shared>> -> memref<80x128xf32, #tpu.memory_space<vmem_shared>>
        %dma_wait3A_189 = arith.constant 0 : i32
        %dma_wait3A_190 = arith.constant 0 : i32
        %dma_wait3A_191 = tpu.memref_slice %arg18[%dma_wait3A_189, %dma_wait3A_190] : memref<128x128xf32, #tpu.memory_space<vmem>> -> memref<80x128xf32, #tpu.memory_space<vmem>>
        tpu.wait_dma2 semaphore(%run_scoped3A_171 : memref<!tpu.dma_semaphore, #tpu.memory_space<semaphore_mem>>) src(%dma_wait3A_191 : memref<80x128xf32, #tpu.memory_space<vmem>>) dst(%dma_wait3A_188 : memref<80x128xf32, #tpu.memory_space<vmem_shared>>)
        tpu.yield
      }) : () -> ()
      %mul3A_103 = arith.constant 2000 : i32
      %mul3A_104 = arith.muli %arg1, %mul3A_103 : i32
      %add3A_105 = arith.constant 640 : i32
      %add3A_106 = arith.addi %mul3A_104, %add3A_105 : i32
      "tpu.region"() ({
        %run_scoped3A_171 = tpu.sem_alloc : memref<!tpu.dma_semaphore, #tpu.memory_space<semaphore_mem>>
        %dma_start3A_172 = arith.constant 0 : i32
        %dma_start3A_173 = arith.constant 0 : i32
        %dma_start3A_174 = tpu.memref_slice %arg18[%dma_start3A_172, %dma_start3A_173] : memref<128x128xf32, #tpu.memory_space<vmem>> -> memref<80x128xf32, #tpu.memory_space<vmem>>
        %dma_start3A_175 = arith.constant 0 : i32
        %dma_start3A_176 = tpu.memref_slice %arg20[%add3A_106, %dma_start3A_175] : memref<10000x128xf32, #tpu.memory_space<vmem_shared>> -> memref<80x128xf32, #tpu.memory_space<vmem_shared>>
        %dma_start3A_177 = arith.constant 0 : i32
        %dma_start3A_178 = tpu.memref_slice %arg20[%add3A_106, %dma_start3A_177] : memref<10000x128xf32, #tpu.memory_space<vmem_shared>> -> memref<80x128xf32, #tpu.memory_space<vmem_shared>>
        %dma_start3A_179 = arith.constant 0 : i32
        %dma_start3A_180 = arith.constant 0 : i32
        %dma_start3A_181 = tpu.memref_slice %arg18[%dma_start3A_179, %dma_start3A_180] : memref<128x128xf32, #tpu.memory_space<vmem>> -> memref<80x128xf32, #tpu.memory_space<vmem>>
        tpu.enqueue_dma source(%dma_start3A_181 : memref<80x128xf32, #tpu.memory_space<vmem>>) target(%dma_start3A_178 : memref<80x128xf32, #tpu.memory_space<vmem_shared>>) target_semaphore(%run_scoped3A_171 : memref<!tpu.dma_semaphore, #tpu.memory_space<semaphore_mem>>)
        %dma_wait3A_182 = arith.constant 0 : i32
        %dma_wait3A_183 = arith.constant 0 : i32
        %dma_wait3A_184 = tpu.memref_slice %arg18[%dma_wait3A_182, %dma_wait3A_183] : memref<128x128xf32, #tpu.memory_space<vmem>> -> memref<80x128xf32, #tpu.memory_space<vmem>>
        %dma_wait3A_185 = arith.constant 0 : i32
        %dma_wait3A_186 = tpu.memref_slice %arg20[%add3A_106, %dma_wait3A_185] : memref<10000x128xf32, #tpu.memory_space<vmem_shared>> -> memref<80x128xf32, #tpu.memory_space<vmem_shared>>
        %dma_wait3A_187 = arith.constant 0 : i32
        %dma_wait3A_188 = tpu.memref_slice %arg20[%add3A_106, %dma_wait3A_187] : memref<10000x128xf32, #tpu.memory_space<vmem_shared>> -> memref<80x128xf32, #tpu.memory_space<vmem_shared>>
        %dma_wait3A_189 = arith.constant 0 : i32
        %dma_wait3A_190 = arith.constant 0 : i32
        %dma_wait3A_191 = tpu.memref_slice %arg18[%dma_wait3A_189, %dma_wait3A_190] : memref<128x128xf32, #tpu.memory_space<vmem>> -> memref<80x128xf32, #tpu.memory_space<vmem>>
        tpu.wait_dma2 semaphore(%run_scoped3A_171 : memref<!tpu.dma_semaphore, #tpu.memory_space<semaphore_mem>>) src(%dma_wait3A_191 : memref<80x128xf32, #tpu.memory_space<vmem>>) dst(%dma_wait3A_188 : memref<80x128xf32, #tpu.memory_space<vmem_shared>>)
        tpu.yield
      }) : () -> ()
      %mul3A_107 = arith.constant 2000 : i32
      %mul3A_108 = arith.muli %arg1, %mul3A_107 : i32
      %add3A_109 = arith.constant 720 : i32
      %add3A_110 = arith.addi %mul3A_108, %add3A_109 : i32
      "tpu.region"() ({
        %run_scoped3A_171 = tpu.sem_alloc : memref<!tpu.dma_semaphore, #tpu.memory_space<semaphore_mem>>
        %dma_start3A_172 = arith.constant 0 : i32
        %dma_start3A_173 = arith.constant 0 : i32
        %dma_start3A_174 = tpu.memref_slice %arg18[%dma_start3A_172, %dma_start3A_173] : memref<128x128xf32, #tpu.memory_space<vmem>> -> memref<80x128xf32, #tpu.memory_space<vmem>>
        %dma_start3A_175 = arith.constant 0 : i32
        %dma_start3A_176 = tpu.memref_slice %arg20[%add3A_110, %dma_start3A_175] : memref<10000x128xf32, #tpu.memory_space<vmem_shared>> -> memref<80x128xf32, #tpu.memory_space<vmem_shared>>
        %dma_start3A_177 = arith.constant 0 : i32
        %dma_start3A_178 = tpu.memref_slice %arg20[%add3A_110, %dma_start3A_177] : memref<10000x128xf32, #tpu.memory_space<vmem_shared>> -> memref<80x128xf32, #tpu.memory_space<vmem_shared>>
        %dma_start3A_179 = arith.constant 0 : i32
        %dma_start3A_180 = arith.constant 0 : i32
        %dma_start3A_181 = tpu.memref_slice %arg18[%dma_start3A_179, %dma_start3A_180] : memref<128x128xf32, #tpu.memory_space<vmem>> -> memref<80x128xf32, #tpu.memory_space<vmem>>
        tpu.enqueue_dma source(%dma_start3A_181 : memref<80x128xf32, #tpu.memory_space<vmem>>) target(%dma_start3A_178 : memref<80x128xf32, #tpu.memory_space<vmem_shared>>) target_semaphore(%run_scoped3A_171 : memref<!tpu.dma_semaphore, #tpu.memory_space<semaphore_mem>>)
        %dma_wait3A_182 = arith.constant 0 : i32
        %dma_wait3A_183 = arith.constant 0 : i32
        %dma_wait3A_184 = tpu.memref_slice %arg18[%dma_wait3A_182, %dma_wait3A_183] : memref<128x128xf32, #tpu.memory_space<vmem>> -> memref<80x128xf32, #tpu.memory_space<vmem>>
        %dma_wait3A_185 = arith.constant 0 : i32
        %dma_wait3A_186 = tpu.memref_slice %arg20[%add3A_110, %dma_wait3A_185] : memref<10000x128xf32, #tpu.memory_space<vmem_shared>> -> memref<80x128xf32, #tpu.memory_space<vmem_shared>>
        %dma_wait3A_187 = arith.constant 0 : i32
        %dma_wait3A_188 = tpu.memref_slice %arg20[%add3A_110, %dma_wait3A_187] : memref<10000x128xf32, #tpu.memory_space<vmem_shared>> -> memref<80x128xf32, #tpu.memory_space<vmem_shared>>
        %dma_wait3A_189 = arith.constant 0 : i32
        %dma_wait3A_190 = arith.constant 0 : i32
        %dma_wait3A_191 = tpu.memref_slice %arg18[%dma_wait3A_189, %dma_wait3A_190] : memref<128x128xf32, #tpu.memory_space<vmem>> -> memref<80x128xf32, #tpu.memory_space<vmem>>
        tpu.wait_dma2 semaphore(%run_scoped3A_171 : memref<!tpu.dma_semaphore, #tpu.memory_space<semaphore_mem>>) src(%dma_wait3A_191 : memref<80x128xf32, #tpu.memory_space<vmem>>) dst(%dma_wait3A_188 : memref<80x128xf32, #tpu.memory_space<vmem_shared>>)
        tpu.yield
      }) : () -> ()
      %mul3A_111 = arith.constant 2000 : i32
      %mul3A_112 = arith.muli %arg1, %mul3A_111 : i32
      %add3A_113 = arith.constant 800 : i32
      %add3A_114 = arith.addi %mul3A_112, %add3A_113 : i32
      "tpu.region"() ({
        %run_scoped3A_171 = tpu.sem_alloc : memref<!tpu.dma_semaphore, #tpu.memory_space<semaphore_mem>>
        %dma_start3A_172 = arith.constant 0 : i32
        %dma_start3A_173 = arith.constant 0 : i32
        %dma_start3A_174 = tpu.memref_slice %arg18[%dma_start3A_172, %dma_start3A_173] : memref<128x128xf32, #tpu.memory_space<vmem>> -> memref<80x128xf32, #tpu.memory_space<vmem>>
        %dma_start3A_175 = arith.constant 0 : i32
        %dma_start3A_176 = tpu.memref_slice %arg20[%add3A_114, %dma_start3A_175] : memref<10000x128xf32, #tpu.memory_space<vmem_shared>> -> memref<80x128xf32, #tpu.memory_space<vmem_shared>>
        %dma_start3A_177 = arith.constant 0 : i32
        %dma_start3A_178 = tpu.memref_slice %arg20[%add3A_114, %dma_start3A_177] : memref<10000x128xf32, #tpu.memory_space<vmem_shared>> -> memref<80x128xf32, #tpu.memory_space<vmem_shared>>
        %dma_start3A_179 = arith.constant 0 : i32
        %dma_start3A_180 = arith.constant 0 : i32
        %dma_start3A_181 = tpu.memref_slice %arg18[%dma_start3A_179, %dma_start3A_180] : memref<128x128xf32, #tpu.memory_space<vmem>> -> memref<80x128xf32, #tpu.memory_space<vmem>>
        tpu.enqueue_dma source(%dma_start3A_181 : memref<80x128xf32, #tpu.memory_space<vmem>>) target(%dma_start3A_178 : memref<80x128xf32, #tpu.memory_space<vmem_shared>>) target_semaphore(%run_scoped3A_171 : memref<!tpu.dma_semaphore, #tpu.memory_space<semaphore_mem>>)
        %dma_wait3A_182 = arith.constant 0 : i32
        %dma_wait3A_183 = arith.constant 0 : i32
        %dma_wait3A_184 = tpu.memref_slice %arg18[%dma_wait3A_182, %dma_wait3A_183] : memref<128x128xf32, #tpu.memory_space<vmem>> -> memref<80x128xf32, #tpu.memory_space<vmem>>
        %dma_wait3A_185 = arith.constant 0 : i32
        %dma_wait3A_186 = tpu.memref_slice %arg20[%add3A_114, %dma_wait3A_185] : memref<10000x128xf32, #tpu.memory_space<vmem_shared>> -> memref<80x128xf32, #tpu.memory_space<vmem_shared>>
        %dma_wait3A_187 = arith.constant 0 : i32
        %dma_wait3A_188 = tpu.memref_slice %arg20[%add3A_114, %dma_wait3A_187] : memref<10000x128xf32, #tpu.memory_space<vmem_shared>> -> memref<80x128xf32, #tpu.memory_space<vmem_shared>>
        %dma_wait3A_189 = arith.constant 0 : i32
        %dma_wait3A_190 = arith.constant 0 : i32
        %dma_wait3A_191 = tpu.memref_slice %arg18[%dma_wait3A_189, %dma_wait3A_190] : memref<128x128xf32, #tpu.memory_space<vmem>> -> memref<80x128xf32, #tpu.memory_space<vmem>>
        tpu.wait_dma2 semaphore(%run_scoped3A_171 : memref<!tpu.dma_semaphore, #tpu.memory_space<semaphore_mem>>) src(%dma_wait3A_191 : memref<80x128xf32, #tpu.memory_space<vmem>>) dst(%dma_wait3A_188 : memref<80x128xf32, #tpu.memory_space<vmem_shared>>)
        tpu.yield
      }) : () -> ()
      %mul3A_115 = arith.constant 2000 : i32
      %mul3A_116 = arith.muli %arg1, %mul3A_115 : i32
      %add3A_117 = arith.constant 880 : i32
      %add3A_118 = arith.addi %mul3A_116, %add3A_117 : i32
      "tpu.region"() ({
        %run_scoped3A_171 = tpu.sem_alloc : memref<!tpu.dma_semaphore, #tpu.memory_space<semaphore_mem>>
        %dma_start3A_172 = arith.constant 0 : i32
        %dma_start3A_173 = arith.constant 0 : i32
        %dma_start3A_174 = tpu.memref_slice %arg18[%dma_start3A_172, %dma_start3A_173] : memref<128x128xf32, #tpu.memory_space<vmem>> -> memref<80x128xf32, #tpu.memory_space<vmem>>
        %dma_start3A_175 = arith.constant 0 : i32
        %dma_start3A_176 = tpu.memref_slice %arg20[%add3A_118, %dma_start3A_175] : memref<10000x128xf32, #tpu.memory_space<vmem_shared>> -> memref<80x128xf32, #tpu.memory_space<vmem_shared>>
        %dma_start3A_177 = arith.constant 0 : i32
        %dma_start3A_178 = tpu.memref_slice %arg20[%add3A_118, %dma_start3A_177] : memref<10000x128xf32, #tpu.memory_space<vmem_shared>> -> memref<80x128xf32, #tpu.memory_space<vmem_shared>>
        %dma_start3A_179 = arith.constant 0 : i32
        %dma_start3A_180 = arith.constant 0 : i32
        %dma_start3A_181 = tpu.memref_slice %arg18[%dma_start3A_179, %dma_start3A_180] : memref<128x128xf32, #tpu.memory_space<vmem>> -> memref<80x128xf32, #tpu.memory_space<vmem>>
        tpu.enqueue_dma source(%dma_start3A_181 : memref<80x128xf32, #tpu.memory_space<vmem>>) target(%dma_start3A_178 : memref<80x128xf32, #tpu.memory_space<vmem_shared>>) target_semaphore(%run_scoped3A_171 : memref<!tpu.dma_semaphore, #tpu.memory_space<semaphore_mem>>)
        %dma_wait3A_182 = arith.constant 0 : i32
        %dma_wait3A_183 = arith.constant 0 : i32
        %dma_wait3A_184 = tpu.memref_slice %arg18[%dma_wait3A_182, %dma_wait3A_183] : memref<128x128xf32, #tpu.memory_space<vmem>> -> memref<80x128xf32, #tpu.memory_space<vmem>>
        %dma_wait3A_185 = arith.constant 0 : i32
        %dma_wait3A_186 = tpu.memref_slice %arg20[%add3A_118, %dma_wait3A_185] : memref<10000x128xf32, #tpu.memory_space<vmem_shared>> -> memref<80x128xf32, #tpu.memory_space<vmem_shared>>
        %dma_wait3A_187 = arith.constant 0 : i32
        %dma_wait3A_188 = tpu.memref_slice %arg20[%add3A_118, %dma_wait3A_187] : memref<10000x128xf32, #tpu.memory_space<vmem_shared>> -> memref<80x128xf32, #tpu.memory_space<vmem_shared>>
        %dma_wait3A_189 = arith.constant 0 : i32
        %dma_wait3A_190 = arith.constant 0 : i32
        %dma_wait3A_191 = tpu.memref_slice %arg18[%dma_wait3A_189, %dma_wait3A_190] : memref<128x128xf32, #tpu.memory_space<vmem>> -> memref<80x128xf32, #tpu.memory_space<vmem>>
        tpu.wait_dma2 semaphore(%run_scoped3A_171 : memref<!tpu.dma_semaphore, #tpu.memory_space<semaphore_mem>>) src(%dma_wait3A_191 : memref<80x128xf32, #tpu.memory_space<vmem>>) dst(%dma_wait3A_188 : memref<80x128xf32, #tpu.memory_space<vmem_shared>>)
        tpu.yield
      }) : () -> ()
      %mul3A_119 = arith.constant 2000 : i32
      %mul3A_120 = arith.muli %arg1, %mul3A_119 : i32
      %add3A_121 = arith.constant 960 : i32
      %add3A_122 = arith.addi %mul3A_120, %add3A_121 : i32
      "tpu.region"() ({
        %run_scoped3A_171 = tpu.sem_alloc : memref<!tpu.dma_semaphore, #tpu.memory_space<semaphore_mem>>
        %dma_start3A_172 = arith.constant 0 : i32
        %dma_start3A_173 = arith.constant 0 : i32
        %dma_start3A_174 = tpu.memref_slice %arg18[%dma_start3A_172, %dma_start3A_173] : memref<128x128xf32, #tpu.memory_space<vmem>> -> memref<80x128xf32, #tpu.memory_space<vmem>>
        %dma_start3A_175 = arith.constant 0 : i32
        %dma_start3A_176 = tpu.memref_slice %arg20[%add3A_122, %dma_start3A_175] : memref<10000x128xf32, #tpu.memory_space<vmem_shared>> -> memref<80x128xf32, #tpu.memory_space<vmem_shared>>
        %dma_start3A_177 = arith.constant 0 : i32
        %dma_start3A_178 = tpu.memref_slice %arg20[%add3A_122, %dma_start3A_177] : memref<10000x128xf32, #tpu.memory_space<vmem_shared>> -> memref<80x128xf32, #tpu.memory_space<vmem_shared>>
        %dma_start3A_179 = arith.constant 0 : i32
        %dma_start3A_180 = arith.constant 0 : i32
        %dma_start3A_181 = tpu.memref_slice %arg18[%dma_start3A_179, %dma_start3A_180] : memref<128x128xf32, #tpu.memory_space<vmem>> -> memref<80x128xf32, #tpu.memory_space<vmem>>
        tpu.enqueue_dma source(%dma_start3A_181 : memref<80x128xf32, #tpu.memory_space<vmem>>) target(%dma_start3A_178 : memref<80x128xf32, #tpu.memory_space<vmem_shared>>) target_semaphore(%run_scoped3A_171 : memref<!tpu.dma_semaphore, #tpu.memory_space<semaphore_mem>>)
        %dma_wait3A_182 = arith.constant 0 : i32
        %dma_wait3A_183 = arith.constant 0 : i32
        %dma_wait3A_184 = tpu.memref_slice %arg18[%dma_wait3A_182, %dma_wait3A_183] : memref<128x128xf32, #tpu.memory_space<vmem>> -> memref<80x128xf32, #tpu.memory_space<vmem>>
        %dma_wait3A_185 = arith.constant 0 : i32
        %dma_wait3A_186 = tpu.memref_slice %arg20[%add3A_122, %dma_wait3A_185] : memref<10000x128xf32, #tpu.memory_space<vmem_shared>> -> memref<80x128xf32, #tpu.memory_space<vmem_shared>>
        %dma_wait3A_187 = arith.constant 0 : i32
        %dma_wait3A_188 = tpu.memref_slice %arg20[%add3A_122, %dma_wait3A_187] : memref<10000x128xf32, #tpu.memory_space<vmem_shared>> -> memref<80x128xf32, #tpu.memory_space<vmem_shared>>
        %dma_wait3A_189 = arith.constant 0 : i32
        %dma_wait3A_190 = arith.constant 0 : i32
        %dma_wait3A_191 = tpu.memref_slice %arg18[%dma_wait3A_189, %dma_wait3A_190] : memref<128x128xf32, #tpu.memory_space<vmem>> -> memref<80x128xf32, #tpu.memory_space<vmem>>
        tpu.wait_dma2 semaphore(%run_scoped3A_171 : memref<!tpu.dma_semaphore, #tpu.memory_space<semaphore_mem>>) src(%dma_wait3A_191 : memref<80x128xf32, #tpu.memory_space<vmem>>) dst(%dma_wait3A_188 : memref<80x128xf32, #tpu.memory_space<vmem_shared>>)
        tpu.yield
      }) : () -> ()
      %mul3A_123 = arith.constant 2000 : i32
      %mul3A_124 = arith.muli %arg1, %mul3A_123 : i32
      %add3A_125 = arith.constant 1040 : i32
      %add3A_126 = arith.addi %mul3A_124, %add3A_125 : i32
      "tpu.region"() ({
        %run_scoped3A_171 = tpu.sem_alloc : memref<!tpu.dma_semaphore, #tpu.memory_space<semaphore_mem>>
        %dma_start3A_172 = arith.constant 0 : i32
        %dma_start3A_173 = arith.constant 0 : i32
        %dma_start3A_174 = tpu.memref_slice %arg18[%dma_start3A_172, %dma_start3A_173] : memref<128x128xf32, #tpu.memory_space<vmem>> -> memref<80x128xf32, #tpu.memory_space<vmem>>
        %dma_start3A_175 = arith.constant 0 : i32
        %dma_start3A_176 = tpu.memref_slice %arg20[%add3A_126, %dma_start3A_175] : memref<10000x128xf32, #tpu.memory_space<vmem_shared>> -> memref<80x128xf32, #tpu.memory_space<vmem_shared>>
        %dma_start3A_177 = arith.constant 0 : i32
        %dma_start3A_178 = tpu.memref_slice %arg20[%add3A_126, %dma_start3A_177] : memref<10000x128xf32, #tpu.memory_space<vmem_shared>> -> memref<80x128xf32, #tpu.memory_space<vmem_shared>>
        %dma_start3A_179 = arith.constant 0 : i32
        %dma_start3A_180 = arith.constant 0 : i32
        %dma_start3A_181 = tpu.memref_slice %arg18[%dma_start3A_179, %dma_start3A_180] : memref<128x128xf32, #tpu.memory_space<vmem>> -> memref<80x128xf32, #tpu.memory_space<vmem>>
        tpu.enqueue_dma source(%dma_start3A_181 : memref<80x128xf32, #tpu.memory_space<vmem>>) target(%dma_start3A_178 : memref<80x128xf32, #tpu.memory_space<vmem_shared>>) target_semaphore(%run_scoped3A_171 : memref<!tpu.dma_semaphore, #tpu.memory_space<semaphore_mem>>)
        %dma_wait3A_182 = arith.constant 0 : i32
        %dma_wait3A_183 = arith.constant 0 : i32
        %dma_wait3A_184 = tpu.memref_slice %arg18[%dma_wait3A_182, %dma_wait3A_183] : memref<128x128xf32, #tpu.memory_space<vmem>> -> memref<80x128xf32, #tpu.memory_space<vmem>>
        %dma_wait3A_185 = arith.constant 0 : i32
        %dma_wait3A_186 = tpu.memref_slice %arg20[%add3A_126, %dma_wait3A_185] : memref<10000x128xf32, #tpu.memory_space<vmem_shared>> -> memref<80x128xf32, #tpu.memory_space<vmem_shared>>
        %dma_wait3A_187 = arith.constant 0 : i32
        %dma_wait3A_188 = tpu.memref_slice %arg20[%add3A_126, %dma_wait3A_187] : memref<10000x128xf32, #tpu.memory_space<vmem_shared>> -> memref<80x128xf32, #tpu.memory_space<vmem_shared>>
        %dma_wait3A_189 = arith.constant 0 : i32
        %dma_wait3A_190 = arith.constant 0 : i32
        %dma_wait3A_191 = tpu.memref_slice %arg18[%dma_wait3A_189, %dma_wait3A_190] : memref<128x128xf32, #tpu.memory_space<vmem>> -> memref<80x128xf32, #tpu.memory_space<vmem>>
        tpu.wait_dma2 semaphore(%run_scoped3A_171 : memref<!tpu.dma_semaphore, #tpu.memory_space<semaphore_mem>>) src(%dma_wait3A_191 : memref<80x128xf32, #tpu.memory_space<vmem>>) dst(%dma_wait3A_188 : memref<80x128xf32, #tpu.memory_space<vmem_shared>>)
        tpu.yield
      }) : () -> ()
      %mul3A_127 = arith.constant 2000 : i32
      %mul3A_128 = arith.muli %arg1, %mul3A_127 : i32
      %add3A_129 = arith.constant 1120 : i32
      %add3A_130 = arith.addi %mul3A_128, %add3A_129 : i32
      "tpu.region"() ({
        %run_scoped3A_171 = tpu.sem_alloc : memref<!tpu.dma_semaphore, #tpu.memory_space<semaphore_mem>>
        %dma_start3A_172 = arith.constant 0 : i32
        %dma_start3A_173 = arith.constant 0 : i32
        %dma_start3A_174 = tpu.memref_slice %arg18[%dma_start3A_172, %dma_start3A_173] : memref<128x128xf32, #tpu.memory_space<vmem>> -> memref<80x128xf32, #tpu.memory_space<vmem>>
        %dma_start3A_175 = arith.constant 0 : i32
        %dma_start3A_176 = tpu.memref_slice %arg20[%add3A_130, %dma_start3A_175] : memref<10000x128xf32, #tpu.memory_space<vmem_shared>> -> memref<80x128xf32, #tpu.memory_space<vmem_shared>>
        %dma_start3A_177 = arith.constant 0 : i32
        %dma_start3A_178 = tpu.memref_slice %arg20[%add3A_130, %dma_start3A_177] : memref<10000x128xf32, #tpu.memory_space<vmem_shared>> -> memref<80x128xf32, #tpu.memory_space<vmem_shared>>
        %dma_start3A_179 = arith.constant 0 : i32
        %dma_start3A_180 = arith.constant 0 : i32
        %dma_start3A_181 = tpu.memref_slice %arg18[%dma_start3A_179, %dma_start3A_180] : memref<128x128xf32, #tpu.memory_space<vmem>> -> memref<80x128xf32, #tpu.memory_space<vmem>>
        tpu.enqueue_dma source(%dma_start3A_181 : memref<80x128xf32, #tpu.memory_space<vmem>>) target(%dma_start3A_178 : memref<80x128xf32, #tpu.memory_space<vmem_shared>>) target_semaphore(%run_scoped3A_171 : memref<!tpu.dma_semaphore, #tpu.memory_space<semaphore_mem>>)
        %dma_wait3A_182 = arith.constant 0 : i32
        %dma_wait3A_183 = arith.constant 0 : i32
        %dma_wait3A_184 = tpu.memref_slice %arg18[%dma_wait3A_182, %dma_wait3A_183] : memref<128x128xf32, #tpu.memory_space<vmem>> -> memref<80x128xf32, #tpu.memory_space<vmem>>
        %dma_wait3A_185 = arith.constant 0 : i32
        %dma_wait3A_186 = tpu.memref_slice %arg20[%add3A_130, %dma_wait3A_185] : memref<10000x128xf32, #tpu.memory_space<vmem_shared>> -> memref<80x128xf32, #tpu.memory_space<vmem_shared>>
        %dma_wait3A_187 = arith.constant 0 : i32
        %dma_wait3A_188 = tpu.memref_slice %arg20[%add3A_130, %dma_wait3A_187] : memref<10000x128xf32, #tpu.memory_space<vmem_shared>> -> memref<80x128xf32, #tpu.memory_space<vmem_shared>>
        %dma_wait3A_189 = arith.constant 0 : i32
        %dma_wait3A_190 = arith.constant 0 : i32
        %dma_wait3A_191 = tpu.memref_slice %arg18[%dma_wait3A_189, %dma_wait3A_190] : memref<128x128xf32, #tpu.memory_space<vmem>> -> memref<80x128xf32, #tpu.memory_space<vmem>>
        tpu.wait_dma2 semaphore(%run_scoped3A_171 : memref<!tpu.dma_semaphore, #tpu.memory_space<semaphore_mem>>) src(%dma_wait3A_191 : memref<80x128xf32, #tpu.memory_space<vmem>>) dst(%dma_wait3A_188 : memref<80x128xf32, #tpu.memory_space<vmem_shared>>)
        tpu.yield
      }) : () -> ()
      %mul3A_131 = arith.constant 2000 : i32
      %mul3A_132 = arith.muli %arg1, %mul3A_131 : i32
      %add3A_133 = arith.constant 1200 : i32
      %add3A_134 = arith.addi %mul3A_132, %add3A_133 : i32
      "tpu.region"() ({
        %run_scoped3A_171 = tpu.sem_alloc : memref<!tpu.dma_semaphore, #tpu.memory_space<semaphore_mem>>
        %dma_start3A_172 = arith.constant 0 : i32
        %dma_start3A_173 = arith.constant 0 : i32
        %dma_start3A_174 = tpu.memref_slice %arg18[%dma_start3A_172, %dma_start3A_173] : memref<128x128xf32, #tpu.memory_space<vmem>> -> memref<80x128xf32, #tpu.memory_space<vmem>>
        %dma_start3A_175 = arith.constant 0 : i32
        %dma_start3A_176 = tpu.memref_slice %arg20[%add3A_134, %dma_start3A_175] : memref<10000x128xf32, #tpu.memory_space<vmem_shared>> -> memref<80x128xf32, #tpu.memory_space<vmem_shared>>
        %dma_start3A_177 = arith.constant 0 : i32
        %dma_start3A_178 = tpu.memref_slice %arg20[%add3A_134, %dma_start3A_177] : memref<10000x128xf32, #tpu.memory_space<vmem_shared>> -> memref<80x128xf32, #tpu.memory_space<vmem_shared>>
        %dma_start3A_179 = arith.constant 0 : i32
        %dma_start3A_180 = arith.constant 0 : i32
        %dma_start3A_181 = tpu.memref_slice %arg18[%dma_start3A_179, %dma_start3A_180] : memref<128x128xf32, #tpu.memory_space<vmem>> -> memref<80x128xf32, #tpu.memory_space<vmem>>
        tpu.enqueue_dma source(%dma_start3A_181 : memref<80x128xf32, #tpu.memory_space<vmem>>) target(%dma_start3A_178 : memref<80x128xf32, #tpu.memory_space<vmem_shared>>) target_semaphore(%run_scoped3A_171 : memref<!tpu.dma_semaphore, #tpu.memory_space<semaphore_mem>>)
        %dma_wait3A_182 = arith.constant 0 : i32
        %dma_wait3A_183 = arith.constant 0 : i32
        %dma_wait3A_184 = tpu.memref_slice %arg18[%dma_wait3A_182, %dma_wait3A_183] : memref<128x128xf32, #tpu.memory_space<vmem>> -> memref<80x128xf32, #tpu.memory_space<vmem>>
        %dma_wait3A_185 = arith.constant 0 : i32
        %dma_wait3A_186 = tpu.memref_slice %arg20[%add3A_134, %dma_wait3A_185] : memref<10000x128xf32, #tpu.memory_space<vmem_shared>> -> memref<80x128xf32, #tpu.memory_space<vmem_shared>>
        %dma_wait3A_187 = arith.constant 0 : i32
        %dma_wait3A_188 = tpu.memref_slice %arg20[%add3A_134, %dma_wait3A_187] : memref<10000x128xf32, #tpu.memory_space<vmem_shared>> -> memref<80x128xf32, #tpu.memory_space<vmem_shared>>
        %dma_wait3A_189 = arith.constant 0 : i32
        %dma_wait3A_190 = arith.constant 0 : i32
        %dma_wait3A_191 = tpu.memref_slice %arg18[%dma_wait3A_189, %dma_wait3A_190] : memref<128x128xf32, #tpu.memory_space<vmem>> -> memref<80x128xf32, #tpu.memory_space<vmem>>
        tpu.wait_dma2 semaphore(%run_scoped3A_171 : memref<!tpu.dma_semaphore, #tpu.memory_space<semaphore_mem>>) src(%dma_wait3A_191 : memref<80x128xf32, #tpu.memory_space<vmem>>) dst(%dma_wait3A_188 : memref<80x128xf32, #tpu.memory_space<vmem_shared>>)
        tpu.yield
      }) : () -> ()
      %mul3A_135 = arith.constant 2000 : i32
      %mul3A_136 = arith.muli %arg1, %mul3A_135 : i32
      %add3A_137 = arith.constant 1280 : i32
      %add3A_138 = arith.addi %mul3A_136, %add3A_137 : i32
      "tpu.region"() ({
        %run_scoped3A_171 = tpu.sem_alloc : memref<!tpu.dma_semaphore, #tpu.memory_space<semaphore_mem>>
        %dma_start3A_172 = arith.constant 0 : i32
        %dma_start3A_173 = arith.constant 0 : i32
        %dma_start3A_174 = tpu.memref_slice %arg18[%dma_start3A_172, %dma_start3A_173] : memref<128x128xf32, #tpu.memory_space<vmem>> -> memref<80x128xf32, #tpu.memory_space<vmem>>
        %dma_start3A_175 = arith.constant 0 : i32
        %dma_start3A_176 = tpu.memref_slice %arg20[%add3A_138, %dma_start3A_175] : memref<10000x128xf32, #tpu.memory_space<vmem_shared>> -> memref<80x128xf32, #tpu.memory_space<vmem_shared>>
        %dma_start3A_177 = arith.constant 0 : i32
        %dma_start3A_178 = tpu.memref_slice %arg20[%add3A_138, %dma_start3A_177] : memref<10000x128xf32, #tpu.memory_space<vmem_shared>> -> memref<80x128xf32, #tpu.memory_space<vmem_shared>>
        %dma_start3A_179 = arith.constant 0 : i32
        %dma_start3A_180 = arith.constant 0 : i32
        %dma_start3A_181 = tpu.memref_slice %arg18[%dma_start3A_179, %dma_start3A_180] : memref<128x128xf32, #tpu.memory_space<vmem>> -> memref<80x128xf32, #tpu.memory_space<vmem>>
        tpu.enqueue_dma source(%dma_start3A_181 : memref<80x128xf32, #tpu.memory_space<vmem>>) target(%dma_start3A_178 : memref<80x128xf32, #tpu.memory_space<vmem_shared>>) target_semaphore(%run_scoped3A_171 : memref<!tpu.dma_semaphore, #tpu.memory_space<semaphore_mem>>)
        %dma_wait3A_182 = arith.constant 0 : i32
        %dma_wait3A_183 = arith.constant 0 : i32
        %dma_wait3A_184 = tpu.memref_slice %arg18[%dma_wait3A_182, %dma_wait3A_183] : memref<128x128xf32, #tpu.memory_space<vmem>> -> memref<80x128xf32, #tpu.memory_space<vmem>>
        %dma_wait3A_185 = arith.constant 0 : i32
        %dma_wait3A_186 = tpu.memref_slice %arg20[%add3A_138, %dma_wait3A_185] : memref<10000x128xf32, #tpu.memory_space<vmem_shared>> -> memref<80x128xf32, #tpu.memory_space<vmem_shared>>
        %dma_wait3A_187 = arith.constant 0 : i32
        %dma_wait3A_188 = tpu.memref_slice %arg20[%add3A_138, %dma_wait3A_187] : memref<10000x128xf32, #tpu.memory_space<vmem_shared>> -> memref<80x128xf32, #tpu.memory_space<vmem_shared>>
        %dma_wait3A_189 = arith.constant 0 : i32
        %dma_wait3A_190 = arith.constant 0 : i32
        %dma_wait3A_191 = tpu.memref_slice %arg18[%dma_wait3A_189, %dma_wait3A_190] : memref<128x128xf32, #tpu.memory_space<vmem>> -> memref<80x128xf32, #tpu.memory_space<vmem>>
        tpu.wait_dma2 semaphore(%run_scoped3A_171 : memref<!tpu.dma_semaphore, #tpu.memory_space<semaphore_mem>>) src(%dma_wait3A_191 : memref<80x128xf32, #tpu.memory_space<vmem>>) dst(%dma_wait3A_188 : memref<80x128xf32, #tpu.memory_space<vmem_shared>>)
        tpu.yield
      }) : () -> ()
      %mul3A_139 = arith.constant 2000 : i32
      %mul3A_140 = arith.muli %arg1, %mul3A_139 : i32
      %add3A_141 = arith.constant 1360 : i32
      %add3A_142 = arith.addi %mul3A_140, %add3A_141 : i32
      "tpu.region"() ({
        %run_scoped3A_171 = tpu.sem_alloc : memref<!tpu.dma_semaphore, #tpu.memory_space<semaphore_mem>>
        %dma_start3A_172 = arith.constant 0 : i32
        %dma_start3A_173 = arith.constant 0 : i32
        %dma_start3A_174 = tpu.memref_slice %arg18[%dma_start3A_172, %dma_start3A_173] : memref<128x128xf32, #tpu.memory_space<vmem>> -> memref<80x128xf32, #tpu.memory_space<vmem>>
        %dma_start3A_175 = arith.constant 0 : i32
        %dma_start3A_176 = tpu.memref_slice %arg20[%add3A_142, %dma_start3A_175] : memref<10000x128xf32, #tpu.memory_space<vmem_shared>> -> memref<80x128xf32, #tpu.memory_space<vmem_shared>>
        %dma_start3A_177 = arith.constant 0 : i32
        %dma_start3A_178 = tpu.memref_slice %arg20[%add3A_142, %dma_start3A_177] : memref<10000x128xf32, #tpu.memory_space<vmem_shared>> -> memref<80x128xf32, #tpu.memory_space<vmem_shared>>
        %dma_start3A_179 = arith.constant 0 : i32
        %dma_start3A_180 = arith.constant 0 : i32
        %dma_start3A_181 = tpu.memref_slice %arg18[%dma_start3A_179, %dma_start3A_180] : memref<128x128xf32, #tpu.memory_space<vmem>> -> memref<80x128xf32, #tpu.memory_space<vmem>>
        tpu.enqueue_dma source(%dma_start3A_181 : memref<80x128xf32, #tpu.memory_space<vmem>>) target(%dma_start3A_178 : memref<80x128xf32, #tpu.memory_space<vmem_shared>>) target_semaphore(%run_scoped3A_171 : memref<!tpu.dma_semaphore, #tpu.memory_space<semaphore_mem>>)
        %dma_wait3A_182 = arith.constant 0 : i32
        %dma_wait3A_183 = arith.constant 0 : i32
        %dma_wait3A_184 = tpu.memref_slice %arg18[%dma_wait3A_182, %dma_wait3A_183] : memref<128x128xf32, #tpu.memory_space<vmem>> -> memref<80x128xf32, #tpu.memory_space<vmem>>
        %dma_wait3A_185 = arith.constant 0 : i32
        %dma_wait3A_186 = tpu.memref_slice %arg20[%add3A_142, %dma_wait3A_185] : memref<10000x128xf32, #tpu.memory_space<vmem_shared>> -> memref<80x128xf32, #tpu.memory_space<vmem_shared>>
        %dma_wait3A_187 = arith.constant 0 : i32
        %dma_wait3A_188 = tpu.memref_slice %arg20[%add3A_142, %dma_wait3A_187] : memref<10000x128xf32, #tpu.memory_space<vmem_shared>> -> memref<80x128xf32, #tpu.memory_space<vmem_shared>>
        %dma_wait3A_189 = arith.constant 0 : i32
        %dma_wait3A_190 = arith.constant 0 : i32
        %dma_wait3A_191 = tpu.memref_slice %arg18[%dma_wait3A_189, %dma_wait3A_190] : memref<128x128xf32, #tpu.memory_space<vmem>> -> memref<80x128xf32, #tpu.memory_space<vmem>>
        tpu.wait_dma2 semaphore(%run_scoped3A_171 : memref<!tpu.dma_semaphore, #tpu.memory_space<semaphore_mem>>) src(%dma_wait3A_191 : memref<80x128xf32, #tpu.memory_space<vmem>>) dst(%dma_wait3A_188 : memref<80x128xf32, #tpu.memory_space<vmem_shared>>)
        tpu.yield
      }) : () -> ()
      %mul3A_143 = arith.constant 2000 : i32
      %mul3A_144 = arith.muli %arg1, %mul3A_143 : i32
      %add3A_145 = arith.constant 1440 : i32
      %add3A_146 = arith.addi %mul3A_144, %add3A_145 : i32
      "tpu.region"() ({
        %run_scoped3A_171 = tpu.sem_alloc : memref<!tpu.dma_semaphore, #tpu.memory_space<semaphore_mem>>
        %dma_start3A_172 = arith.constant 0 : i32
        %dma_start3A_173 = arith.constant 0 : i32
        %dma_start3A_174 = tpu.memref_slice %arg18[%dma_start3A_172, %dma_start3A_173] : memref<128x128xf32, #tpu.memory_space<vmem>> -> memref<80x128xf32, #tpu.memory_space<vmem>>
        %dma_start3A_175 = arith.constant 0 : i32
        %dma_start3A_176 = tpu.memref_slice %arg20[%add3A_146, %dma_start3A_175] : memref<10000x128xf32, #tpu.memory_space<vmem_shared>> -> memref<80x128xf32, #tpu.memory_space<vmem_shared>>
        %dma_start3A_177 = arith.constant 0 : i32
        %dma_start3A_178 = tpu.memref_slice %arg20[%add3A_146, %dma_start3A_177] : memref<10000x128xf32, #tpu.memory_space<vmem_shared>> -> memref<80x128xf32, #tpu.memory_space<vmem_shared>>
        %dma_start3A_179 = arith.constant 0 : i32
        %dma_start3A_180 = arith.constant 0 : i32
        %dma_start3A_181 = tpu.memref_slice %arg18[%dma_start3A_179, %dma_start3A_180] : memref<128x128xf32, #tpu.memory_space<vmem>> -> memref<80x128xf32, #tpu.memory_space<vmem>>
        tpu.enqueue_dma source(%dma_start3A_181 : memref<80x128xf32, #tpu.memory_space<vmem>>) target(%dma_start3A_178 : memref<80x128xf32, #tpu.memory_space<vmem_shared>>) target_semaphore(%run_scoped3A_171 : memref<!tpu.dma_semaphore, #tpu.memory_space<semaphore_mem>>)
        %dma_wait3A_182 = arith.constant 0 : i32
        %dma_wait3A_183 = arith.constant 0 : i32
        %dma_wait3A_184 = tpu.memref_slice %arg18[%dma_wait3A_182, %dma_wait3A_183] : memref<128x128xf32, #tpu.memory_space<vmem>> -> memref<80x128xf32, #tpu.memory_space<vmem>>
        %dma_wait3A_185 = arith.constant 0 : i32
        %dma_wait3A_186 = tpu.memref_slice %arg20[%add3A_146, %dma_wait3A_185] : memref<10000x128xf32, #tpu.memory_space<vmem_shared>> -> memref<80x128xf32, #tpu.memory_space<vmem_shared>>
        %dma_wait3A_187 = arith.constant 0 : i32
        %dma_wait3A_188 = tpu.memref_slice %arg20[%add3A_146, %dma_wait3A_187] : memref<10000x128xf32, #tpu.memory_space<vmem_shared>> -> memref<80x128xf32, #tpu.memory_space<vmem_shared>>
        %dma_wait3A_189 = arith.constant 0 : i32
        %dma_wait3A_190 = arith.constant 0 : i32
        %dma_wait3A_191 = tpu.memref_slice %arg18[%dma_wait3A_189, %dma_wait3A_190] : memref<128x128xf32, #tpu.memory_space<vmem>> -> memref<80x128xf32, #tpu.memory_space<vmem>>
        tpu.wait_dma2 semaphore(%run_scoped3A_171 : memref<!tpu.dma_semaphore, #tpu.memory_space<semaphore_mem>>) src(%dma_wait3A_191 : memref<80x128xf32, #tpu.memory_space<vmem>>) dst(%dma_wait3A_188 : memref<80x128xf32, #tpu.memory_space<vmem_shared>>)
        tpu.yield
      }) : () -> ()
      %mul3A_147 = arith.constant 2000 : i32
      %mul3A_148 = arith.muli %arg1, %mul3A_147 : i32
      %add3A_149 = arith.constant 1520 : i32
      %add3A_150 = arith.addi %mul3A_148, %add3A_149 : i32
      "tpu.region"() ({
        %run_scoped3A_171 = tpu.sem_alloc : memref<!tpu.dma_semaphore, #tpu.memory_space<semaphore_mem>>
        %dma_start3A_172 = arith.constant 0 : i32
        %dma_start3A_173 = arith.constant 0 : i32
        %dma_start3A_174 = tpu.memref_slice %arg18[%dma_start3A_172, %dma_start3A_173] : memref<128x128xf32, #tpu.memory_space<vmem>> -> memref<80x128xf32, #tpu.memory_space<vmem>>
        %dma_start3A_175 = arith.constant 0 : i32
        %dma_start3A_176 = tpu.memref_slice %arg20[%add3A_150, %dma_start3A_175] : memref<10000x128xf32, #tpu.memory_space<vmem_shared>> -> memref<80x128xf32, #tpu.memory_space<vmem_shared>>
        %dma_start3A_177 = arith.constant 0 : i32
        %dma_start3A_178 = tpu.memref_slice %arg20[%add3A_150, %dma_start3A_177] : memref<10000x128xf32, #tpu.memory_space<vmem_shared>> -> memref<80x128xf32, #tpu.memory_space<vmem_shared>>
        %dma_start3A_179 = arith.constant 0 : i32
        %dma_start3A_180 = arith.constant 0 : i32
        %dma_start3A_181 = tpu.memref_slice %arg18[%dma_start3A_179, %dma_start3A_180] : memref<128x128xf32, #tpu.memory_space<vmem>> -> memref<80x128xf32, #tpu.memory_space<vmem>>
        tpu.enqueue_dma source(%dma_start3A_181 : memref<80x128xf32, #tpu.memory_space<vmem>>) target(%dma_start3A_178 : memref<80x128xf32, #tpu.memory_space<vmem_shared>>) target_semaphore(%run_scoped3A_171 : memref<!tpu.dma_semaphore, #tpu.memory_space<semaphore_mem>>)
        %dma_wait3A_182 = arith.constant 0 : i32
        %dma_wait3A_183 = arith.constant 0 : i32
        %dma_wait3A_184 = tpu.memref_slice %arg18[%dma_wait3A_182, %dma_wait3A_183] : memref<128x128xf32, #tpu.memory_space<vmem>> -> memref<80x128xf32, #tpu.memory_space<vmem>>
        %dma_wait3A_185 = arith.constant 0 : i32
        %dma_wait3A_186 = tpu.memref_slice %arg20[%add3A_150, %dma_wait3A_185] : memref<10000x128xf32, #tpu.memory_space<vmem_shared>> -> memref<80x128xf32, #tpu.memory_space<vmem_shared>>
        %dma_wait3A_187 = arith.constant 0 : i32
        %dma_wait3A_188 = tpu.memref_slice %arg20[%add3A_150, %dma_wait3A_187] : memref<10000x128xf32, #tpu.memory_space<vmem_shared>> -> memref<80x128xf32, #tpu.memory_space<vmem_shared>>
        %dma_wait3A_189 = arith.constant 0 : i32
        %dma_wait3A_190 = arith.constant 0 : i32
        %dma_wait3A_191 = tpu.memref_slice %arg18[%dma_wait3A_189, %dma_wait3A_190] : memref<128x128xf32, #tpu.memory_space<vmem>> -> memref<80x128xf32, #tpu.memory_space<vmem>>
        tpu.wait_dma2 semaphore(%run_scoped3A_171 : memref<!tpu.dma_semaphore, #tpu.memory_space<semaphore_mem>>) src(%dma_wait3A_191 : memref<80x128xf32, #tpu.memory_space<vmem>>) dst(%dma_wait3A_188 : memref<80x128xf32, #tpu.memory_space<vmem_shared>>)
        tpu.yield
      }) : () -> ()
      %mul3A_151 = arith.constant 2000 : i32
      %mul3A_152 = arith.muli %arg1, %mul3A_151 : i32
      %add3A_153 = arith.constant 1600 : i32
      %add3A_154 = arith.addi %mul3A_152, %add3A_153 : i32
      "tpu.region"() ({
        %run_scoped3A_171 = tpu.sem_alloc : memref<!tpu.dma_semaphore, #tpu.memory_space<semaphore_mem>>
        %dma_start3A_172 = arith.constant 0 : i32
        %dma_start3A_173 = arith.constant 0 : i32
        %dma_start3A_174 = tpu.memref_slice %arg18[%dma_start3A_172, %dma_start3A_173] : memref<128x128xf32, #tpu.memory_space<vmem>> -> memref<80x128xf32, #tpu.memory_space<vmem>>
        %dma_start3A_175 = arith.constant 0 : i32
        %dma_start3A_176 = tpu.memref_slice %arg20[%add3A_154, %dma_start3A_175] : memref<10000x128xf32, #tpu.memory_space<vmem_shared>> -> memref<80x128xf32, #tpu.memory_space<vmem_shared>>
        %dma_start3A_177 = arith.constant 0 : i32
        %dma_start3A_178 = tpu.memref_slice %arg20[%add3A_154, %dma_start3A_177] : memref<10000x128xf32, #tpu.memory_space<vmem_shared>> -> memref<80x128xf32, #tpu.memory_space<vmem_shared>>
        %dma_start3A_179 = arith.constant 0 : i32
        %dma_start3A_180 = arith.constant 0 : i32
        %dma_start3A_181 = tpu.memref_slice %arg18[%dma_start3A_179, %dma_start3A_180] : memref<128x128xf32, #tpu.memory_space<vmem>> -> memref<80x128xf32, #tpu.memory_space<vmem>>
        tpu.enqueue_dma source(%dma_start3A_181 : memref<80x128xf32, #tpu.memory_space<vmem>>) target(%dma_start3A_178 : memref<80x128xf32, #tpu.memory_space<vmem_shared>>) target_semaphore(%run_scoped3A_171 : memref<!tpu.dma_semaphore, #tpu.memory_space<semaphore_mem>>)
        %dma_wait3A_182 = arith.constant 0 : i32
        %dma_wait3A_183 = arith.constant 0 : i32
        %dma_wait3A_184 = tpu.memref_slice %arg18[%dma_wait3A_182, %dma_wait3A_183] : memref<128x128xf32, #tpu.memory_space<vmem>> -> memref<80x128xf32, #tpu.memory_space<vmem>>
        %dma_wait3A_185 = arith.constant 0 : i32
        %dma_wait3A_186 = tpu.memref_slice %arg20[%add3A_154, %dma_wait3A_185] : memref<10000x128xf32, #tpu.memory_space<vmem_shared>> -> memref<80x128xf32, #tpu.memory_space<vmem_shared>>
        %dma_wait3A_187 = arith.constant 0 : i32
        %dma_wait3A_188 = tpu.memref_slice %arg20[%add3A_154, %dma_wait3A_187] : memref<10000x128xf32, #tpu.memory_space<vmem_shared>> -> memref<80x128xf32, #tpu.memory_space<vmem_shared>>
        %dma_wait3A_189 = arith.constant 0 : i32
        %dma_wait3A_190 = arith.constant 0 : i32
        %dma_wait3A_191 = tpu.memref_slice %arg18[%dma_wait3A_189, %dma_wait3A_190] : memref<128x128xf32, #tpu.memory_space<vmem>> -> memref<80x128xf32, #tpu.memory_space<vmem>>
        tpu.wait_dma2 semaphore(%run_scoped3A_171 : memref<!tpu.dma_semaphore, #tpu.memory_space<semaphore_mem>>) src(%dma_wait3A_191 : memref<80x128xf32, #tpu.memory_space<vmem>>) dst(%dma_wait3A_188 : memref<80x128xf32, #tpu.memory_space<vmem_shared>>)
        tpu.yield
      }) : () -> ()
      %mul3A_155 = arith.constant 2000 : i32
      %mul3A_156 = arith.muli %arg1, %mul3A_155 : i32
      %add3A_157 = arith.constant 1680 : i32
      %add3A_158 = arith.addi %mul3A_156, %add3A_157 : i32
      "tpu.region"() ({
        %run_scoped3A_171 = tpu.sem_alloc : memref<!tpu.dma_semaphore, #tpu.memory_space<semaphore_mem>>
        %dma_start3A_172 = arith.constant 0 : i32
        %dma_start3A_173 = arith.constant 0 : i32
        %dma_start3A_174 = tpu.memref_slice %arg18[%dma_start3A_172, %dma_start3A_173] : memref<128x128xf32, #tpu.memory_space<vmem>> -> memref<80x128xf32, #tpu.memory_space<vmem>>
        %dma_start3A_175 = arith.constant 0 : i32
        %dma_start3A_176 = tpu.memref_slice %arg20[%add3A_158, %dma_start3A_175] : memref<10000x128xf32, #tpu.memory_space<vmem_shared>> -> memref<80x128xf32, #tpu.memory_space<vmem_shared>>
        %dma_start3A_177 = arith.constant 0 : i32
        %dma_start3A_178 = tpu.memref_slice %arg20[%add3A_158, %dma_start3A_177] : memref<10000x128xf32, #tpu.memory_space<vmem_shared>> -> memref<80x128xf32, #tpu.memory_space<vmem_shared>>
        %dma_start3A_179 = arith.constant 0 : i32
        %dma_start3A_180 = arith.constant 0 : i32
        %dma_start3A_181 = tpu.memref_slice %arg18[%dma_start3A_179, %dma_start3A_180] : memref<128x128xf32, #tpu.memory_space<vmem>> -> memref<80x128xf32, #tpu.memory_space<vmem>>
        tpu.enqueue_dma source(%dma_start3A_181 : memref<80x128xf32, #tpu.memory_space<vmem>>) target(%dma_start3A_178 : memref<80x128xf32, #tpu.memory_space<vmem_shared>>) target_semaphore(%run_scoped3A_171 : memref<!tpu.dma_semaphore, #tpu.memory_space<semaphore_mem>>)
        %dma_wait3A_182 = arith.constant 0 : i32
        %dma_wait3A_183 = arith.constant 0 : i32
        %dma_wait3A_184 = tpu.memref_slice %arg18[%dma_wait3A_182, %dma_wait3A_183] : memref<128x128xf32, #tpu.memory_space<vmem>> -> memref<80x128xf32, #tpu.memory_space<vmem>>
        %dma_wait3A_185 = arith.constant 0 : i32
        %dma_wait3A_186 = tpu.memref_slice %arg20[%add3A_158, %dma_wait3A_185] : memref<10000x128xf32, #tpu.memory_space<vmem_shared>> -> memref<80x128xf32, #tpu.memory_space<vmem_shared>>
        %dma_wait3A_187 = arith.constant 0 : i32
        %dma_wait3A_188 = tpu.memref_slice %arg20[%add3A_158, %dma_wait3A_187] : memref<10000x128xf32, #tpu.memory_space<vmem_shared>> -> memref<80x128xf32, #tpu.memory_space<vmem_shared>>
        %dma_wait3A_189 = arith.constant 0 : i32
        %dma_wait3A_190 = arith.constant 0 : i32
        %dma_wait3A_191 = tpu.memref_slice %arg18[%dma_wait3A_189, %dma_wait3A_190] : memref<128x128xf32, #tpu.memory_space<vmem>> -> memref<80x128xf32, #tpu.memory_space<vmem>>
        tpu.wait_dma2 semaphore(%run_scoped3A_171 : memref<!tpu.dma_semaphore, #tpu.memory_space<semaphore_mem>>) src(%dma_wait3A_191 : memref<80x128xf32, #tpu.memory_space<vmem>>) dst(%dma_wait3A_188 : memref<80x128xf32, #tpu.memory_space<vmem_shared>>)
        tpu.yield
      }) : () -> ()
      %mul3A_159 = arith.constant 2000 : i32
      %mul3A_160 = arith.muli %arg1, %mul3A_159 : i32
      %add3A_161 = arith.constant 1760 : i32
      %add3A_162 = arith.addi %mul3A_160, %add3A_161 : i32
      "tpu.region"() ({
        %run_scoped3A_171 = tpu.sem_alloc : memref<!tpu.dma_semaphore, #tpu.memory_space<semaphore_mem>>
        %dma_start3A_172 = arith.constant 0 : i32
        %dma_start3A_173 = arith.constant 0 : i32
        %dma_start3A_174 = tpu.memref_slice %arg18[%dma_start3A_172, %dma_start3A_173] : memref<128x128xf32, #tpu.memory_space<vmem>> -> memref<80x128xf32, #tpu.memory_space<vmem>>
        %dma_start3A_175 = arith.constant 0 : i32
        %dma_start3A_176 = tpu.memref_slice %arg20[%add3A_162, %dma_start3A_175] : memref<10000x128xf32, #tpu.memory_space<vmem_shared>> -> memref<80x128xf32, #tpu.memory_space<vmem_shared>>
        %dma_start3A_177 = arith.constant 0 : i32
        %dma_start3A_178 = tpu.memref_slice %arg20[%add3A_162, %dma_start3A_177] : memref<10000x128xf32, #tpu.memory_space<vmem_shared>> -> memref<80x128xf32, #tpu.memory_space<vmem_shared>>
        %dma_start3A_179 = arith.constant 0 : i32
        %dma_start3A_180 = arith.constant 0 : i32
        %dma_start3A_181 = tpu.memref_slice %arg18[%dma_start3A_179, %dma_start3A_180] : memref<128x128xf32, #tpu.memory_space<vmem>> -> memref<80x128xf32, #tpu.memory_space<vmem>>
        tpu.enqueue_dma source(%dma_start3A_181 : memref<80x128xf32, #tpu.memory_space<vmem>>) target(%dma_start3A_178 : memref<80x128xf32, #tpu.memory_space<vmem_shared>>) target_semaphore(%run_scoped3A_171 : memref<!tpu.dma_semaphore, #tpu.memory_space<semaphore_mem>>)
        %dma_wait3A_182 = arith.constant 0 : i32
        %dma_wait3A_183 = arith.constant 0 : i32
        %dma_wait3A_184 = tpu.memref_slice %arg18[%dma_wait3A_182, %dma_wait3A_183] : memref<128x128xf32, #tpu.memory_space<vmem>> -> memref<80x128xf32, #tpu.memory_space<vmem>>
        %dma_wait3A_185 = arith.constant 0 : i32
        %dma_wait3A_186 = tpu.memref_slice %arg20[%add3A_162, %dma_wait3A_185] : memref<10000x128xf32, #tpu.memory_space<vmem_shared>> -> memref<80x128xf32, #tpu.memory_space<vmem_shared>>
        %dma_wait3A_187 = arith.constant 0 : i32
        %dma_wait3A_188 = tpu.memref_slice %arg20[%add3A_162, %dma_wait3A_187] : memref<10000x128xf32, #tpu.memory_space<vmem_shared>> -> memref<80x128xf32, #tpu.memory_space<vmem_shared>>
        %dma_wait3A_189 = arith.constant 0 : i32
        %dma_wait3A_190 = arith.constant 0 : i32
        %dma_wait3A_191 = tpu.memref_slice %arg18[%dma_wait3A_189, %dma_wait3A_190] : memref<128x128xf32, #tpu.memory_space<vmem>> -> memref<80x128xf32, #tpu.memory_space<vmem>>
        tpu.wait_dma2 semaphore(%run_scoped3A_171 : memref<!tpu.dma_semaphore, #tpu.memory_space<semaphore_mem>>) src(%dma_wait3A_191 : memref<80x128xf32, #tpu.memory_space<vmem>>) dst(%dma_wait3A_188 : memref<80x128xf32, #tpu.memory_space<vmem_shared>>)
        tpu.yield
      }) : () -> ()
      %mul3A_163 = arith.constant 2000 : i32
      %mul3A_164 = arith.muli %arg1, %mul3A_163 : i32
      %add3A_165 = arith.constant 1840 : i32
      %add3A_166 = arith.addi %mul3A_164, %add3A_165 : i32
      "tpu.region"() ({
        %run_scoped3A_171 = tpu.sem_alloc : memref<!tpu.dma_semaphore, #tpu.memory_space<semaphore_mem>>
        %dma_start3A_172 = arith.constant 0 : i32
        %dma_start3A_173 = arith.constant 0 : i32
        %dma_start3A_174 = tpu.memref_slice %arg18[%dma_start3A_172, %dma_start3A_173] : memref<128x128xf32, #tpu.memory_space<vmem>> -> memref<80x128xf32, #tpu.memory_space<vmem>>
        %dma_start3A_175 = arith.constant 0 : i32
        %dma_start3A_176 = tpu.memref_slice %arg20[%add3A_166, %dma_start3A_175] : memref<10000x128xf32, #tpu.memory_space<vmem_shared>> -> memref<80x128xf32, #tpu.memory_space<vmem_shared>>
        %dma_start3A_177 = arith.constant 0 : i32
        %dma_start3A_178 = tpu.memref_slice %arg20[%add3A_166, %dma_start3A_177] : memref<10000x128xf32, #tpu.memory_space<vmem_shared>> -> memref<80x128xf32, #tpu.memory_space<vmem_shared>>
        %dma_start3A_179 = arith.constant 0 : i32
        %dma_start3A_180 = arith.constant 0 : i32
        %dma_start3A_181 = tpu.memref_slice %arg18[%dma_start3A_179, %dma_start3A_180] : memref<128x128xf32, #tpu.memory_space<vmem>> -> memref<80x128xf32, #tpu.memory_space<vmem>>
        tpu.enqueue_dma source(%dma_start3A_181 : memref<80x128xf32, #tpu.memory_space<vmem>>) target(%dma_start3A_178 : memref<80x128xf32, #tpu.memory_space<vmem_shared>>) target_semaphore(%run_scoped3A_171 : memref<!tpu.dma_semaphore, #tpu.memory_space<semaphore_mem>>)
        %dma_wait3A_182 = arith.constant 0 : i32
        %dma_wait3A_183 = arith.constant 0 : i32
        %dma_wait3A_184 = tpu.memref_slice %arg18[%dma_wait3A_182, %dma_wait3A_183] : memref<128x128xf32, #tpu.memory_space<vmem>> -> memref<80x128xf32, #tpu.memory_space<vmem>>
        %dma_wait3A_185 = arith.constant 0 : i32
        %dma_wait3A_186 = tpu.memref_slice %arg20[%add3A_166, %dma_wait3A_185] : memref<10000x128xf32, #tpu.memory_space<vmem_shared>> -> memref<80x128xf32, #tpu.memory_space<vmem_shared>>
        %dma_wait3A_187 = arith.constant 0 : i32
        %dma_wait3A_188 = tpu.memref_slice %arg20[%add3A_166, %dma_wait3A_187] : memref<10000x128xf32, #tpu.memory_space<vmem_shared>> -> memref<80x128xf32, #tpu.memory_space<vmem_shared>>
        %dma_wait3A_189 = arith.constant 0 : i32
        %dma_wait3A_190 = arith.constant 0 : i32
        %dma_wait3A_191 = tpu.memref_slice %arg18[%dma_wait3A_189, %dma_wait3A_190] : memref<128x128xf32, #tpu.memory_space<vmem>> -> memref<80x128xf32, #tpu.memory_space<vmem>>
        tpu.wait_dma2 semaphore(%run_scoped3A_171 : memref<!tpu.dma_semaphore, #tpu.memory_space<semaphore_mem>>) src(%dma_wait3A_191 : memref<80x128xf32, #tpu.memory_space<vmem>>) dst(%dma_wait3A_188 : memref<80x128xf32, #tpu.memory_space<vmem_shared>>)
        tpu.yield
      }) : () -> ()
      %mul3A_167 = arith.constant 2000 : i32
      %mul3A_168 = arith.muli %arg1, %mul3A_167 : i32
      %add3A_169 = arith.constant 1920 : i32
      %add3A_170 = arith.addi %mul3A_168, %add3A_169 : i32
      "tpu.region"() ({
        %run_scoped3A_171 = tpu.sem_alloc : memref<!tpu.dma_semaphore, #tpu.memory_space<semaphore_mem>>
        %dma_start3A_172 = arith.constant 0 : i32
        %dma_start3A_173 = arith.constant 0 : i32
        %dma_start3A_174 = tpu.memref_slice %arg18[%dma_start3A_172, %dma_start3A_173] : memref<128x128xf32, #tpu.memory_space<vmem>> -> memref<80x128xf32, #tpu.memory_space<vmem>>
        %dma_start3A_175 = arith.constant 0 : i32
        %dma_start3A_176 = tpu.memref_slice %arg20[%add3A_170, %dma_start3A_175] : memref<10000x128xf32, #tpu.memory_space<vmem_shared>> -> memref<80x128xf32, #tpu.memory_space<vmem_shared>>
        %dma_start3A_177 = arith.constant 0 : i32
        %dma_start3A_178 = tpu.memref_slice %arg20[%add3A_170, %dma_start3A_177] : memref<10000x128xf32, #tpu.memory_space<vmem_shared>> -> memref<80x128xf32, #tpu.memory_space<vmem_shared>>
        %dma_start3A_179 = arith.constant 0 : i32
        %dma_start3A_180 = arith.constant 0 : i32
        %dma_start3A_181 = tpu.memref_slice %arg18[%dma_start3A_179, %dma_start3A_180] : memref<128x128xf32, #tpu.memory_space<vmem>> -> memref<80x128xf32, #tpu.memory_space<vmem>>
        tpu.enqueue_dma source(%dma_start3A_181 : memref<80x128xf32, #tpu.memory_space<vmem>>) target(%dma_start3A_178 : memref<80x128xf32, #tpu.memory_space<vmem_shared>>) target_semaphore(%run_scoped3A_171 : memref<!tpu.dma_semaphore, #tpu.memory_space<semaphore_mem>>)
        %dma_wait3A_182 = arith.constant 0 : i32
        %dma_wait3A_183 = arith.constant 0 : i32
        %dma_wait3A_184 = tpu.memref_slice %arg18[%dma_wait3A_182, %dma_wait3A_183] : memref<128x128xf32, #tpu.memory_space<vmem>> -> memref<80x128xf32, #tpu.memory_space<vmem>>
        %dma_wait3A_185 = arith.constant 0 : i32
        %dma_wait3A_186 = tpu.memref_slice %arg20[%add3A_170, %dma_wait3A_185] : memref<10000x128xf32, #tpu.memory_space<vmem_shared>> -> memref<80x128xf32, #tpu.memory_space<vmem_shared>>
        %dma_wait3A_187 = arith.constant 0 : i32
        %dma_wait3A_188 = tpu.memref_slice %arg20[%add3A_170, %dma_wait3A_187] : memref<10000x128xf32, #tpu.memory_space<vmem_shared>> -> memref<80x128xf32, #tpu.memory_space<vmem_shared>>
        %dma_wait3A_189 = arith.constant 0 : i32
        %dma_wait3A_190 = arith.constant 0 : i32
        %dma_wait3A_191 = tpu.memref_slice %arg18[%dma_wait3A_189, %dma_wait3A_190] : memref<128x128xf32, #tpu.memory_space<vmem>> -> memref<80x128xf32, #tpu.memory_space<vmem>>
        tpu.wait_dma2 semaphore(%run_scoped3A_171 : memref<!tpu.dma_semaphore, #tpu.memory_space<semaphore_mem>>) src(%dma_wait3A_191 : memref<80x128xf32, #tpu.memory_space<vmem>>) dst(%dma_wait3A_188 : memref<80x128xf32, #tpu.memory_space<vmem_shared>>)
        tpu.yield
      }) : () -> ()
    } else {
    }
    %barrier3A_43 = arith.constant 0 : index
    tpu.barrier barrier_id(%barrier3A_43)
    %scan3A_44 = arith.constant 0 : i32
    %scan3A_45 = arith.constant 0 : i32
    %scan3A_46 = arith.constant 2 : i32
    %scan3A_47 = arith.addi %scan3A_45, %scan3A_46 : i32
    %scan3A_48 = arith.constant 1 : i32
    scf.for %scan3A_71 = %scan3A_45 to %scan3A_47 step %scan3A_48  : i32 {
      "tpu.region"() ({
        %run_scoped3A_114 = tpu.sem_alloc : memref<!tpu.dma_semaphore, #tpu.memory_space<semaphore_mem>>
        %dma_start3A_115 = arith.constant 0 : i32
        %dma_start3A_116 = arith.constant 0 : i32
        %dma_start3A_117 = tpu.memref_slice %arg8[%add3A, %scan3A_71, %dma_start3A_115, %dma_start3A_116] : memref<32x2x39x128xi32, #tpu.memory_space<hbm>> -> memref<1x1x39x128xi32, #tpu.memory_space<hbm>>
        %dma_start3A_118 = tpu.memref_squeeze %dma_start3A_117 : memref<1x1x39x128xi32, #tpu.memory_space<hbm>> -> memref<39x128xi32, #tpu.memory_space<hbm>>
        %dma_start3A_119 = arith.constant 0 : i32
        %dma_start3A_120 = arith.constant 0 : i32
        %dma_start3A_121 = tpu.memref_slice %arg8[%add3A, %scan3A_71, %dma_start3A_119, %dma_start3A_120] : memref<32x2x39x128xi32, #tpu.memory_space<hbm>> -> memref<1x1x39x128xi32, #tpu.memory_space<hbm>>
        %dma_start3A_122 = tpu.memref_squeeze %dma_start3A_121 : memref<1x1x39x128xi32, #tpu.memory_space<hbm>> -> memref<39x128xi32, #tpu.memory_space<hbm>>
        tpu.enqueue_dma source(%dma_start3A_122 : memref<39x128xi32, #tpu.memory_space<hbm>>) target(%arg14 : memref<39x128xi32, #tpu.memory_space<vmem>>) target_semaphore(%run_scoped3A_114 : memref<!tpu.dma_semaphore, #tpu.memory_space<semaphore_mem>>)
        %dma_wait3A_123 = arith.constant 0 : i32
        %dma_wait3A_124 = arith.constant 0 : i32
        %dma_wait3A_125 = tpu.memref_slice %arg8[%add3A, %scan3A_71, %dma_wait3A_123, %dma_wait3A_124] : memref<32x2x39x128xi32, #tpu.memory_space<hbm>> -> memref<1x1x39x128xi32, #tpu.memory_space<hbm>>
        %dma_wait3A_126 = tpu.memref_squeeze %dma_wait3A_125 : memref<1x1x39x128xi32, #tpu.memory_space<hbm>> -> memref<39x128xi32, #tpu.memory_space<hbm>>
        %dma_wait3A_127 = arith.constant 0 : i32
        %dma_wait3A_128 = arith.constant 0 : i32
        %dma_wait3A_129 = tpu.memref_slice %arg8[%add3A, %scan3A_71, %dma_wait3A_127, %dma_wait3A_128] : memref<32x2x39x128xi32, #tpu.memory_space<hbm>> -> memref<1x1x39x128xi32, #tpu.memory_space<hbm>>
        %dma_wait3A_130 = tpu.memref_squeeze %dma_wait3A_129 : memref<1x1x39x128xi32, #tpu.memory_space<hbm>> -> memref<39x128xi32, #tpu.memory_space<hbm>>
        tpu.wait_dma2 semaphore(%run_scoped3A_114 : memref<!tpu.dma_semaphore, #tpu.memory_space<semaphore_mem>>) src(%dma_wait3A_130 : memref<39x128xi32, #tpu.memory_space<hbm>>) dst(%arg14 : memref<39x128xi32, #tpu.memory_space<vmem>>)
        tpu.yield
      }) : () -> ()
      "tpu.region"() ({
        %run_scoped3A_114 = tpu.sem_alloc : memref<!tpu.dma_semaphore, #tpu.memory_space<semaphore_mem>>
        %dma_start3A_115 = arith.constant 0 : i32
        %dma_start3A_116 = arith.constant 0 : i32
        %dma_start3A_117 = tpu.memref_slice %arg9[%add3A, %scan3A_71, %dma_start3A_115, %dma_start3A_116] : memref<32x2x39x128xi32, #tpu.memory_space<hbm>> -> memref<1x1x39x128xi32, #tpu.memory_space<hbm>>
        %dma_start3A_118 = tpu.memref_squeeze %dma_start3A_117 : memref<1x1x39x128xi32, #tpu.memory_space<hbm>> -> memref<39x128xi32, #tpu.memory_space<hbm>>
        %dma_start3A_119 = arith.constant 0 : i32
        %dma_start3A_120 = arith.constant 0 : i32
        %dma_start3A_121 = tpu.memref_slice %arg9[%add3A, %scan3A_71, %dma_start3A_119, %dma_start3A_120] : memref<32x2x39x128xi32, #tpu.memory_space<hbm>> -> memref<1x1x39x128xi32, #tpu.memory_space<hbm>>
        %dma_start3A_122 = tpu.memref_squeeze %dma_start3A_121 : memref<1x1x39x128xi32, #tpu.memory_space<hbm>> -> memref<39x128xi32, #tpu.memory_space<hbm>>
        tpu.enqueue_dma source(%dma_start3A_122 : memref<39x128xi32, #tpu.memory_space<hbm>>) target(%arg15 : memref<39x128xi32, #tpu.memory_space<vmem>>) target_semaphore(%run_scoped3A_114 : memref<!tpu.dma_semaphore, #tpu.memory_space<semaphore_mem>>)
        %dma_wait3A_123 = arith.constant 0 : i32
        %dma_wait3A_124 = arith.constant 0 : i32
        %dma_wait3A_125 = tpu.memref_slice %arg9[%add3A, %scan3A_71, %dma_wait3A_123, %dma_wait3A_124] : memref<32x2x39x128xi32, #tpu.memory_space<hbm>> -> memref<1x1x39x128xi32, #tpu.memory_space<hbm>>
        %dma_wait3A_126 = tpu.memref_squeeze %dma_wait3A_125 : memref<1x1x39x128xi32, #tpu.memory_space<hbm>> -> memref<39x128xi32, #tpu.memory_space<hbm>>
        %dma_wait3A_127 = arith.constant 0 : i32
        %dma_wait3A_128 = arith.constant 0 : i32
        %dma_wait3A_129 = tpu.memref_slice %arg9[%add3A, %scan3A_71, %dma_wait3A_127, %dma_wait3A_128] : memref<32x2x39x128xi32, #tpu.memory_space<hbm>> -> memref<1x1x39x128xi32, #tpu.memory_space<hbm>>
        %dma_wait3A_130 = tpu.memref_squeeze %dma_wait3A_129 : memref<1x1x39x128xi32, #tpu.memory_space<hbm>> -> memref<39x128xi32, #tpu.memory_space<hbm>>
        tpu.wait_dma2 semaphore(%run_scoped3A_114 : memref<!tpu.dma_semaphore, #tpu.memory_space<semaphore_mem>>) src(%dma_wait3A_130 : memref<39x128xi32, #tpu.memory_space<hbm>>) dst(%arg15 : memref<39x128xi32, #tpu.memory_space<vmem>>)
        tpu.yield
      }) : () -> ()
      %dma_start3A_72 = arith.constant 0 : i32
      %dma_start3A_73 = arith.constant 0 : i32
      %dma_start3A_74 = arith.constant 0 : i32
      %dma_start3A_75 = tpu.memref_slice %arg18[%dma_start3A_73, %dma_start3A_74] : memref<128x128xf32, #tpu.memory_space<vmem>> -> memref<128x128xf32, #tpu.memory_space<vmem>>
      %dma_start3A_76 = arith.constant 0 : i32
      %dma_start3A_77 = tpu.memref_slice %arg14[%dma_start3A_72, %dma_start3A_76] : memref<39x128xi32, #tpu.memory_space<vmem>> -> memref<1x128xi32, #tpu.memory_space<vmem>>
      %dma_start3A_78 = tpu.memref_squeeze %dma_start3A_77 : memref<1x128xi32, #tpu.memory_space<vmem>> -> memref<128xi32, #tpu.memory_space<vmem>>
      %dma_start3A_79 = arith.constant 0 : i32
      %dma_start3A_80 = arith.constant 0 : i32
      %dma_start3A_81 = tpu.memref_slice %arg7[%dma_start3A_79, %dma_start3A_80] : memref<10000x128xf32, #tpu.memory_space<hbm>> -> memref<10000x128xf32, #tpu.memory_space<hbm>>
      tpu.enqueue_indirect_dma source(%dma_start3A_81 : memref<10000x128xf32, #tpu.memory_space<hbm>>) target(%dma_start3A_75 : memref<128x128xf32, #tpu.memory_space<vmem>>) offsets(%dma_start3A_78 : memref<128xi32, #tpu.memory_space<vmem>>) semaphore(%arg21 : memref<!tpu.dma_semaphore, #tpu.memory_space<semaphore_mem>>)
      %scan3A_82 = arith.constant 0 : i32
      %scan3A_83 = arith.constant 0 : i32
      %scan3A_84 = arith.constant 19 : i32
      %scan3A_85 = arith.addi %scan3A_83, %scan3A_84 : i32
      %scan3A_86 = arith.constant 1 : i32
      scf.for %scan3A_114 = %scan3A_83 to %scan3A_85 step %scan3A_86  : i32 {
        %mul3A_115 = arith.constant 2 : i32
        %mul3A_116 = arith.muli %mul3A_115, %scan3A_114 : i32
        %add3A_117 = arith.constant 1 : i32
        %add3A_118 = arith.addi %mul3A_116, %add3A_117 : i32
        %mul3A_119 = arith.constant 1 : i32
        %mul3A_120 = arith.muli %add3A_118, %mul3A_119 : i32
        %add3A_121 = arith.constant 0 : i32
        %add3A_122 = arith.addi %mul3A_120, %add3A_121 : i32
        %dma_start3A_123 = arith.constant 0 : i32
        %dma_start3A_124 = arith.constant 0 : i32
        %dma_start3A_125 = tpu.memref_slice %arg19[%dma_start3A_123, %dma_start3A_124] : memref<128x128xf32, #tpu.memory_space<vmem>> -> memref<128x128xf32, #tpu.memory_space<vmem>>
        %dma_start3A_126 = arith.constant 0 : i32
        %dma_start3A_127 = tpu.memref_slice %arg14[%add3A_122, %dma_start3A_126] : memref<39x128xi32, #tpu.memory_space<vmem>> -> memref<1x128xi32, #tpu.memory_space<vmem>>
        %dma_start3A_128 = tpu.memref_squeeze %dma_start3A_127 : memref<1x128xi32, #tpu.memory_space<vmem>> -> memref<128xi32, #tpu.memory_space<vmem>>
        %dma_start3A_129 = arith.constant 0 : i32
        %dma_start3A_130 = arith.constant 0 : i32
        %dma_start3A_131 = tpu.memref_slice %arg7[%dma_start3A_129, %dma_start3A_130] : memref<10000x128xf32, #tpu.memory_space<hbm>> -> memref<10000x128xf32, #tpu.memory_space<hbm>>
        tpu.enqueue_indirect_dma source(%dma_start3A_131 : memref<10000x128xf32, #tpu.memory_space<hbm>>) target(%dma_start3A_125 : memref<128x128xf32, #tpu.memory_space<vmem>>) offsets(%dma_start3A_128 : memref<128xi32, #tpu.memory_space<vmem>>) semaphore(%arg22 : memref<!tpu.dma_semaphore, #tpu.memory_space<semaphore_mem>>)
        %dma_wait3A_132 = arith.constant 0 : i32
        %dma_wait3A_133 = arith.constant 0 : i32
        %dma_wait3A_134 = tpu.memref_slice %arg7[%dma_wait3A_132, %dma_wait3A_133] : memref<10000x128xf32, #tpu.memory_space<hbm>> -> memref<128x128xf32, #tpu.memory_space<hbm>>
        %dma_wait3A_135 = arith.constant 0 : i32
        %dma_wait3A_136 = arith.constant 0 : i32
        %dma_wait3A_137 = tpu.memref_slice %arg7[%dma_wait3A_135, %dma_wait3A_136] : memref<10000x128xf32, #tpu.memory_space<hbm>> -> memref<128x128xf32, #tpu.memory_space<hbm>>
        tpu.wait_dma2 semaphore(%arg21 : memref<!tpu.dma_semaphore, #tpu.memory_space<semaphore_mem>>) src(%dma_wait3A_137 : memref<128x128xf32, #tpu.memory_space<hbm>>) dst(%arg18 : memref<128x128xf32, #tpu.memory_space<vmem>>)
        %mul3A_138 = arith.constant 2 : i32
        %mul3A_139 = arith.muli %mul3A_138, %scan3A_114 : i32
        %mul3A_140 = arith.constant 1 : i32
        %mul3A_141 = arith.muli %mul3A_139, %mul3A_140 : i32
        %add3A_142 = arith.constant 0 : i32
        %add3A_143 = arith.addi %mul3A_141, %add3A_142 : i32
        %dma_start3A_144 = arith.constant 0 : i32
        %dma_start3A_145 = arith.constant 0 : i32
        %dma_start3A_146 = tpu.memref_slice %arg18[%dma_start3A_144, %dma_start3A_145] : memref<128x128xf32, #tpu.memory_space<vmem>> -> memref<128x128xf32, #tpu.memory_space<vmem>>
        %dma_start3A_147 = arith.constant 0 : i32
        %dma_start3A_148 = tpu.memref_slice %arg15[%add3A_143, %dma_start3A_147] : memref<39x128xi32, #tpu.memory_space<vmem>> -> memref<1x128xi32, #tpu.memory_space<vmem>>
        %dma_start3A_149 = tpu.memref_squeeze %dma_start3A_148 : memref<1x128xi32, #tpu.memory_space<vmem>> -> memref<128xi32, #tpu.memory_space<vmem>>
        %dma_start3A_150 = arith.constant 0 : i32
        %dma_start3A_151 = arith.constant 0 : i32
        %dma_start3A_152 = tpu.memref_slice %arg20[%dma_start3A_150, %dma_start3A_151] : memref<10000x128xf32, #tpu.memory_space<vmem_shared>> -> memref<10000x128xf32, #tpu.memory_space<vmem_shared>>
        tpu.enqueue_indirect_dma source(%dma_start3A_146 : memref<128x128xf32, #tpu.memory_space<vmem>>) target(%dma_start3A_152 : memref<10000x128xf32, #tpu.memory_space<vmem_shared>>) offsets(%dma_start3A_149 : memref<128xi32, #tpu.memory_space<vmem>>) semaphore(%arg23 : memref<!tpu.dma_semaphore, #tpu.memory_space<semaphore_mem>>) {add = true}
        %dma_wait3A_153 = arith.constant 0 : i32
        %dma_wait3A_154 = arith.constant 0 : i32
        %dma_wait3A_155 = tpu.memref_slice %arg18[%dma_wait3A_153, %dma_wait3A_154] : memref<128x128xf32, #tpu.memory_space<vmem>> -> memref<128x128xf32, #tpu.memory_space<vmem>>
        %dma_wait3A_156 = arith.constant 0 : i32
        %dma_wait3A_157 = tpu.memref_slice %arg15[%add3A_143, %dma_wait3A_156] : memref<39x128xi32, #tpu.memory_space<vmem>> -> memref<1x128xi32, #tpu.memory_space<vmem>>
        %dma_wait3A_158 = tpu.memref_squeeze %dma_wait3A_157 : memref<1x128xi32, #tpu.memory_space<vmem>> -> memref<128xi32, #tpu.memory_space<vmem>>
        %dma_wait3A_159 = arith.constant 0 : i32
        %dma_wait3A_160 = arith.constant 0 : i32
        %dma_wait3A_161 = tpu.memref_slice %arg20[%dma_wait3A_159, %dma_wait3A_160] : memref<10000x128xf32, #tpu.memory_space<vmem_shared>> -> memref<10000x128xf32, #tpu.memory_space<vmem_shared>>
        tpu.wait_indirect_dma semaphore(%arg23 : memref<!tpu.dma_semaphore, #tpu.memory_space<semaphore_mem>>) src(%dma_wait3A_155 : memref<128x128xf32, #tpu.memory_space<vmem>>) dst(%dma_wait3A_161 : memref<10000x128xf32, #tpu.memory_space<vmem_shared>>)
        %mul3A_162 = arith.constant 2 : i32
        %mul3A_163 = arith.muli %mul3A_162, %scan3A_114 : i32
        %add3A_164 = arith.constant 2 : i32
        %add3A_165 = arith.addi %mul3A_163, %add3A_164 : i32
        %mul3A_166 = arith.constant 1 : i32
        %mul3A_167 = arith.muli %add3A_165, %mul3A_166 : i32
        %add3A_168 = arith.constant 0 : i32
        %add3A_169 = arith.addi %mul3A_167, %add3A_168 : i32
        %dma_start3A_170 = arith.constant 0 : i32
        %dma_start3A_171 = arith.constant 0 : i32
        %dma_start3A_172 = tpu.memref_slice %arg18[%dma_start3A_170, %dma_start3A_171] : memref<128x128xf32, #tpu.memory_space<vmem>> -> memref<128x128xf32, #tpu.memory_space<vmem>>
        %dma_start3A_173 = arith.constant 0 : i32
        %dma_start3A_174 = tpu.memref_slice %arg14[%add3A_169, %dma_start3A_173] : memref<39x128xi32, #tpu.memory_space<vmem>> -> memref<1x128xi32, #tpu.memory_space<vmem>>
        %dma_start3A_175 = tpu.memref_squeeze %dma_start3A_174 : memref<1x128xi32, #tpu.memory_space<vmem>> -> memref<128xi32, #tpu.memory_space<vmem>>
        %dma_start3A_176 = arith.constant 0 : i32
        %dma_start3A_177 = arith.constant 0 : i32
        %dma_start3A_178 = tpu.memref_slice %arg7[%dma_start3A_176, %dma_start3A_177] : memref<10000x128xf32, #tpu.memory_space<hbm>> -> memref<10000x128xf32, #tpu.memory_space<hbm>>
        tpu.enqueue_indirect_dma source(%dma_start3A_178 : memref<10000x128xf32, #tpu.memory_space<hbm>>) target(%dma_start3A_172 : memref<128x128xf32, #tpu.memory_space<vmem>>) offsets(%dma_start3A_175 : memref<128xi32, #tpu.memory_space<vmem>>) semaphore(%arg21 : memref<!tpu.dma_semaphore, #tpu.memory_space<semaphore_mem>>)
        %dma_wait3A_179 = arith.constant 0 : i32
        %dma_wait3A_180 = arith.constant 0 : i32
        %dma_wait3A_181 = tpu.memref_slice %arg7[%dma_wait3A_179, %dma_wait3A_180] : memref<10000x128xf32, #tpu.memory_space<hbm>> -> memref<128x128xf32, #tpu.memory_space<hbm>>
        %dma_wait3A_182 = arith.constant 0 : i32
        %dma_wait3A_183 = arith.constant 0 : i32
        %dma_wait3A_184 = tpu.memref_slice %arg7[%dma_wait3A_182, %dma_wait3A_183] : memref<10000x128xf32, #tpu.memory_space<hbm>> -> memref<128x128xf32, #tpu.memory_space<hbm>>
        tpu.wait_dma2 semaphore(%arg22 : memref<!tpu.dma_semaphore, #tpu.memory_space<semaphore_mem>>) src(%dma_wait3A_184 : memref<128x128xf32, #tpu.memory_space<hbm>>) dst(%arg19 : memref<128x128xf32, #tpu.memory_space<vmem>>)
        %mul3A_185 = arith.constant 2 : i32
        %mul3A_186 = arith.muli %mul3A_185, %scan3A_114 : i32
        %add3A_187 = arith.constant 1 : i32
        %add3A_188 = arith.addi %mul3A_186, %add3A_187 : i32
        %mul3A_189 = arith.constant 1 : i32
        %mul3A_190 = arith.muli %add3A_188, %mul3A_189 : i32
        %add3A_191 = arith.constant 0 : i32
        %add3A_192 = arith.addi %mul3A_190, %add3A_191 : i32
        %dma_start3A_193 = arith.constant 0 : i32
        %dma_start3A_194 = arith.constant 0 : i32
        %dma_start3A_195 = tpu.memref_slice %arg19[%dma_start3A_193, %dma_start3A_194] : memref<128x128xf32, #tpu.memory_space<vmem>> -> memref<128x128xf32, #tpu.memory_space<vmem>>
        %dma_start3A_196 = arith.constant 0 : i32
        %dma_start3A_197 = tpu.memref_slice %arg15[%add3A_192, %dma_start3A_196] : memref<39x128xi32, #tpu.memory_space<vmem>> -> memref<1x128xi32, #tpu.memory_space<vmem>>
        %dma_start3A_198 = tpu.memref_squeeze %dma_start3A_197 : memref<1x128xi32, #tpu.memory_space<vmem>> -> memref<128xi32, #tpu.memory_space<vmem>>
        %dma_start3A_199 = arith.constant 0 : i32
        %dma_start3A_200 = arith.constant 0 : i32
        %dma_start3A_201 = tpu.memref_slice %arg20[%dma_start3A_199, %dma_start3A_200] : memref<10000x128xf32, #tpu.memory_space<vmem_shared>> -> memref<10000x128xf32, #tpu.memory_space<vmem_shared>>
        tpu.enqueue_indirect_dma source(%dma_start3A_195 : memref<128x128xf32, #tpu.memory_space<vmem>>) target(%dma_start3A_201 : memref<10000x128xf32, #tpu.memory_space<vmem_shared>>) offsets(%dma_start3A_198 : memref<128xi32, #tpu.memory_space<vmem>>) semaphore(%arg23 : memref<!tpu.dma_semaphore, #tpu.memory_space<semaphore_mem>>) {add = true}
        %dma_wait3A_202 = arith.constant 0 : i32
        %dma_wait3A_203 = arith.constant 0 : i32
        %dma_wait3A_204 = tpu.memref_slice %arg19[%dma_wait3A_202, %dma_wait3A_203] : memref<128x128xf32, #tpu.memory_space<vmem>> -> memref<128x128xf32, #tpu.memory_space<vmem>>
        %dma_wait3A_205 = arith.constant 0 : i32
        %dma_wait3A_206 = tpu.memref_slice %arg15[%add3A_192, %dma_wait3A_205] : memref<39x128xi32, #tpu.memory_space<vmem>> -> memref<1x128xi32, #tpu.memory_space<vmem>>
        %dma_wait3A_207 = tpu.memref_squeeze %dma_wait3A_206 : memref<1x128xi32, #tpu.memory_space<vmem>> -> memref<128xi32, #tpu.memory_space<vmem>>
        %dma_wait3A_208 = arith.constant 0 : i32
        %dma_wait3A_209 = arith.constant 0 : i32
        %dma_wait3A_210 = tpu.memref_slice %arg20[%dma_wait3A_208, %dma_wait3A_209] : memref<10000x128xf32, #tpu.memory_space<vmem_shared>> -> memref<10000x128xf32, #tpu.memory_space<vmem_shared>>
        tpu.wait_indirect_dma semaphore(%arg23 : memref<!tpu.dma_semaphore, #tpu.memory_space<semaphore_mem>>) src(%dma_wait3A_204 : memref<128x128xf32, #tpu.memory_space<vmem>>) dst(%dma_wait3A_210 : memref<10000x128xf32, #tpu.memory_space<vmem_shared>>)
      }
      %scan3A_87 = arith.constant 19 : i32
      %dma_wait3A_88 = arith.constant 0 : i32
      %dma_wait3A_89 = arith.constant 0 : i32
      %dma_wait3A_90 = tpu.memref_slice %arg7[%dma_wait3A_88, %dma_wait3A_89] : memref<10000x128xf32, #tpu.memory_space<hbm>> -> memref<128x128xf32, #tpu.memory_space<hbm>>
      %dma_wait3A_91 = arith.constant 0 : i32
      %dma_wait3A_92 = arith.constant 0 : i32
      %dma_wait3A_93 = tpu.memref_slice %arg7[%dma_wait3A_91, %dma_wait3A_92] : memref<10000x128xf32, #tpu.memory_space<hbm>> -> memref<128x128xf32, #tpu.memory_space<hbm>>
      tpu.wait_dma2 semaphore(%arg21 : memref<!tpu.dma_semaphore, #tpu.memory_space<semaphore_mem>>) src(%dma_wait3A_93 : memref<128x128xf32, #tpu.memory_space<hbm>>) dst(%arg18 : memref<128x128xf32, #tpu.memory_space<vmem>>)
      %dma_start3A_94 = arith.constant 38 : i32
      %dma_start3A_95 = arith.constant 0 : i32
      %dma_start3A_96 = arith.constant 0 : i32
      %dma_start3A_97 = tpu.memref_slice %arg18[%dma_start3A_95, %dma_start3A_96] : memref<128x128xf32, #tpu.memory_space<vmem>> -> memref<128x128xf32, #tpu.memory_space<vmem>>
      %dma_start3A_98 = arith.constant 0 : i32
      %dma_start3A_99 = tpu.memref_slice %arg15[%dma_start3A_94, %dma_start3A_98] : memref<39x128xi32, #tpu.memory_space<vmem>> -> memref<1x128xi32, #tpu.memory_space<vmem>>
      %dma_start3A_100 = tpu.memref_squeeze %dma_start3A_99 : memref<1x128xi32, #tpu.memory_space<vmem>> -> memref<128xi32, #tpu.memory_space<vmem>>
      %dma_start3A_101 = arith.constant 0 : i32
      %dma_start3A_102 = arith.constant 0 : i32
      %dma_start3A_103 = tpu.memref_slice %arg20[%dma_start3A_101, %dma_start3A_102] : memref<10000x128xf32, #tpu.memory_space<vmem_shared>> -> memref<10000x128xf32, #tpu.memory_space<vmem_shared>>
      tpu.enqueue_indirect_dma source(%dma_start3A_97 : memref<128x128xf32, #tpu.memory_space<vmem>>) target(%dma_start3A_103 : memref<10000x128xf32, #tpu.memory_space<vmem_shared>>) offsets(%dma_start3A_100 : memref<128xi32, #tpu.memory_space<vmem>>) semaphore(%arg23 : memref<!tpu.dma_semaphore, #tpu.memory_space<semaphore_mem>>) {add = true}
      %dma_wait3A_104 = arith.constant 38 : i32
      %dma_wait3A_105 = arith.constant 0 : i32
      %dma_wait3A_106 = arith.constant 0 : i32
      %dma_wait3A_107 = tpu.memref_slice %arg18[%dma_wait3A_105, %dma_wait3A_106] : memref<128x128xf32, #tpu.memory_space<vmem>> -> memref<128x128xf32, #tpu.memory_space<vmem>>
      %dma_wait3A_108 = arith.constant 0 : i32
      %dma_wait3A_109 = tpu.memref_slice %arg15[%dma_wait3A_104, %dma_wait3A_108] : memref<39x128xi32, #tpu.memory_space<vmem>> -> memref<1x128xi32, #tpu.memory_space<vmem>>
      %dma_wait3A_110 = tpu.memref_squeeze %dma_wait3A_109 : memref<1x128xi32, #tpu.memory_space<vmem>> -> memref<128xi32, #tpu.memory_space<vmem>>
      %dma_wait3A_111 = arith.constant 0 : i32
      %dma_wait3A_112 = arith.constant 0 : i32
      %dma_wait3A_113 = tpu.memref_slice %arg20[%dma_wait3A_111, %dma_wait3A_112] : memref<10000x128xf32, #tpu.memory_space<vmem_shared>> -> memref<10000x128xf32, #tpu.memory_space<vmem_shared>>
      tpu.wait_indirect_dma semaphore(%arg23 : memref<!tpu.dma_semaphore, #tpu.memory_space<semaphore_mem>>) src(%dma_wait3A_107 : memref<128x128xf32, #tpu.memory_space<vmem>>) dst(%dma_wait3A_113 : memref<10000x128xf32, #tpu.memory_space<vmem_shared>>)
    }
    %scan3A_49 = arith.constant 2 : i32
    %mul3A_50 = arith.constant 16 : i32
    %mul3A_51 = arith.muli %add3A, %mul3A_50 : i32
    "tpu.region"() ({
      %run_scoped3A_71 = tpu.sem_alloc : memref<!tpu.dma_semaphore, #tpu.memory_space<semaphore_mem>>
      %dma_start3A_72 = tpu.memref_slice %arg10[%mul3A_51] : memref<512xi32, #tpu.memory_space<hbm>> -> memref<16xi32, #tpu.memory_space<hbm>>
      %dma_start3A_73 = tpu.memref_slice %arg10[%mul3A_51] : memref<512xi32, #tpu.memory_space<hbm>> -> memref<16xi32, #tpu.memory_space<hbm>>
      tpu.enqueue_dma source(%dma_start3A_73 : memref<16xi32, #tpu.memory_space<hbm>>) target(%arg16 : memref<16xi32, #tpu.memory_space<vmem>>) target_semaphore(%run_scoped3A_71 : memref<!tpu.dma_semaphore, #tpu.memory_space<semaphore_mem>>)
      %dma_wait3A_74 = tpu.memref_slice %arg10[%mul3A_51] : memref<512xi32, #tpu.memory_space<hbm>> -> memref<16xi32, #tpu.memory_space<hbm>>
      %dma_wait3A_75 = tpu.memref_slice %arg10[%mul3A_51] : memref<512xi32, #tpu.memory_space<hbm>> -> memref<16xi32, #tpu.memory_space<hbm>>
      tpu.wait_dma2 semaphore(%run_scoped3A_71 : memref<!tpu.dma_semaphore, #tpu.memory_space<semaphore_mem>>) src(%dma_wait3A_75 : memref<16xi32, #tpu.memory_space<hbm>>) dst(%arg16 : memref<16xi32, #tpu.memory_space<vmem>>)
      tpu.yield
    }) : () -> ()
    "tpu.region"() ({
      %run_scoped3A_71 = tpu.sem_alloc : memref<!tpu.dma_semaphore, #tpu.memory_space<semaphore_mem>>
      %dma_start3A_72 = arith.constant 0 : i32
      %dma_start3A_73 = arith.constant 0 : i32
      %dma_start3A_74 = tpu.memref_slice %arg11[%add3A, %dma_start3A_72, %dma_start3A_73] : memref<32x1x16xi32, #tpu.memory_space<hbm>> -> memref<1x1x16xi32, #tpu.memory_space<hbm>>
      %dma_start3A_75 = tpu.memref_squeeze %dma_start3A_74 : memref<1x1x16xi32, #tpu.memory_space<hbm>> -> memref<1x16xi32, #tpu.memory_space<hbm>>
      %dma_start3A_76 = arith.constant 0 : i32
      %dma_start3A_77 = arith.constant 0 : i32
      %dma_start3A_78 = tpu.memref_slice %arg11[%add3A, %dma_start3A_76, %dma_start3A_77] : memref<32x1x16xi32, #tpu.memory_space<hbm>> -> memref<1x1x16xi32, #tpu.memory_space<hbm>>
      %dma_start3A_79 = tpu.memref_squeeze %dma_start3A_78 : memref<1x1x16xi32, #tpu.memory_space<hbm>> -> memref<1x16xi32, #tpu.memory_space<hbm>>
      tpu.enqueue_dma source(%dma_start3A_79 : memref<1x16xi32, #tpu.memory_space<hbm>>) target(%arg17 : memref<1x16xi32, #tpu.memory_space<vmem>>) target_semaphore(%run_scoped3A_71 : memref<!tpu.dma_semaphore, #tpu.memory_space<semaphore_mem>>)
      %dma_wait3A_80 = arith.constant 0 : i32
      %dma_wait3A_81 = arith.constant 0 : i32
      %dma_wait3A_82 = tpu.memref_slice %arg11[%add3A, %dma_wait3A_80, %dma_wait3A_81] : memref<32x1x16xi32, #tpu.memory_space<hbm>> -> memref<1x1x16xi32, #tpu.memory_space<hbm>>
      %dma_wait3A_83 = tpu.memref_squeeze %dma_wait3A_82 : memref<1x1x16xi32, #tpu.memory_space<hbm>> -> memref<1x16xi32, #tpu.memory_space<hbm>>
      %dma_wait3A_84 = arith.constant 0 : i32
      %dma_wait3A_85 = arith.constant 0 : i32
      %dma_wait3A_86 = tpu.memref_slice %arg11[%add3A, %dma_wait3A_84, %dma_wait3A_85] : memref<32x1x16xi32, #tpu.memory_space<hbm>> -> memref<1x1x16xi32, #tpu.memory_space<hbm>>
      %dma_wait3A_87 = tpu.memref_squeeze %dma_wait3A_86 : memref<1x1x16xi32, #tpu.memory_space<hbm>> -> memref<1x16xi32, #tpu.memory_space<hbm>>
      tpu.wait_dma2 semaphore(%run_scoped3A_71 : memref<!tpu.dma_semaphore, #tpu.memory_space<semaphore_mem>>) src(%dma_wait3A_87 : memref<1x16xi32, #tpu.memory_space<hbm>>) dst(%arg17 : memref<1x16xi32, #tpu.memory_space<vmem>>)
      tpu.yield
    }) : () -> ()
    %dma_start3A_52 = arith.constant 0 : i32
    %dma_start3A_53 = arith.constant 0 : i32
    %dma_start3A_54 = tpu.memref_slice %arg18[%dma_start3A_52, %dma_start3A_53] : memref<128x128xf32, #tpu.memory_space<vmem>> -> memref<16x128xf32, #tpu.memory_space<vmem>>
    %dma_start3A_55 = arith.constant 0 : i32
    %dma_start3A_56 = arith.constant 0 : i32
    %dma_start3A_57 = tpu.memref_slice %arg7[%dma_start3A_55, %dma_start3A_56] : memref<10000x128xf32, #tpu.memory_space<hbm>> -> memref<10000x128xf32, #tpu.memory_space<hbm>>
    tpu.enqueue_indirect_dma source(%dma_start3A_57 : memref<10000x128xf32, #tpu.memory_space<hbm>>) target(%dma_start3A_54 : memref<16x128xf32, #tpu.memory_space<vmem>>) offsets(%arg16 : memref<16xi32, #tpu.memory_space<vmem>>) semaphore(%arg21 : memref<!tpu.dma_semaphore, #tpu.memory_space<semaphore_mem>>)
    %dma_wait3A_58 = arith.constant 0 : i32
    %dma_wait3A_59 = arith.constant 0 : i32
    %dma_wait3A_60 = tpu.memref_slice %arg18[%dma_wait3A_58, %dma_wait3A_59] : memref<128x128xf32, #tpu.memory_space<vmem>> -> memref<16x128xf32, #tpu.memory_space<vmem>>
    %dma_wait3A_61 = arith.constant 0 : i32
    %dma_wait3A_62 = arith.constant 0 : i32
    %dma_wait3A_63 = tpu.memref_slice %arg7[%dma_wait3A_61, %dma_wait3A_62] : memref<10000x128xf32, #tpu.memory_space<hbm>> -> memref<10000x128xf32, #tpu.memory_space<hbm>>
    tpu.wait_indirect_dma semaphore(%arg21 : memref<!tpu.dma_semaphore, #tpu.memory_space<semaphore_mem>>) src(%dma_wait3A_63 : memref<10000x128xf32, #tpu.memory_space<hbm>>) dst(%dma_wait3A_60 : memref<16x128xf32, #tpu.memory_space<vmem>>)
    %run_scoped3A_64 = arith.constant 0 : i32
    "tpu.region"() ({
      %run_scoped3A_71 = tpu.sem_alloc : memref<!tpu.dma_semaphore, #tpu.memory_space<semaphore_mem>>
      %dma_start3A_72 = arith.constant 0 : i32
      %dma_start3A_73 = arith.constant 0 : i32
      %dma_start3A_74 = tpu.memref_slice %arg18[%dma_start3A_72, %dma_start3A_73] : memref<128x128xf32, #tpu.memory_space<vmem>> -> memref<16x128xf32, #tpu.memory_space<vmem>>
      %dma_start3A_75 = arith.constant 0 : i32
      %dma_start3A_76 = tpu.memref_slice %arg17[%run_scoped3A_64, %dma_start3A_75] : memref<1x16xi32, #tpu.memory_space<vmem>> -> memref<1x16xi32, #tpu.memory_space<vmem>>
      %dma_start3A_77 = tpu.memref_squeeze %dma_start3A_76 : memref<1x16xi32, #tpu.memory_space<vmem>> -> memref<16xi32, #tpu.memory_space<vmem>>
      %dma_start3A_78 = arith.constant 0 : i32
      %dma_start3A_79 = arith.constant 0 : i32
      %dma_start3A_80 = tpu.memref_slice %arg20[%dma_start3A_78, %dma_start3A_79] : memref<10000x128xf32, #tpu.memory_space<vmem_shared>> -> memref<10000x128xf32, #tpu.memory_space<vmem_shared>>
      tpu.enqueue_indirect_dma source(%dma_start3A_74 : memref<16x128xf32, #tpu.memory_space<vmem>>) target(%dma_start3A_80 : memref<10000x128xf32, #tpu.memory_space<vmem_shared>>) offsets(%dma_start3A_77 : memref<16xi32, #tpu.memory_space<vmem>>) semaphore(%run_scoped3A_71 : memref<!tpu.dma_semaphore, #tpu.memory_space<semaphore_mem>>) {add = true}
      %dma_wait3A_81 = arith.constant 0 : i32
      %dma_wait3A_82 = arith.constant 0 : i32
      %dma_wait3A_83 = tpu.memref_slice %arg18[%dma_wait3A_81, %dma_wait3A_82] : memref<128x128xf32, #tpu.memory_space<vmem>> -> memref<16x128xf32, #tpu.memory_space<vmem>>
      %dma_wait3A_84 = arith.constant 0 : i32
      %dma_wait3A_85 = tpu.memref_slice %arg17[%run_scoped3A_64, %dma_wait3A_84] : memref<1x16xi32, #tpu.memory_space<vmem>> -> memref<1x16xi32, #tpu.memory_space<vmem>>
      %dma_wait3A_86 = tpu.memref_squeeze %dma_wait3A_85 : memref<1x16xi32, #tpu.memory_space<vmem>> -> memref<16xi32, #tpu.memory_space<vmem>>
      %dma_wait3A_87 = arith.constant 0 : i32
      %dma_wait3A_88 = arith.constant 0 : i32
      %dma_wait3A_89 = tpu.memref_slice %arg20[%dma_wait3A_87, %dma_wait3A_88] : memref<10000x128xf32, #tpu.memory_space<vmem_shared>> -> memref<10000x128xf32, #tpu.memory_space<vmem_shared>>
      tpu.wait_indirect_dma semaphore(%run_scoped3A_71 : memref<!tpu.dma_semaphore, #tpu.memory_space<semaphore_mem>>) src(%dma_wait3A_83 : memref<16x128xf32, #tpu.memory_space<vmem>>) dst(%dma_wait3A_89 : memref<10000x128xf32, #tpu.memory_space<vmem_shared>>)
      tpu.yield
    }) : () -> ()
    %barrier3A_65 = arith.constant 0 : index
    tpu.barrier barrier_id(%barrier3A_65)
    %lt3A_66 = arith.constant 5 : i32
    %lt3A_67 = arith.cmpi slt, %arg1, %lt3A_66 : i32
    %convert_element_type3A_68 = arith.extui %lt3A_67 : i1 to i32
    %cond3A_69 = arith.constant 0 : i32
    %cond3A_70 = arith.cmpi ne, %convert_element_type3A_68, %cond3A_69 : i32
    scf.if %cond3A_70 {
      %mul3A_71 = arith.constant 2000 : i32
      %mul3A_72 = arith.muli %arg1, %mul3A_71 : i32
      %mul3A_73 = arith.constant 2000 : i32
      %mul3A_74 = arith.muli %arg1, %mul3A_73 : i32
      "tpu.region"() ({
        %run_scoped3A_75 = tpu.sem_alloc : memref<!tpu.dma_semaphore, #tpu.memory_space<semaphore_mem>>
        %dma_start3A_76 = arith.constant 0 : i32
        %dma_start3A_77 = tpu.memref_slice %arg13[%arg0, %mul3A_74, %dma_start3A_76] : memref<2x10000x128xf32, #tpu.memory_space<hbm>> -> memref<1x2000x128xf32, #tpu.memory_space<hbm>>
        %dma_start3A_78 = tpu.memref_squeeze %dma_start3A_77 : memref<1x2000x128xf32, #tpu.memory_space<hbm>> -> memref<2000x128xf32, #tpu.memory_space<hbm>>
        %dma_start3A_79 = arith.constant 0 : i32
        %dma_start3A_80 = tpu.memref_slice %arg20[%mul3A_72, %dma_start3A_79] : memref<10000x128xf32, #tpu.memory_space<vmem_shared>> -> memref<2000x128xf32, #tpu.memory_space<vmem_shared>>
        tpu.enqueue_dma source(%dma_start3A_80 : memref<2000x128xf32, #tpu.memory_space<vmem_shared>>) target(%dma_start3A_78 : memref<2000x128xf32, #tpu.memory_space<hbm>>) target_semaphore(%run_scoped3A_75 : memref<!tpu.dma_semaphore, #tpu.memory_space<semaphore_mem>>)
        %dma_wait3A_81 = arith.constant 0 : i32
        %dma_wait3A_82 = tpu.memref_slice %arg13[%arg0, %mul3A_74, %dma_wait3A_81] : memref<2x10000x128xf32, #tpu.memory_space<hbm>> -> memref<1x2000x128xf32, #tpu.memory_space<hbm>>
        %dma_wait3A_83 = tpu.memref_squeeze %dma_wait3A_82 : memref<1x2000x128xf32, #tpu.memory_space<hbm>> -> memref<2000x128xf32, #tpu.memory_space<hbm>>
        %dma_wait3A_84 = arith.constant 0 : i32
        %dma_wait3A_85 = tpu.memref_slice %arg20[%mul3A_72, %dma_wait3A_84] : memref<10000x128xf32, #tpu.memory_space<vmem_shared>> -> memref<2000x128xf32, #tpu.memory_space<vmem_shared>>
        tpu.wait_dma2 semaphore(%run_scoped3A_75 : memref<!tpu.dma_semaphore, #tpu.memory_space<semaphore_mem>>) src(%dma_wait3A_85 : memref<2000x128xf32, #tpu.memory_space<vmem_shared>>) dst(%dma_wait3A_83 : memref<2000x128xf32, #tpu.memory_space<hbm>>)
        tpu.yield
      }) : () -> ()
    } else {
    }
    return
  }
}

module attributes {stable_mosaic.version = 14 : i64} {
  func.func @_prep_body(%arg0: i32, %arg1: memref<1280x128xf32, #tpu.memory_space<vmem>>, %arg2: memref<1280x128xf32, #tpu.memory_space<vmem>>, %arg3: memref<32x1280xf32, #tpu.memory_space<vmem>>, %arg4: memref<32x1280xf32, #tpu.memory_space<vmem>>, %arg5: memref<1280x128xf32, #tpu.memory_space<vmem>>, %arg6: memref<1280x128xf32, #tpu.memory_space<vmem>>) attributes {dimension_semantics = [#tpu.dimension_semantics<arbitrary>], iteration_bounds = array<i64: 8>, scalar_prefetch = 0 : i64, scratch_operands = 0 : i64, tpu.core_type = #tpu.core_type<tc>, window_params = [{transform_indices = @transform_0, window_bounds = array<i64: 1280, 128>}, {transform_indices = @transform_1, window_bounds = array<i64: 1280, 128>}, {transform_indices = @transform_2, window_bounds = array<i64: 32, 1280>}, {transform_indices = @transform_3, window_bounds = array<i64: 32, 1280>}, {transform_indices = @transform_4, window_bounds = array<i64: 1280, 128>}, {transform_indices = @transform_5, window_bounds = array<i64: 1280, 128>}]} {
    %get3A = arith.constant 0 : index
    %get3A_0 = arith.constant 0 : index
    %get3A_1 = vector.load %arg3[%get3A, %get3A_0] : memref<32x1280xf32, #tpu.memory_space<vmem>>, vector<32x1280xf32>
    %reduce_sum3A = arith.constant dense<0.000000e+00> : vector<1280xf32>
    %reduce_sum3A_2 = vector.multi_reduction <add>, %get3A_1, %reduce_sum3A [0] : vector<32x1280xf32> to vector<1280xf32>
    %max3A = arith.constant 1.000000e+00 : f32
    %max3A_3 = vector.broadcast %max3A : f32 to vector<1280xf32>
    %max3A_4 = arith.maximumf %reduce_sum3A_2, %max3A_3 : vector<1280xf32>
    %rsqrt3A = math.rsqrt %max3A_4 : vector<1280xf32>
    %get3A_5 = arith.constant 0 : index
    %get3A_6 = arith.constant 0 : index
    %get3A_7 = vector.load %arg4[%get3A_5, %get3A_6] : memref<32x1280xf32, #tpu.memory_space<vmem>>, vector<32x1280xf32>
    %reduce_sum3A_8 = arith.constant dense<0.000000e+00> : vector<1280xf32>
    %reduce_sum3A_9 = vector.multi_reduction <add>, %get3A_7, %reduce_sum3A_8 [0] : vector<32x1280xf32> to vector<1280xf32>
    %max3A_10 = arith.constant 1.000000e+00 : f32
    %max3A_11 = vector.broadcast %max3A_10 : f32 to vector<1280xf32>
    %max3A_12 = arith.maximumf %reduce_sum3A_9, %max3A_11 : vector<1280xf32>
    %rsqrt3A_13 = math.rsqrt %max3A_12 : vector<1280xf32>
    %get3A_14 = arith.constant 0 : index
    %get3A_15 = arith.constant 0 : index
    %get3A_16 = vector.load %arg1[%get3A_14, %get3A_15] : memref<1280x128xf32, #tpu.memory_space<vmem>>, vector<1280x128xf32>
    %broadcast_in_dim3A = vector.shape_cast %rsqrt3A : vector<1280xf32> to vector<1280x1xf32>
    %mul3A = vector.broadcast %broadcast_in_dim3A : vector<1280x1xf32> to vector<1280x128xf32>
    %mul3A_17 = arith.mulf %get3A_16, %mul3A : vector<1280x128xf32>
    %swap3A = arith.constant 0 : index
    %swap3A_18 = arith.constant 0 : index
    %swap3A_19 = vector.load %arg5[%swap3A, %swap3A_18] : memref<1280x128xf32, #tpu.memory_space<vmem>>, vector<1280x128xf32>
    tpu.vector_store %arg5[%swap3A, %swap3A_18], %mul3A_17 {strides = array<i32>} : memref<1280x128xf32, #tpu.memory_space<vmem>>, vector<1280x128xf32>,
    %get3A_20 = arith.constant 0 : index
    %get3A_21 = arith.constant 0 : index
    %get3A_22 = vector.load %arg2[%get3A_20, %get3A_21] : memref<1280x128xf32, #tpu.memory_space<vmem>>, vector<1280x128xf32>
    %broadcast_in_dim3A_23 = vector.shape_cast %rsqrt3A_13 : vector<1280xf32> to vector<1280x1xf32>
    %mul3A_24 = vector.broadcast %broadcast_in_dim3A_23 : vector<1280x1xf32> to vector<1280x128xf32>
    %mul3A_25 = arith.mulf %get3A_22, %mul3A_24 : vector<1280x128xf32>
    %swap3A_26 = arith.constant 0 : index
    %swap3A_27 = arith.constant 0 : index
    %swap3A_28 = vector.load %arg6[%swap3A_26, %swap3A_27] : memref<1280x128xf32, #tpu.memory_space<vmem>>, vector<1280x128xf32>
    tpu.vector_store %arg6[%swap3A_26, %swap3A_27], %mul3A_25 {strides = array<i32>} : memref<1280x128xf32, #tpu.memory_space<vmem>>, vector<1280x128xf32>,
    return
  }
  func.func @transform_0(%arg0: i32) -> (i32, i32) {
    %c0_i32 = arith.constant 0 : i32
    %c0_i32_0 = arith.constant 0 : i32
    return %arg0, %c0_i32 : i32, i32
  }
  func.func @transform_1(%arg0: i32) -> (i32, i32) {
    %c0_i32 = arith.constant 0 : i32
    %c0_i32_0 = arith.constant 0 : i32
    return %arg0, %c0_i32 : i32, i32
  }
  func.func @transform_2(%arg0: i32) -> (i32, i32) {
    %c0_i32 = arith.constant 0 : i32
    %c0_i32_0 = arith.constant 0 : i32
    return %c0_i32, %arg0 : i32, i32
  }
  func.func @transform_3(%arg0: i32) -> (i32, i32) {
    %c0_i32 = arith.constant 0 : i32
    %c0_i32_0 = arith.constant 0 : i32
    return %c0_i32, %arg0 : i32, i32
  }
  func.func @transform_4(%arg0: i32) -> (i32, i32) {
    %c0_i32 = arith.constant 0 : i32
    %c0_i32_0 = arith.constant 0 : i32
    return %arg0, %c0_i32 : i32, i32
  }
  func.func @transform_5(%arg0: i32) -> (i32, i32) {
    %c0_i32 = arith.constant 0 : i32
    %c0_i32_0 = arith.constant 0 : i32
    return %arg0, %c0_i32 : i32, i32
  }
}

module attributes {stable_mosaic.version = 14 : i64} {
  func.func @_final_body(%arg0: i32, %arg1: memref<2x1280x128xf32, #tpu.memory_space<vmem>>, %arg2: memref<2x1280x128xf32, #tpu.memory_space<vmem>>, %arg3: memref<32x1280xf32, #tpu.memory_space<vmem>>, %arg4: memref<32x1280xf32, #tpu.memory_space<vmem>>, %arg5: memref<128x128xf32, #tpu.memory_space<vmem>>, %arg6: memref<1x128xf32, #tpu.memory_space<vmem>>, %arg7: memref<128x128xf32, #tpu.memory_space<vmem>>, %arg8: memref<1x128xf32, #tpu.memory_space<vmem>>, %arg9: memref<1280x128xf32, #tpu.memory_space<vmem>>, %arg10: memref<1280x128xf32, #tpu.memory_space<vmem>>) attributes {dimension_semantics = [#tpu.dimension_semantics<arbitrary>], iteration_bounds = array<i64: 8>, scalar_prefetch = 0 : i64, scratch_operands = 0 : i64, tpu.core_type = #tpu.core_type<tc>, window_params = [{transform_indices = @transform_0, window_bounds = array<i64: 2, 1280, 128>}, {transform_indices = @transform_1, window_bounds = array<i64: 2, 1280, 128>}, {transform_indices = @transform_2, window_bounds = array<i64: 32, 1280>}, {transform_indices = @transform_3, window_bounds = array<i64: 32, 1280>}, {pipeline_mode = #tpu.pipeline_mode<synchronous>, transform_indices = @transform_4, window_bounds = array<i64: 128, 128>}, {pipeline_mode = #tpu.pipeline_mode<synchronous>, transform_indices = @transform_5, window_bounds = array<i64: 1, 128>}, {pipeline_mode = #tpu.pipeline_mode<synchronous>, transform_indices = @transform_6, window_bounds = array<i64: 128, 128>}, {pipeline_mode = #tpu.pipeline_mode<synchronous>, transform_indices = @transform_7, window_bounds = array<i64: 1, 128>}, {transform_indices = @transform_8, window_bounds = array<i64: 1280, 128>}, {transform_indices = @transform_9, window_bounds = array<i64: 1280, 128>}]} {
    %get3A = arith.constant 0 : index
    %get3A_0 = arith.constant 0 : index
    %get3A_1 = vector.load %arg3[%get3A, %get3A_0] : memref<32x1280xf32, #tpu.memory_space<vmem>>, vector<32x1280xf32>
    %reduce_sum3A = arith.constant dense<0.000000e+00> : vector<1280xf32>
    %reduce_sum3A_2 = vector.multi_reduction <add>, %get3A_1, %reduce_sum3A [0] : vector<32x1280xf32> to vector<1280xf32>
    %max3A = arith.constant 1.000000e+00 : f32
    %max3A_3 = vector.broadcast %max3A : f32 to vector<1280xf32>
    %max3A_4 = arith.maximumf %reduce_sum3A_2, %max3A_3 : vector<1280xf32>
    %rsqrt3A = math.rsqrt %max3A_4 : vector<1280xf32>
    %broadcast_in_dim3A = vector.shape_cast %rsqrt3A : vector<1280xf32> to vector<1280x1xf32>
    %get3A_5 = arith.constant 0 : index
    %get3A_6 = arith.constant 0 : index
    %get3A_7 = vector.load %arg4[%get3A_5, %get3A_6] : memref<32x1280xf32, #tpu.memory_space<vmem>>, vector<32x1280xf32>
    %reduce_sum3A_8 = arith.constant dense<0.000000e+00> : vector<1280xf32>
    %reduce_sum3A_9 = vector.multi_reduction <add>, %get3A_7, %reduce_sum3A_8 [0] : vector<32x1280xf32> to vector<1280xf32>
    %max3A_10 = arith.constant 1.000000e+00 : f32
    %max3A_11 = vector.broadcast %max3A_10 : f32 to vector<1280xf32>
    %max3A_12 = arith.maximumf %reduce_sum3A_9, %max3A_11 : vector<1280xf32>
    %rsqrt3A_13 = math.rsqrt %max3A_12 : vector<1280xf32>
    %broadcast_in_dim3A_14 = vector.shape_cast %rsqrt3A_13 : vector<1280xf32> to vector<1280x1xf32>
    %get3A_15 = arith.constant 0 : index
    %get3A_16 = arith.constant 0 : index
    %get3A_17 = arith.constant 0 : index
    %get3A_18 = vector.load %arg1[%get3A_15, %get3A_16, %get3A_17] : memref<2x1280x128xf32, #tpu.memory_space<vmem>>, vector<1x1280x128xf32>
    %get3A_19 = vector.shape_cast %get3A_18 : vector<1x1280x128xf32> to vector<1280x128xf32>
    %get3A_20 = arith.constant 1 : index
    %get3A_21 = arith.constant 0 : index
    %get3A_22 = arith.constant 0 : index
    %get3A_23 = vector.load %arg1[%get3A_20, %get3A_21, %get3A_22] : memref<2x1280x128xf32, #tpu.memory_space<vmem>>, vector<1x1280x128xf32>
    %get3A_24 = vector.shape_cast %get3A_23 : vector<1x1280x128xf32> to vector<1280x128xf32>
    %add3A = arith.addf %get3A_19, %get3A_24 : vector<1280x128xf32>
    %mul3A = vector.broadcast %broadcast_in_dim3A : vector<1280x1xf32> to vector<1280x128xf32>
    %mul3A_25 = arith.mulf %add3A, %mul3A : vector<1280x128xf32>
    %get3A_26 = arith.constant 0 : index
    %get3A_27 = arith.constant 0 : index
    %get3A_28 = arith.constant 0 : index
    %get3A_29 = vector.load %arg2[%get3A_26, %get3A_27, %get3A_28] : memref<2x1280x128xf32, #tpu.memory_space<vmem>>, vector<1x1280x128xf32>
    %get3A_30 = vector.shape_cast %get3A_29 : vector<1x1280x128xf32> to vector<1280x128xf32>
    %get3A_31 = arith.constant 1 : index
    %get3A_32 = arith.constant 0 : index
    %get3A_33 = arith.constant 0 : index
    %get3A_34 = vector.load %arg2[%get3A_31, %get3A_32, %get3A_33] : memref<2x1280x128xf32, #tpu.memory_space<vmem>>, vector<1x1280x128xf32>
    %get3A_35 = vector.shape_cast %get3A_34 : vector<1x1280x128xf32> to vector<1280x128xf32>
    %add3A_36 = arith.addf %get3A_30, %get3A_35 : vector<1280x128xf32>
    %mul3A_37 = vector.broadcast %broadcast_in_dim3A_14 : vector<1280x1xf32> to vector<1280x128xf32>
    %mul3A_38 = arith.mulf %add3A_36, %mul3A_37 : vector<1280x128xf32>
    %get3A_39 = arith.constant 0 : index
    %get3A_40 = arith.constant 0 : index
    %get3A_41 = vector.load %arg5[%get3A_39, %get3A_40] : memref<128x128xf32, #tpu.memory_space<vmem>>, vector<128x128xf32>
    %dot_general3A = arith.constant dense<0.000000e+00> : vector<1280x128xf32>
    %dot_general3A_42 = tpu.matmul %mul3A_25, %get3A_41, %dot_general3A {dimension_numbers = #tpu.dot_dimension_numbers<[1], [0], [0], [1], [0, 0, 1, 1], [], []>, transpose_lhs_hint = false} : vector<1280x128xf32>, vector<128x128xf32>, vector<1280x128xf32> -> vector<1280x128xf32>
    %get3A_43 = arith.constant 0 : index
    %get3A_44 = arith.constant 0 : index
    %get3A_45 = vector.load %arg6[%get3A_43, %get3A_44] : memref<1x128xf32, #tpu.memory_space<vmem>>, vector<1x128xf32>
    %add3A_46 = vector.broadcast %get3A_45 : vector<1x128xf32> to vector<1280x128xf32>
    %add3A_47 = arith.addf %dot_general3A_42, %add3A_46 : vector<1280x128xf32>
    %max3A_48 = arith.constant 0.000000e+00 : f32
    %max3A_49 = vector.broadcast %max3A_48 : f32 to vector<1280x128xf32>
    %max3A_50 = arith.maximumf %add3A_47, %max3A_49 : vector<1280x128xf32>
    %swap3A = arith.constant 0 : index
    %swap3A_51 = arith.constant 0 : index
    %swap3A_52 = vector.load %arg9[%swap3A, %swap3A_51] : memref<1280x128xf32, #tpu.memory_space<vmem>>, vector<1280x128xf32>
    tpu.vector_store %arg9[%swap3A, %swap3A_51], %max3A_50 {strides = array<i32>} : memref<1280x128xf32, #tpu.memory_space<vmem>>, vector<1280x128xf32>,
    %get3A_53 = arith.constant 0 : index
    %get3A_54 = arith.constant 0 : index
    %get3A_55 = vector.load %arg7[%get3A_53, %get3A_54] : memref<128x128xf32, #tpu.memory_space<vmem>>, vector<128x128xf32>
    %dot_general3A_56 = arith.constant dense<0.000000e+00> : vector<1280x128xf32>
    %dot_general3A_57 = tpu.matmul %mul3A_38, %get3A_55, %dot_general3A_56 {dimension_numbers = #tpu.dot_dimension_numbers<[1], [0], [0], [1], [0, 0, 1, 1], [], []>, transpose_lhs_hint = false} : vector<1280x128xf32>, vector<128x128xf32>, vector<1280x128xf32> -> vector<1280x128xf32>
    %get3A_58 = arith.constant 0 : index
    %get3A_59 = arith.constant 0 : index
    %get3A_60 = vector.load %arg8[%get3A_58, %get3A_59] : memref<1x128xf32, #tpu.memory_space<vmem>>, vector<1x128xf32>
    %add3A_61 = vector.broadcast %get3A_60 : vector<1x128xf32> to vector<1280x128xf32>
    %add3A_62 = arith.addf %dot_general3A_57, %add3A_61 : vector<1280x128xf32>
    %max3A_63 = arith.constant 0.000000e+00 : f32
    %max3A_64 = vector.broadcast %max3A_63 : f32 to vector<1280x128xf32>
    %max3A_65 = arith.maximumf %add3A_62, %max3A_64 : vector<1280x128xf32>
    %swap3A_66 = arith.constant 0 : index
    %swap3A_67 = arith.constant 0 : index
    %swap3A_68 = vector.load %arg10[%swap3A_66, %swap3A_67] : memref<1280x128xf32, #tpu.memory_space<vmem>>, vector<1280x128xf32>
    tpu.vector_store %arg10[%swap3A_66, %swap3A_67], %max3A_65 {strides = array<i32>} : memref<1280x128xf32, #tpu.memory_space<vmem>>, vector<1280x128xf32>,
    return
  }
  func.func @transform_0(%arg0: i32) -> (i32, i32, i32) {
    %c0_i32 = arith.constant 0 : i32
    %c0_i32_0 = arith.constant 0 : i32
    %c0_i32_1 = arith.constant 0 : i32
    return %c0_i32, %arg0, %c0_i32_0 : i32, i32, i32
  }
  func.func @transform_1(%arg0: i32) -> (i32, i32, i32) {
    %c0_i32 = arith.constant 0 : i32
    %c0_i32_0 = arith.constant 0 : i32
    %c0_i32_1 = arith.constant 0 : i32
    return %c0_i32, %arg0, %c0_i32_0 : i32, i32, i32
  }
  func.func @transform_2(%arg0: i32) -> (i32, i32) {
    %c0_i32 = arith.constant 0 : i32
    %c0_i32_0 = arith.constant 0 : i32
    return %c0_i32, %arg0 : i32, i32
  }
  func.func @transform_3(%arg0: i32) -> (i32, i32) {
    %c0_i32 = arith.constant 0 : i32
    %c0_i32_0 = arith.constant 0 : i32
    return %c0_i32, %arg0 : i32, i32
  }
  func.func @transform_4(%arg0: i32) -> (i32, i32) {
    %c0_i32 = arith.constant 0 : i32
    %c0_i32_0 = arith.constant 0 : i32
    %c0_i32_1 = arith.constant 0 : i32
    return %c0_i32, %c0_i32_0 : i32, i32
  }
  func.func @transform_5(%arg0: i32) -> (i32, i32) {
    %c0_i32 = arith.constant 0 : i32
    %c0_i32_0 = arith.constant 0 : i32
    %c0_i32_1 = arith.constant 0 : i32
    return %c0_i32, %c0_i32_0 : i32, i32
  }
  func.func @transform_6(%arg0: i32) -> (i32, i32) {
    %c0_i32 = arith.constant 0 : i32
    %c0_i32_0 = arith.constant 0 : i32
    %c0_i32_1 = arith.constant 0 : i32
    return %c0_i32, %c0_i32_0 : i32, i32
  }
  func.func @transform_7(%arg0: i32) -> (i32, i32) {
    %c0_i32 = arith.constant 0 : i32
    %c0_i32_0 = arith.constant 0 : i32
    %c0_i32_1 = arith.constant 0 : i32
    return %c0_i32, %c0_i32_0 : i32, i32
  }
  func.func @transform_8(%arg0: i32) -> (i32, i32) {
    %c0_i32 = arith.constant 0 : i32
    %c0_i32_0 = arith.constant 0 : i32
    return %arg0, %c0_i32 : i32, i32
  }
  func.func @transform_9(%arg0: i32) -> (i32, i32) {
    %c0_i32 = arith.constant 0 : i32
    %c0_i32_0 = arith.constant 0 : i32
    return %arg0, %c0_i32 : i32, i32
  }
}

</mosaic_0001>

<sc_bundles>
// kernel: kernel.6.cloned.1.call-start
scs
__scs_entry_jumppad:
0x0: {  	(pc) =	sbr.rel $0x88, $3  }
0x1: {  	(tag) =	ssettag $0x0;
	lr =	simm.s32 $0x1  }
0x2: {  	[smem:$0x3F99] =	sst lr;
	_ =	strace $0xD0000000  }
0x3: {  	_ = 	snop  }
0x4: {  	_ = 	snop  }
0x5: {  	_ = 	snop  }
0x6: {  	_ = 	snop  }
0x7: {  	_ = 	snop  }
__scs_overlays_trampoline_lowered:
0x8: {  	[smem:$0x3FA8] =	sst s0  }
0x9: {  	[smem:$0x3FA9] =	sst s1  }
0xa: {  	[smem:$0x3FAA] =	sst s2  }
0xb: {  	[smem:$0x3FAB] =	sst s3  }
0xc: {  	[smem:$0x3FAC] =	sst s4  }
0xd: {  	[smem:$0x3FAD] =	sst s5  }
0xe: {  	[smem:$0x3FAE] =	sst s6  }
0xf: {  	[smem:$0x3FAF] =	sst s7  }
0x10: {  	[smem:$0x3FB0] =	sst s8  }
0x11: {  	[smem:$0x3FB1] =	sst s9;
	s0 =	simm.s32 @!p0 $0x0  }
0x12: {  	s1 =	sld [smem:$0x3F97];
	s0 =	simm.s32 @p0 $0x1  }
0x13: {  	[smem:$0x3FB2] =	sst s0;
	s0 =	simm.s32 @!p1 $0x0  }
0x14: {  	s2 =	sld [smem:$0x3F96];
	s0 =	simm.s32 @p1 $0x1  }
0x15: {  	[smem:$0x3FB3] =	sst s0;
	s0 =	simm.s32 @!p2 $0x0  }
0x16: {  	s3 =	sld [smem:$0x3FDB];
	s0 =	simm.s32 @p2 $0x1  }
0x17: {  	s4 =	simm.s32 $0x1BF5;
	[smem:$0x3FB5] =	sst s0  }
0x18: {  	s0 =	sld [smem:$0x3F98];
	_ =	swait.ge [sflag:s4], $0x0  }
0x19: {  	s7 =	sld [smem:$0x3F99]  }
0x1a: {  	s8 =	sadd.s32 $0xFFFFE003, lr  }
0x1b: {  	s9 =	sadd.s32 $0xFFFFFEF7, lr;
	s5 =	simm.s32 $0xFFFFFFFF;
	p2 =	slt.u32 s8, $0xFFFFF086  }
0x1c: {  	p1 =	slt.u32 s9, $0xF7A;
	s5 =	simm.s32 @!p2 $0x0  }
0x1d: {  	s5 =	simm.s32 @p1 $0x1;
	p0 =	seq.s32 s7, s2  }
0x1e: {  	s7 =	smul.u32 @!p0 $0xF7A, s2;
	p2 =	seq.s32 @!p0 s5, $0x0  }
0x1f: {  	s9 =	smul.u32 $0xF7A, s1;
	s8 =	simm.s32 @!p0 $0x1BF5;
	p2 =	por !p2, p0  }
0x20: {  	[sflag:s8] =	ssyncset.s32 @!p0 $0xFFFFF086;
	s6 =	sadd.s32 @!p0 s3, s7;
	s7 =	simm.s32 @!p0 $0x108  }
0x21: {  	s3 =	sadd.s32 s3, s9;
	s6 =	sadd.s32 @!p0 $0x88, s6;
	s7 =	simm.s32 @p2 $0x1082  }
0x22: {  	[simem:s7], [sflag:s8] =	dma.local @!p0 [hbm:s6], $0xF7A  }
0x23: {  	s9 =	sor.u32 $0xD0000000, s2;
	s6 =	simm.s32 $0x108;
	_ =	swait.ge @!p0 [sflag:s8], $0x0  }
0x24: {  	s3 =	sadd.s32 $0x88, s3;
	s6 =	simm.s32 @!p1 $0x1082;
	[sflag:s4] =	ssyncset.s32 $0xFFFFF086  }
0x25: {  	[simem:s6], [sflag:s4] =	dma.local [hbm:s3], $0xF7A  }
0x26: {  	[smem:$0x3F99] =	sst s1;
	(tag) =	ssettag s2;
	_ =	strace s9  }
0x27: {  	s1 =	sld [smem:$0x3FA9]  }
0x28: {  	s2 =	sld [smem:$0x3FAA]  }
0x29: {  	s4 =	sld [smem:$0x3FAC]  }
0x2a: {  	p0 =	seq.s32 s5, $0x0;
	s5 =	sld [smem:$0x3FAD]  }
0x2b: {  	s6 =	sld [smem:$0x3FAE]  }
0x2c: {  	s7 =	sld [smem:$0x3FAF]  }
0x2d: {  	s3 =	simm.s32 $0x108;
	s8 =	sld [smem:$0x3FB0]  }
0x2e: {  	s3 =	simm.s32 @!p0 $0x1082;
	s9 =	sld [smem:$0x3FB1]  }
0x2f: {  	lr =	sadd.s32 s0, s3;
	s0 =	sld [smem:$0x3FA8]  }
0x30: {  	s3 =	sld [smem:$0x3FAB]  }
0x31: {  	[smem:$0x3FB4] =	sst s10  }
0x32: {  	s10 =	sld [smem:$0x3FB2];
	_ =	sdelay $0x3  }
0x33: {  	p0 =	seq.s32 s10, $0x1;
	s10 =	sld [smem:$0x3FB4];
	_ =	sdelay $0x3  }
0x34: {  	[smem:$0x3FB4] =	sst s10  }
0x35: {  	s10 =	sld [smem:$0x3FB3];
	_ =	sdelay $0x3  }
0x36: {  	p1 =	seq.s32 s10, $0x1;
	s10 =	sld [smem:$0x3FB4];
	_ =	sdelay $0x3  }
0x37: {  	[smem:$0x3FB4] =	sst s10  }
0x38: {  	s10 =	sld [smem:$0x3FB5]  }
0x39: {  	_ = 	snop;
	(pc) =	sbr.ind lr, $3  }
0x3a: {  	_ = 	snop  }
0x3b: {  	_ = 	snop  }
0x3c: {  	p2 =	seq.s32 s10, $0x1;
	s10 =	sld [smem:$0x3FB4]  }
0x3d: {  	_ =	shalt  }
0x3e: {  	_ =	shalt  }
0x3f: {  	_ =	shalt  }
0x40: {  	_ =	shalt  }
0x41: {  	_ =	shalt  }
0x42: {  	_ =	shalt  }
0x43: {  	_ =	shalt  }
0x44: {  	_ =	shalt  }
0x45: {  	_ =	shalt  }
0x46: {  	_ =	shalt  }
0x47: {  	_ =	shalt  }
0x48: {  	_ =	shalt  }
0x49: {  	_ =	shalt  }
0x4a: {  	_ =	shalt  }
0x4b: {  	_ =	shalt  }
0x4c: {  	_ =	shalt  }
0x4d: {  	_ =	shalt  }
0x4e: {  	_ =	shalt  }
0x4f: {  	_ =	shalt  }
0x50: {  	_ =	shalt  }
0x51: {  	_ =	shalt  }
0x52: {  	_ =	shalt  }
0x53: {  	_ =	shalt  }
0x54: {  	_ =	shalt  }
0x55: {  	_ =	shalt  }
0x56: {  	_ =	shalt  }
0x57: {  	_ =	shalt  }
0x58: {  	_ =	shalt  }
0x59: {  	_ =	shalt  }
0x5a: {  	_ =	shalt  }
0x5b: {  	_ =	shalt  }
0x5c: {  	_ =	shalt  }
0x5d: {  	_ =	shalt  }
0x5e: {  	_ =	shalt  }
0x5f: {  	_ =	shalt  }
0x60: {  	_ =	shalt  }
0x61: {  	_ =	shalt  }
0x62: {  	_ =	shalt  }
0x63: {  	_ =	shalt  }
0x64: {  	_ =	shalt  }
0x65: {  	_ =	shalt  }
0x66: {  	_ =	shalt  }
0x67: {  	_ =	shalt  }
0x68: {  	_ =	shalt  }
0x69: {  	_ =	shalt  }
0x6a: {  	_ =	shalt  }
0x6b: {  	_ =	shalt  }
0x6c: {  	_ =	shalt  }
0x6d: {  	_ =	shalt  }
0x6e: {  	_ =	shalt  }
0x6f: {  	_ =	shalt  }
0x70: {  	_ =	shalt  }
0x71: {  	_ =	shalt  }
0x72: {  	_ =	shalt  }
0x73: {  	_ =	shalt  }
0x74: {  	_ =	shalt  }
0x75: {  	_ =	shalt  }
0x76: {  	_ =	shalt  }
0x77: {  	_ =	shalt  }
0x78: {  	_ =	shalt  }
0x79: {  	_ =	shalt  }
0x7a: {  	_ =	shalt  }
0x7b: {  	_ =	shalt  }
0x7c: {  	_ =	shalt  }
0x7d: {  	_ =	shalt  }
0x7e: {  	_ =	shalt  }
0x7f: {  	_ =	shalt  }
0x80: {  	_ =	shalt  }
0x81: {  	_ =	shalt  }
0x82: {  	_ =	shalt  }
0x83: {  	_ =	shalt  }
0x84: {  	_ =	shalt  }
0x85: {  	_ =	shalt  }
0x86: {  	_ =	shalt  }
0x87: {  	_ =	shalt  }
.Lfunc_end0:
.L_simem_size_0:
called_computation_lowered:
.L_overlay_start_0:
0x88: {  	s2 =	sld [smem:$0x3FD9]  }
0x89: {  	s3 =	sld [smem:$0x3FFE];
	_ =	sdelay $0x1  }
0x8a: {  	s1 =	srdreg.scid  }
0x8b: {  	s0 =	sand.u32 $0x1, s1  }
0x8c: {  	s16 =	sshll.u32 s0, $0xA;
	s2 =	sadd.s32 s3, s2  }
0x8d: {  	s2 =	sadd.s32 s2, s16  }
0x8e: {  	[smem:$0x3FC0] =	sst s2  }
0x8f: {  	_ = 	snop  }
0x90: {  	(tm) =	ssettm $0x1  }
0x91: {  	s17 =	sld [smem:$0x3FFB];
	_ =	sdelay $0x3  }
0x92: {  	_ =	strace s17  }
0x93: {  	s2 =	sld [smem:$0x3FFC];
	_ =	sdelay $0x3  }
0x94: {  	_ =	strace s2  }
0x95: {  	s2 =	sld [smem:$0x3FFD];
	_ =	sdelay $0x3  }
0x96: {  	_ =	strace s2  }
0x97: {  	_ =	strace $0x8FFFFFFF  }
0x98: {  	s18 =	sld [smem:$0x3FDB];
	_ =	sdelay $0x1  }
0x99: {  	s19 =	simm.s32 $_scs_section_size  }
0x9a: {  	s4 =	simm.s32 $_size__tile_overlayer_lowered;
	s5 =	simm.s32 $_tile_overlayer_lowered  }
0x9b: {  	s22 =	simm.s32 $0x1BFF;
	s21 =	sshll.u32 s5, $0x1;
	s2 =	sadd.s32 s19, s18  }
0x9c: {  	s6 =	simm.s32 $0x0;
	s20 =	sshll.u32 s4, $0x1;
	s4 =	sadd.s32 s21, s2  }
0x9d: {  	[timem:s6], [sflag:s22] =	dma.local [hbm:s4], s20  }
0x9e: {  	_ =	swait.ge [sflag:s22], s20  }
0x9f: {  	s3 =	ssub.s32 $0x0, s20;
	[sflag:s22] =	ssyncset.done $0x0  }
0xa0: {  	[sflag:s22] =	ssyncadd.s32 s3;
	_ =	sdelay $0x1  }
0xa1: {  	s23 =	simm.s32 $0x1B8B  }
0xa2: {  	_ =	swait.ge [sflag:s23], $0x1  }
0xa3: {  	[sflag:s23] =	ssyncset.done $0x0  }
0xa4: {  	s25 =	simm.s32 $0x1B8E;
	s24 =	sld [smem:$0x3FFE];
	[sflag:s23] =	ssyncadd.s32 $0xFFFFFFFF  }
0xa5: {  	s26 =	simm.s32 $execute0_lowered;
	[smem:$0x3FD2] =	sst s25  }
0xa6: {  	s4 =	sshll.u32 s26, $0x1;
	_ =	strace $0x80000046;
	[dreg:$0x1] =	wrdreg $0xFFFFFFFF  }
0xa7: {  	s28 =	simm.s32 $_size_execute0_lowered;
	s2 =	sadd.s32 s2, s4;
	[dreg:$0x0] =	wrdreg $0x0  }
0xa8: {  	s4 =	sshll.u32 s28, $0x1;
	[dreg:$0x2] =	wrdreg s2  }
0xa9: {  	[dreg:$0x3] =	wrdreg s4  }
0xaa: {  	[dreg:$0x4] =	wrdreg $0xC0  }
0xab: {  	_ =	task [dreg:s6], $0x5FFFF  }
0xac: {  	[dreg:$0x1] =	wrdreg $0xFFFFFFFF  }
0xad: {  	[dreg:$0x0] =	wrdreg $0x60  }
0xae: {  	[dreg:$0x2] =	wrdreg s24  }
0xaf: {  	[dreg:$0x3] =	wrdreg $0x9  }
0xb0: {  	_ =	task.clear_ibuf [dreg:s6], $0x4FFFF;
	_ =	strace $0x90000046  }
0xb1: {  	s29 =	simm.s32 $0x9;
	_ =	strace $0x80000048  }
0xb2: {  	_ =	swait.ge [sflag:s29], $0x1  }
0xb3: {  	[sflag:s29] =	ssyncadd.s32 $0xFFFFFFFF  }
0xb4: {  	_ =	strace $0x90000048  }
0xb5: {  	_ =	sfence  }
0xb6: {  	s30 =	sld [smem:$0x0];
	_ =	sdelay $0x2  }
0xb7: {  	s31 =	sshll.u32 s1, $0xD;
	s1 =	sshrl.u32 s1, $0x2  }
0xb8: {  	s3 =	sand.u32 $0x4000, s31;
	s1 =	sadd.s32 s1, s30  }
0xb9: {  	s0 =	sor.u32 s3, s0;
	s1 =	sshll.u32 s1, $0x11  }
0xba: {  	s0 =	sor.u32 s1, s0  }
0xbb: {  	s0 =	sadd.s32 $0x8F2B, s0  }
0xbc: {  	[sflag:s0] =	ssyncadd.remote.s32 $0x1  }
0xbd: {  	_ =	sfence.sel $0xFFFF  }
0xbe: {  	[dreg:$0x0] =	wrdreg $0xFFFFFFFF;
	(pc) =	sbr.abs _section_cstart, $3  }
0xbf: {  	[dreg:$0x1] =	wrdreg $0xFFFFFFFF  }
0xc0: {  	_ =	task.clear_ibuf [dreg:s6], $0x2FFFF;
	_ =	strace $0x9FFFFFFF  }
0xc1: {  	(tm) =	ssettm $0x7FFFFFFF  }
tec
execute0_lowered:
.L_overlay_start_1:
0x0: {  	(tag) =	ssettag $0x1  }
0x1: {  	s0 =	srdreg.scid;
	s4 =	rddreg [dreg:$0x0]  }
0x2: {  	s2 =	simm.s32 $0x0;
	s12 =	simm.s32 $0x2;
	s13 =	simm.s32 $0x2780  }
0x3: {  	s14 =	simm.s32 $0x4F00;
	s15 =	simm.s32 $0x80;
	s3 =	sand.u32 $0x1, s0  }
0x4: {  	s16 =	simm.s32 $0x400;
	s0 =	stileid.u32;
	s1 =	sshll.u32 s3, $0x4  }
0x5: {  	s17 =	simm.s32 $0x1;
	s18 =	simm.s32 $0x0;
	s5 =	sor.u32 s0, s1  }
0x6: {  	[smem:$0x7FF] =	sst s2;
	s7 =	sshll.u32 s0, $0x7;
	s6 =	sshrl.u32 s5, $0x3  }
0x7: {  	s3 =	ssub.s32 $0x2, s3;
	s1 =	rddreg [dreg:$0x1];
	s6 =	smul.u32 $0x13C00, s6  }
0x8: {  	s7 =	sand.u32 $0x380, s7;
	s31 =	sshrl.u32 s3, $0x1;
	s5 =	smul.u32 $0x4E2, s5  }
0x9: {  	_ =	strace $0x80000047;
	s11 =	ssub.s32 s3, s31;
	s6 =	sor.u32 s7, s6  }
0xa: {  	s11 =	smax.u32 s11, $0x1;
	s8 =	sadd.s32 s5, s4;
	s30 =	sshrl.u32 s6, $0x3  }
0xb: {  	s3 =	sadd.s32 $0x18000, s8;
	s6 =	sadd.s32 $0xE200, s8;
	s10 =	sadd.s32 s30, s4  }
0xc: {  	s4 =	sadd.s32 $0x21E00, s8;
	s8 =	sadd.s32 $0x4400, s8;
	s5 =	sadd.s32 $0x2BC00, s10  }
0xd: {  	v0 =	vimm.f32 $0.0e+00;
	v1 =	vimm.f32 $1.000000000e+00;
	s7 =	sadd.s32 $0x3F800, s10;
	s9 =	sadd.s32 $0x35A00, s10;
	s10 =	sadd.s32 $0x49600, s10  }
.LBB2_1:
0xe: {  	[tilespmem:s2], [sflag:$0x2] =	stream.linear.gather [hbm4b:s3+s2], $0x2710, $0x38;
	[tilespmem:$0x7680] =	vst v63  }
0xf: {  	_ =	swait.ge [sflag:s12], $0x2710  }
0x10: {  	[sflag:s12] =	ssyncset.done $0x0  }
0x11: {  	s20 =	simm.s32 $0x100;
	s19 =	simm.s32 $0x0;
	[sflag:s12] =	ssyncadd.s32 $0xFFFFD8F0  }
0x12: {  	[tilespmem:s13], [sflag:$0x1] =	stream.linear.gather [hbm4b:s4+s2], $0x2710, $0x38;
	[tilespmem:$0x7680] =	vst v63  }
.LBB2_2:
0x13: {  	p0 =	sne.s32 s20, $0x9B00;
	[tilespmem:s19+$0x4F30] =	vst v0;
	s21 =	smov.u32 s20;
	s20 =	sadd.s32 $0x100, s20  }
.Ltmp0:
0x14: {  	[tilespmem:s19+$0x4F20] =	vst v0;
	(pc) =	sbr.rel @p0 .LBB2_2-.Ltmp0, $3  }
0x15: {  	[tilespmem:s19+$0x4F00] =	vst v0  }
0x16: {  	[tilespmem:s19+$0x4F10] =	vst v0;
	_ =	sdelay $0x1  }
0x17: {  	s19 =	sshra.s32 s21, $0x2  }
0x18: {  	[tilespmem:s19+$0x4F30] =	vst v0  }
0x19: {  	[tilespmem:s19+$0x4F20] =	vst v0  }
0x1a: {  	[tilespmem:s19+$0x4F00] =	vst v0  }
0x1b: {  	[tilespmem:s19+$0x4F10] =	vst v0  }
0x1c: {  	s20 =	simm.s32 $0x0;
	s19 =	simm.s32 $0x40;
	[tilespmem:$0x7600] =	vst v0  }
.LBB2_4:
0x1d: {  	p0 =	sne.s32 s19, $0x9C00;
	v2 =	vld [tilespmem:s20+$0x0];
	_ =	sdelay $0x3  }
.Ltmp1:
0x1e: {  	(pc) =	sbr.rel @p0 .LBB2_4-.Ltmp1, $2  }
0x1f: {  	_ =	sdelay $0x2  }
0x20: {  	s20 =	sshra.s32 s19, $0x2;
	s19 =	sadd.s32 $0x40, s19;
	[tilespmem:v2+s14+$0x0] =	vst.idx.add.f32.msk $0xffff, v1  }
0x21: {  	v2 =	vld [tilespmem:s20+$0x0];
	_ =	sdelay $0x7  }
0x22: {  	[tilespmem:v2+s14+$0x0] =	vst.idx.add.f32.msk $0xffff, v1  }
0x23: {  	[hbm4b:s5+s15] =	stream.strided.scatter [tilespmem:s14], [sflag:$0x2], $0x2780, s16, s15, $0x38;
	[tilespmem:$0x7680] =	vst v63  }
0x24: {  	_ =	swait.ge [sflag:s12], $0x2780  }
0x25: {  	[sflag:s12] =	ssyncset.done $0x0  }
0x26: {  	[sflag:s12] =	ssyncadd.s32 $0xFFFFD880  }
0x27: {  	_ =	swait.ge [sflag:s17], $0x2710  }
0x28: {  	[sflag:s17] =	ssyncset.done $0x0  }
0x29: {  	s19 =	simm.s32 $0x0;
	[sflag:s17] =	ssyncadd.s32 $0xFFFFD8F0  }
0x2a: {  	[tilespmem:s19], [sflag:$0x1] =	stream.linear.gather [hbm4b:s6+s19], $0x2710, $0x38;
	[tilespmem:$0x7680] =	vst v63  }
0x2b: {  	s20 =	simm.s32 $0x100;
	s19 =	simm.s32 $0x0  }
.LBB2_6:
0x2c: {  	p0 =	sne.s32 s20, $0x9B00;
	[tilespmem:s19+$0x4F30] =	vst v0;
	s21 =	smov.u32 s20;
	s20 =	sadd.s32 $0x100, s20  }
.Ltmp2:
0x2d: {  	[tilespmem:s19+$0x4F20] =	vst v0;
	(pc) =	sbr.rel @p0 .LBB2_6-.Ltmp2, $3  }
0x2e: {  	[tilespmem:s19+$0x4F00] =	vst v0  }
0x2f: {  	[tilespmem:s19+$0x4F10] =	vst v0;
	_ =	sdelay $0x1  }
0x30: {  	s19 =	sshra.s32 s21, $0x2  }
0x31: {  	[tilespmem:s19+$0x4F30] =	vst v0  }
0x32: {  	[tilespmem:s19+$0x4F20] =	vst v0  }
0x33: {  	[tilespmem:s19+$0x4F00] =	vst v0  }
0x34: {  	[tilespmem:s19+$0x4F10] =	vst v0  }
0x35: {  	s20 =	simm.s32 $0x0;
	s19 =	simm.s32 $0x40;
	[tilespmem:$0x7600] =	vst v0  }
.LBB2_8:
0x36: {  	p0 =	sne.s32 s19, $0x9C00;
	v2 =	vld [tilespmem:s20+$0x2780];
	_ =	sdelay $0x3  }
.Ltmp3:
0x37: {  	(pc) =	sbr.rel @p0 .LBB2_8-.Ltmp3, $2  }
0x38: {  	_ =	sdelay $0x2  }
0x39: {  	s20 =	sshra.s32 s19, $0x2;
	s19 =	sadd.s32 $0x40, s19;
	[tilespmem:v2+s14+$0x0] =	vst.idx.add.f32.msk $0xffff, v1  }
0x3a: {  	v2 =	vld [tilespmem:s20+$0x2780];
	_ =	sdelay $0x7  }
0x3b: {  	[tilespmem:v2+s14+$0x0] =	vst.idx.add.f32.msk $0xffff, v1  }
0x3c: {  	[hbm4b:s7+s15] =	stream.strided.scatter [tilespmem:s14], [sflag:$0x2], $0x2780, s16, s15, $0x38;
	[tilespmem:$0x7680] =	vst v63  }
0x3d: {  	_ =	swait.ge [sflag:s12], $0x2780  }
0x3e: {  	[sflag:s12] =	ssyncset.done $0x0  }
0x3f: {  	[sflag:s12] =	ssyncadd.s32 $0xFFFFD880  }
0x40: {  	_ =	swait.ge [sflag:s17], $0x2710  }
0x41: {  	[sflag:s17] =	ssyncset.done $0x0  }
0x42: {  	s19 =	simm.s32 $0x0;
	[sflag:s17] =	ssyncadd.s32 $0xFFFFD8F0  }
0x43: {  	[tilespmem:s13], [sflag:$0x1] =	stream.linear.gather [hbm4b:s8+s19], $0x2710, $0x38;
	[tilespmem:$0x7680] =	vst v63  }
0x44: {  	s20 =	simm.s32 $0x100;
	s19 =	simm.s32 $0x0  }
.LBB2_10:
0x45: {  	p0 =	sne.s32 s20, $0x9B00;
	[tilespmem:s19+$0x4F30] =	vst v0;
	s21 =	smov.u32 s20;
	s20 =	sadd.s32 $0x100, s20  }
.Ltmp4:
0x46: {  	[tilespmem:s19+$0x4F20] =	vst v0;
	(pc) =	sbr.rel @p0 .LBB2_10-.Ltmp4, $3  }
0x47: {  	[tilespmem:s19+$0x4F00] =	vst v0  }
0x48: {  	[tilespmem:s19+$0x4F10] =	vst v0;
	_ =	sdelay $0x1  }
0x49: {  	s19 =	sshra.s32 s21, $0x2  }
0x4a: {  	[tilespmem:s19+$0x4F30] =	vst v0  }
0x4b: {  	[tilespmem:s19+$0x4F20] =	vst v0  }
0x4c: {  	[tilespmem:s19+$0x4F00] =	vst v0  }
0x4d: {  	[tilespmem:s19+$0x4F10] =	vst v0  }
0x4e: {  	s20 =	simm.s32 $0x0;
	s19 =	simm.s32 $0x40;
	[tilespmem:$0x7600] =	vst v0  }
.LBB2_12:
0x4f: {  	p0 =	sne.s32 s19, $0x9C00;
	v2 =	vld [tilespmem:s20+$0x0];
	_ =	sdelay $0x3  }
.Ltmp5:
0x50: {  	(pc) =	sbr.rel @p0 .LBB2_12-.Ltmp5, $2  }
0x51: {  	_ =	sdelay $0x2  }
0x52: {  	s20 =	sshra.s32 s19, $0x2;
	s19 =	sadd.s32 $0x40, s19;
	[tilespmem:v2+s14+$0x0] =	vst.idx.add.f32.msk $0xffff, v1  }
0x53: {  	v2 =	vld [tilespmem:s20+$0x0];
	_ =	sdelay $0x7  }
0x54: {  	[tilespmem:v2+s14+$0x0] =	vst.idx.add.f32.msk $0xffff, v1  }
0x55: {  	[hbm4b:s9+s15] =	stream.strided.scatter [tilespmem:s14], [sflag:$0x2], $0x2780, s16, s15, $0x38;
	[tilespmem:$0x7680] =	vst v63  }
0x56: {  	_ =	swait.ge [sflag:s12], $0x2780  }
0x57: {  	[sflag:s12] =	ssyncset.done $0x0  }
0x58: {  	[sflag:s12] =	ssyncadd.s32 $0xFFFFD880  }
0x59: {  	_ =	swait.ge [sflag:s17], $0x2710  }
0x5a: {  	[sflag:s17] =	ssyncset.done $0x0  }
0x5b: {  	s20 =	simm.s32 $0x100;
	s19 =	simm.s32 $0x0;
	[sflag:s17] =	ssyncadd.s32 $0xFFFFD8F0  }
.LBB2_14:
0x5c: {  	p0 =	sne.s32 s20, $0x9B00;
	[tilespmem:s19+$0x4F30] =	vst v0;
	s21 =	smov.u32 s20;
	s20 =	sadd.s32 $0x100, s20  }
.Ltmp6:
0x5d: {  	[tilespmem:s19+$0x4F20] =	vst v0;
	(pc) =	sbr.rel @p0 .LBB2_14-.Ltmp6, $3  }
0x5e: {  	[tilespmem:s19+$0x4F00] =	vst v0  }
0x5f: {  	[tilespmem:s19+$0x4F10] =	vst v0;
	_ =	sdelay $0x1  }
0x60: {  	s19 =	sshra.s32 s21, $0x2  }
0x61: {  	[tilespmem:s19+$0x4F30] =	vst v0  }
0x62: {  	[tilespmem:s19+$0x4F20] =	vst v0  }
0x63: {  	[tilespmem:s19+$0x4F00] =	vst v0  }
0x64: {  	[tilespmem:s19+$0x4F10] =	vst v0  }
0x65: {  	s20 =	simm.s32 $0x0;
	s19 =	simm.s32 $0x40;
	[tilespmem:$0x7600] =	vst v0  }
.LBB2_16:
0x66: {  	p0 =	sne.s32 s19, $0x9C00;
	v2 =	vld [tilespmem:s20+$0x2780];
	_ =	sdelay $0x3  }
.Ltmp7:
0x67: {  	(pc) =	sbr.rel @p0 .LBB2_16-.Ltmp7, $2  }
0x68: {  	_ =	sdelay $0x2  }
0x69: {  	s20 =	sshra.s32 s19, $0x2;
	s19 =	sadd.s32 $0x40, s19;
	[tilespmem:v2+s14+$0x0] =	vst.idx.add.f32.msk $0xffff, v1  }
0x6a: {  	v2 =	vld [tilespmem:s20+$0x2780];
	_ =	sdelay $0x5  }
0x6b: {  	s18 =	sadd.s32 $0x1, s18  }
0x6c: {  	p0 =	sne.s32 s18, s11  }
.Ltmp8:
0x6d: {  	[tilespmem:v2+s14+$0x0] =	vst.idx.add.f32.msk $0xffff, v1;
	(pc) =	sbr.rel @p0 .LBB2_1-.Ltmp8, $4  }
0x6e: {  	[hbm4b:s10+s15] =	stream.strided.scatter [tilespmem:s14], [sflag:$0x2], $0x2780, s16, s15, $0x38;
	[tilespmem:$0x7680] =	vst v63  }
0x6f: {  	_ =	swait.ge [sflag:s12], $0x2780  }
0x70: {  	[sflag:s12] =	ssyncset.done $0x0  }
0x71: {  	[sflag:s12] =	ssyncadd.s32 $0xFFFFD880  }
0x72: {  	_ =	sfence.sel $0x180000  }
0x73: {  	[bflag:$0x0] =	sbarrier.arrive $0xFFFF  }
0x74: {  	p0 =	sne.s32 s0, $0x0;
	_ =	strace $0x90000047  }
0x75: {  	s0 =	sadd.s32 @!p0 $0x100000, s1;
	[bflag:$0x2] =	sbarrier.arrive $0xFFFF  }
0x76: {  	[sflag:s0] =	ssyncadd.tile.s32 @!p0 $0x1;
	_ =	shalt  }
.Lfunc_end2:
_tile_overlayer_lowered:
.L_overlay_start_2:
0x77: {  	(tag) =	ssettag $0x2  }
0x78: {  	s0 =	rddreg [dreg:$0x0];
	s2 =	stileid.u32  }
0x79: {  	s1 =	rddreg [dreg:$0x1];
	p0 =	sne.s32 s2, $0x0  }
0x7a: {  	s3 =	rddreg [dreg:$0x2];
	[bflag:$0x3] =	sbarrier.arrive $0xFFFF;
	s2 =	simm.s32 @!p0 $0x1C02  }
0x7b: {  	[timem:s3], [sflag:s2] =	dma.local @!p0 [hbm:s0], s1  }
0x7c: {  	s0 =	simm.s32 @!p0 $0x2  }
0x7d: {  	_ =	swait.ge @!p0 [sflag:s0], s1  }
0x7e: {  	s1 =	ssub.s32 @!p0 $0x0, s1;
	[sflag:s0] =	ssyncset.done @!p0 $0x0  }
0x7f: {  	[sflag:s0] =	ssyncadd.s32 @!p0 s1  }
0x80: {  	[bflag:$0x3] =	sbarrier.arrive $0xFFFF  }
0x81: {  	_ =	shalt  }

// kernel: kernel.9.cloned.1.call-start
scs
__scs_entry_jumppad:
0x0: {  	(pc) =	sbr.rel $0x88, $3  }
0x1: {  	(tag) =	ssettag $0x0;
	lr =	simm.s32 $0x1  }
0x2: {  	[smem:$0x3F99] =	sst lr;
	_ =	strace $0xD0000000  }
0x3: {  	_ = 	snop  }
0x4: {  	_ = 	snop  }
0x5: {  	_ = 	snop  }
0x6: {  	_ = 	snop  }
0x7: {  	_ = 	snop  }
__scs_overlays_trampoline_lowered:
0x8: {  	[smem:$0x3FA8] =	sst s0  }
0x9: {  	[smem:$0x3FA9] =	sst s1  }
0xa: {  	[smem:$0x3FAA] =	sst s2  }
0xb: {  	[smem:$0x3FAB] =	sst s3  }
0xc: {  	[smem:$0x3FAC] =	sst s4  }
0xd: {  	[smem:$0x3FAD] =	sst s5  }
0xe: {  	[smem:$0x3FAE] =	sst s6  }
0xf: {  	[smem:$0x3FAF] =	sst s7  }
0x10: {  	[smem:$0x3FB0] =	sst s8  }
0x11: {  	[smem:$0x3FB1] =	sst s9;
	s0 =	simm.s32 @!p0 $0x0  }
0x12: {  	s1 =	sld [smem:$0x3F97];
	s0 =	simm.s32 @p0 $0x1  }
0x13: {  	[smem:$0x3FB2] =	sst s0;
	s0 =	simm.s32 @!p1 $0x0  }
0x14: {  	s2 =	sld [smem:$0x3F96];
	s0 =	simm.s32 @p1 $0x1  }
0x15: {  	[smem:$0x3FB3] =	sst s0;
	s0 =	simm.s32 @!p2 $0x0  }
0x16: {  	s3 =	sld [smem:$0x3FDB];
	s0 =	simm.s32 @p2 $0x1  }
0x17: {  	s4 =	simm.s32 $0x1BF5;
	[smem:$0x3FB5] =	sst s0  }
0x18: {  	s0 =	sld [smem:$0x3F98];
	_ =	swait.ge [sflag:s4], $0x0  }
0x19: {  	s7 =	sld [smem:$0x3F99]  }
0x1a: {  	s8 =	sadd.s32 $0xFFFFE003, lr  }
0x1b: {  	s9 =	sadd.s32 $0xFFFFFEF7, lr;
	s5 =	simm.s32 $0xFFFFFFFF;
	p2 =	slt.u32 s8, $0xFFFFF086  }
0x1c: {  	p1 =	slt.u32 s9, $0xF7A;
	s5 =	simm.s32 @!p2 $0x0  }
0x1d: {  	s5 =	simm.s32 @p1 $0x1;
	p0 =	seq.s32 s7, s2  }
0x1e: {  	s7 =	smul.u32 @!p0 $0xF7A, s2;
	p2 =	seq.s32 @!p0 s5, $0x0  }
0x1f: {  	s9 =	smul.u32 $0xF7A, s1;
	s8 =	simm.s32 @!p0 $0x1BF5;
	p2 =	por !p2, p0  }
0x20: {  	[sflag:s8] =	ssyncset.s32 @!p0 $0xFFFFF086;
	s6 =	sadd.s32 @!p0 s3, s7;
	s7 =	simm.s32 @!p0 $0x108  }
0x21: {  	s3 =	sadd.s32 s3, s9;
	s6 =	sadd.s32 @!p0 $0x88, s6;
	s7 =	simm.s32 @p2 $0x1082  }
0x22: {  	[simem:s7], [sflag:s8] =	dma.local @!p0 [hbm:s6], $0xF7A  }
0x23: {  	s9 =	sor.u32 $0xD0000000, s2;
	s6 =	simm.s32 $0x108;
	_ =	swait.ge @!p0 [sflag:s8], $0x0  }
0x24: {  	s3 =	sadd.s32 $0x88, s3;
	s6 =	simm.s32 @!p1 $0x1082;
	[sflag:s4] =	ssyncset.s32 $0xFFFFF086  }
0x25: {  	[simem:s6], [sflag:s4] =	dma.local [hbm:s3], $0xF7A  }
0x26: {  	[smem:$0x3F99] =	sst s1;
	(tag) =	ssettag s2;
	_ =	strace s9  }
0x27: {  	s1 =	sld [smem:$0x3FA9]  }
0x28: {  	s2 =	sld [smem:$0x3FAA]  }
0x29: {  	s4 =	sld [smem:$0x3FAC]  }
0x2a: {  	p0 =	seq.s32 s5, $0x0;
	s5 =	sld [smem:$0x3FAD]  }
0x2b: {  	s6 =	sld [smem:$0x3FAE]  }
0x2c: {  	s7 =	sld [smem:$0x3FAF]  }
0x2d: {  	s3 =	simm.s32 $0x108;
	s8 =	sld [smem:$0x3FB0]  }
0x2e: {  	s3 =	simm.s32 @!p0 $0x1082;
	s9 =	sld [smem:$0x3FB1]  }
0x2f: {  	lr =	sadd.s32 s0, s3;
	s0 =	sld [smem:$0x3FA8]  }
0x30: {  	s3 =	sld [smem:$0x3FAB]  }
0x31: {  	[smem:$0x3FB4] =	sst s10  }
0x32: {  	s10 =	sld [smem:$0x3FB2];
	_ =	sdelay $0x3  }
0x33: {  	p0 =	seq.s32 s10, $0x1;
	s10 =	sld [smem:$0x3FB4];
	_ =	sdelay $0x3  }
0x34: {  	[smem:$0x3FB4] =	sst s10  }
0x35: {  	s10 =	sld [smem:$0x3FB3];
	_ =	sdelay $0x3  }
0x36: {  	p1 =	seq.s32 s10, $0x1;
	s10 =	sld [smem:$0x3FB4];
	_ =	sdelay $0x3  }
0x37: {  	[smem:$0x3FB4] =	sst s10  }
0x38: {  	s10 =	sld [smem:$0x3FB5]  }
0x39: {  	_ = 	snop;
	(pc) =	sbr.ind lr, $3  }
0x3a: {  	_ = 	snop  }
0x3b: {  	_ = 	snop  }
0x3c: {  	p2 =	seq.s32 s10, $0x1;
	s10 =	sld [smem:$0x3FB4]  }
0x3d: {  	_ =	shalt  }
0x3e: {  	_ =	shalt  }
0x3f: {  	_ =	shalt  }
0x40: {  	_ =	shalt  }
0x41: {  	_ =	shalt  }
0x42: {  	_ =	shalt  }
0x43: {  	_ =	shalt  }
0x44: {  	_ =	shalt  }
0x45: {  	_ =	shalt  }
0x46: {  	_ =	shalt  }
0x47: {  	_ =	shalt  }
0x48: {  	_ =	shalt  }
0x49: {  	_ =	shalt  }
0x4a: {  	_ =	shalt  }
0x4b: {  	_ =	shalt  }
0x4c: {  	_ =	shalt  }
0x4d: {  	_ =	shalt  }
0x4e: {  	_ =	shalt  }
0x4f: {  	_ =	shalt  }
0x50: {  	_ =	shalt  }
0x51: {  	_ =	shalt  }
0x52: {  	_ =	shalt  }
0x53: {  	_ =	shalt  }
0x54: {  	_ =	shalt  }
0x55: {  	_ =	shalt  }
0x56: {  	_ =	shalt  }
0x57: {  	_ =	shalt  }
0x58: {  	_ =	shalt  }
0x59: {  	_ =	shalt  }
0x5a: {  	_ =	shalt  }
0x5b: {  	_ =	shalt  }
0x5c: {  	_ =	shalt  }
0x5d: {  	_ =	shalt  }
0x5e: {  	_ =	shalt  }
0x5f: {  	_ =	shalt  }
0x60: {  	_ =	shalt  }
0x61: {  	_ =	shalt  }
0x62: {  	_ =	shalt  }
0x63: {  	_ =	shalt  }
0x64: {  	_ =	shalt  }
0x65: {  	_ =	shalt  }
0x66: {  	_ =	shalt  }
0x67: {  	_ =	shalt  }
0x68: {  	_ =	shalt  }
0x69: {  	_ =	shalt  }
0x6a: {  	_ =	shalt  }
0x6b: {  	_ =	shalt  }
0x6c: {  	_ =	shalt  }
0x6d: {  	_ =	shalt  }
0x6e: {  	_ =	shalt  }
0x6f: {  	_ =	shalt  }
0x70: {  	_ =	shalt  }
0x71: {  	_ =	shalt  }
0x72: {  	_ =	shalt  }
0x73: {  	_ =	shalt  }
0x74: {  	_ =	shalt  }
0x75: {  	_ =	shalt  }
0x76: {  	_ =	shalt  }
0x77: {  	_ =	shalt  }
0x78: {  	_ =	shalt  }
0x79: {  	_ =	shalt  }
0x7a: {  	_ =	shalt  }
0x7b: {  	_ =	shalt  }
0x7c: {  	_ =	shalt  }
0x7d: {  	_ =	shalt  }
0x7e: {  	_ =	shalt  }
0x7f: {  	_ =	shalt  }
0x80: {  	_ =	shalt  }
0x81: {  	_ =	shalt  }
0x82: {  	_ =	shalt  }
0x83: {  	_ =	shalt  }
0x84: {  	_ =	shalt  }
0x85: {  	_ =	shalt  }
0x86: {  	_ =	shalt  }
0x87: {  	_ =	shalt  }
.Lfunc_end0:
.L_simem_size_0:
called_computation.1_lowered:
.L_overlay_start_0:
0x88: {  	s2 =	sld [smem:$0x3FD9]  }
0x89: {  	s3 =	sld [smem:$0x3FFE];
	_ =	sdelay $0x1  }
0x8a: {  	s1 =	srdreg.scid  }
0x8b: {  	s0 =	sand.u32 $0x1, s1  }
0x8c: {  	s14 =	sshll.u32 s0, $0xA;
	s2 =	sadd.s32 s3, s2  }
0x8d: {  	s2 =	sadd.s32 s2, s14  }
0x8e: {  	[smem:$0x3FC0] =	sst s2  }
0x8f: {  	_ = 	snop  }
0x90: {  	s2 =	sld [smem:$0x3FD0];
	_ =	sdelay $0x2  }
0x91: {  	s15 =	simm.s32 $0xA;
	s4 =	simm.s32 $0x10  }
0x92: {  	[smem:s4], [sflag:s15] =	dma.local [hbm:s2], $0x1  }
0x93: {  	_ =	swait.eq [sflag:s15], $0x1  }
0x94: {  	[sflag:s15] =	ssyncset.done $0x0  }
0x95: {  	s16 =	sld [smem:$0x10];
	[sflag:s15] =	ssyncadd.s32 $0xFFFFFFFF  }
0x96: {  	s17 =	sld [smem:$0x11];
	(tm) =	ssettm $0x1  }
0x97: {  	s18 =	sld [smem:$0x3FFB];
	_ =	sdelay $0x3  }
0x98: {  	_ =	strace s18  }
0x99: {  	s4 =	sld [smem:$0x3FFC];
	_ =	sdelay $0x3  }
0x9a: {  	_ =	strace s4  }
0x9b: {  	s4 =	sld [smem:$0x3FFD];
	_ =	sdelay $0x3  }
0x9c: {  	_ =	strace s4  }
0x9d: {  	_ =	strace $0x8FFFFFFF  }
0x9e: {  	s19 =	sld [smem:$0x3FDB];
	_ =	sdelay $0x1  }
0x9f: {  	s5 =	simm.s32 $_scs_section_size  }
0xa0: {  	s6 =	simm.s32 $_size__tile_overlayer_lowered;
	s7 =	simm.s32 $_tile_overlayer_lowered  }
0xa1: {  	s22 =	simm.s32 $0x1BFF;
	s21 =	sshll.u32 s7, $0x1;
	s4 =	sadd.s32 s5, s19  }
0xa2: {  	s8 =	simm.s32 $0x0;
	s20 =	sshll.u32 s6, $0x1;
	s6 =	sadd.s32 s21, s4  }
0xa3: {  	[timem:s8], [sflag:s22] =	dma.local [hbm:s6], s20  }
0xa4: {  	_ =	swait.ge [sflag:s22], s20  }
0xa5: {  	s5 =	ssub.s32 $0x0, s20;
	[sflag:s22] =	ssyncset.done $0x0  }
0xa6: {  	[sflag:s22] =	ssyncadd.s32 s5;
	_ =	sdelay $0x1  }
0xa7: {  	s23 =	simm.s32 $0x1B8B  }
0xa8: {  	_ =	swait.ge [sflag:s23], $0x1  }
0xa9: {  	[sflag:s23] =	ssyncset.done $0x0  }
0xaa: {  	s25 =	simm.s32 $0x1B8E;
	s24 =	sld [smem:$0x3FFE];
	[sflag:s23] =	ssyncadd.s32 $0xFFFFFFFF  }
0xab: {  	s26 =	simm.s32 $execute0_lowered;
	[smem:$0x3FD2] =	sst s25  }
0xac: {  	s6 =	sshll.u32 s26, $0x1;
	_ =	strace $0x80000049;
	[dreg:$0x1] =	wrdreg $0xFFFFFFFF  }
0xad: {  	s28 =	simm.s32 $_size_execute0_lowered;
	s4 =	sadd.s32 s4, s6;
	[dreg:$0x0] =	wrdreg $0x0  }
0xae: {  	s6 =	sshll.u32 s28, $0x1;
	[dreg:$0x2] =	wrdreg s4  }
0xaf: {  	[dreg:$0x3] =	wrdreg s6  }
0xb0: {  	[dreg:$0x4] =	wrdreg $0xC0  }
0xb1: {  	_ =	task [dreg:s8], $0x5FFFF  }
0xb2: {  	[dreg:$0x1] =	wrdreg $0xFFFFFFFF  }
0xb3: {  	[dreg:$0x0] =	wrdreg $0x60  }
0xb4: {  	[dreg:$0x2] =	wrdreg s17  }
0xb5: {  	[dreg:$0x3] =	wrdreg s24  }
0xb6: {  	[dreg:$0x4] =	wrdreg s16  }
0xb7: {  	[dreg:$0x5] =	wrdreg $0xA9000  }
0xb8: {  	[dreg:$0x6] =	wrdreg $0x9  }
0xb9: {  	_ =	task.clear_ibuf [dreg:s8], $0x7FFFF;
	_ =	strace $0x90000049  }
0xba: {  	s29 =	simm.s32 $0x9;
	_ =	strace $0x8000004B  }
0xbb: {  	_ =	swait.ge [sflag:s29], $0x1  }
0xbc: {  	[sflag:s29] =	ssyncadd.s32 $0xFFFFFFFF  }
0xbd: {  	_ =	strace $0x9000004B  }
0xbe: {  	_ =	sfence  }
0xbf: {  	s30 =	sld [smem:$0x0];
	_ =	sdelay $0x2  }
0xc0: {  	s31 =	sshll.u32 s1, $0xD;
	s1 =	sshrl.u32 s1, $0x2  }
0xc1: {  	s3 =	sand.u32 $0x4000, s31;
	s1 =	sadd.s32 s1, s30  }
0xc2: {  	s0 =	sor.u32 s3, s0;
	s1 =	sshll.u32 s1, $0x11  }
0xc3: {  	s0 =	sor.u32 s1, s0  }
0xc4: {  	s0 =	sadd.s32 $0x8F2B, s0  }
0xc5: {  	[sflag:s0] =	ssyncadd.remote.s32 $0x1  }
0xc6: {  	_ =	sfence.sel $0xFFFF  }
0xc7: {  	[dreg:$0x0] =	wrdreg $0xFFFFFFFF;
	(pc) =	sbr.abs _section_cstart, $3  }
0xc8: {  	[dreg:$0x1] =	wrdreg $0xFFFFFFFF  }
0xc9: {  	_ =	task.clear_ibuf [dreg:s8], $0x2FFFF;
	_ =	strace $0x9FFFFFFF  }
0xca: {  	(tm) =	ssettm $0x7FFFFFFF  }
0xcb: {  	_ =	shalt  }
tec
execute0_lowered:
.L_overlay_start_1:
0x0: {  	(tag) =	ssettag $0x1  }
0x1: {  	s1 =	rddreg [dreg:$0x0]  }
0x2: {  	s0 =	rddreg [dreg:$0x1]  }
0x3: {  	s2 =	rddreg [dreg:$0x2]  }
0x4: {  	s3 =	rddreg [dreg:$0x3];
	s4 =	simm.s32 $0x0;
	s6 =	srdreg.scid  }
0x5: {  	s16 =	stileid.u32;
	[smem:$0x7FF] =	sst s4;
	s5 =	sadd.s32 $0x7B400, s0  }
0x6: {  	s7 =	sadd.s32 $0x85400, s0;
	s8 =	sadd.s32 $0x71400, s0;
	s15 =	smul.u32 $0xFA000, s16  }
0x7: {  	s6 =	sand.u32 $0x1, s6;
	s11 =	sadd.s32 $0x67400, s0;
	s12 =	smul.u32 $0x3E800, s16  }
0x8: {  	p0 =	sgt.u32 s16, $0x4;
	s9 =	sshll.u32 s6, $0x4;
	s23 =	sshrl.u32 s15, $0x2  }
0x9: {  	s10 =	smul.u32 $0x138800, s6;
	s22 =	ssub.s32 $0x2, s6;
	s6 =	sadd.s32 s23, s3  }
0xa: {  	_ =	strace $0x8000004A;
	s9 =	sor.u32 s16, s9;
	s25 =	sadd.s32 $0x2800, s6  }
0xb: {  	s24 =	sshrl.u32 s22, $0x1;
	s26 =	sadd.s32 $0x5000, s6;
	[dreg:$0x5] =	wrdreg s25  }
0xc: {  	s13 =	sshll.u32 s9, $0x1;
	s15 =	sadd.s32 $0x7800, s6;
	[dreg:$0x6] =	wrdreg s26  }
0xd: {  	s14 =	sshll.u32 s9, $0x4;
	s17 =	sadd.s32 $0xA000, s6;
	[dreg:$0x7] =	wrdreg s15  }
0xe: {  	s13 =	sadd.s32 s13, s0;
	s16 =	sadd.s32 $0x14000, s6;
	[dreg:$0x8] =	wrdreg s17  }
0xf: {  	s14 =	sadd.s32 s14, s0;
	s18 =	sadd.s32 $0x53600, s13;
	[dreg:$0x1b] =	wrdreg s16  }
0x10: {  	s9 =	smul.u32 $0x2800, s9;
	s19 =	sadd.s32 $0x67200, s14;
	[dreg:$0x9] =	wrdreg s18  }
0x11: {  	s10 =	sadd.s32 s12, s10;
	s15 =	sadd.s32 $0x11800, s6;
	[dreg:$0xa] =	wrdreg s19  }
0x12: {  	s9 =	sshrl.u32 s9, $0x3;
	s17 =	sadd.s32 $0x16800, s6;
	[dreg:$0x1a] =	wrdreg s15  }
0x13: {  	s10 =	sshrl.u32 s10, $0x3;
	s20 =	sadd.s32 s5, s9;
	[dreg:$0x1c] =	wrdreg s17  }
0x14: {  	s0 =	sadd.s32 s10, s0;
	s21 =	sadd.s32 s7, s9;
	[dreg:$0xb] =	wrdreg s20  }
0x15: {  	s10 =	ssub.s32 s22, s24;
	s24 =	sadd.s32 s8, s9;
	[dreg:$0xc] =	wrdreg s21  }
0x16: {  	s25 =	sadd.s32 s11, s9;
	[dreg:$0xf] =	wrdreg s24  }
0x17: {  	s22 =	sadd.s32 $0x280, s9;
	s9 =	sadd.s32 $0x53400, s13;
	[dreg:$0x10] =	wrdreg s25  }
0x18: {  	s12 =	smax.u32 s10, $0x1;
	[dreg:$0x14] =	wrdreg s9  }
0x19: {  	s13 =	sadd.s32 $0xC800, s6;
	[dreg:$0x17] =	wrdreg s12  }
0x1a: {  	s18 =	sadd.s32 $0x19000, s6;
	[dreg:$0x18] =	wrdreg s13  }
0x1b: {  	s19 =	sadd.s32 $0x1B800, s6;
	[dreg:$0x1d] =	wrdreg s18  }
0x1c: {  	s5 =	sadd.s32 s5, s22;
	[dreg:$0x1e] =	wrdreg s19  }
0x1d: {  	s23 =	sadd.s32 s7, s22;
	[dreg:$0xd] =	wrdreg s5  }
0x1e: {  	s26 =	sadd.s32 s8, s22;
	[dreg:$0xe] =	wrdreg s23  }
0x1f: {  	s7 =	sadd.s32 s11, s22;
	[dreg:$0x11] =	wrdreg s26  }
0x20: {  	s28 =	simm.s32 $0x2;
	s8 =	sadd.s32 $0x8F400, s0;
	[dreg:$0x12] =	wrdreg s7  }
0x21: {  	s29 =	simm.s32 $0x2700;
	s11 =	sadd.s32 $0x5D200, s14;
	[dreg:$0x13] =	wrdreg s8  }
0x22: {  	s30 =	simm.s32 $0x2800;
	s0 =	sadd.s32 $0xDD600, s0;
	[dreg:$0x15] =	wrdreg s11  }
0x23: {  	s31 =	simm.s32 $0x2880;
	s14 =	sadd.s32 $0xF000, s6;
	[dreg:$0x16] =	wrdreg s0  }
0x24: {  	s16 =	sadd.s32 $0x34800, s6;
	s20 =	sadd.s32 $0x1E000, s6;
	[dreg:$0x19] =	wrdreg s14  }
0x25: {  	s15 =	sadd.s32 $0x32000, s6;
	s21 =	sadd.s32 $0x20800, s6;
	[dreg:$0x1f] =	wrdreg s20  }
0x26: {  	s17 =	sadd.s32 $0x37000, s6;
	s22 =	sadd.s32 $0x23000, s6;
	[smem:$0x7F8] =	sst s21  }
0x27: {  	s24 =	sadd.s32 $0x28000, s6;
	s25 =	sadd.s32 $0x2A800, s6;
	[smem:$0x7F9] =	sst s22  }
0x28: {  	s18 =	sadd.s32 $0x39800, s6;
	s19 =	sadd.s32 $0x3C000, s6;
	[smem:$0x7FB] =	sst s24  }
0x29: {  	s23 =	sadd.s32 $0x25800, s6;
	[smem:$0x7FC] =	sst s25;
	s26 =	sadd.s32 $0x2D000, s6  }
0x2a: {  	s14 =	sadd.s32 $0x2F800, s6;
	s20 =	simm.s32 $0x2900;
	s21 =	simm.s32 $0x4  }
0x2b: {  	s22 =	simm.s32 $0x1400;
	s24 =	simm.s32 $0x6900;
	s25 =	simm.s32 $0x1  }
0x2c: {  	s0 =	simm.s32 $0x10;
	s5 =	simm.s32 $0x0;
	[smem:$0x7FA] =	sst s23  }
0x2d: {  	v0 =	vimm.f32 $0.0e+00;
	[smem:$0x7FD] =	sst s26;
	s23 =	simm.s32 $0x80;
	s26 =	simm.s32 $0x3  }
.LBB2_1:
0x2e: {  	s7 =	simm.s32 $0x70;
	s8 =	simm.s32 $0x3C0  }
.LBB2_2:
0x2f: {  	p1 =	sne.s32 s8, $0x9FC0;
	[tilespmem:s7+$0x2900] =	vst v0  }
0x30: {  	[tilespmem:s7+$0x2890] =	vst v0  }
0x31: {  	[tilespmem:s7+$0x28A0] =	vst v0  }
.Ltmp0:
0x32: {  	[tilespmem:s7+$0x28B0] =	vst v0;
	(pc) =	sbr.rel @p1 .LBB2_2-.Ltmp0, $4  }
0x33: {  	[tilespmem:s7+$0x28C0] =	vst v0  }
0x34: {  	[tilespmem:s7+$0x28D0] =	vst v0  }
0x35: {  	[tilespmem:s7+$0x28E0] =	vst v0  }
0x36: {  	[tilespmem:s7+$0x28F0] =	vst v0;
	s7 =	sshra.s32 s8, $0x2;
	s8 =	sadd.s32 $0x200, s8  }
0x37: {  	[tilespmem:s7+$0x2900] =	vst v0  }
0x38: {  	[tilespmem:s7+$0x2890] =	vst v0  }
0x39: {  	[tilespmem:s7+$0x28A0] =	vst v0  }
.Ltmp1:
0x3a: {  	[tilespmem:s7+$0x28B0] =	vst v0;
	(pc) =	sbr.rel @p0 .LBB2_5-.Ltmp1, $4  }
0x3b: {  	[tilespmem:s7+$0x28C0] =	vst v0  }
0x3c: {  	[tilespmem:s7+$0x28D0] =	vst v0  }
0x3d: {  	[tilespmem:s7+$0x28E0] =	vst v0  }
0x3e: {  	[tilespmem:s7+$0x28F0] =	vst v0  }
0x3f: {  	[spmem:s6] =	stream.linear.scatter [tilespmem:s20], [sflag:$0x4], $0x2800, $0x38;
	[tilespmem:$0x1E180] =	vst v63  }
0x40: {  	_ =	swait.ge [sflag:s21], $0x2800  }
0x41: {  	[sflag:s21] =	ssyncset.done $0x0  }
0x42: {  	s7 =	rddreg [dreg:$0x5];
	[sflag:s21] =	ssyncadd.s32 $0xFFFFD800  }
0x43: {  	[spmem:s7] =	stream.linear.scatter [tilespmem:s20], [sflag:$0x4], $0x2800, $0x38;
	[tilespmem:$0x1E180] =	vst v63  }
0x44: {  	_ =	swait.ge [sflag:s21], $0x2800  }
0x45: {  	[sflag:s21] =	ssyncset.done $0x0  }
0x46: {  	s9 =	rddreg [dreg:$0x6];
	[sflag:s21] =	ssyncadd.s32 $0xFFFFD800  }
0x47: {  	[spmem:s9] =	stream.linear.scatter [tilespmem:s20], [sflag:$0x4], $0x2800, $0x38;
	[tilespmem:$0x1E180] =	vst v63  }
0x48: {  	_ =	swait.ge [sflag:s21], $0x2800  }
0x49: {  	[sflag:s21] =	ssyncset.done $0x0  }
0x4a: {  	s10 =	rddreg [dreg:$0x7];
	[sflag:s21] =	ssyncadd.s32 $0xFFFFD800  }
0x4b: {  	[spmem:s10] =	stream.linear.scatter [tilespmem:s20], [sflag:$0x4], $0x2800, $0x38;
	[tilespmem:$0x1E180] =	vst v63  }
0x4c: {  	_ =	swait.ge [sflag:s21], $0x2800  }
0x4d: {  	[sflag:s21] =	ssyncset.done $0x0  }
0x4e: {  	s11 =	rddreg [dreg:$0x8];
	[sflag:s21] =	ssyncadd.s32 $0xFFFFD800  }
0x4f: {  	[spmem:s11] =	stream.linear.scatter [tilespmem:s20], [sflag:$0x4], $0x2800, $0x38;
	[tilespmem:$0x1E180] =	vst v63  }
0x50: {  	_ =	swait.ge [sflag:s21], $0x2800  }
0x51: {  	[sflag:s21] =	ssyncset.done $0x0  }
0x52: {  	s12 =	rddreg [dreg:$0x18];
	[sflag:s21] =	ssyncadd.s32 $0xFFFFD800  }
0x53: {  	[spmem:s12] =	stream.linear.scatter [tilespmem:s20], [sflag:$0x4], $0x2800, $0x38;
	[tilespmem:$0x1E180] =	vst v63  }
0x54: {  	_ =	swait.ge [sflag:s21], $0x2800  }
0x55: {  	[sflag:s21] =	ssyncset.done $0x0  }
0x56: {  	s13 =	rddreg [dreg:$0x19];
	[sflag:s21] =	ssyncadd.s32 $0xFFFFD800  }
0x57: {  	[spmem:s13] =	stream.linear.scatter [tilespmem:s20], [sflag:$0x4], $0x2800, $0x38;
	[tilespmem:$0x1E180] =	vst v63  }
0x58: {  	_ =	swait.ge [sflag:s21], $0x2800  }
0x59: {  	[sflag:s21] =	ssyncset.done $0x0  }
0x5a: {  	s8 =	rddreg [dreg:$0x1a];
	[sflag:s21] =	ssyncadd.s32 $0xFFFFD800  }
0x5b: {  	[spmem:s8] =	stream.linear.scatter [tilespmem:s20], [sflag:$0x4], $0x2800, $0x38;
	[tilespmem:$0x1E180] =	vst v63  }
0x5c: {  	_ =	swait.ge [sflag:s21], $0x2800  }
0x5d: {  	[sflag:s21] =	ssyncset.done $0x0  }
0x5e: {  	s9 =	rddreg [dreg:$0x1b];
	[sflag:s21] =	ssyncadd.s32 $0xFFFFD800  }
0x5f: {  	[spmem:s9] =	stream.linear.scatter [tilespmem:s20], [sflag:$0x4], $0x2800, $0x38;
	[tilespmem:$0x1E180] =	vst v63  }
0x60: {  	_ =	swait.ge [sflag:s21], $0x2800  }
0x61: {  	[sflag:s21] =	ssyncset.done $0x0  }
0x62: {  	s10 =	rddreg [dreg:$0x1c];
	[sflag:s21] =	ssyncadd.s32 $0xFFFFD800  }
0x63: {  	[spmem:s10] =	stream.linear.scatter [tilespmem:s20], [sflag:$0x4], $0x2800, $0x38;
	[tilespmem:$0x1E180] =	vst v63  }
0x64: {  	_ =	swait.ge [sflag:s21], $0x2800  }
0x65: {  	[sflag:s21] =	ssyncset.done $0x0  }
0x66: {  	s11 =	rddreg [dreg:$0x1d];
	[sflag:s21] =	ssyncadd.s32 $0xFFFFD800  }
0x67: {  	[spmem:s11] =	stream.linear.scatter [tilespmem:s20], [sflag:$0x4], $0x2800, $0x38;
	[tilespmem:$0x1E180] =	vst v63  }
0x68: {  	_ =	swait.ge [sflag:s21], $0x2800  }
0x69: {  	[sflag:s21] =	ssyncset.done $0x0  }
0x6a: {  	s12 =	rddreg [dreg:$0x1e];
	[sflag:s21] =	ssyncadd.s32 $0xFFFFD800  }
0x6b: {  	[spmem:s12] =	stream.linear.scatter [tilespmem:s20], [sflag:$0x4], $0x2800, $0x38;
	[tilespmem:$0x1E180] =	vst v63  }
0x6c: {  	_ =	swait.ge [sflag:s21], $0x2800  }
0x6d: {  	[sflag:s21] =	ssyncset.done $0x0  }
0x6e: {  	s13 =	rddreg [dreg:$0x1f];
	[sflag:s21] =	ssyncadd.s32 $0xFFFFD800  }
0x6f: {  	[spmem:s13] =	stream.linear.scatter [tilespmem:s20], [sflag:$0x4], $0x2800, $0x38;
	[tilespmem:$0x1E180] =	vst v63  }
0x70: {  	_ =	swait.ge [sflag:s21], $0x2800  }
0x71: {  	s8 =	sld [smem:$0x7F8]  }
0x72: {  	[sflag:s21] =	ssyncset.done $0x0  }
0x73: {  	[sflag:s21] =	ssyncadd.s32 $0xFFFFD800  }
0x74: {  	[spmem:s8] =	stream.linear.scatter [tilespmem:s20], [sflag:$0x4], $0x2800, $0x38;
	[tilespmem:$0x1E180] =	vst v63  }
0x75: {  	_ =	swait.ge [sflag:s21], $0x2800  }
0x76: {  	s9 =	sld [smem:$0x7F9]  }
0x77: {  	[sflag:s21] =	ssyncset.done $0x0  }
0x78: {  	[sflag:s21] =	ssyncadd.s32 $0xFFFFD800  }
0x79: {  	[spmem:s9] =	stream.linear.scatter [tilespmem:s20], [sflag:$0x4], $0x2800, $0x38;
	[tilespmem:$0x1E180] =	vst v63  }
0x7a: {  	_ =	swait.ge [sflag:s21], $0x2800  }
0x7b: {  	s10 =	sld [smem:$0x7FA]  }
0x7c: {  	[sflag:s21] =	ssyncset.done $0x0  }
0x7d: {  	[sflag:s21] =	ssyncadd.s32 $0xFFFFD800  }
0x7e: {  	[spmem:s10] =	stream.linear.scatter [tilespmem:s20], [sflag:$0x4], $0x2800, $0x38;
	[tilespmem:$0x1E180] =	vst v63  }
0x7f: {  	_ =	swait.ge [sflag:s21], $0x2800  }
0x80: {  	s11 =	sld [smem:$0x7FB]  }
0x81: {  	[sflag:s21] =	ssyncset.done $0x0  }
0x82: {  	[sflag:s21] =	ssyncadd.s32 $0xFFFFD800  }
0x83: {  	[spmem:s11] =	stream.linear.scatter [tilespmem:s20], [sflag:$0x4], $0x2800, $0x38;
	[tilespmem:$0x1E180] =	vst v63  }
0x84: {  	_ =	swait.ge [sflag:s21], $0x2800  }
0x85: {  	s12 =	sld [smem:$0x7FC]  }
0x86: {  	[sflag:s21] =	ssyncset.done $0x0  }
0x87: {  	[sflag:s21] =	ssyncadd.s32 $0xFFFFD800  }
0x88: {  	[spmem:s12] =	stream.linear.scatter [tilespmem:s20], [sflag:$0x4], $0x2800, $0x38;
	[tilespmem:$0x1E180] =	vst v63  }
0x89: {  	_ =	swait.ge [sflag:s21], $0x2800  }
0x8a: {  	s13 =	sld [smem:$0x7FD]  }
0x8b: {  	[sflag:s21] =	ssyncset.done $0x0  }
0x8c: {  	[sflag:s21] =	ssyncadd.s32 $0xFFFFD800  }
0x8d: {  	[spmem:s13] =	stream.linear.scatter [tilespmem:s20], [sflag:$0x4], $0x2800, $0x38;
	[tilespmem:$0x1E180] =	vst v63  }
0x8e: {  	_ =	swait.ge [sflag:s21], $0x2800  }
0x8f: {  	[sflag:s21] =	ssyncset.done $0x0  }
0x90: {  	[sflag:s21] =	ssyncadd.s32 $0xFFFFD800  }
0x91: {  	[spmem:s14] =	stream.linear.scatter [tilespmem:s20], [sflag:$0x4], $0x2800, $0x38;
	[tilespmem:$0x1E180] =	vst v63  }
0x92: {  	_ =	swait.ge [sflag:s21], $0x2800  }
0x93: {  	[sflag:s21] =	ssyncset.done $0x0  }
0x94: {  	[sflag:s21] =	ssyncadd.s32 $0xFFFFD800  }
0x95: {  	[spmem:s15] =	stream.linear.scatter [tilespmem:s20], [sflag:$0x4], $0x2800, $0x38;
	[tilespmem:$0x1E180] =	vst v63  }
0x96: {  	_ =	swait.ge [sflag:s21], $0x2800  }
0x97: {  	[sflag:s21] =	ssyncset.done $0x0  }
0x98: {  	[sflag:s21] =	ssyncadd.s32 $0xFFFFD800  }
0x99: {  	[spmem:s16] =	stream.linear.scatter [tilespmem:s20], [sflag:$0x4], $0x2800, $0x38;
	[tilespmem:$0x1E180] =	vst v63  }
0x9a: {  	_ =	swait.ge [sflag:s21], $0x2800  }
0x9b: {  	[sflag:s21] =	ssyncset.done $0x0  }
0x9c: {  	[sflag:s21] =	ssyncadd.s32 $0xFFFFD800  }
0x9d: {  	[spmem:s17] =	stream.linear.scatter [tilespmem:s20], [sflag:$0x4], $0x2800, $0x38;
	[tilespmem:$0x1E180] =	vst v63  }
0x9e: {  	_ =	swait.ge [sflag:s21], $0x2800  }
0x9f: {  	[sflag:s21] =	ssyncset.done $0x0  }
0xa0: {  	[sflag:s21] =	ssyncadd.s32 $0xFFFFD800  }
0xa1: {  	[spmem:s18] =	stream.linear.scatter [tilespmem:s20], [sflag:$0x4], $0x2800, $0x38;
	[tilespmem:$0x1E180] =	vst v63  }
0xa2: {  	_ =	swait.ge [sflag:s21], $0x2800  }
0xa3: {  	[sflag:s21] =	ssyncset.done $0x0  }
0xa4: {  	[sflag:s21] =	ssyncadd.s32 $0xFFFFD800  }
0xa5: {  	[spmem:s19] =	stream.linear.scatter [tilespmem:s20], [sflag:$0x4], $0x2800, $0x38;
	[tilespmem:$0x1E180] =	vst v63  }
0xa6: {  	_ =	swait.ge [sflag:s21], $0x2800  }
0xa7: {  	[sflag:s21] =	ssyncset.done $0x0  }
0xa8: {  	[sflag:s21] =	ssyncadd.s32 $0xFFFFD800  }
.LBB2_5:
0xa9: {  	[bflag:$0x0] =	sbarrier.arrive $0xFFFF  }
0xaa: {  	s7 =	simm.s32 $0x0;
	s8 =	rddreg [dreg:$0xb]  }
0xab: {  	[tilespmem:s7], [sflag:$0x4] =	stream.linear.gather [hbm4b:s8+s7], $0x1380, $0x38;
	[tilespmem:$0x1E180] =	vst v63  }
0xac: {  	_ =	swait.ge [sflag:s21], $0x1380  }
0xad: {  	[sflag:s21] =	ssyncset.done $0x0  }
0xae: {  	s9 =	rddreg [dreg:$0xc];
	[sflag:s21] =	ssyncadd.s32 $0xFFFFEC80  }
0xaf: {  	[tilespmem:s22], [sflag:$0x4] =	stream.linear.gather [hbm4b:s9+s7], $0x1380, $0x38;
	[tilespmem:$0x1E180] =	vst v63  }
0xb0: {  	_ =	swait.ge [sflag:s21], $0x1380  }
0xb1: {  	[sflag:s21] =	ssyncset.done $0x0  }
0xb2: {  	[sflag:s21] =	ssyncadd.s32 $0xFFFFEC80  }
0xb3: {  	[tilespmem:s20], [sflag:$0x1] =	stream.indirect.gather [hbm4b:s1+s23], $0x80, s7, s23, $0xb8;
	[tilespmem:$0x1E180] =	vst v63  }
0xb4: {  	s10 =	simm.s32 $0x80  }
0xb5: {  	[tilespmem:s24], [sflag:$0x2] =	stream.indirect.gather [hbm4b:s1+s23], $0x80, s10, s23, $0xb8;
	[tilespmem:$0x1E180] =	vst v63  }
0xb6: {  	_ =	swait.ge [sflag:s25], $0x4000  }
0xb7: {  	[sflag:s25] =	ssyncset.done $0x0  }
0xb8: {  	s11 =	simm.s32 $0x1400;
	[sflag:s25] =	ssyncadd.s32 $0xFFFFC000  }
0xb9: {  	[spmem:s3] =	stream.indirect.scatter.add.f32 [tilespmem:s20], [sflag:$0x3], $0x80, s11, s23, $0xb8;
	[tilespmem:$0x1E180] =	vst v63  }
0xba: {  	_ =	swait.ge [sflag:s26], $0x4000  }
0xbb: {  	[sflag:s26] =	ssyncset.done $0x0  }
0xbc: {  	s12 =	simm.s32 $0x100;
	[sflag:s26] =	ssyncadd.s32 $0xFFFFC000  }
0xbd: {  	[tilespmem:s20], [sflag:$0x1] =	stream.indirect.gather [hbm4b:s1+s23], $0x80, s12, s23, $0xb8;
	[tilespmem:$0x1E180] =	vst v63  }
0xbe: {  	_ =	swait.ge [sflag:s28], $0x4000  }
0xbf: {  	[sflag:s28] =	ssyncset.done $0x0  }
0xc0: {  	s13 =	simm.s32 $0x1480;
	[sflag:s28] =	ssyncadd.s32 $0xFFFFC000  }
0xc1: {  	[spmem:s3] =	stream.indirect.scatter.add.f32 [tilespmem:s24], [sflag:$0x3], $0x80, s13, s23, $0xb8;
	[tilespmem:$0x1E180] =	vst v63  }
0xc2: {  	_ =	swait.ge [sflag:s26], $0x4000  }
0xc3: {  	s8 =	simm.s32 $0x800;
	s7 =	simm.s32 $0x100;
	[sflag:s26] =	ssyncset.done $0x0  }
.LBB2_6:
0xc4: {  	s9 =	sadd.s32 $0x80, s7  }
0xc5: {  	[sflag:s26] =	ssyncadd.s32 $0xFFFFC000;
	s10 =	smov.u32 s8;
	s11 =	sadd.s32 $0x400, s8  }
0xc6: {  	[tilespmem:s24], [sflag:$0x2] =	stream.indirect.gather [hbm4b:s1+s23], $0x80, s9, s23, $0xb8;
	[tilespmem:$0x1E180] =	vst v63  }
0xc7: {  	p1 =	sne.s32 s8, $0x4800;
	_ =	swait.ge [sflag:s25], $0x4000  }
0xc8: {  	[sflag:s25] =	ssyncset.done $0x0  }
0xc9: {  	s8 =	sadd.s32 $0x1400, s7;
	[sflag:s25] =	ssyncadd.s32 $0xFFFFC000  }
0xca: {  	[spmem:s3] =	stream.indirect.scatter.add.f32 [tilespmem:s20], [sflag:$0x3], $0x80, s8, s23, $0xb8;
	[tilespmem:$0x1E180] =	vst v63  }
0xcb: {  	_ =	swait.ge [sflag:s26], $0x4000  }
0xcc: {  	[sflag:s26] =	ssyncset.done $0x0  }
0xcd: {  	s8 =	sadd.s32 $0x100, s7;
	[sflag:s26] =	ssyncadd.s32 $0xFFFFC000  }
0xce: {  	[tilespmem:s20], [sflag:$0x1] =	stream.indirect.gather [hbm4b:s1+s23], $0x80, s8, s23, $0xb8;
	[tilespmem:$0x1E180] =	vst v63  }
0xcf: {  	_ =	swait.ge [sflag:s28], $0x4000  }
.Ltmp2:
0xd0: {  	[sflag:s28] =	ssyncset.done $0x0;
	(pc) =	sbr.rel @p1 .LBB2_6-.Ltmp2, $4  }
0xd1: {  	s7 =	sadd.s32 $0x1480, s7;
	[sflag:s28] =	ssyncadd.s32 $0xFFFFC000  }
0xd2: {  	[spmem:s3] =	stream.indirect.scatter.add.f32 [tilespmem:s24], [sflag:$0x3], $0x80, s7, s23, $0xb8;
	[tilespmem:$0x1E180] =	vst v63  }
0xd3: {  	_ =	swait.ge [sflag:s26], $0x4000  }
0xd4: {  	s8 =	smov.u32 s11;
	s7 =	sshra.s32 s10, $0x2;
	[sflag:s26] =	ssyncset.done $0x0  }
0xd5: {  	s8 =	sadd.s32 $0x80, s7;
	[sflag:s26] =	ssyncadd.s32 $0xFFFFC000  }
0xd6: {  	[tilespmem:s24], [sflag:$0x2] =	stream.indirect.gather [hbm4b:s1+s23], $0x80, s8, s23, $0xb8;
	[tilespmem:$0x1E180] =	vst v63  }
0xd7: {  	_ =	swait.ge [sflag:s25], $0x4000  }
0xd8: {  	[sflag:s25] =	ssyncset.done $0x0  }
0xd9: {  	s9 =	sadd.s32 $0x1400, s7;
	[sflag:s25] =	ssyncadd.s32 $0xFFFFC000  }
0xda: {  	[spmem:s3] =	stream.indirect.scatter.add.f32 [tilespmem:s20], [sflag:$0x3], $0x80, s9, s23, $0xb8;
	[tilespmem:$0x1E180] =	vst v63  }
0xdb: {  	_ =	swait.ge [sflag:s26], $0x4000  }
0xdc: {  	[sflag:s26] =	ssyncset.done $0x0  }
0xdd: {  	s10 =	sadd.s32 $0x100, s7;
	[sflag:s26] =	ssyncadd.s32 $0xFFFFC000  }
0xde: {  	[tilespmem:s20], [sflag:$0x1] =	stream.indirect.gather [hbm4b:s1+s23], $0x80, s10, s23, $0xb8;
	[tilespmem:$0x1E180] =	vst v63  }
0xdf: {  	_ =	swait.ge [sflag:s28], $0x4000  }
0xe0: {  	[sflag:s28] =	ssyncset.done $0x0  }
0xe1: {  	s11 =	sadd.s32 $0x1480, s7;
	[sflag:s28] =	ssyncadd.s32 $0xFFFFC000  }
0xe2: {  	[spmem:s3] =	stream.indirect.scatter.add.f32 [tilespmem:s24], [sflag:$0x3], $0x80, s11, s23, $0xb8;
	[tilespmem:$0x1E180] =	vst v63  }
0xe3: {  	_ =	swait.ge [sflag:s26], $0x4000  }
0xe4: {  	[sflag:s26] =	ssyncset.done $0x0  }
0xe5: {  	[sflag:s26] =	ssyncadd.s32 $0xFFFFC000  }
0xe6: {  	_ =	swait.ge [sflag:s25], $0x4000  }
0xe7: {  	[sflag:s25] =	ssyncset.done $0x0  }
0xe8: {  	[sflag:s25] =	ssyncadd.s32 $0xFFFFC000  }
0xe9: {  	[spmem:s3] =	stream.indirect.scatter.add.f32 [tilespmem:s20], [sflag:$0x3], $0x80, s29, s23, $0xb8;
	[tilespmem:$0x1E180] =	vst v63  }
0xea: {  	_ =	swait.ge [sflag:s26], $0x4000  }
0xeb: {  	[sflag:s26] =	ssyncset.done $0x0  }
0xec: {  	s12 =	simm.s32 $0x0;
	s13 =	rddreg [dreg:$0xd];
	[sflag:s26] =	ssyncadd.s32 $0xFFFFC000  }
0xed: {  	[tilespmem:s12], [sflag:$0x4] =	stream.linear.gather [hbm4b:s13+s12], $0x1380, $0x38;
	[tilespmem:$0x1E180] =	vst v63  }
0xee: {  	_ =	swait.ge [sflag:s21], $0x1380  }
0xef: {  	[sflag:s21] =	ssyncset.done $0x0  }
0xf0: {  	s9 =	rddreg [dreg:$0xe];
	[sflag:s21] =	ssyncadd.s32 $0xFFFFEC80  }
0xf1: {  	[tilespmem:s22], [sflag:$0x4] =	stream.linear.gather [hbm4b:s9+s12], $0x1380, $0x38;
	[tilespmem:$0x1E180] =	vst v63  }
0xf2: {  	_ =	swait.ge [sflag:s21], $0x1380  }
0xf3: {  	[sflag:s21] =	ssyncset.done $0x0  }
0xf4: {  	[sflag:s21] =	ssyncadd.s32 $0xFFFFEC80  }
0xf5: {  	[tilespmem:s20], [sflag:$0x1] =	stream.indirect.gather [hbm4b:s1+s23], $0x80, s12, s23, $0xb8;
	[tilespmem:$0x1E180] =	vst v63  }
0xf6: {  	s10 =	simm.s32 $0x80  }
0xf7: {  	[tilespmem:s24], [sflag:$0x2] =	stream.indirect.gather [hbm4b:s1+s23], $0x80, s10, s23, $0xb8;
	[tilespmem:$0x1E180] =	vst v63  }
0xf8: {  	_ =	swait.ge [sflag:s25], $0x4000  }
0xf9: {  	[sflag:s25] =	ssyncset.done $0x0  }
0xfa: {  	s11 =	simm.s32 $0x1400;
	[sflag:s25] =	ssyncadd.s32 $0xFFFFC000  }
0xfb: {  	[spmem:s3] =	stream.indirect.scatter.add.f32 [tilespmem:s20], [sflag:$0x3], $0x80, s11, s23, $0xb8;
	[tilespmem:$0x1E180] =	vst v63  }
0xfc: {  	_ =	swait.ge [sflag:s26], $0x4000  }
0xfd: {  	[sflag:s26] =	ssyncset.done $0x0  }
0xfe: {  	s12 =	simm.s32 $0x100;
	[sflag:s26] =	ssyncadd.s32 $0xFFFFC000  }
0xff: {  	[tilespmem:s20], [sflag:$0x1] =	stream.indirect.gather [hbm4b:s1+s23], $0x80, s12, s23, $0xb8;
	[tilespmem:$0x1E180] =	vst v63  }
0x100: {  	_ =	swait.ge [sflag:s28], $0x4000  }
0x101: {  	[sflag:s28] =	ssyncset.done $0x0  }
0x102: {  	s13 =	simm.s32 $0x1480;
	[sflag:s28] =	ssyncadd.s32 $0xFFFFC000  }
0x103: {  	[spmem:s3] =	stream.indirect.scatter.add.f32 [tilespmem:s24], [sflag:$0x3], $0x80, s13, s23, $0xb8;
	[tilespmem:$0x1E180] =	vst v63  }
0x104: {  	_ =	swait.ge [sflag:s26], $0x4000  }
0x105: {  	s7 =	simm.s32 $0x100;
	s8 =	simm.s32 $0x800;
	[sflag:s26] =	ssyncset.done $0x0  }
.LBB2_8:
0x106: {  	s9 =	sadd.s32 $0x80, s7  }
0x107: {  	[sflag:s26] =	ssyncadd.s32 $0xFFFFC000;
	s10 =	smov.u32 s8;
	s11 =	sadd.s32 $0x400, s8  }
0x108: {  	[tilespmem:s24], [sflag:$0x2] =	stream.indirect.gather [hbm4b:s1+s23], $0x80, s9, s23, $0xb8;
	[tilespmem:$0x1E180] =	vst v63  }
0x109: {  	p1 =	sne.s32 s8, $0x4800;
	_ =	swait.ge [sflag:s25], $0x4000  }
0x10a: {  	[sflag:s25] =	ssyncset.done $0x0  }
0x10b: {  	s8 =	sadd.s32 $0x1400, s7;
	[sflag:s25] =	ssyncadd.s32 $0xFFFFC000  }
0x10c: {  	[spmem:s3] =	stream.indirect.scatter.add.f32 [tilespmem:s20], [sflag:$0x3], $0x80, s8, s23, $0xb8;
	[tilespmem:$0x1E180] =	vst v63  }
0x10d: {  	_ =	swait.ge [sflag:s26], $0x4000  }
0x10e: {  	[sflag:s26] =	ssyncset.done $0x0  }
0x10f: {  	s8 =	sadd.s32 $0x100, s7;
	[sflag:s26] =	ssyncadd.s32 $0xFFFFC000  }
0x110: {  	[tilespmem:s20], [sflag:$0x1] =	stream.indirect.gather [hbm4b:s1+s23], $0x80, s8, s23, $0xb8;
	[tilespmem:$0x1E180] =	vst v63  }
0x111: {  	_ =	swait.ge [sflag:s28], $0x4000  }
.Ltmp3:
0x112: {  	[sflag:s28] =	ssyncset.done $0x0;
	(pc) =	sbr.rel @p1 .LBB2_8-.Ltmp3, $4  }
0x113: {  	s7 =	sadd.s32 $0x1480, s7;
	[sflag:s28] =	ssyncadd.s32 $0xFFFFC000  }
0x114: {  	[spmem:s3] =	stream.indirect.scatter.add.f32 [tilespmem:s24], [sflag:$0x3], $0x80, s7, s23, $0xb8;
	[tilespmem:$0x1E180] =	vst v63  }
0x115: {  	_ =	swait.ge [sflag:s26], $0x4000  }
0x116: {  	s8 =	smov.u32 s11;
	s7 =	sshra.s32 s10, $0x2;
	[sflag:s26] =	ssyncset.done $0x0  }
0x117: {  	s8 =	sadd.s32 $0x80, s7;
	[sflag:s26] =	ssyncadd.s32 $0xFFFFC000  }
0x118: {  	[tilespmem:s24], [sflag:$0x2] =	stream.indirect.gather [hbm4b:s1+s23], $0x80, s8, s23, $0xb8;
	[tilespmem:$0x1E180] =	vst v63  }
0x119: {  	_ =	swait.ge [sflag:s25], $0x4000  }
0x11a: {  	[sflag:s25] =	ssyncset.done $0x0  }
0x11b: {  	s9 =	sadd.s32 $0x1400, s7;
	[sflag:s25] =	ssyncadd.s32 $0xFFFFC000  }
0x11c: {  	[spmem:s3] =	stream.indirect.scatter.add.f32 [tilespmem:s20], [sflag:$0x3], $0x80, s9, s23, $0xb8;
	[tilespmem:$0x1E180] =	vst v63  }
0x11d: {  	_ =	swait.ge [sflag:s26], $0x4000  }
0x11e: {  	[sflag:s26] =	ssyncset.done $0x0  }
0x11f: {  	s10 =	sadd.s32 $0x100, s7;
	[sflag:s26] =	ssyncadd.s32 $0xFFFFC000  }
0x120: {  	[tilespmem:s20], [sflag:$0x1] =	stream.indirect.gather [hbm4b:s1+s23], $0x80, s10, s23, $0xb8;
	[tilespmem:$0x1E180] =	vst v63  }
0x121: {  	_ =	swait.ge [sflag:s28], $0x4000  }
0x122: {  	[sflag:s28] =	ssyncset.done $0x0  }
0x123: {  	s11 =	sadd.s32 $0x1480, s7;
	[sflag:s28] =	ssyncadd.s32 $0xFFFFC000  }
0x124: {  	[spmem:s3] =	stream.indirect.scatter.add.f32 [tilespmem:s24], [sflag:$0x3], $0x80, s11, s23, $0xb8;
	[tilespmem:$0x1E180] =	vst v63  }
0x125: {  	_ =	swait.ge [sflag:s26], $0x4000  }
0x126: {  	[sflag:s26] =	ssyncset.done $0x0  }
0x127: {  	[sflag:s26] =	ssyncadd.s32 $0xFFFFC000  }
0x128: {  	_ =	swait.ge [sflag:s25], $0x4000  }
0x129: {  	[sflag:s25] =	ssyncset.done $0x0  }
0x12a: {  	[sflag:s25] =	ssyncadd.s32 $0xFFFFC000  }
0x12b: {  	[spmem:s3] =	stream.indirect.scatter.add.f32 [tilespmem:s20], [sflag:$0x3], $0x80, s29, s23, $0xb8;
	[tilespmem:$0x1E180] =	vst v63  }
0x12c: {  	_ =	swait.ge [sflag:s26], $0x4000  }
0x12d: {  	[sflag:s26] =	ssyncset.done $0x0  }
0x12e: {  	s12 =	rddreg [dreg:$0x9];
	[sflag:s26] =	ssyncadd.s32 $0xFFFFC000  }
0x12f: {  	[tilespmem:s30], [sflag:$0x4] =	stream.linear.gather [hbm4b:s12+s4], $0x10, $0x38;
	[tilespmem:$0x1E180] =	vst v63  }
0x130: {  	_ =	swait.ge [sflag:s21], $0x10  }
0x131: {  	[sflag:s21] =	ssyncset.done $0x0  }
0x132: {  	s13 =	rddreg [dreg:$0xa];
	[sflag:s21] =	ssyncadd.s32 $0xFFFFFFF0  }
0x133: {  	[tilespmem:s31], [sflag:$0x4] =	stream.linear.gather [hbm4b:s13+s4], $0x80, $0x38;
	[tilespmem:$0x1E180] =	vst v63  }
0x134: {  	_ =	swait.ge [sflag:s21], $0x80  }
0x135: {  	[sflag:s21] =	ssyncset.done $0x0  }
0x136: {  	[sflag:s21] =	ssyncadd.s32 $0xFFFFFF80  }
0x137: {  	[tilespmem:s20], [sflag:$0x1] =	stream.indirect.gather [hbm4b:s1+s0], $0x80, s30, s0, $0xb8;
	[tilespmem:$0x1E180] =	vst v63  }
0x138: {  	_ =	swait.ge [sflag:s25], $0x800  }
0x139: {  	[sflag:s25] =	ssyncset.done $0x0  }
0x13a: {  	[sflag:s25] =	ssyncadd.s32 $0xFFFFF800  }
0x13b: {  	[spmem:s3] =	stream.indirect.scatter.add.f32 [tilespmem:s20], [sflag:$0x4], $0x80, s31, s0, $0xb8;
	[tilespmem:$0x1E180] =	vst v63  }
0x13c: {  	_ =	swait.ge [sflag:s21], $0x800  }
0x13d: {  	[sflag:s21] =	ssyncset.done $0x0  }
0x13e: {  	s7 =	stileid.u32;
	[sflag:s21] =	ssyncadd.s32 $0xFFFFF800  }
0x13f: {  	s7 =	sshll.u32 @!p0 s7, $0x6;
	[bflag:$0x0] =	sbarrier.arrive $0xFFFF  }
0x140: {  	s8 =	sshrl.u32 @!p0 s6, $0x3;
	s7 =	sor.u32 @!p0 $0x1C04, s7;
	s9 =	rddreg [dreg:$0x13]  }
0x141: {  	[hbm:s9], [sflag:s7] =	dma.local @!p0 [spmem:s8], $0x7D00  }
0x142: {  	s9 =	simm.s32 @!p0 $0x4  }
0x143: {  	_ =	swait.ge @!p0 [sflag:s9], $0x7D00  }
0x144: {  	[sflag:s9] =	ssyncset.done @!p0 $0x0  }
0x145: {  	s10 =	simm.s32 $0x3C0;
	[sflag:s9] =	ssyncadd.s32 @!p0 $0xFFFF8300;
	s9 =	simm.s32 $0x70  }
.LBB2_10:
0x146: {  	p1 =	sne.s32 s10, $0x9FC0;
	[tilespmem:s9+$0x2900] =	vst v0  }
0x147: {  	[tilespmem:s9+$0x2890] =	vst v0  }
0x148: {  	[tilespmem:s9+$0x28A0] =	vst v0  }
.Ltmp4:
0x149: {  	[tilespmem:s9+$0x28B0] =	vst v0;
	(pc) =	sbr.rel @p1 .LBB2_10-.Ltmp4, $4  }
0x14a: {  	[tilespmem:s9+$0x28C0] =	vst v0  }
0x14b: {  	[tilespmem:s9+$0x28D0] =	vst v0  }
0x14c: {  	[tilespmem:s9+$0x28E0] =	vst v0  }
0x14d: {  	[tilespmem:s9+$0x28F0] =	vst v0;
	s9 =	sshra.s32 s10, $0x2;
	s10 =	sadd.s32 $0x200, s10  }
0x14e: {  	[tilespmem:s9+$0x2900] =	vst v0  }
0x14f: {  	[tilespmem:s9+$0x2890] =	vst v0  }
0x150: {  	[tilespmem:s9+$0x28A0] =	vst v0  }
.Ltmp5:
0x151: {  	[tilespmem:s9+$0x28B0] =	vst v0;
	(pc) =	sbr.rel @p0 .LBB2_13-.Ltmp5, $4  }
0x152: {  	[tilespmem:s9+$0x28C0] =	vst v0  }
0x153: {  	[tilespmem:s9+$0x28D0] =	vst v0  }
0x154: {  	[tilespmem:s9+$0x28E0] =	vst v0  }
0x155: {  	[tilespmem:s9+$0x28F0] =	vst v0  }
0x156: {  	[spmem:s6] =	stream.linear.scatter [tilespmem:s20], [sflag:$0x4], $0x2800, $0x38;
	[tilespmem:$0x1E180] =	vst v63  }
0x157: {  	_ =	swait.ge [sflag:s21], $0x2800  }
0x158: {  	[sflag:s21] =	ssyncset.done $0x0  }
0x159: {  	s9 =	rddreg [dreg:$0x5];
	[sflag:s21] =	ssyncadd.s32 $0xFFFFD800  }
0x15a: {  	[spmem:s9] =	stream.linear.scatter [tilespmem:s20], [sflag:$0x4], $0x2800, $0x38;
	[tilespmem:$0x1E180] =	vst v63  }
0x15b: {  	_ =	swait.ge [sflag:s21], $0x2800  }
0x15c: {  	[sflag:s21] =	ssyncset.done $0x0  }
0x15d: {  	s13 =	rddreg [dreg:$0x6];
	[sflag:s21] =	ssyncadd.s32 $0xFFFFD800  }
0x15e: {  	[spmem:s13] =	stream.linear.scatter [tilespmem:s20], [sflag:$0x4], $0x2800, $0x38;
	[tilespmem:$0x1E180] =	vst v63  }
0x15f: {  	_ =	swait.ge [sflag:s21], $0x2800  }
0x160: {  	[sflag:s21] =	ssyncset.done $0x0  }
0x161: {  	s10 =	rddreg [dreg:$0x7];
	[sflag:s21] =	ssyncadd.s32 $0xFFFFD800  }
0x162: {  	[spmem:s10] =	stream.linear.scatter [tilespmem:s20], [sflag:$0x4], $0x2800, $0x38;
	[tilespmem:$0x1E180] =	vst v63  }
0x163: {  	_ =	swait.ge [sflag:s21], $0x2800  }
0x164: {  	[sflag:s21] =	ssyncset.done $0x0  }
0x165: {  	s11 =	rddreg [dreg:$0x8];
	[sflag:s21] =	ssyncadd.s32 $0xFFFFD800  }
0x166: {  	[spmem:s11] =	stream.linear.scatter [tilespmem:s20], [sflag:$0x4], $0x2800, $0x38;
	[tilespmem:$0x1E180] =	vst v63  }
0x167: {  	_ =	swait.ge [sflag:s21], $0x2800  }
0x168: {  	[sflag:s21] =	ssyncset.done $0x0  }
0x169: {  	s12 =	rddreg [dreg:$0x18];
	[sflag:s21] =	ssyncadd.s32 $0xFFFFD800  }
0x16a: {  	[spmem:s12] =	stream.linear.scatter [tilespmem:s20], [sflag:$0x4], $0x2800, $0x38;
	[tilespmem:$0x1E180] =	vst v63  }
0x16b: {  	_ =	swait.ge [sflag:s21], $0x2800  }
0x16c: {  	[sflag:s21] =	ssyncset.done $0x0  }
0x16d: {  	s13 =	rddreg [dreg:$0x19];
	[sflag:s21] =	ssyncadd.s32 $0xFFFFD800  }
0x16e: {  	[spmem:s13] =	stream.linear.scatter [tilespmem:s20], [sflag:$0x4], $0x2800, $0x38;
	[tilespmem:$0x1E180] =	vst v63  }
0x16f: {  	_ =	swait.ge [sflag:s21], $0x2800  }
0x170: {  	[sflag:s21] =	ssyncset.done $0x0  }
0x171: {  	s10 =	rddreg [dreg:$0x1a];
	[sflag:s21] =	ssyncadd.s32 $0xFFFFD800  }
0x172: {  	[spmem:s10] =	stream.linear.scatter [tilespmem:s20], [sflag:$0x4], $0x2800, $0x38;
	[tilespmem:$0x1E180] =	vst v63  }
0x173: {  	_ =	swait.ge [sflag:s21], $0x2800  }
0x174: {  	[sflag:s21] =	ssyncset.done $0x0  }
0x175: {  	s11 =	rddreg [dreg:$0x1b];
	[sflag:s21] =	ssyncadd.s32 $0xFFFFD800  }
0x176: {  	[spmem:s11] =	stream.linear.scatter [tilespmem:s20], [sflag:$0x4], $0x2800, $0x38;
	[tilespmem:$0x1E180] =	vst v63  }
0x177: {  	_ =	swait.ge [sflag:s21], $0x2800  }
0x178: {  	[sflag:s21] =	ssyncset.done $0x0  }
0x179: {  	s12 =	rddreg [dreg:$0x1c];
	[sflag:s21] =	ssyncadd.s32 $0xFFFFD800  }
0x17a: {  	[spmem:s12] =	stream.linear.scatter [tilespmem:s20], [sflag:$0x4], $0x2800, $0x38;
	[tilespmem:$0x1E180] =	vst v63  }
0x17b: {  	_ =	swait.ge [sflag:s21], $0x2800  }
0x17c: {  	[sflag:s21] =	ssyncset.done $0x0  }
0x17d: {  	s13 =	rddreg [dreg:$0x1d];
	[sflag:s21] =	ssyncadd.s32 $0xFFFFD800  }
0x17e: {  	[spmem:s13] =	stream.linear.scatter [tilespmem:s20], [sflag:$0x4], $0x2800, $0x38;
	[tilespmem:$0x1E180] =	vst v63  }
0x17f: {  	_ =	swait.ge [sflag:s21], $0x2800  }
0x180: {  	[sflag:s21] =	ssyncset.done $0x0  }
0x181: {  	s10 =	rddreg [dreg:$0x1e];
	[sflag:s21] =	ssyncadd.s32 $0xFFFFD800  }
0x182: {  	[spmem:s10] =	stream.linear.scatter [tilespmem:s20], [sflag:$0x4], $0x2800, $0x38;
	[tilespmem:$0x1E180] =	vst v63  }
0x183: {  	_ =	swait.ge [sflag:s21], $0x2800  }
0x184: {  	[sflag:s21] =	ssyncset.done $0x0  }
0x185: {  	s11 =	rddreg [dreg:$0x1f];
	[sflag:s21] =	ssyncadd.s32 $0xFFFFD800  }
0x186: {  	[spmem:s11] =	stream.linear.scatter [tilespmem:s20], [sflag:$0x4], $0x2800, $0x38;
	[tilespmem:$0x1E180] =	vst v63  }
0x187: {  	_ =	swait.ge [sflag:s21], $0x2800  }
0x188: {  	s12 =	sld [smem:$0x7F8]  }
0x189: {  	[sflag:s21] =	ssyncset.done $0x0  }
0x18a: {  	[sflag:s21] =	ssyncadd.s32 $0xFFFFD800  }
0x18b: {  	[spmem:s12] =	stream.linear.scatter [tilespmem:s20], [sflag:$0x4], $0x2800, $0x38;
	[tilespmem:$0x1E180] =	vst v63  }
0x18c: {  	_ =	swait.ge [sflag:s21], $0x2800  }
0x18d: {  	s13 =	sld [smem:$0x7F9]  }
0x18e: {  	[sflag:s21] =	ssyncset.done $0x0  }
0x18f: {  	[sflag:s21] =	ssyncadd.s32 $0xFFFFD800  }
0x190: {  	[spmem:s13] =	stream.linear.scatter [tilespmem:s20], [sflag:$0x4], $0x2800, $0x38;
	[tilespmem:$0x1E180] =	vst v63  }
0x191: {  	_ =	swait.ge [sflag:s21], $0x2800  }
0x192: {  	s10 =	sld [smem:$0x7FA]  }
0x193: {  	[sflag:s21] =	ssyncset.done $0x0  }
0x194: {  	[sflag:s21] =	ssyncadd.s32 $0xFFFFD800  }
0x195: {  	[spmem:s10] =	stream.linear.scatter [tilespmem:s20], [sflag:$0x4], $0x2800, $0x38;
	[tilespmem:$0x1E180] =	vst v63  }
0x196: {  	_ =	swait.ge [sflag:s21], $0x2800  }
0x197: {  	s11 =	sld [smem:$0x7FB]  }
0x198: {  	[sflag:s21] =	ssyncset.done $0x0  }
0x199: {  	[sflag:s21] =	ssyncadd.s32 $0xFFFFD800  }
0x19a: {  	[spmem:s11] =	stream.linear.scatter [tilespmem:s20], [sflag:$0x4], $0x2800, $0x38;
	[tilespmem:$0x1E180] =	vst v63  }
0x19b: {  	_ =	swait.ge [sflag:s21], $0x2800  }
0x19c: {  	s12 =	sld [smem:$0x7FC]  }
0x19d: {  	[sflag:s21] =	ssyncset.done $0x0  }
0x19e: {  	[sflag:s21] =	ssyncadd.s32 $0xFFFFD800  }
0x19f: {  	[spmem:s12] =	stream.linear.scatter [tilespmem:s20], [sflag:$0x4], $0x2800, $0x38;
	[tilespmem:$0x1E180] =	vst v63  }
0x1a0: {  	_ =	swait.ge [sflag:s21], $0x2800  }
0x1a1: {  	s13 =	sld [smem:$0x7FD]  }
0x1a2: {  	[sflag:s21] =	ssyncset.done $0x0  }
0x1a3: {  	[sflag:s21] =	ssyncadd.s32 $0xFFFFD800  }
0x1a4: {  	[spmem:s13] =	stream.linear.scatter [tilespmem:s20], [sflag:$0x4], $0x2800, $0x38;
	[tilespmem:$0x1E180] =	vst v63  }
0x1a5: {  	_ =	swait.ge [sflag:s21], $0x2800  }
0x1a6: {  	[sflag:s21] =	ssyncset.done $0x0  }
0x1a7: {  	[sflag:s21] =	ssyncadd.s32 $0xFFFFD800  }
0x1a8: {  	[spmem:s14] =	stream.linear.scatter [tilespmem:s20], [sflag:$0x4], $0x2800, $0x38;
	[tilespmem:$0x1E180] =	vst v63  }
0x1a9: {  	_ =	swait.ge [sflag:s21], $0x2800  }
0x1aa: {  	[sflag:s21] =	ssyncset.done $0x0  }
0x1ab: {  	[sflag:s21] =	ssyncadd.s32 $0xFFFFD800  }
0x1ac: {  	[spmem:s15] =	stream.linear.scatter [tilespmem:s20], [sflag:$0x4], $0x2800, $0x38;
	[tilespmem:$0x1E180] =	vst v63  }
0x1ad: {  	_ =	swait.ge [sflag:s21], $0x2800  }
0x1ae: {  	[sflag:s21] =	ssyncset.done $0x0  }
0x1af: {  	[sflag:s21] =	ssyncadd.s32 $0xFFFFD800  }
0x1b0: {  	[spmem:s16] =	stream.linear.scatter [tilespmem:s20], [sflag:$0x4], $0x2800, $0x38;
	[tilespmem:$0x1E180] =	vst v63  }
0x1b1: {  	_ =	swait.ge [sflag:s21], $0x2800  }
0x1b2: {  	[sflag:s21] =	ssyncset.done $0x0  }
0x1b3: {  	[sflag:s21] =	ssyncadd.s32 $0xFFFFD800  }
0x1b4: {  	[spmem:s17] =	stream.linear.scatter [tilespmem:s20], [sflag:$0x4], $0x2800, $0x38;
	[tilespmem:$0x1E180] =	vst v63  }
0x1b5: {  	_ =	swait.ge [sflag:s21], $0x2800  }
0x1b6: {  	[sflag:s21] =	ssyncset.done $0x0  }
0x1b7: {  	[sflag:s21] =	ssyncadd.s32 $0xFFFFD800  }
0x1b8: {  	[spmem:s18] =	stream.linear.scatter [tilespmem:s20], [sflag:$0x4], $0x2800, $0x38;
	[tilespmem:$0x1E180] =	vst v63  }
0x1b9: {  	_ =	swait.ge [sflag:s21], $0x2800  }
0x1ba: {  	[sflag:s21] =	ssyncset.done $0x0  }
0x1bb: {  	[sflag:s21] =	ssyncadd.s32 $0xFFFFD800  }
0x1bc: {  	[spmem:s19] =	stream.linear.scatter [tilespmem:s20], [sflag:$0x4], $0x2800, $0x38;
	[tilespmem:$0x1E180] =	vst v63  }
0x1bd: {  	_ =	swait.ge [sflag:s21], $0x2800  }
0x1be: {  	[sflag:s21] =	ssyncset.done $0x0  }
0x1bf: {  	[sflag:s21] =	ssyncadd.s32 $0xFFFFD800  }
.LBB2_13:
0x1c0: {  	[bflag:$0x0] =	sbarrier.arrive $0xFFFF  }
0x1c1: {  	s9 =	simm.s32 $0x0;
	s10 =	rddreg [dreg:$0xf]  }
0x1c2: {  	[tilespmem:s9], [sflag:$0x4] =	stream.linear.gather [hbm4b:s10+s9], $0x1380, $0x38;
	[tilespmem:$0x1E180] =	vst v63  }
0x1c3: {  	_ =	swait.ge [sflag:s21], $0x1380  }
0x1c4: {  	[sflag:s21] =	ssyncset.done $0x0  }
0x1c5: {  	s13 =	rddreg [dreg:$0x10];
	[sflag:s21] =	ssyncadd.s32 $0xFFFFEC80  }
0x1c6: {  	[tilespmem:s22], [sflag:$0x4] =	stream.linear.gather [hbm4b:s13+s9], $0x1380, $0x38;
	[tilespmem:$0x1E180] =	vst v63  }
0x1c7: {  	_ =	swait.ge [sflag:s21], $0x1380  }
0x1c8: {  	[sflag:s21] =	ssyncset.done $0x0  }
0x1c9: {  	[sflag:s21] =	ssyncadd.s32 $0xFFFFEC80  }
0x1ca: {  	[tilespmem:s20], [sflag:$0x1] =	stream.indirect.gather [hbm4b:s2+s23], $0x80, s9, s23, $0xb8;
	[tilespmem:$0x1E180] =	vst v63  }
0x1cb: {  	s10 =	simm.s32 $0x80  }
0x1cc: {  	[tilespmem:s24], [sflag:$0x2] =	stream.indirect.gather [hbm4b:s2+s23], $0x80, s10, s23, $0xb8;
	[tilespmem:$0x1E180] =	vst v63  }
0x1cd: {  	_ =	swait.ge [sflag:s25], $0x4000  }
0x1ce: {  	[sflag:s25] =	ssyncset.done $0x0  }
0x1cf: {  	s11 =	simm.s32 $0x1400;
	[sflag:s25] =	ssyncadd.s32 $0xFFFFC000  }
0x1d0: {  	[spmem:s3] =	stream.indirect.scatter.add.f32 [tilespmem:s20], [sflag:$0x3], $0x80, s11, s23, $0xb8;
	[tilespmem:$0x1E180] =	vst v63  }
0x1d1: {  	_ =	swait.ge [sflag:s26], $0x4000  }
0x1d2: {  	[sflag:s26] =	ssyncset.done $0x0  }
0x1d3: {  	s12 =	simm.s32 $0x100;
	[sflag:s26] =	ssyncadd.s32 $0xFFFFC000  }
0x1d4: {  	[tilespmem:s20], [sflag:$0x1] =	stream.indirect.gather [hbm4b:s2+s23], $0x80, s12, s23, $0xb8;
	[tilespmem:$0x1E180] =	vst v63  }
0x1d5: {  	_ =	swait.ge [sflag:s28], $0x4000  }
0x1d6: {  	[sflag:s28] =	ssyncset.done $0x0  }
0x1d7: {  	s13 =	simm.s32 $0x1480;
	[sflag:s28] =	ssyncadd.s32 $0xFFFFC000  }
0x1d8: {  	[spmem:s3] =	stream.indirect.scatter.add.f32 [tilespmem:s24], [sflag:$0x3], $0x80, s13, s23, $0xb8;
	[tilespmem:$0x1E180] =	vst v63  }
0x1d9: {  	_ =	swait.ge [sflag:s26], $0x4000  }
0x1da: {  	s9 =	simm.s32 $0x100;
	s10 =	simm.s32 $0x800;
	[sflag:s26] =	ssyncset.done $0x0  }
.LBB2_14:
0x1db: {  	s11 =	sadd.s32 $0x80, s9  }
0x1dc: {  	[sflag:s26] =	ssyncadd.s32 $0xFFFFC000;
	s12 =	smov.u32 s10;
	s13 =	sadd.s32 $0x400, s10  }
0x1dd: {  	[tilespmem:s24], [sflag:$0x2] =	stream.indirect.gather [hbm4b:s2+s23], $0x80, s11, s23, $0xb8;
	[tilespmem:$0x1E180] =	vst v63  }
0x1de: {  	p1 =	sne.s32 s10, $0x4800;
	_ =	swait.ge [sflag:s25], $0x4000  }
0x1df: {  	[sflag:s25] =	ssyncset.done $0x0  }
0x1e0: {  	s10 =	sadd.s32 $0x1400, s9;
	[sflag:s25] =	ssyncadd.s32 $0xFFFFC000  }
0x1e1: {  	[spmem:s3] =	stream.indirect.scatter.add.f32 [tilespmem:s20], [sflag:$0x3], $0x80, s10, s23, $0xb8;
	[tilespmem:$0x1E180] =	vst v63  }
0x1e2: {  	_ =	swait.ge [sflag:s26], $0x4000  }
0x1e3: {  	[sflag:s26] =	ssyncset.done $0x0  }
0x1e4: {  	s10 =	sadd.s32 $0x100, s9;
	[sflag:s26] =	ssyncadd.s32 $0xFFFFC000  }
0x1e5: {  	[tilespmem:s20], [sflag:$0x1] =	stream.indirect.gather [hbm4b:s2+s23], $0x80, s10, s23, $0xb8;
	[tilespmem:$0x1E180] =	vst v63  }
0x1e6: {  	_ =	swait.ge [sflag:s28], $0x4000  }
.Ltmp6:
0x1e7: {  	[sflag:s28] =	ssyncset.done $0x0;
	(pc) =	sbr.rel @p1 .LBB2_14-.Ltmp6, $4  }
0x1e8: {  	s9 =	sadd.s32 $0x1480, s9;
	[sflag:s28] =	ssyncadd.s32 $0xFFFFC000  }
0x1e9: {  	[spmem:s3] =	stream.indirect.scatter.add.f32 [tilespmem:s24], [sflag:$0x3], $0x80, s9, s23, $0xb8;
	[tilespmem:$0x1E180] =	vst v63  }
0x1ea: {  	_ =	swait.ge [sflag:s26], $0x4000  }
0x1eb: {  	s10 =	smov.u32 s13;
	s9 =	sshra.s32 s12, $0x2;
	[sflag:s26] =	ssyncset.done $0x0  }
0x1ec: {  	s10 =	sadd.s32 $0x80, s9;
	[sflag:s26] =	ssyncadd.s32 $0xFFFFC000  }
0x1ed: {  	[tilespmem:s24], [sflag:$0x2] =	stream.indirect.gather [hbm4b:s2+s23], $0x80, s10, s23, $0xb8;
	[tilespmem:$0x1E180] =	vst v63  }
0x1ee: {  	_ =	swait.ge [sflag:s25], $0x4000  }
0x1ef: {  	[sflag:s25] =	ssyncset.done $0x0  }
0x1f0: {  	s12 =	sadd.s32 $0x1400, s9;
	[sflag:s25] =	ssyncadd.s32 $0xFFFFC000  }
0x1f1: {  	[spmem:s3] =	stream.indirect.scatter.add.f32 [tilespmem:s20], [sflag:$0x3], $0x80, s12, s23, $0xb8;
	[tilespmem:$0x1E180] =	vst v63  }
0x1f2: {  	_ =	swait.ge [sflag:s26], $0x4000  }
0x1f3: {  	[sflag:s26] =	ssyncset.done $0x0  }
0x1f4: {  	s13 =	sadd.s32 $0x100, s9;
	[sflag:s26] =	ssyncadd.s32 $0xFFFFC000  }
0x1f5: {  	[tilespmem:s20], [sflag:$0x1] =	stream.indirect.gather [hbm4b:s2+s23], $0x80, s13, s23, $0xb8;
	[tilespmem:$0x1E180] =	vst v63  }
0x1f6: {  	_ =	swait.ge [sflag:s28], $0x4000  }
0x1f7: {  	[sflag:s28] =	ssyncset.done $0x0  }
0x1f8: {  	s10 =	sadd.s32 $0x1480, s9;
	[sflag:s28] =	ssyncadd.s32 $0xFFFFC000  }
0x1f9: {  	[spmem:s3] =	stream.indirect.scatter.add.f32 [tilespmem:s24], [sflag:$0x3], $0x80, s10, s23, $0xb8;
	[tilespmem:$0x1E180] =	vst v63  }
0x1fa: {  	_ =	swait.ge [sflag:s26], $0x4000  }
0x1fb: {  	[sflag:s26] =	ssyncset.done $0x0  }
0x1fc: {  	[sflag:s26] =	ssyncadd.s32 $0xFFFFC000  }
0x1fd: {  	_ =	swait.ge [sflag:s25], $0x4000  }
0x1fe: {  	[sflag:s25] =	ssyncset.done $0x0  }
0x1ff: {  	[sflag:s25] =	ssyncadd.s32 $0xFFFFC000  }
0x200: {  	[spmem:s3] =	stream.indirect.scatter.add.f32 [tilespmem:s20], [sflag:$0x3], $0x80, s29, s23, $0xb8;
	[tilespmem:$0x1E180] =	vst v63  }
0x201: {  	_ =	swait.ge [sflag:s26], $0x4000  }
0x202: {  	[sflag:s26] =	ssyncset.done $0x0  }
0x203: {  	s11 =	simm.s32 $0x0;
	s12 =	rddreg [dreg:$0x11];
	[sflag:s26] =	ssyncadd.s32 $0xFFFFC000  }
0x204: {  	[tilespmem:s11], [sflag:$0x4] =	stream.linear.gather [hbm4b:s12+s11], $0x1380, $0x38;
	[tilespmem:$0x1E180] =	vst v63  }
0x205: {  	_ =	swait.ge [sflag:s21], $0x1380  }
0x206: {  	[sflag:s21] =	ssyncset.done $0x0  }
0x207: {  	s13 =	rddreg [dreg:$0x12];
	[sflag:s21] =	ssyncadd.s32 $0xFFFFEC80  }
0x208: {  	[tilespmem:s22], [sflag:$0x4] =	stream.linear.gather [hbm4b:s13+s11], $0x1380, $0x38;
	[tilespmem:$0x1E180] =	vst v63  }
0x209: {  	_ =	swait.ge [sflag:s21], $0x1380  }
0x20a: {  	[sflag:s21] =	ssyncset.done $0x0  }
0x20b: {  	[sflag:s21] =	ssyncadd.s32 $0xFFFFEC80  }
0x20c: {  	[tilespmem:s20], [sflag:$0x1] =	stream.indirect.gather [hbm4b:s2+s23], $0x80, s11, s23, $0xb8;
	[tilespmem:$0x1E180] =	vst v63  }
0x20d: {  	s10 =	simm.s32 $0x80  }
0x20e: {  	[tilespmem:s24], [sflag:$0x2] =	stream.indirect.gather [hbm4b:s2+s23], $0x80, s10, s23, $0xb8;
	[tilespmem:$0x1E180] =	vst v63  }
0x20f: {  	_ =	swait.ge [sflag:s25], $0x4000  }
0x210: {  	[sflag:s25] =	ssyncset.done $0x0  }
0x211: {  	s11 =	simm.s32 $0x1400;
	[sflag:s25] =	ssyncadd.s32 $0xFFFFC000  }
0x212: {  	[spmem:s3] =	stream.indirect.scatter.add.f32 [tilespmem:s20], [sflag:$0x3], $0x80, s11, s23, $0xb8;
	[tilespmem:$0x1E180] =	vst v63  }
0x213: {  	_ =	swait.ge [sflag:s26], $0x4000  }
0x214: {  	[sflag:s26] =	ssyncset.done $0x0  }
0x215: {  	s12 =	simm.s32 $0x100;
	[sflag:s26] =	ssyncadd.s32 $0xFFFFC000  }
0x216: {  	[tilespmem:s20], [sflag:$0x1] =	stream.indirect.gather [hbm4b:s2+s23], $0x80, s12, s23, $0xb8;
	[tilespmem:$0x1E180] =	vst v63  }
0x217: {  	_ =	swait.ge [sflag:s28], $0x4000  }
0x218: {  	[sflag:s28] =	ssyncset.done $0x0  }
0x219: {  	s13 =	simm.s32 $0x1480;
	[sflag:s28] =	ssyncadd.s32 $0xFFFFC000  }
0x21a: {  	[spmem:s3] =	stream.indirect.scatter.add.f32 [tilespmem:s24], [sflag:$0x3], $0x80, s13, s23, $0xb8;
	[tilespmem:$0x1E180] =	vst v63  }
0x21b: {  	_ =	swait.ge [sflag:s26], $0x4000  }
0x21c: {  	s9 =	simm.s32 $0x100;
	s10 =	simm.s32 $0x800;
	[sflag:s26] =	ssyncset.done $0x0  }
.LBB2_16:
0x21d: {  	s11 =	sadd.s32 $0x80, s9  }
0x21e: {  	[sflag:s26] =	ssyncadd.s32 $0xFFFFC000;
	s12 =	smov.u32 s10;
	s13 =	sadd.s32 $0x400, s10  }
0x21f: {  	[tilespmem:s24], [sflag:$0x2] =	stream.indirect.gather [hbm4b:s2+s23], $0x80, s11, s23, $0xb8;
	[tilespmem:$0x1E180] =	vst v63  }
0x220: {  	p1 =	sne.s32 s10, $0x4800;
	_ =	swait.ge [sflag:s25], $0x4000  }
0x221: {  	[sflag:s25] =	ssyncset.done $0x0  }
0x222: {  	s10 =	sadd.s32 $0x1400, s9;
	[sflag:s25] =	ssyncadd.s32 $0xFFFFC000  }
0x223: {  	[spmem:s3] =	stream.indirect.scatter.add.f32 [tilespmem:s20], [sflag:$0x3], $0x80, s10, s23, $0xb8;
	[tilespmem:$0x1E180] =	vst v63  }
0x224: {  	_ =	swait.ge [sflag:s26], $0x4000  }
0x225: {  	[sflag:s26] =	ssyncset.done $0x0  }
0x226: {  	s10 =	sadd.s32 $0x100, s9;
	[sflag:s26] =	ssyncadd.s32 $0xFFFFC000  }
0x227: {  	[tilespmem:s20], [sflag:$0x1] =	stream.indirect.gather [hbm4b:s2+s23], $0x80, s10, s23, $0xb8;
	[tilespmem:$0x1E180] =	vst v63  }
0x228: {  	_ =	swait.ge [sflag:s28], $0x4000  }
.Ltmp7:
0x229: {  	[sflag:s28] =	ssyncset.done $0x0;
	(pc) =	sbr.rel @p1 .LBB2_16-.Ltmp7, $4  }
0x22a: {  	s9 =	sadd.s32 $0x1480, s9;
	[sflag:s28] =	ssyncadd.s32 $0xFFFFC000  }
0x22b: {  	[spmem:s3] =	stream.indirect.scatter.add.f32 [tilespmem:s24], [sflag:$0x3], $0x80, s9, s23, $0xb8;
	[tilespmem:$0x1E180] =	vst v63  }
0x22c: {  	_ =	swait.ge [sflag:s26], $0x4000  }
0x22d: {  	s10 =	smov.u32 s13;
	s9 =	sshra.s32 s12, $0x2;
	[sflag:s26] =	ssyncset.done $0x0  }
0x22e: {  	s10 =	sadd.s32 $0x80, s9;
	[sflag:s26] =	ssyncadd.s32 $0xFFFFC000  }
0x22f: {  	[tilespmem:s24], [sflag:$0x2] =	stream.indirect.gather [hbm4b:s2+s23], $0x80, s10, s23, $0xb8;
	[tilespmem:$0x1E180] =	vst v63  }
0x230: {  	_ =	swait.ge [sflag:s25], $0x4000  }
0x231: {  	[sflag:s25] =	ssyncset.done $0x0  }
0x232: {  	s12 =	sadd.s32 $0x1400, s9;
	[sflag:s25] =	ssyncadd.s32 $0xFFFFC000  }
0x233: {  	[spmem:s3] =	stream.indirect.scatter.add.f32 [tilespmem:s20], [sflag:$0x3], $0x80, s12, s23, $0xb8;
	[tilespmem:$0x1E180] =	vst v63  }
0x234: {  	_ =	swait.ge [sflag:s26], $0x4000  }
0x235: {  	[sflag:s26] =	ssyncset.done $0x0  }
0x236: {  	s13 =	sadd.s32 $0x100, s9;
	[sflag:s26] =	ssyncadd.s32 $0xFFFFC000  }
0x237: {  	[tilespmem:s20], [sflag:$0x1] =	stream.indirect.gather [hbm4b:s2+s23], $0x80, s13, s23, $0xb8;
	[tilespmem:$0x1E180] =	vst v63  }
0x238: {  	_ =	swait.ge [sflag:s28], $0x4000  }
0x239: {  	[sflag:s28] =	ssyncset.done $0x0  }
0x23a: {  	s10 =	sadd.s32 $0x1480, s9;
	[sflag:s28] =	ssyncadd.s32 $0xFFFFC000  }
0x23b: {  	[spmem:s3] =	stream.indirect.scatter.add.f32 [tilespmem:s24], [sflag:$0x3], $0x80, s10, s23, $0xb8;
	[tilespmem:$0x1E180] =	vst v63  }
0x23c: {  	_ =	swait.ge [sflag:s26], $0x4000  }
0x23d: {  	[sflag:s26] =	ssyncset.done $0x0  }
0x23e: {  	[sflag:s26] =	ssyncadd.s32 $0xFFFFC000  }
0x23f: {  	_ =	swait.ge [sflag:s25], $0x4000  }
0x240: {  	[sflag:s25] =	ssyncset.done $0x0  }
0x241: {  	[sflag:s25] =	ssyncadd.s32 $0xFFFFC000  }
0x242: {  	[spmem:s3] =	stream.indirect.scatter.add.f32 [tilespmem:s20], [sflag:$0x3], $0x80, s29, s23, $0xb8;
	[tilespmem:$0x1E180] =	vst v63  }
0x243: {  	_ =	swait.ge [sflag:s26], $0x4000  }
0x244: {  	[sflag:s26] =	ssyncset.done $0x0  }
0x245: {  	s11 =	rddreg [dreg:$0x14];
	[sflag:s26] =	ssyncadd.s32 $0xFFFFC000  }
0x246: {  	[tilespmem:s30], [sflag:$0x4] =	stream.linear.gather [hbm4b:s11+s4], $0x10, $0x38;
	[tilespmem:$0x1E180] =	vst v63  }
0x247: {  	_ =	swait.ge [sflag:s21], $0x10  }
0x248: {  	[sflag:s21] =	ssyncset.done $0x0  }
0x249: {  	s12 =	rddreg [dreg:$0x15];
	[sflag:s21] =	ssyncadd.s32 $0xFFFFFFF0  }
0x24a: {  	[tilespmem:s31], [sflag:$0x4] =	stream.linear.gather [hbm4b:s12+s4], $0x80, $0x38;
	[tilespmem:$0x1E180] =	vst v63  }
0x24b: {  	_ =	swait.ge [sflag:s21], $0x80  }
0x24c: {  	[sflag:s21] =	ssyncset.done $0x0  }
0x24d: {  	[sflag:s21] =	ssyncadd.s32 $0xFFFFFF80  }
0x24e: {  	[tilespmem:s20], [sflag:$0x1] =	stream.indirect.gather [hbm4b:s2+s0], $0x80, s30, s0, $0xb8;
	[tilespmem:$0x1E180] =	vst v63  }
0x24f: {  	_ =	swait.ge [sflag:s25], $0x800  }
0x250: {  	[sflag:s25] =	ssyncset.done $0x0  }
0x251: {  	[sflag:s25] =	ssyncadd.s32 $0xFFFFF800  }
0x252: {  	[spmem:s3] =	stream.indirect.scatter.add.f32 [tilespmem:s20], [sflag:$0x4], $0x80, s31, s0, $0xb8;
	[tilespmem:$0x1E180] =	vst v63  }
0x253: {  	_ =	swait.ge [sflag:s21], $0x800  }
0x254: {  	[sflag:s21] =	ssyncset.done $0x0  }
0x255: {  	[sflag:s21] =	ssyncadd.s32 $0xFFFFF800  }
0x256: {  	[bflag:$0x0] =	sbarrier.arrive $0xFFFF  }
0x257: {  	s9 =	rddreg [dreg:$0x16]  }
0x258: {  	[hbm:s9], [sflag:s7] =	dma.local @!p0 [spmem:s8], $0x7D00  }
0x259: {  	s7 =	simm.s32 @!p0 $0x4  }
0x25a: {  	_ =	swait.ge @!p0 [sflag:s7], $0x7D00  }
0x25b: {  	s5 =	sadd.s32 $0x1, s5;
	s13 =	rddreg [dreg:$0x17]  }
0x25c: {  	p1 =	sne.s32 s5, s13  }
.Ltmp8:
0x25d: {  	_ = 	snop;
	(pc) =	sbr.rel @p1 .LBB2_1-.Ltmp8, $3  }
0x25e: {  	_ =	sdelay $0x1  }
0x25f: {  	[sflag:s7] =	ssyncset.done @!p0 $0x0  }
0x260: {  	[sflag:s7] =	ssyncadd.s32 @!p0 $0xFFFF8300  }
0x261: {  	_ =	sfence.sel $0x180000  }
0x262: {  	[bflag:$0x0] =	sbarrier.arrive $0xFFFF  }
0x263: {  	_ =	strace $0x9000004A  }
0x264: {  	s0 =	stileid.u32;
	[bflag:$0x2] =	sbarrier.arrive $0xFFFF  }
0x265: {  	p0 =	sne.s32 s0, $0x0;
	s0 =	rddreg [dreg:$0x4]  }
0x266: {  	s0 =	sadd.s32 @!p0 $0x100000, s0  }
0x267: {  	[sflag:s0] =	ssyncadd.tile.s32 @!p0 $0x1;
	_ =	shalt  }
.Lfunc_end2:
_tile_overlayer_lowered:
.L_overlay_start_2:
0x268: {  	(tag) =	ssettag $0x2  }
0x269: {  	s0 =	rddreg [dreg:$0x0];
	s2 =	stileid.u32  }
0x26a: {  	s1 =	rddreg [dreg:$0x1];
	p0 =	sne.s32 s2, $0x0  }
0x26b: {  	s3 =	rddreg [dreg:$0x2];
	[bflag:$0x3] =	sbarrier.arrive $0xFFFF;
	s2 =	simm.s32 @!p0 $0x1C04  }
0x26c: {  	[timem:s3], [sflag:s2] =	dma.local @!p0 [hbm:s0], s1  }
0x26d: {  	s0 =	simm.s32 @!p0 $0x4  }
0x26e: {  	_ =	swait.ge @!p0 [sflag:s0], s1  }
0x26f: {  	s1 =	ssub.s32 @!p0 $0x0, s1;
	[sflag:s0] =	ssyncset.done @!p0 $0x0  }
0x270: {  	[sflag:s0] =	ssyncadd.s32 @!p0 s1  }
0x271: {  	[bflag:$0x3] =	sbarrier.arrive $0xFFFF  }
0x272: {  	_ =	shalt  }

</sc_bundles>
